<compile_context>
chip_gen: v7x
topology: tpu7x:2x2x1
jax: 0.10.2.dev20260603
libtpu: 0.0.44.dev20260713+nightly
codegen_flags: <defaults>
</compile_context>

<pallas_src>
import functools

import jax
import jax.numpy as jnp
from jax import lax
from jax.experimental import pallas as pl
from jax.experimental.pallas import tpu as pltpu
from jax.experimental.pallas import tpu_sc as plsc

B, T, D, M = 8, 512, 256, 1024
NC, NS, L = 2, 16, 16
EPS = 1e-5


def _dp_body(x_ref, cw1_ref, cb1_ref, g1_ref, b1_ref, cw2_ref, cb2_ref,
             g2_ref, b2_ref, lw_ref, lb_ref, out_ref):
    x = x_ref[0]

    def conv_ln_relu(h, w_ref, b_row, g_row, beta_row):
        z = jnp.zeros((1, h.shape[1]), h.dtype)
        h_prev = jnp.concatenate([z, h[:-1]], axis=0)
        h_next = jnp.concatenate([h[1:], z], axis=0)
        y = (jnp.dot(h_prev, w_ref[0], preferred_element_type=jnp.float32)
             + jnp.dot(h, w_ref[1], preferred_element_type=jnp.float32)
             + jnp.dot(h_next, w_ref[2], preferred_element_type=jnp.float32)
             + b_row)
        mu = jnp.mean(y, axis=-1, keepdims=True)
        var = jnp.mean((y - mu) ** 2, axis=-1, keepdims=True)
        y = (y - mu) * lax.rsqrt(var + EPS) * g_row + beta_row
        return jnp.maximum(y, 0.0)

    h = conv_ln_relu(x, cw1_ref, cb1_ref[...], g1_ref[...], b1_ref[...])
    h = conv_ln_relu(h, cw2_ref, cb2_ref[...], g2_ref[...], b2_ref[...])
    dp = lax.dot_general(lw_ref[...], h, (((1,), (1,)), ((), ())),
                         preferred_element_type=jnp.float32)
    out_ref[...] = jnp.maximum(dp + lb_ref[0, 0], 0.0).reshape(1, 1, T)


def _duration_predictor(x, cw1, cb1, g1, b1, cw2, cb2, g2, b2, lw, lb):
    row = lambda v: v.reshape(1, -1)
    full = lambda s: pl.BlockSpec(s, lambda i: (0,) * len(s))
    return pl.pallas_call(
        _dp_body,
        grid=(B,),
        in_specs=[
            pl.BlockSpec((1, T, D), lambda i: (i, 0, 0)),
            full((3, D, D)), full((1, D)), full((1, D)), full((1, D)),
            full((3, D, D)), full((1, D)), full((1, D)), full((1, D)),
            full((1, D)), full((1, 1)),
        ],
        out_specs=pl.BlockSpec((1, 1, T), lambda i: (i, 0, 0)),
        out_shape=jax.ShapeDtypeStruct((B, 1, T), jnp.float32),
    )(x, cw1, row(cb1), row(g1), row(b1), cw2, row(cb2), row(g2), row(b2),
      lw.reshape(1, D), lb.reshape(1, 1)).reshape(B, T)


HD = D // 2
MH = M // 2


def _lr_body(x_hbm, tgt_hbm, out_hbm, tab, ends_v, cnt_v, rows_v,
             ssem, ws0, ws1):
    wsem = (ws0, ws1)
    cid = lax.axis_index("c")
    sid = lax.axis_index("s")
    wid = sid * NC + cid
    b = wid // 4
    h = (wid // 2) % 2
    mh = wid % 2

    st = pltpu.async_copy(x_hbm.at[pl.ds(b * T, T), pl.ds(h * HD, HD)],
                          tab.at[pl.ds(0, T)], ssem)

    zeros16 = jnp.zeros((L,), jnp.float32)
    for k in range(HD // L):
        tab[T, pl.ds(k * L, L)] = zeros16

    pltpu.sync_copy(tgt_hbm.at[b], ends_v)

    def cum_step(i, carry):
        chunk = ends_v[pl.ds(i * L, L)]
        ends_v[pl.ds(i * L, L)] = plsc.cumsum(chunk) + carry
        return carry + jnp.sum(chunk)

    lax.fori_loop(0, T // L, cum_step, jnp.int32(0), unroll=4)

    m0 = mh * MH

    def search_step(j, _):
        mv = m0 + j * L + lax.iota(jnp.int32, L)
        cnt = jnp.zeros((L,), jnp.int32)
        step = T
        while step >= 1:
            nc = cnt + step
            probe = jnp.minimum(nc, T) - 1
            vals = plsc.load_gather(ends_v, [probe])
            ok = (nc <= T) & (vals <= mv)
            cnt = jnp.where(ok, nc, cnt)
            step //= 2
        cnt_v[pl.ds(j * L, L)] = cnt
        return 0

    lax.fori_loop(0, MH // L, search_step, 0)

    st.wait()

    ob = b * M + m0

    def chunk_pair(c2, _):
        for half in range(2):
            c = c2 * 2 + half
            buf = rows_v.at[half]

            @pl.when(c2 > 0)
            def _drain(half=half, buf=buf):
                pltpu.make_async_copy(
                    x_hbm.at[pl.ds(0, 64), pl.ds(0, HD)], buf,
                    wsem[half]).wait()

            @plsc.parallel_loop(0, 4, 1)
            def expand_j(j, c=c, buf=buf):
                cnt_vec = cnt_v[pl.ds((c * 4 + j) * L, L)]
                for l in range(L):
                    r = cnt_vec[l]
                    row = j * L + l
                    for k in range(HD // L):
                        buf[row, pl.ds(k * L, L)] = tab[r, pl.ds(k * L, L)]

            pltpu.async_copy(
                buf, out_hbm.at[pl.ds(ob + c * 64, 64), pl.ds(h * HD, HD)],
                wsem[half])
        return 0

    lax.fori_loop(0, 4, chunk_pair, 0)
    for half in range(2):
        pltpu.make_async_copy(x_hbm.at[pl.ds(0, 64), pl.ds(0, HD)],
                              rows_v.at[half], wsem[half]).wait()


@functools.cache
def _lr_kernel():
    return pl.kernel(
        _lr_body,
        out_type=jax.ShapeDtypeStruct((B * M, D), jnp.float32),
        mesh=plsc.VectorSubcoreMesh(core_axis_name="c", subcore_axis_name="s",
                                    num_cores=NC, num_subcores=NS),
        compiler_params=pltpu.CompilerParams(needs_layout_passes=False),
        scratch_types=[
            pltpu.VMEM((T + 8, HD), jnp.float32),
            pltpu.VMEM((T,), jnp.int32),
            pltpu.VMEM((MH,), jnp.int32),
            pltpu.VMEM((2, 64, HD), jnp.float32),
            pltpu.SemaphoreType.DMA,
            pltpu.SemaphoreType.DMA,
            pltpu.SemaphoreType.DMA,
        ],
    )


def kernel(x, target, mel_max_length, cw1, cb1, g1, b1, cw2, cb2, g2, b2,
           lw, lb):
    dp = _duration_predictor(x, cw1, cb1, g1, b1, cw2, cb2, g2, b2, lw, lb)
    out = _lr_kernel()(x.reshape(B * T, D),
                       target.astype(jnp.int32)).reshape(B, M, D)
    return (out, dp)

# --- scband reference (transcript-rebuilt; emitter-appended) ---
"""Pipeline reference for scband-length-regulator-29429115912691 (READ-ONLY COPY).

The authoritative reference and input builder live on the scoring server;
editing this copy changes nothing except your own understanding.
"""

import jax, jax.numpy as jnp
import numpy as np

ENC_DIM = 256
FILT = 256
KERNEL = 3

MEL_MAX_LEN = 1024


def _conv1d(x, w, b):
    # x: [B, T, Cin], w: [K, Cin, Cout], padding=1 (same for kernel=3)
    y = jax.lax.conv_general_dilated(x, w, window_strides=(1,), padding=((1, 1),),
                                     dimension_numbers=('NWC', 'WIO', 'NWC'))
    return y + b


def _layer_norm(x, g, b, eps=1e-5):
    mu = jnp.mean(x, axis=-1, keepdims=True)
    var = jnp.var(x, axis=-1, keepdims=True)
    return (x - mu) / jnp.sqrt(var + eps) * g + b


def _duration_predictor(x, cw1, cb1, g1, b1, cw2, cb2, g2, b2, lw, lb):
    h = _conv1d(x, cw1, cb1)
    h = _layer_norm(h, g1, b1)
    h = jax.nn.relu(h)
    h = _conv1d(h, cw2, cb2)
    h = _layer_norm(h, g2, b2)
    h = jax.nn.relu(h)
    out = h @ lw + lb            # [B, T, 1]
    out = jax.nn.relu(out)
    return out[..., 0]           # [B, T] (squeeze, training-mode shape)


def _LR(x, duration, mel_max_length=None):
    # duration: int [B, T]; builds alignment [B, M, T] then matmul, as in utils.create_alignment
    dur = duration.astype(jnp.int32)
    ends = jnp.cumsum(dur, axis=1)            # [B, T]
    starts = ends - dur                        # [B, T]
    m = jnp.arange(MEL_MAX_LEN)                # [M]
    align = ((m[None, :, None] >= starts[:, None, :]) &
             (m[None, :, None] < ends[:, None, :]) &
             (m[None, :, None] < mel_max_length)).astype(x.dtype)  # [B, M, T]
    out = jnp.einsum('bmt,btd->bmd', align, x)
    return out


def setup_inputs(seed: int = 0):
    key = jax.random.key(seed)
    ks = jax.random.split(key, 12)
    B, T = 8, 512
    inp = {}
    inp['x'] = jax.random.normal(ks[0], (B, T, ENC_DIM), dtype=jnp.float32)
    inp['target'] = jax.random.randint(ks[1], (B, T), 0, 4, dtype=jnp.int32)
    inp['mel_max_length'] = 1024
    s = 0.05
    inp['cw1'] = jax.random.normal(ks[2], (KERNEL, ENC_DIM, FILT), dtype=jnp.float32) * s
    inp['cb1'] = jnp.zeros((FILT,), dtype=jnp.float32)
    inp['g1'] = jnp.ones((FILT,), dtype=jnp.float32)
    inp['b1'] = jnp.zeros((FILT,), dtype=jnp.float32)
    inp['cw2'] = jax.random.normal(ks[3], (KERNEL, FILT, FILT), dtype=jnp.float32) * s
    inp['cb2'] = jnp.zeros((FILT,), dtype=jnp.float32)
    inp['g2'] = jnp.ones((FILT,), dtype=jnp.float32)
    inp['b2'] = jnp.zeros((FILT,), dtype=jnp.float32)
    inp['lw'] = jax.random.normal(ks[4], (FILT, 1), dtype=jnp.float32) * s
    inp['lb'] = jnp.zeros((1,), dtype=jnp.float32)
    return inp


def reference(x, target, mel_max_length, cw1, cb1, g1, b1, cw2, cb2, g2, b2, lw, lb):
    # forward with target provided (teacher-forced path):
    duration_predictor_output = _duration_predictor(x, cw1, cb1, g1, b1, cw2, cb2, g2, b2, lw, lb)
    output = _LR(x, target, mel_max_length)
    return (output, duration_predictor_output)

if __name__ == "__main__":
    import jax
    _d = setup_inputs()
    print(jax.jit(kernel)(*tuple(_d.values())))

</pallas_src>

<mosaic_0001>
#map = affine_map<(d0, d1) -> (0, 0)>
module attributes {stable_mosaic.version = 14 : i64} {
  func.func @_lr_body(%arg0: i32, %arg1: i32, %arg2: memref<4096x256xf32, #tpu.memory_space<hbm>>, %arg3: memref<8x512xi32, #tpu.memory_space<hbm>>, %arg4: memref<8192x256xf32, #tpu.memory_space<hbm>>, %arg5: memref<520x128xf32, #tpu.memory_space<vmem>>, %arg6: memref<512xi32, #tpu.memory_space<vmem>>, %arg7: memref<512xi32, #tpu.memory_space<vmem>>, %arg8: memref<2x64x128xf32, #tpu.memory_space<vmem>>, %arg9: memref<!tpu.dma_semaphore, #tpu.memory_space<semaphore_mem>>, %arg10: memref<!tpu.dma_semaphore, #tpu.memory_space<semaphore_mem>>, %arg11: memref<!tpu.dma_semaphore, #tpu.memory_space<semaphore_mem>>) attributes {dimension_semantics = [#tpu.dimension_semantics<core_parallel>, #tpu.dimension_semantics<subcore_parallel>], iteration_bounds = array<i64: 2, 16>, scalar_prefetch = 0 : i64, scratch_operands = 7 : i64, tpu.core_type = #tpu.core_type<sc_vector_subcore>, window_params = [{transform_indices = #map}, {transform_indices = #map}, {transform_indices = #map}]} {
    %mul3A = arith.constant 2 : i32
    %mul3A_0 = arith.muli %arg1, %mul3A : i32
    %add3A = arith.addi %mul3A_0, %arg0 : i32
    %jit3A = arith.constant 4 : i32
    %div3A = arith.divsi %add3A, %jit3A : i32
    %sign3A = arith.constant 0 : i32
    %sign3A_1 = arith.cmpi sgt, %add3A, %sign3A : i32
    %sign3A_2 = arith.extui %sign3A_1 : i1 to i32
    %sign3A_3 = arith.constant 0 : i32
    %sign3A_4 = arith.cmpi slt, %add3A, %sign3A_3 : i32
    %sign3A_5 = arith.extui %sign3A_4 : i1 to i32
    %sign3A_6 = arith.subi %sign3A_2, %sign3A_5 : i32
    %sign3A_7 = arith.constant 0 : i32
    %sign3A_8 = arith.cmpi sgt, %jit3A, %sign3A_7 : i32
    %sign3A_9 = arith.extui %sign3A_8 : i1 to i32
    %sign3A_10 = arith.constant 0 : i32
    %sign3A_11 = arith.cmpi slt, %jit3A, %sign3A_10 : i32
    %sign3A_12 = arith.extui %sign3A_11 : i1 to i32
    %sign3A_13 = arith.subi %sign3A_9, %sign3A_12 : i32
    %ne3A = arith.cmpi ne, %sign3A_6, %sign3A_13 : i32
    %rem3A = arith.remsi %add3A, %jit3A : i32
    %ne3A_14 = arith.constant 0 : i32
    %ne3A_15 = arith.cmpi ne, %rem3A, %ne3A_14 : i32
    %and3A = arith.andi %ne3A, %ne3A_15 : i1
    %sub3A = arith.constant 1 : i32
    %sub3A_16 = arith.subi %div3A, %sub3A : i32
    %select_n3A = arith.select %and3A, %sub3A_16, %div3A : i32
    %jit3A_17 = arith.constant 2 : i32
    %div3A_18 = arith.divsi %add3A, %jit3A_17 : i32
    %sign3A_19 = arith.constant 0 : i32
    %sign3A_20 = arith.cmpi sgt, %add3A, %sign3A_19 : i32
    %sign3A_21 = arith.extui %sign3A_20 : i1 to i32
    %sign3A_22 = arith.constant 0 : i32
    %sign3A_23 = arith.cmpi slt, %add3A, %sign3A_22 : i32
    %sign3A_24 = arith.extui %sign3A_23 : i1 to i32
    %sign3A_25 = arith.subi %sign3A_21, %sign3A_24 : i32
    %sign3A_26 = arith.constant 0 : i32
    %sign3A_27 = arith.cmpi sgt, %jit3A_17, %sign3A_26 : i32
    %sign3A_28 = arith.extui %sign3A_27 : i1 to i32
    %sign3A_29 = arith.constant 0 : i32
    %sign3A_30 = arith.cmpi slt, %jit3A_17, %sign3A_29 : i32
    %sign3A_31 = arith.extui %sign3A_30 : i1 to i32
    %sign3A_32 = arith.subi %sign3A_28, %sign3A_31 : i32
    %ne3A_33 = arith.cmpi ne, %sign3A_25, %sign3A_32 : i32
    %rem3A_34 = arith.remsi %add3A, %jit3A_17 : i32
    %ne3A_35 = arith.constant 0 : i32
    %ne3A_36 = arith.cmpi ne, %rem3A_34, %ne3A_35 : i32
    %and3A_37 = arith.andi %ne3A_33, %ne3A_36 : i1
    %sub3A_38 = arith.constant 1 : i32
    %sub3A_39 = arith.subi %div3A_18, %sub3A_38 : i32
    %select_n3A_40 = arith.select %and3A_37, %sub3A_39, %div3A_18 : i32
    %jit3A_41 = arith.constant 2 : i32
    %eq3A = arith.constant 0 : i32
    %eq3A_42 = arith.cmpi eq, %jit3A_41, %eq3A : i32
    %jit3A_43 = arith.constant 1 : i32
    %select_n3A_44 = arith.select %eq3A_42, %jit3A_43, %jit3A_41 : i32
    %rem3A_45 = arith.remsi %select_n3A_40, %select_n3A_44 : i32
    %ne3A_46 = arith.constant 0 : i32
    %ne3A_47 = arith.cmpi ne, %rem3A_45, %ne3A_46 : i32
    %lt3A = arith.constant 0 : i32
    %lt3A_48 = arith.cmpi slt, %rem3A_45, %lt3A : i32
    %lt3A_49 = arith.constant 0 : i32
    %lt3A_50 = arith.cmpi slt, %select_n3A_44, %lt3A_49 : i32
    %ne3A_51 = arith.xori %lt3A_48, %lt3A_50 : i1
    %and3A_52 = arith.andi %ne3A_51, %ne3A_47 : i1
    %add3A_53 = arith.addi %rem3A_45, %select_n3A_44 : i32
    %select_n3A_54 = arith.select %and3A_52, %add3A_53, %rem3A_45 : i32
    %jit3A_55 = arith.constant 2 : i32
    %eq3A_56 = arith.constant 0 : i32
    %eq3A_57 = arith.cmpi eq, %jit3A_55, %eq3A_56 : i32
    %jit3A_58 = arith.constant 1 : i32
    %select_n3A_59 = arith.select %eq3A_57, %jit3A_58, %jit3A_55 : i32
    %rem3A_60 = arith.remsi %add3A, %select_n3A_59 : i32
    %ne3A_61 = arith.constant 0 : i32
    %ne3A_62 = arith.cmpi ne, %rem3A_60, %ne3A_61 : i32
    %lt3A_63 = arith.constant 0 : i32
    %lt3A_64 = arith.cmpi slt, %rem3A_60, %lt3A_63 : i32
    %lt3A_65 = arith.constant 0 : i32
    %lt3A_66 = arith.cmpi slt, %select_n3A_59, %lt3A_65 : i32
    %ne3A_67 = arith.xori %lt3A_64, %lt3A_66 : i1
    %and3A_68 = arith.andi %ne3A_67, %ne3A_62 : i1
    %add3A_69 = arith.addi %rem3A_60, %select_n3A_59 : i32
    %select_n3A_70 = arith.select %and3A_68, %add3A_69, %rem3A_60 : i32
    %mul3A_71 = arith.constant 512 : i32
    %mul3A_72 = arith.muli %select_n3A, %mul3A_71 : i32
    %mul3A_73 = arith.constant 128 : i32
    %mul3A_74 = arith.muli %select_n3A_54, %mul3A_73 : i32
    %dma_start3A = arith.constant 0 : i32
    %dma_start3A_75 = arith.constant 0 : i32
    %dma_start3A_76 = tpu.memref_slice %arg5[%dma_start3A, %dma_start3A_75] : memref<520x128xf32, #tpu.memory_space<vmem>> -> memref<512x128xf32, #tpu.memory_space<vmem>>
    %dma_start3A_77 = tpu.memref_slice %arg2[%mul3A_72, %mul3A_74] : memref<4096x256xf32, #tpu.memory_space<hbm>> -> memref<512x128xf32, #tpu.memory_space<hbm>>
    %dma_start3A_78 = arith.constant 0 : i32
    %dma_start3A_79 = arith.constant 0 : i32
    %dma_start3A_80 = tpu.memref_slice %arg5[%dma_start3A_78, %dma_start3A_79] : memref<520x128xf32, #tpu.memory_space<vmem>> -> memref<512x128xf32, #tpu.memory_space<vmem>>
    %dma_start3A_81 = tpu.memref_slice %arg2[%mul3A_72, %mul3A_74] : memref<4096x256xf32, #tpu.memory_space<hbm>> -> memref<512x128xf32, #tpu.memory_space<hbm>>
    tpu.enqueue_dma source(%dma_start3A_81 : memref<512x128xf32, #tpu.memory_space<hbm>>) target(%dma_start3A_80 : memref<512x128xf32, #tpu.memory_space<vmem>>) target_semaphore(%arg9 : memref<!tpu.dma_semaphore, #tpu.memory_space<semaphore_mem>>)
    %broadcast_in_dim3A = arith.constant 0.000000e+00 : f32
    %broadcast_in_dim3A_82 = vector.broadcast %broadcast_in_dim3A : f32 to vector<16xf32>
    %swap3A = arith.constant 512 : i32
    %swap3A_83 = arith.index_cast %swap3A : i32 to index
    %swap3A_84 = arith.constant 0 : index
    %swap3A_85 = tpu.vector_load %arg5[%swap3A_83, %swap3A_84] {strides = array<i32>} : memref<520x128xf32, #tpu.memory_space<vmem>>, vector<16xf32>,
    tpu.vector_store %arg5[%swap3A_83, %swap3A_84], %broadcast_in_dim3A_82 {strides = array<i32>} : memref<520x128xf32, #tpu.memory_space<vmem>>, vector<16xf32>,
    %swap3A_86 = arith.constant 512 : i32
    %swap3A_87 = arith.index_cast %swap3A_86 : i32 to index
    %swap3A_88 = arith.constant 16 : index
    %swap3A_89 = tpu.vector_load %arg5[%swap3A_87, %swap3A_88] {strides = array<i32>} : memref<520x128xf32, #tpu.memory_space<vmem>>, vector<16xf32>,
    tpu.vector_store %arg5[%swap3A_87, %swap3A_88], %broadcast_in_dim3A_82 {strides = array<i32>} : memref<520x128xf32, #tpu.memory_space<vmem>>, vector<16xf32>,
    %swap3A_90 = arith.constant 512 : i32
    %swap3A_91 = arith.index_cast %swap3A_90 : i32 to index
    %swap3A_92 = arith.constant 32 : index
    %swap3A_93 = tpu.vector_load %arg5[%swap3A_91, %swap3A_92] {strides = array<i32>} : memref<520x128xf32, #tpu.memory_space<vmem>>, vector<16xf32>,
    tpu.vector_store %arg5[%swap3A_91, %swap3A_92], %broadcast_in_dim3A_82 {strides = array<i32>} : memref<520x128xf32, #tpu.memory_space<vmem>>, vector<16xf32>,
    %swap3A_94 = arith.constant 512 : i32
    %swap3A_95 = arith.index_cast %swap3A_94 : i32 to index
    %swap3A_96 = arith.constant 48 : index
    %swap3A_97 = tpu.vector_load %arg5[%swap3A_95, %swap3A_96] {strides = array<i32>} : memref<520x128xf32, #tpu.memory_space<vmem>>, vector<16xf32>,
    tpu.vector_store %arg5[%swap3A_95, %swap3A_96], %broadcast_in_dim3A_82 {strides = array<i32>} : memref<520x128xf32, #tpu.memory_space<vmem>>, vector<16xf32>,
    %swap3A_98 = arith.constant 512 : i32
    %swap3A_99 = arith.index_cast %swap3A_98 : i32 to index
    %swap3A_100 = arith.constant 64 : index
    %swap3A_101 = tpu.vector_load %arg5[%swap3A_99, %swap3A_100] {strides = array<i32>} : memref<520x128xf32, #tpu.memory_space<vmem>>, vector<16xf32>,
    tpu.vector_store %arg5[%swap3A_99, %swap3A_100], %broadcast_in_dim3A_82 {strides = array<i32>} : memref<520x128xf32, #tpu.memory_space<vmem>>, vector<16xf32>,
    %swap3A_102 = arith.constant 512 : i32
    %swap3A_103 = arith.index_cast %swap3A_102 : i32 to index
    %swap3A_104 = arith.constant 80 : index
    %swap3A_105 = tpu.vector_load %arg5[%swap3A_103, %swap3A_104] {strides = array<i32>} : memref<520x128xf32, #tpu.memory_space<vmem>>, vector<16xf32>,
    tpu.vector_store %arg5[%swap3A_103, %swap3A_104], %broadcast_in_dim3A_82 {strides = array<i32>} : memref<520x128xf32, #tpu.memory_space<vmem>>, vector<16xf32>,
    %swap3A_106 = arith.constant 512 : i32
    %swap3A_107 = arith.index_cast %swap3A_106 : i32 to index
    %swap3A_108 = arith.constant 96 : index
    %swap3A_109 = tpu.vector_load %arg5[%swap3A_107, %swap3A_108] {strides = array<i32>} : memref<520x128xf32, #tpu.memory_space<vmem>>, vector<16xf32>,
    tpu.vector_store %arg5[%swap3A_107, %swap3A_108], %broadcast_in_dim3A_82 {strides = array<i32>} : memref<520x128xf32, #tpu.memory_space<vmem>>, vector<16xf32>,
    %swap3A_110 = arith.constant 512 : i32
    %swap3A_111 = arith.index_cast %swap3A_110 : i32 to index
    %swap3A_112 = arith.constant 112 : index
    %swap3A_113 = tpu.vector_load %arg5[%swap3A_111, %swap3A_112] {strides = array<i32>} : memref<520x128xf32, #tpu.memory_space<vmem>>, vector<16xf32>,
    tpu.vector_store %arg5[%swap3A_111, %swap3A_112], %broadcast_in_dim3A_82 {strides = array<i32>} : memref<520x128xf32, #tpu.memory_space<vmem>>, vector<16xf32>,
    "tpu.region"() ({
      %run_scoped3A = tpu.sem_alloc : memref<!tpu.dma_semaphore, #tpu.memory_space<semaphore_mem>>
      %dma_start3A_176 = arith.constant 0 : i32
      %dma_start3A_177 = tpu.memref_slice %arg3[%select_n3A, %dma_start3A_176] : memref<8x512xi32, #tpu.memory_space<hbm>> -> memref<1x512xi32, #tpu.memory_space<hbm>>
      %dma_start3A_178 = tpu.memref_squeeze %dma_start3A_177 : memref<1x512xi32, #tpu.memory_space<hbm>> -> memref<512xi32, #tpu.memory_space<hbm>>
      %dma_start3A_179 = arith.constant 0 : i32
      %dma_start3A_180 = tpu.memref_slice %arg3[%select_n3A, %dma_start3A_179] : memref<8x512xi32, #tpu.memory_space<hbm>> -> memref<1x512xi32, #tpu.memory_space<hbm>>
      %dma_start3A_181 = tpu.memref_squeeze %dma_start3A_180 : memref<1x512xi32, #tpu.memory_space<hbm>> -> memref<512xi32, #tpu.memory_space<hbm>>
      tpu.enqueue_dma source(%dma_start3A_181 : memref<512xi32, #tpu.memory_space<hbm>>) target(%arg6 : memref<512xi32, #tpu.memory_space<vmem>>) target_semaphore(%run_scoped3A : memref<!tpu.dma_semaphore, #tpu.memory_space<semaphore_mem>>)
      %dma_wait3A_182 = arith.constant 0 : i32
      %dma_wait3A_183 = tpu.memref_slice %arg3[%select_n3A, %dma_wait3A_182] : memref<8x512xi32, #tpu.memory_space<hbm>> -> memref<1x512xi32, #tpu.memory_space<hbm>>
      %dma_wait3A_184 = tpu.memref_squeeze %dma_wait3A_183 : memref<1x512xi32, #tpu.memory_space<hbm>> -> memref<512xi32, #tpu.memory_space<hbm>>
      %dma_wait3A_185 = arith.constant 0 : i32
      %dma_wait3A_186 = tpu.memref_slice %arg3[%select_n3A, %dma_wait3A_185] : memref<8x512xi32, #tpu.memory_space<hbm>> -> memref<1x512xi32, #tpu.memory_space<hbm>>
      %dma_wait3A_187 = tpu.memref_squeeze %dma_wait3A_186 : memref<1x512xi32, #tpu.memory_space<hbm>> -> memref<512xi32, #tpu.memory_space<hbm>>
      tpu.wait_dma2 semaphore(%run_scoped3A : memref<!tpu.dma_semaphore, #tpu.memory_space<semaphore_mem>>) src(%dma_wait3A_187 : memref<512xi32, #tpu.memory_space<hbm>>) dst(%arg6 : memref<512xi32, #tpu.memory_space<vmem>>)
      tpu.yield
    }) : () -> ()
    %scan3A = arith.constant 0 : i32
    %scan3A_114 = arith.constant 0 : i32
    %scan3A_115 = arith.constant 32 : i32
    %scan3A_116 = arith.addi %scan3A_114, %scan3A_115 : i32
    %scan3A_117 = arith.constant 4 : i32
    %scan3A_118 = scf.for %scan3A_176 = %scan3A_114 to %scan3A_116 step %scan3A_117 iter_args(%scan3A_177 = %scan3A) -> (i32)  : i32 {
      %mul3A_178 = arith.constant 16 : i32
      %mul3A_179 = arith.muli %scan3A_176, %mul3A_178 : i32
      %get3A = arith.index_cast %mul3A_179 : i32 to index
      %get3A_180 = tpu.vector_load %arg6[%get3A] {strides = array<i32>} : memref<512xi32, #tpu.memory_space<vmem>>, vector<16xi32>,
      %broadcast_in_dim3A_181 = arith.constant true
      %broadcast_in_dim3A_182 = vector.broadcast %broadcast_in_dim3A_181 : i1 to vector<16xi1>
      %masked_cumsum3A = tpu.scan <sum>, %get3A_180 masked %broadcast_in_dim3A_182 : vector<16xi32>, vector<16xi1> -> vector<16xi32>
      %add3A_183 = vector.broadcast %scan3A_177 : i32 to vector<16xi32>
      %add3A_184 = arith.addi %masked_cumsum3A, %add3A_183 : vector<16xi32>
      %mul3A_185 = arith.constant 16 : i32
      %mul3A_186 = arith.muli %scan3A_176, %mul3A_185 : i32
      %swap3A_187 = arith.index_cast %mul3A_186 : i32 to index
      %swap3A_188 = tpu.vector_load %arg6[%swap3A_187] {strides = array<i32>} : memref<512xi32, #tpu.memory_space<vmem>>, vector<16xi32>,
      tpu.vector_store %arg6[%swap3A_187], %add3A_184 {strides = array<i32>} : memref<512xi32, #tpu.memory_space<vmem>>, vector<16xi32>,
      %reduce_sum3A = arith.constant true
      %reduce_sum3A_189 = vector.broadcast %reduce_sum3A : i1 to vector<16xi1>
      %reduce_sum3A_190 = tpu.scan <sum>, %get3A_180 masked %reduce_sum3A_189 : vector<16xi32>, vector<16xi1> -> vector<16xi32>
      %reduce_sum3A_191 = vector.extract %reduce_sum3A_190[15] : i32 from vector<16xi32>
      %add3A_192 = arith.addi %scan3A_177, %reduce_sum3A_191 : i32
      %scan3A_193 = arith.constant 1 : i32
      %scan3A_194 = arith.addi %scan3A_176, %scan3A_193 : i32
      %mul3A_195 = arith.constant 16 : i32
      %mul3A_196 = arith.muli %scan3A_194, %mul3A_195 : i32
      %get3A_197 = arith.index_cast %mul3A_196 : i32 to index
      %get3A_198 = tpu.vector_load %arg6[%get3A_197] {strides = array<i32>} : memref<512xi32, #tpu.memory_space<vmem>>, vector<16xi32>,
      %broadcast_in_dim3A_199 = arith.constant true
      %broadcast_in_dim3A_200 = vector.broadcast %broadcast_in_dim3A_199 : i1 to vector<16xi1>
      %masked_cumsum3A_201 = tpu.scan <sum>, %get3A_198 masked %broadcast_in_dim3A_200 : vector<16xi32>, vector<16xi1> -> vector<16xi32>
      %add3A_202 = vector.broadcast %add3A_192 : i32 to vector<16xi32>
      %add3A_203 = arith.addi %masked_cumsum3A_201, %add3A_202 : vector<16xi32>
      %mul3A_204 = arith.constant 16 : i32
      %mul3A_205 = arith.muli %scan3A_194, %mul3A_204 : i32
      %swap3A_206 = arith.index_cast %mul3A_205 : i32 to index
      %swap3A_207 = tpu.vector_load %arg6[%swap3A_206] {strides = array<i32>} : memref<512xi32, #tpu.memory_space<vmem>>, vector<16xi32>,
      tpu.vector_store %arg6[%swap3A_206], %add3A_203 {strides = array<i32>} : memref<512xi32, #tpu.memory_space<vmem>>, vector<16xi32>,
      %reduce_sum3A_208 = arith.constant true
      %reduce_sum3A_209 = vector.broadcast %reduce_sum3A_208 : i1 to vector<16xi1>
      %reduce_sum3A_210 = tpu.scan <sum>, %get3A_198 masked %reduce_sum3A_209 : vector<16xi32>, vector<16xi1> -> vector<16xi32>
      %reduce_sum3A_211 = vector.extract %reduce_sum3A_210[15] : i32 from vector<16xi32>
      %add3A_212 = arith.addi %add3A_192, %reduce_sum3A_211 : i32
      %scan3A_213 = arith.constant 2 : i32
      %scan3A_214 = arith.addi %scan3A_176, %scan3A_213 : i32
      %mul3A_215 = arith.constant 16 : i32
      %mul3A_216 = arith.muli %scan3A_214, %mul3A_215 : i32
      %get3A_217 = arith.index_cast %mul3A_216 : i32 to index
      %get3A_218 = tpu.vector_load %arg6[%get3A_217] {strides = array<i32>} : memref<512xi32, #tpu.memory_space<vmem>>, vector<16xi32>,
      %broadcast_in_dim3A_219 = arith.constant true
      %broadcast_in_dim3A_220 = vector.broadcast %broadcast_in_dim3A_219 : i1 to vector<16xi1>
      %masked_cumsum3A_221 = tpu.scan <sum>, %get3A_218 masked %broadcast_in_dim3A_220 : vector<16xi32>, vector<16xi1> -> vector<16xi32>
      %add3A_222 = vector.broadcast %add3A_212 : i32 to vector<16xi32>
      %add3A_223 = arith.addi %masked_cumsum3A_221, %add3A_222 : vector<16xi32>
      %mul3A_224 = arith.constant 16 : i32
      %mul3A_225 = arith.muli %scan3A_214, %mul3A_224 : i32
      %swap3A_226 = arith.index_cast %mul3A_225 : i32 to index
      %swap3A_227 = tpu.vector_load %arg6[%swap3A_226] {strides = array<i32>} : memref<512xi32, #tpu.memory_space<vmem>>, vector<16xi32>,
      tpu.vector_store %arg6[%swap3A_226], %add3A_223 {strides = array<i32>} : memref<512xi32, #tpu.memory_space<vmem>>, vector<16xi32>,
      %reduce_sum3A_228 = arith.constant true
      %reduce_sum3A_229 = vector.broadcast %reduce_sum3A_228 : i1 to vector<16xi1>
      %reduce_sum3A_230 = tpu.scan <sum>, %get3A_218 masked %reduce_sum3A_229 : vector<16xi32>, vector<16xi1> -> vector<16xi32>
      %reduce_sum3A_231 = vector.extract %reduce_sum3A_230[15] : i32 from vector<16xi32>
      %add3A_232 = arith.addi %add3A_212, %reduce_sum3A_231 : i32
      %scan3A_233 = arith.constant 3 : i32
      %scan3A_234 = arith.addi %scan3A_176, %scan3A_233 : i32
      %mul3A_235 = arith.constant 16 : i32
      %mul3A_236 = arith.muli %scan3A_234, %mul3A_235 : i32
      %get3A_237 = arith.index_cast %mul3A_236 : i32 to index
      %get3A_238 = tpu.vector_load %arg6[%get3A_237] {strides = array<i32>} : memref<512xi32, #tpu.memory_space<vmem>>, vector<16xi32>,
      %broadcast_in_dim3A_239 = arith.constant true
      %broadcast_in_dim3A_240 = vector.broadcast %broadcast_in_dim3A_239 : i1 to vector<16xi1>
      %masked_cumsum3A_241 = tpu.scan <sum>, %get3A_238 masked %broadcast_in_dim3A_240 : vector<16xi32>, vector<16xi1> -> vector<16xi32>
      %add3A_242 = vector.broadcast %add3A_232 : i32 to vector<16xi32>
      %add3A_243 = arith.addi %masked_cumsum3A_241, %add3A_242 : vector<16xi32>
      %mul3A_244 = arith.constant 16 : i32
      %mul3A_245 = arith.muli %scan3A_234, %mul3A_244 : i32
      %swap3A_246 = arith.index_cast %mul3A_245 : i32 to index
      %swap3A_247 = tpu.vector_load %arg6[%swap3A_246] {strides = array<i32>} : memref<512xi32, #tpu.memory_space<vmem>>, vector<16xi32>,
      tpu.vector_store %arg6[%swap3A_246], %add3A_243 {strides = array<i32>} : memref<512xi32, #tpu.memory_space<vmem>>, vector<16xi32>,
      %reduce_sum3A_248 = arith.constant true
      %reduce_sum3A_249 = vector.broadcast %reduce_sum3A_248 : i1 to vector<16xi1>
      %reduce_sum3A_250 = tpu.scan <sum>, %get3A_238 masked %reduce_sum3A_249 : vector<16xi32>, vector<16xi1> -> vector<16xi32>
      %reduce_sum3A_251 = vector.extract %reduce_sum3A_250[15] : i32 from vector<16xi32>
      %add3A_252 = arith.addi %add3A_232, %reduce_sum3A_251 : i32
      scf.yield %add3A_252 : i32
    }
    %scan3A_119 = arith.constant 32 : i32
    %mul3A_120 = arith.constant 512 : i32
    %mul3A_121 = arith.muli %select_n3A_70, %mul3A_120 : i32
    %scan3A_122 = arith.constant 0 : i32
    %scan3A_123 = arith.constant 0 : i32
    %scan3A_124 = arith.constant 32 : i32
    %scan3A_125 = arith.addi %scan3A_123, %scan3A_124 : i32
    %scan3A_126 = arith.constant 1 : i32
    %scan3A_127 = scf.for %scan3A_176 = %scan3A_123 to %scan3A_125 step %scan3A_126 iter_args(%scan3A_177 = %scan3A_122) -> (i32)  : i32 {
      %mul3A_178 = arith.constant 16 : i32
      %mul3A_179 = arith.muli %scan3A_176, %mul3A_178 : i32
      %add3A_180 = arith.addi %mul3A_121, %mul3A_179 : i32
      %iota3A = tpu.iota {dimensions = array<i32: 0>} : vector<16xi32>
      %add3A_181 = vector.broadcast %add3A_180 : i32 to vector<16xi32>
      %add3A_182 = arith.addi %add3A_181, %iota3A : vector<16xi32>
      %broadcast_in_dim3A_183 = arith.constant 0 : i32
      %broadcast_in_dim3A_184 = vector.broadcast %broadcast_in_dim3A_183 : i32 to vector<16xi32>
      %add3A_185 = arith.constant 512 : i32
      %add3A_186 = vector.broadcast %add3A_185 : i32 to vector<16xi32>
      %add3A_187 = arith.addi %broadcast_in_dim3A_184, %add3A_186 : vector<16xi32>
      %min3A = arith.constant 512 : i32
      %min3A_188 = vector.broadcast %min3A : i32 to vector<16xi32>
      %min3A_189 = arith.minsi %add3A_187, %min3A_188 : vector<16xi32>
      %sub3A_190 = arith.constant 1 : i32
      %sub3A_191 = vector.broadcast %sub3A_190 : i32 to vector<16xi32>
      %sub3A_192 = arith.subi %min3A_189, %sub3A_191 : vector<16xi32>
      %gather3A = tpu.vector_load_idx %arg6[%sub3A_192] : memref<512xi32, #tpu.memory_space<vmem>>[vector<16xi32>], vector<16xi32>,
      %le3A = arith.constant 512 : i32
      %le3A_193 = vector.broadcast %le3A : i32 to vector<16xi32>
      %le3A_194 = arith.cmpi sle, %add3A_187, %le3A_193 : vector<16xi32>
      %le3A_195 = arith.cmpi sle, %gather3A, %add3A_182 : vector<16xi32>
      %and3A_196 = arith.andi %le3A_194, %le3A_195 : vector<16xi1>
      %select_n3A_197 = arith.select %and3A_196, %add3A_187, %broadcast_in_dim3A_184 : vector<16xi1>, vector<16xi32>
      %add3A_198 = arith.constant 256 : i32
      %add3A_199 = vector.broadcast %add3A_198 : i32 to vector<16xi32>
      %add3A_200 = arith.addi %select_n3A_197, %add3A_199 : vector<16xi32>
      %min3A_201 = arith.constant 512 : i32
      %min3A_202 = vector.broadcast %min3A_201 : i32 to vector<16xi32>
      %min3A_203 = arith.minsi %add3A_200, %min3A_202 : vector<16xi32>
      %sub3A_204 = arith.constant 1 : i32
      %sub3A_205 = vector.broadcast %sub3A_204 : i32 to vector<16xi32>
      %sub3A_206 = arith.subi %min3A_203, %sub3A_205 : vector<16xi32>
      %gather3A_207 = tpu.vector_load_idx %arg6[%sub3A_206] : memref<512xi32, #tpu.memory_space<vmem>>[vector<16xi32>], vector<16xi32>,
      %le3A_208 = arith.constant 512 : i32
      %le3A_209 = vector.broadcast %le3A_208 : i32 to vector<16xi32>
      %le3A_210 = arith.cmpi sle, %add3A_200, %le3A_209 : vector<16xi32>
      %le3A_211 = arith.cmpi sle, %gather3A_207, %add3A_182 : vector<16xi32>
      %and3A_212 = arith.andi %le3A_210, %le3A_211 : vector<16xi1>
      %select_n3A_213 = arith.select %and3A_212, %add3A_200, %select_n3A_197 : vector<16xi1>, vector<16xi32>
      %add3A_214 = arith.constant 128 : i32
      %add3A_215 = vector.broadcast %add3A_214 : i32 to vector<16xi32>
      %add3A_216 = arith.addi %select_n3A_213, %add3A_215 : vector<16xi32>
      %min3A_217 = arith.constant 512 : i32
      %min3A_218 = vector.broadcast %min3A_217 : i32 to vector<16xi32>
      %min3A_219 = arith.minsi %add3A_216, %min3A_218 : vector<16xi32>
      %sub3A_220 = arith.constant 1 : i32
      %sub3A_221 = vector.broadcast %sub3A_220 : i32 to vector<16xi32>
      %sub3A_222 = arith.subi %min3A_219, %sub3A_221 : vector<16xi32>
      %gather3A_223 = tpu.vector_load_idx %arg6[%sub3A_222] : memref<512xi32, #tpu.memory_space<vmem>>[vector<16xi32>], vector<16xi32>,
      %le3A_224 = arith.constant 512 : i32
      %le3A_225 = vector.broadcast %le3A_224 : i32 to vector<16xi32>
      %le3A_226 = arith.cmpi sle, %add3A_216, %le3A_225 : vector<16xi32>
      %le3A_227 = arith.cmpi sle, %gather3A_223, %add3A_182 : vector<16xi32>
      %and3A_228 = arith.andi %le3A_226, %le3A_227 : vector<16xi1>
      %select_n3A_229 = arith.select %and3A_228, %add3A_216, %select_n3A_213 : vector<16xi1>, vector<16xi32>
      %add3A_230 = arith.constant 64 : i32
      %add3A_231 = vector.broadcast %add3A_230 : i32 to vector<16xi32>
      %add3A_232 = arith.addi %select_n3A_229, %add3A_231 : vector<16xi32>
      %min3A_233 = arith.constant 512 : i32
      %min3A_234 = vector.broadcast %min3A_233 : i32 to vector<16xi32>
      %min3A_235 = arith.minsi %add3A_232, %min3A_234 : vector<16xi32>
      %sub3A_236 = arith.constant 1 : i32
      %sub3A_237 = vector.broadcast %sub3A_236 : i32 to vector<16xi32>
      %sub3A_238 = arith.subi %min3A_235, %sub3A_237 : vector<16xi32>
      %gather3A_239 = tpu.vector_load_idx %arg6[%sub3A_238] : memref<512xi32, #tpu.memory_space<vmem>>[vector<16xi32>], vector<16xi32>,
      %le3A_240 = arith.constant 512 : i32
      %le3A_241 = vector.broadcast %le3A_240 : i32 to vector<16xi32>
      %le3A_242 = arith.cmpi sle, %add3A_232, %le3A_241 : vector<16xi32>
      %le3A_243 = arith.cmpi sle, %gather3A_239, %add3A_182 : vector<16xi32>
      %and3A_244 = arith.andi %le3A_242, %le3A_243 : vector<16xi1>
      %select_n3A_245 = arith.select %and3A_244, %add3A_232, %select_n3A_229 : vector<16xi1>, vector<16xi32>
      %add3A_246 = arith.constant 32 : i32
      %add3A_247 = vector.broadcast %add3A_246 : i32 to vector<16xi32>
      %add3A_248 = arith.addi %select_n3A_245, %add3A_247 : vector<16xi32>
      %min3A_249 = arith.constant 512 : i32
      %min3A_250 = vector.broadcast %min3A_249 : i32 to vector<16xi32>
      %min3A_251 = arith.minsi %add3A_248, %min3A_250 : vector<16xi32>
      %sub3A_252 = arith.constant 1 : i32
      %sub3A_253 = vector.broadcast %sub3A_252 : i32 to vector<16xi32>
      %sub3A_254 = arith.subi %min3A_251, %sub3A_253 : vector<16xi32>
      %gather3A_255 = tpu.vector_load_idx %arg6[%sub3A_254] : memref<512xi32, #tpu.memory_space<vmem>>[vector<16xi32>], vector<16xi32>,
      %le3A_256 = arith.constant 512 : i32
      %le3A_257 = vector.broadcast %le3A_256 : i32 to vector<16xi32>
      %le3A_258 = arith.cmpi sle, %add3A_248, %le3A_257 : vector<16xi32>
      %le3A_259 = arith.cmpi sle, %gather3A_255, %add3A_182 : vector<16xi32>
      %and3A_260 = arith.andi %le3A_258, %le3A_259 : vector<16xi1>
      %select_n3A_261 = arith.select %and3A_260, %add3A_248, %select_n3A_245 : vector<16xi1>, vector<16xi32>
      %add3A_262 = arith.constant 16 : i32
      %add3A_263 = vector.broadcast %add3A_262 : i32 to vector<16xi32>
      %add3A_264 = arith.addi %select_n3A_261, %add3A_263 : vector<16xi32>
      %min3A_265 = arith.constant 512 : i32
      %min3A_266 = vector.broadcast %min3A_265 : i32 to vector<16xi32>
      %min3A_267 = arith.minsi %add3A_264, %min3A_266 : vector<16xi32>
      %sub3A_268 = arith.constant 1 : i32
      %sub3A_269 = vector.broadcast %sub3A_268 : i32 to vector<16xi32>
      %sub3A_270 = arith.subi %min3A_267, %sub3A_269 : vector<16xi32>
      %gather3A_271 = tpu.vector_load_idx %arg6[%sub3A_270] : memref<512xi32, #tpu.memory_space<vmem>>[vector<16xi32>], vector<16xi32>,
      %le3A_272 = arith.constant 512 : i32
      %le3A_273 = vector.broadcast %le3A_272 : i32 to vector<16xi32>
      %le3A_274 = arith.cmpi sle, %add3A_264, %le3A_273 : vector<16xi32>
      %le3A_275 = arith.cmpi sle, %gather3A_271, %add3A_182 : vector<16xi32>
      %and3A_276 = arith.andi %le3A_274, %le3A_275 : vector<16xi1>
      %select_n3A_277 = arith.select %and3A_276, %add3A_264, %select_n3A_261 : vector<16xi1>, vector<16xi32>
      %add3A_278 = arith.constant 8 : i32
      %add3A_279 = vector.broadcast %add3A_278 : i32 to vector<16xi32>
      %add3A_280 = arith.addi %select_n3A_277, %add3A_279 : vector<16xi32>
      %min3A_281 = arith.constant 512 : i32
      %min3A_282 = vector.broadcast %min3A_281 : i32 to vector<16xi32>
      %min3A_283 = arith.minsi %add3A_280, %min3A_282 : vector<16xi32>
      %sub3A_284 = arith.constant 1 : i32
      %sub3A_285 = vector.broadcast %sub3A_284 : i32 to vector<16xi32>
      %sub3A_286 = arith.subi %min3A_283, %sub3A_285 : vector<16xi32>
      %gather3A_287 = tpu.vector_load_idx %arg6[%sub3A_286] : memref<512xi32, #tpu.memory_space<vmem>>[vector<16xi32>], vector<16xi32>,
      %le3A_288 = arith.constant 512 : i32
      %le3A_289 = vector.broadcast %le3A_288 : i32 to vector<16xi32>
      %le3A_290 = arith.cmpi sle, %add3A_280, %le3A_289 : vector<16xi32>
      %le3A_291 = arith.cmpi sle, %gather3A_287, %add3A_182 : vector<16xi32>
      %and3A_292 = arith.andi %le3A_290, %le3A_291 : vector<16xi1>
      %select_n3A_293 = arith.select %and3A_292, %add3A_280, %select_n3A_277 : vector<16xi1>, vector<16xi32>
      %add3A_294 = arith.constant 4 : i32
      %add3A_295 = vector.broadcast %add3A_294 : i32 to vector<16xi32>
      %add3A_296 = arith.addi %select_n3A_293, %add3A_295 : vector<16xi32>
      %min3A_297 = arith.constant 512 : i32
      %min3A_298 = vector.broadcast %min3A_297 : i32 to vector<16xi32>
      %min3A_299 = arith.minsi %add3A_296, %min3A_298 : vector<16xi32>
      %sub3A_300 = arith.constant 1 : i32
      %sub3A_301 = vector.broadcast %sub3A_300 : i32 to vector<16xi32>
      %sub3A_302 = arith.subi %min3A_299, %sub3A_301 : vector<16xi32>
      %gather3A_303 = tpu.vector_load_idx %arg6[%sub3A_302] : memref<512xi32, #tpu.memory_space<vmem>>[vector<16xi32>], vector<16xi32>,
      %le3A_304 = arith.constant 512 : i32
      %le3A_305 = vector.broadcast %le3A_304 : i32 to vector<16xi32>
      %le3A_306 = arith.cmpi sle, %add3A_296, %le3A_305 : vector<16xi32>
      %le3A_307 = arith.cmpi sle, %gather3A_303, %add3A_182 : vector<16xi32>
      %and3A_308 = arith.andi %le3A_306, %le3A_307 : vector<16xi1>
      %select_n3A_309 = arith.select %and3A_308, %add3A_296, %select_n3A_293 : vector<16xi1>, vector<16xi32>
      %add3A_310 = arith.constant 2 : i32
      %add3A_311 = vector.broadcast %add3A_310 : i32 to vector<16xi32>
      %add3A_312 = arith.addi %select_n3A_309, %add3A_311 : vector<16xi32>
      %min3A_313 = arith.constant 512 : i32
      %min3A_314 = vector.broadcast %min3A_313 : i32 to vector<16xi32>
      %min3A_315 = arith.minsi %add3A_312, %min3A_314 : vector<16xi32>
      %sub3A_316 = arith.constant 1 : i32
      %sub3A_317 = vector.broadcast %sub3A_316 : i32 to vector<16xi32>
      %sub3A_318 = arith.subi %min3A_315, %sub3A_317 : vector<16xi32>
      %gather3A_319 = tpu.vector_load_idx %arg6[%sub3A_318] : memref<512xi32, #tpu.memory_space<vmem>>[vector<16xi32>], vector<16xi32>,
      %le3A_320 = arith.constant 512 : i32
      %le3A_321 = vector.broadcast %le3A_320 : i32 to vector<16xi32>
      %le3A_322 = arith.cmpi sle, %add3A_312, %le3A_321 : vector<16xi32>
      %le3A_323 = arith.cmpi sle, %gather3A_319, %add3A_182 : vector<16xi32>
      %and3A_324 = arith.andi %le3A_322, %le3A_323 : vector<16xi1>
      %select_n3A_325 = arith.select %and3A_324, %add3A_312, %select_n3A_309 : vector<16xi1>, vector<16xi32>
      %add3A_326 = arith.constant 1 : i32
      %add3A_327 = vector.broadcast %add3A_326 : i32 to vector<16xi32>
      %add3A_328 = arith.addi %select_n3A_325, %add3A_327 : vector<16xi32>
      %min3A_329 = arith.constant 512 : i32
      %min3A_330 = vector.broadcast %min3A_329 : i32 to vector<16xi32>
      %min3A_331 = arith.minsi %add3A_328, %min3A_330 : vector<16xi32>
      %sub3A_332 = arith.constant 1 : i32
      %sub3A_333 = vector.broadcast %sub3A_332 : i32 to vector<16xi32>
      %sub3A_334 = arith.subi %min3A_331, %sub3A_333 : vector<16xi32>
      %gather3A_335 = tpu.vector_load_idx %arg6[%sub3A_334] : memref<512xi32, #tpu.memory_space<vmem>>[vector<16xi32>], vector<16xi32>,
      %le3A_336 = arith.constant 512 : i32
      %le3A_337 = vector.broadcast %le3A_336 : i32 to vector<16xi32>
      %le3A_338 = arith.cmpi sle, %add3A_328, %le3A_337 : vector<16xi32>
      %le3A_339 = arith.cmpi sle, %gather3A_335, %add3A_182 : vector<16xi32>
      %and3A_340 = arith.andi %le3A_338, %le3A_339 : vector<16xi1>
      %select_n3A_341 = arith.select %and3A_340, %add3A_328, %select_n3A_325 : vector<16xi1>, vector<16xi32>
      %mul3A_342 = arith.constant 16 : i32
      %mul3A_343 = arith.muli %scan3A_176, %mul3A_342 : i32
      %swap3A_344 = arith.index_cast %mul3A_343 : i32 to index
      %swap3A_345 = tpu.vector_load %arg7[%swap3A_344] {strides = array<i32>} : memref<512xi32, #tpu.memory_space<vmem>>, vector<16xi32>,
      tpu.vector_store %arg7[%swap3A_344], %select_n3A_341 {strides = array<i32>} : memref<512xi32, #tpu.memory_space<vmem>>, vector<16xi32>,
      %scan3A_346 = arith.constant 0 : i32
      scf.yield %scan3A_346 : i32
    }
    %scan3A_128 = arith.constant 32 : i32
    %dma_wait3A = arith.constant 0 : i32
    %dma_wait3A_129 = arith.constant 0 : i32
    %dma_wait3A_130 = tpu.memref_slice %arg5[%dma_wait3A, %dma_wait3A_129] : memref<520x128xf32, #tpu.memory_space<vmem>> -> memref<512x128xf32, #tpu.memory_space<vmem>>
    %dma_wait3A_131 = tpu.memref_slice %arg2[%mul3A_72, %mul3A_74] : memref<4096x256xf32, #tpu.memory_space<hbm>> -> memref<512x128xf32, #tpu.memory_space<hbm>>
    %dma_wait3A_132 = arith.constant 0 : i32
    %dma_wait3A_133 = arith.constant 0 : i32
    %dma_wait3A_134 = tpu.memref_slice %arg5[%dma_wait3A_132, %dma_wait3A_133] : memref<520x128xf32, #tpu.memory_space<vmem>> -> memref<512x128xf32, #tpu.memory_space<vmem>>
    %dma_wait3A_135 = tpu.memref_slice %arg2[%mul3A_72, %mul3A_74] : memref<4096x256xf32, #tpu.memory_space<hbm>> -> memref<512x128xf32, #tpu.memory_space<hbm>>
    tpu.wait_dma2 semaphore(%arg9 : memref<!tpu.dma_semaphore, #tpu.memory_space<semaphore_mem>>) src(%dma_wait3A_135 : memref<512x128xf32, #tpu.memory_space<hbm>>) dst(%dma_wait3A_134 : memref<512x128xf32, #tpu.memory_space<vmem>>)
    %mul3A_136 = arith.constant 1024 : i32
    %mul3A_137 = arith.muli %select_n3A, %mul3A_136 : i32
    %add3A_138 = arith.addi %mul3A_137, %mul3A_121 : i32
    %scan3A_139 = arith.constant 0 : i32
    %scan3A_140 = arith.constant 0 : i32
    %scan3A_141 = arith.constant 4 : i32
    %scan3A_142 = arith.addi %scan3A_140, %scan3A_141 : i32
    %scan3A_143 = arith.constant 1 : i32
    %scan3A_144 = scf.for %scan3A_176 = %scan3A_140 to %scan3A_142 step %scan3A_143 iter_args(%scan3A_177 = %scan3A_139) -> (i32)  : i32 {
      %mul3A_178 = arith.constant 2 : i32
      %mul3A_179 = arith.muli %scan3A_176, %mul3A_178 : i32
      %add3A_180 = arith.constant 0 : i32
      %add3A_181 = arith.addi %mul3A_179, %add3A_180 : i32
      %gt3A = arith.constant 0 : i32
      %gt3A_182 = arith.cmpi sgt, %scan3A_176, %gt3A : i32
      %convert_element_type3A = arith.extui %gt3A_182 : i1 to i32
      %cond3A = arith.constant 0 : i32
      %cond3A_183 = arith.constant 0 : i32
      %cond3A_184 = arith.cmpi ne, %convert_element_type3A, %cond3A_183 : i32
      scf.if %cond3A_184 {
        %dma_wait3A_235 = arith.constant 0 : i32
        %dma_wait3A_236 = arith.constant 0 : i32
        %dma_wait3A_237 = tpu.memref_slice %arg8[%cond3A, %dma_wait3A_235, %dma_wait3A_236] : memref<2x64x128xf32, #tpu.memory_space<vmem>> -> memref<1x64x128xf32, #tpu.memory_space<vmem>>
        %dma_wait3A_238 = tpu.memref_squeeze %dma_wait3A_237 : memref<1x64x128xf32, #tpu.memory_space<vmem>> -> memref<64x128xf32, #tpu.memory_space<vmem>>
        %dma_wait3A_239 = arith.constant 0 : i32
        %dma_wait3A_240 = arith.constant 0 : i32
        %dma_wait3A_241 = tpu.memref_slice %arg2[%dma_wait3A_239, %dma_wait3A_240] : memref<4096x256xf32, #tpu.memory_space<hbm>> -> memref<64x128xf32, #tpu.memory_space<hbm>>
        %dma_wait3A_242 = arith.constant 0 : i32
        %dma_wait3A_243 = arith.constant 0 : i32
        %dma_wait3A_244 = tpu.memref_slice %arg8[%cond3A, %dma_wait3A_242, %dma_wait3A_243] : memref<2x64x128xf32, #tpu.memory_space<vmem>> -> memref<1x64x128xf32, #tpu.memory_space<vmem>>
        %dma_wait3A_245 = tpu.memref_squeeze %dma_wait3A_244 : memref<1x64x128xf32, #tpu.memory_space<vmem>> -> memref<64x128xf32, #tpu.memory_space<vmem>>
        %dma_wait3A_246 = arith.constant 0 : i32
        %dma_wait3A_247 = arith.constant 0 : i32
        %dma_wait3A_248 = tpu.memref_slice %arg2[%dma_wait3A_246, %dma_wait3A_247] : memref<4096x256xf32, #tpu.memory_space<hbm>> -> memref<64x128xf32, #tpu.memory_space<hbm>>
        tpu.wait_dma2 semaphore(%arg10 : memref<!tpu.dma_semaphore, #tpu.memory_space<semaphore_mem>>) src(%dma_wait3A_248 : memref<64x128xf32, #tpu.memory_space<hbm>>) dst(%dma_wait3A_245 : memref<64x128xf32, #tpu.memory_space<vmem>>)
      } else {
      }
      %parallel_loop3A = arith.constant 0 : i32
      %parallel_loop3A_185 = arith.constant 4 : i32
      %parallel_loop3A_186 = arith.constant 1 : i32
      %parallel_loop3A_187 = arith.constant 0 : i32
      scf.for %parallel_loop3A_235 = %parallel_loop3A to %parallel_loop3A_185 step %parallel_loop3A_186  : i32 {
        %parallel_loop3A_236 = arith.constant 4 : i32
        %parallel_loop3A_237 = arith.muli %add3A_181, %parallel_loop3A_236 : i32
        %parallel_loop3A_238 = arith.addi %parallel_loop3A_237, %parallel_loop3A_235 : i32
        %parallel_loop3A_239 = arith.constant 16 : i32
        %parallel_loop3A_240 = arith.muli %parallel_loop3A_238, %parallel_loop3A_239 : i32
        %parallel_loop3A_241 = arith.index_cast %parallel_loop3A_240 : i32 to index
        %parallel_loop3A_242 = tpu.vector_load %arg7[%parallel_loop3A_241] {strides = array<i32>} : memref<512xi32, #tpu.memory_space<vmem>>, vector<16xi32>,
        %parallel_loop3A_243 = vector.extract_strided_slice %parallel_loop3A_242 {offsets = [0], sizes = [1], strides = [1]} : vector<16xi32> to vector<1xi32>
        %parallel_loop3A_244 = vector.extract %parallel_loop3A_243[0] : i32 from vector<1xi32>
        %parallel_loop3A_245 = arith.constant 16 : i32
        %parallel_loop3A_246 = arith.muli %parallel_loop3A_235, %parallel_loop3A_245 : i32
        %parallel_loop3A_247 = arith.constant 0 : i32
        %parallel_loop3A_248 = arith.addi %parallel_loop3A_246, %parallel_loop3A_247 : i32
        %parallel_loop3A_249 = arith.index_cast %parallel_loop3A_244 : i32 to index
        %parallel_loop3A_250 = arith.constant 0 : index
        %parallel_loop3A_251 = tpu.vector_load %arg5[%parallel_loop3A_249, %parallel_loop3A_250] {strides = array<i32>} : memref<520x128xf32, #tpu.memory_space<vmem>>, vector<16xf32>,
        %parallel_loop3A_252 = arith.constant 0 : i32
        %parallel_loop3A_253 = arith.constant 0 : i32
        %parallel_loop3A_254 = tpu.memref_slice %arg8[%parallel_loop3A_187, %parallel_loop3A_252, %parallel_loop3A_253] : memref<2x64x128xf32, #tpu.memory_space<vmem>> -> memref<1x64x128xf32, #tpu.memory_space<vmem>>
        %parallel_loop3A_255 = tpu.memref_squeeze %parallel_loop3A_254 : memref<1x64x128xf32, #tpu.memory_space<vmem>> -> memref<64x128xf32, #tpu.memory_space<vmem>>
        %parallel_loop3A_256 = arith.index_cast %parallel_loop3A_248 : i32 to index
        %parallel_loop3A_257 = arith.constant 0 : index
        %parallel_loop3A_258 = tpu.vector_load %parallel_loop3A_255[%parallel_loop3A_256, %parallel_loop3A_257] {strides = array<i32>} : memref<64x128xf32, #tpu.memory_space<vmem>>, vector<16xf32>,
        tpu.vector_store %parallel_loop3A_255[%parallel_loop3A_256, %parallel_loop3A_257], %parallel_loop3A_251 {strides = array<i32>} : memref<64x128xf32, #tpu.memory_space<vmem>>, vector<16xf32>,
        %parallel_loop3A_259 = arith.index_cast %parallel_loop3A_244 : i32 to index
        %parallel_loop3A_260 = arith.constant 16 : index
        %parallel_loop3A_261 = tpu.vector_load %arg5[%parallel_loop3A_259, %parallel_loop3A_260] {strides = array<i32>} : memref<520x128xf32, #tpu.memory_space<vmem>>, vector<16xf32>,
        %parallel_loop3A_262 = arith.constant 0 : i32
        %parallel_loop3A_263 = arith.constant 0 : i32
        %parallel_loop3A_264 = tpu.memref_slice %arg8[%parallel_loop3A_187, %parallel_loop3A_262, %parallel_loop3A_263] : memref<2x64x128xf32, #tpu.memory_space<vmem>> -> memref<1x64x128xf32, #tpu.memory_space<vmem>>
        %parallel_loop3A_265 = tpu.memref_squeeze %parallel_loop3A_264 : memref<1x64x128xf32, #tpu.memory_space<vmem>> -> memref<64x128xf32, #tpu.memory_space<vmem>>
        %parallel_loop3A_266 = arith.index_cast %parallel_loop3A_248 : i32 to index
        %parallel_loop3A_267 = arith.constant 16 : index
        %parallel_loop3A_268 = tpu.vector_load %parallel_loop3A_265[%parallel_loop3A_266, %parallel_loop3A_267] {strides = array<i32>} : memref<64x128xf32, #tpu.memory_space<vmem>>, vector<16xf32>,
        tpu.vector_store %parallel_loop3A_265[%parallel_loop3A_266, %parallel_loop3A_267], %parallel_loop3A_261 {strides = array<i32>} : memref<64x128xf32, #tpu.memory_space<vmem>>, vector<16xf32>,
        %parallel_loop3A_269 = arith.index_cast %parallel_loop3A_244 : i32 to index
        %parallel_loop3A_270 = arith.constant 32 : index
        %parallel_loop3A_271 = tpu.vector_load %arg5[%parallel_loop3A_269, %parallel_loop3A_270] {strides = array<i32>} : memref<520x128xf32, #tpu.memory_space<vmem>>, vector<16xf32>,
        %parallel_loop3A_272 = arith.constant 0 : i32
        %parallel_loop3A_273 = arith.constant 0 : i32
        %parallel_loop3A_274 = tpu.memref_slice %arg8[%parallel_loop3A_187, %parallel_loop3A_272, %parallel_loop3A_273] : memref<2x64x128xf32, #tpu.memory_space<vmem>> -> memref<1x64x128xf32, #tpu.memory_space<vmem>>
        %parallel_loop3A_275 = tpu.memref_squeeze %parallel_loop3A_274 : memref<1x64x128xf32, #tpu.memory_space<vmem>> -> memref<64x128xf32, #tpu.memory_space<vmem>>
        %parallel_loop3A_276 = arith.index_cast %parallel_loop3A_248 : i32 to index
        %parallel_loop3A_277 = arith.constant 32 : index
        %parallel_loop3A_278 = tpu.vector_load %parallel_loop3A_275[%parallel_loop3A_276, %parallel_loop3A_277] {strides = array<i32>} : memref<64x128xf32, #tpu.memory_space<vmem>>, vector<16xf32>,
        tpu.vector_store %parallel_loop3A_275[%parallel_loop3A_276, %parallel_loop3A_277], %parallel_loop3A_271 {strides = array<i32>} : memref<64x128xf32, #tpu.memory_space<vmem>>, vector<16xf32>,
        %parallel_loop3A_279 = arith.index_cast %parallel_loop3A_244 : i32 to index
        %parallel_loop3A_280 = arith.constant 48 : index
        %parallel_loop3A_281 = tpu.vector_load %arg5[%parallel_loop3A_279, %parallel_loop3A_280] {strides = array<i32>} : memref<520x128xf32, #tpu.memory_space<vmem>>, vector<16xf32>,
        %parallel_loop3A_282 = arith.constant 0 : i32
        %parallel_loop3A_283 = arith.constant 0 : i32
        %parallel_loop3A_284 = tpu.memref_slice %arg8[%parallel_loop3A_187, %parallel_loop3A_282, %parallel_loop3A_283] : memref<2x64x128xf32, #tpu.memory_space<vmem>> -> memref<1x64x128xf32, #tpu.memory_space<vmem>>
        %parallel_loop3A_285 = tpu.memref_squeeze %parallel_loop3A_284 : memref<1x64x128xf32, #tpu.memory_space<vmem>> -> memref<64x128xf32, #tpu.memory_space<vmem>>
        %parallel_loop3A_286 = arith.index_cast %parallel_loop3A_248 : i32 to index
        %parallel_loop3A_287 = arith.constant 48 : index
        %parallel_loop3A_288 = tpu.vector_load %parallel_loop3A_285[%parallel_loop3A_286, %parallel_loop3A_287] {strides = array<i32>} : memref<64x128xf32, #tpu.memory_space<vmem>>, vector<16xf32>,
        tpu.vector_store %parallel_loop3A_285[%parallel_loop3A_286, %parallel_loop3A_287], %parallel_loop3A_281 {strides = array<i32>} : memref<64x128xf32, #tpu.memory_space<vmem>>, vector<16xf32>,
        %parallel_loop3A_289 = arith.index_cast %parallel_loop3A_244 : i32 to index
        %parallel_loop3A_290 = arith.constant 64 : index
        %parallel_loop3A_291 = tpu.vector_load %arg5[%parallel_loop3A_289, %parallel_loop3A_290] {strides = array<i32>} : memref<520x128xf32, #tpu.memory_space<vmem>>, vector<16xf32>,
        %parallel_loop3A_292 = arith.constant 0 : i32
        %parallel_loop3A_293 = arith.constant 0 : i32
        %parallel_loop3A_294 = tpu.memref_slice %arg8[%parallel_loop3A_187, %parallel_loop3A_292, %parallel_loop3A_293] : memref<2x64x128xf32, #tpu.memory_space<vmem>> -> memref<1x64x128xf32, #tpu.memory_space<vmem>>
        %parallel_loop3A_295 = tpu.memref_squeeze %parallel_loop3A_294 : memref<1x64x128xf32, #tpu.memory_space<vmem>> -> memref<64x128xf32, #tpu.memory_space<vmem>>
        %parallel_loop3A_296 = arith.index_cast %parallel_loop3A_248 : i32 to index
        %parallel_loop3A_297 = arith.constant 64 : index
        %parallel_loop3A_298 = tpu.vector_load %parallel_loop3A_295[%parallel_loop3A_296, %parallel_loop3A_297] {strides = array<i32>} : memref<64x128xf32, #tpu.memory_space<vmem>>, vector<16xf32>,
        tpu.vector_store %parallel_loop3A_295[%parallel_loop3A_296, %parallel_loop3A_297], %parallel_loop3A_291 {strides = array<i32>} : memref<64x128xf32, #tpu.memory_space<vmem>>, vector<16xf32>,
        %parallel_loop3A_299 = arith.index_cast %parallel_loop3A_244 : i32 to index
        %parallel_loop3A_300 = arith.constant 80 : index
        %parallel_loop3A_301 = tpu.vector_load %arg5[%parallel_loop3A_299, %parallel_loop3A_300] {strides = array<i32>} : memref<520x128xf32, #tpu.memory_space<vmem>>, vector<16xf32>,
        %parallel_loop3A_302 = arith.constant 0 : i32
        %parallel_loop3A_303 = arith.constant 0 : i32
        %parallel_loop3A_304 = tpu.memref_slice %arg8[%parallel_loop3A_187, %parallel_loop3A_302, %parallel_loop3A_303] : memref<2x64x128xf32, #tpu.memory_space<vmem>> -> memref<1x64x128xf32, #tpu.memory_space<vmem>>
        %parallel_loop3A_305 = tpu.memref_squeeze %parallel_loop3A_304 : memref<1x64x128xf32, #tpu.memory_space<vmem>> -> memref<64x128xf32, #tpu.memory_space<vmem>>
        %parallel_loop3A_306 = arith.index_cast %parallel_loop3A_248 : i32 to index
        %parallel_loop3A_307 = arith.constant 80 : index
        %parallel_loop3A_308 = tpu.vector_load %parallel_loop3A_305[%parallel_loop3A_306, %parallel_loop3A_307] {strides = array<i32>} : memref<64x128xf32, #tpu.memory_space<vmem>>, vector<16xf32>,
        tpu.vector_store %parallel_loop3A_305[%parallel_loop3A_306, %parallel_loop3A_307], %parallel_loop3A_301 {strides = array<i32>} : memref<64x128xf32, #tpu.memory_space<vmem>>, vector<16xf32>,
        %parallel_loop3A_309 = arith.index_cast %parallel_loop3A_244 : i32 to index
        %parallel_loop3A_310 = arith.constant 96 : index
        %parallel_loop3A_311 = tpu.vector_load %arg5[%parallel_loop3A_309, %parallel_loop3A_310] {strides = array<i32>} : memref<520x128xf32, #tpu.memory_space<vmem>>, vector<16xf32>,
        %parallel_loop3A_312 = arith.constant 0 : i32
        %parallel_loop3A_313 = arith.constant 0 : i32
        %parallel_loop3A_314 = tpu.memref_slice %arg8[%parallel_loop3A_187, %parallel_loop3A_312, %parallel_loop3A_313] : memref<2x64x128xf32, #tpu.memory_space<vmem>> -> memref<1x64x128xf32, #tpu.memory_space<vmem>>
        %parallel_loop3A_315 = tpu.memref_squeeze %parallel_loop3A_314 : memref<1x64x128xf32, #tpu.memory_space<vmem>> -> memref<64x128xf32, #tpu.memory_space<vmem>>
        %parallel_loop3A_316 = arith.index_cast %parallel_loop3A_248 : i32 to index
        %parallel_loop3A_317 = arith.constant 96 : index
        %parallel_loop3A_318 = tpu.vector_load %parallel_loop3A_315[%parallel_loop3A_316, %parallel_loop3A_317] {strides = array<i32>} : memref<64x128xf32, #tpu.memory_space<vmem>>, vector<16xf32>,
        tpu.vector_store %parallel_loop3A_315[%parallel_loop3A_316, %parallel_loop3A_317], %parallel_loop3A_311 {strides = array<i32>} : memref<64x128xf32, #tpu.memory_space<vmem>>, vector<16xf32>,
        %parallel_loop3A_319 = arith.index_cast %parallel_loop3A_244 : i32 to index
        %parallel_loop3A_320 = arith.constant 112 : index
        %parallel_loop3A_321 = tpu.vector_load %arg5[%parallel_loop3A_319, %parallel_loop3A_320] {strides = array<i32>} : memref<520x128xf32, #tpu.memory_space<vmem>>, vector<16xf32>,
        %parallel_loop3A_322 = arith.constant 0 : i32
        %parallel_loop3A_323 = arith.constant 0 : i32
        %parallel_loop3A_324 = tpu.memref_slice %arg8[%parallel_loop3A_187, %parallel_loop3A_322, %parallel_loop3A_323] : memref<2x64x128xf32, #tpu.memory_space<vmem>> -> memref<1x64x128xf32, #tpu.memory_space<vmem>>
        %parallel_loop3A_325 = tpu.memref_squeeze %parallel_loop3A_324 : memref<1x64x128xf32, #tpu.memory_space<vmem>> -> memref<64x128xf32, #tpu.memory_space<vmem>>
        %parallel_loop3A_326 = arith.index_cast %parallel_loop3A_248 : i32 to index
        %parallel_loop3A_327 = arith.constant 112 : index
        %parallel_loop3A_328 = tpu.vector_load %parallel_loop3A_325[%parallel_loop3A_326, %parallel_loop3A_327] {strides = array<i32>} : memref<64x128xf32, #tpu.memory_space<vmem>>, vector<16xf32>,
        tpu.vector_store %parallel_loop3A_325[%parallel_loop3A_326, %parallel_loop3A_327], %parallel_loop3A_321 {strides = array<i32>} : memref<64x128xf32, #tpu.memory_space<vmem>>, vector<16xf32>,
        %parallel_loop3A_329 = vector.extract_strided_slice %parallel_loop3A_242 {offsets = [1], sizes = [1], strides = [1]} : vector<16xi32> to vector<1xi32>
        %parallel_loop3A_330 = vector.extract %parallel_loop3A_329[0] : i32 from vector<1xi32>
        %parallel_loop3A_331 = arith.constant 16 : i32
        %parallel_loop3A_332 = arith.muli %parallel_loop3A_235, %parallel_loop3A_331 : i32
        %parallel_loop3A_333 = arith.constant 1 : i32
        %parallel_loop3A_334 = arith.addi %parallel_loop3A_332, %parallel_loop3A_333 : i32
        %parallel_loop3A_335 = arith.index_cast %parallel_loop3A_330 : i32 to index
        %parallel_loop3A_336 = arith.constant 0 : index
        %parallel_loop3A_337 = tpu.vector_load %arg5[%parallel_loop3A_335, %parallel_loop3A_336] {strides = array<i32>} : memref<520x128xf32, #tpu.memory_space<vmem>>, vector<16xf32>,
        %parallel_loop3A_338 = arith.constant 0 : i32
        %parallel_loop3A_339 = arith.constant 0 : i32
        %parallel_loop3A_340 = tpu.memref_slice %arg8[%parallel_loop3A_187, %parallel_loop3A_338, %parallel_loop3A_339] : memref<2x64x128xf32, #tpu.memory_space<vmem>> -> memref<1x64x128xf32, #tpu.memory_space<vmem>>
        %parallel_loop3A_341 = tpu.memref_squeeze %parallel_loop3A_340 : memref<1x64x128xf32, #tpu.memory_space<vmem>> -> memref<64x128xf32, #tpu.memory_space<vmem>>
        %parallel_loop3A_342 = arith.index_cast %parallel_loop3A_334 : i32 to index
        %parallel_loop3A_343 = arith.constant 0 : index
        %parallel_loop3A_344 = tpu.vector_load %parallel_loop3A_341[%parallel_loop3A_342, %parallel_loop3A_343] {strides = array<i32>} : memref<64x128xf32, #tpu.memory_space<vmem>>, vector<16xf32>,
        tpu.vector_store %parallel_loop3A_341[%parallel_loop3A_342, %parallel_loop3A_343], %parallel_loop3A_337 {strides = array<i32>} : memref<64x128xf32, #tpu.memory_space<vmem>>, vector<16xf32>,
        %parallel_loop3A_345 = arith.index_cast %parallel_loop3A_330 : i32 to index
        %parallel_loop3A_346 = arith.constant 16 : index
        %parallel_loop3A_347 = tpu.vector_load %arg5[%parallel_loop3A_345, %parallel_loop3A_346] {strides = array<i32>} : memref<520x128xf32, #tpu.memory_space<vmem>>, vector<16xf32>,
        %parallel_loop3A_348 = arith.constant 0 : i32
        %parallel_loop3A_349 = arith.constant 0 : i32
        %parallel_loop3A_350 = tpu.memref_slice %arg8[%parallel_loop3A_187, %parallel_loop3A_348, %parallel_loop3A_349] : memref<2x64x128xf32, #tpu.memory_space<vmem>> -> memref<1x64x128xf32, #tpu.memory_space<vmem>>
        %parallel_loop3A_351 = tpu.memref_squeeze %parallel_loop3A_350 : memref<1x64x128xf32, #tpu.memory_space<vmem>> -> memref<64x128xf32, #tpu.memory_space<vmem>>
        %parallel_loop3A_352 = arith.index_cast %parallel_loop3A_334 : i32 to index
        %parallel_loop3A_353 = arith.constant 16 : index
        %parallel_loop3A_354 = tpu.vector_load %parallel_loop3A_351[%parallel_loop3A_352, %parallel_loop3A_353] {strides = array<i32>} : memref<64x128xf32, #tpu.memory_space<vmem>>, vector<16xf32>,
        tpu.vector_store %parallel_loop3A_351[%parallel_loop3A_352, %parallel_loop3A_353], %parallel_loop3A_347 {strides = array<i32>} : memref<64x128xf32, #tpu.memory_space<vmem>>, vector<16xf32>,
        %parallel_loop3A_355 = arith.index_cast %parallel_loop3A_330 : i32 to index
        %parallel_loop3A_356 = arith.constant 32 : index
        %parallel_loop3A_357 = tpu.vector_load %arg5[%parallel_loop3A_355, %parallel_loop3A_356] {strides = array<i32>} : memref<520x128xf32, #tpu.memory_space<vmem>>, vector<16xf32>,
        %parallel_loop3A_358 = arith.constant 0 : i32
        %parallel_loop3A_359 = arith.constant 0 : i32
        %parallel_loop3A_360 = tpu.memref_slice %arg8[%parallel_loop3A_187, %parallel_loop3A_358, %parallel_loop3A_359] : memref<2x64x128xf32, #tpu.memory_space<vmem>> -> memref<1x64x128xf32, #tpu.memory_space<vmem>>
        %parallel_loop3A_361 = tpu.memref_squeeze %parallel_loop3A_360 : memref<1x64x128xf32, #tpu.memory_space<vmem>> -> memref<64x128xf32, #tpu.memory_space<vmem>>
        %parallel_loop3A_362 = arith.index_cast %parallel_loop3A_334 : i32 to index
        %parallel_loop3A_363 = arith.constant 32 : index
        %parallel_loop3A_364 = tpu.vector_load %parallel_loop3A_361[%parallel_loop3A_362, %parallel_loop3A_363] {strides = array<i32>} : memref<64x128xf32, #tpu.memory_space<vmem>>, vector<16xf32>,
        tpu.vector_store %parallel_loop3A_361[%parallel_loop3A_362, %parallel_loop3A_363], %parallel_loop3A_357 {strides = array<i32>} : memref<64x128xf32, #tpu.memory_space<vmem>>, vector<16xf32>,
        %parallel_loop3A_365 = arith.index_cast %parallel_loop3A_330 : i32 to index
        %parallel_loop3A_366 = arith.constant 48 : index
        %parallel_loop3A_367 = tpu.vector_load %arg5[%parallel_loop3A_365, %parallel_loop3A_366] {strides = array<i32>} : memref<520x128xf32, #tpu.memory_space<vmem>>, vector<16xf32>,
        %parallel_loop3A_368 = arith.constant 0 : i32
        %parallel_loop3A_369 = arith.constant 0 : i32
        %parallel_loop3A_370 = tpu.memref_slice %arg8[%parallel_loop3A_187, %parallel_loop3A_368, %parallel_loop3A_369] : memref<2x64x128xf32, #tpu.memory_space<vmem>> -> memref<1x64x128xf32, #tpu.memory_space<vmem>>
        %parallel_loop3A_371 = tpu.memref_squeeze %parallel_loop3A_370 : memref<1x64x128xf32, #tpu.memory_space<vmem>> -> memref<64x128xf32, #tpu.memory_space<vmem>>
        %parallel_loop3A_372 = arith.index_cast %parallel_loop3A_334 : i32 to index
        %parallel_loop3A_373 = arith.constant 48 : index
        %parallel_loop3A_374 = tpu.vector_load %parallel_loop3A_371[%parallel_loop3A_372, %parallel_loop3A_373] {strides = array<i32>} : memref<64x128xf32, #tpu.memory_space<vmem>>, vector<16xf32>,
        tpu.vector_store %parallel_loop3A_371[%parallel_loop3A_372, %parallel_loop3A_373], %parallel_loop3A_367 {strides = array<i32>} : memref<64x128xf32, #tpu.memory_space<vmem>>, vector<16xf32>,
        %parallel_loop3A_375 = arith.index_cast %parallel_loop3A_330 : i32 to index
        %parallel_loop3A_376 = arith.constant 64 : index
        %parallel_loop3A_377 = tpu.vector_load %arg5[%parallel_loop3A_375, %parallel_loop3A_376] {strides = array<i32>} : memref<520x128xf32, #tpu.memory_space<vmem>>, vector<16xf32>,
        %parallel_loop3A_378 = arith.constant 0 : i32
        %parallel_loop3A_379 = arith.constant 0 : i32
        %parallel_loop3A_380 = tpu.memref_slice %arg8[%parallel_loop3A_187, %parallel_loop3A_378, %parallel_loop3A_379] : memref<2x64x128xf32, #tpu.memory_space<vmem>> -> memref<1x64x128xf32, #tpu.memory_space<vmem>>
        %parallel_loop3A_381 = tpu.memref_squeeze %parallel_loop3A_380 : memref<1x64x128xf32, #tpu.memory_space<vmem>> -> memref<64x128xf32, #tpu.memory_space<vmem>>
        %parallel_loop3A_382 = arith.index_cast %parallel_loop3A_334 : i32 to index
        %parallel_loop3A_383 = arith.constant 64 : index
        %parallel_loop3A_384 = tpu.vector_load %parallel_loop3A_381[%parallel_loop3A_382, %parallel_loop3A_383] {strides = array<i32>} : memref<64x128xf32, #tpu.memory_space<vmem>>, vector<16xf32>,
        tpu.vector_store %parallel_loop3A_381[%parallel_loop3A_382, %parallel_loop3A_383], %parallel_loop3A_377 {strides = array<i32>} : memref<64x128xf32, #tpu.memory_space<vmem>>, vector<16xf32>,
        %parallel_loop3A_385 = arith.index_cast %parallel_loop3A_330 : i32 to index
        %parallel_loop3A_386 = arith.constant 80 : index
        %parallel_loop3A_387 = tpu.vector_load %arg5[%parallel_loop3A_385, %parallel_loop3A_386] {strides = array<i32>} : memref<520x128xf32, #tpu.memory_space<vmem>>, vector<16xf32>,
        %parallel_loop3A_388 = arith.constant 0 : i32
        %parallel_loop3A_389 = arith.constant 0 : i32
        %parallel_loop3A_390 = tpu.memref_slice %arg8[%parallel_loop3A_187, %parallel_loop3A_388, %parallel_loop3A_389] : memref<2x64x128xf32, #tpu.memory_space<vmem>> -> memref<1x64x128xf32, #tpu.memory_space<vmem>>
        %parallel_loop3A_391 = tpu.memref_squeeze %parallel_loop3A_390 : memref<1x64x128xf32, #tpu.memory_space<vmem>> -> memref<64x128xf32, #tpu.memory_space<vmem>>
        %parallel_loop3A_392 = arith.index_cast %parallel_loop3A_334 : i32 to index
        %parallel_loop3A_393 = arith.constant 80 : index
        %parallel_loop3A_394 = tpu.vector_load %parallel_loop3A_391[%parallel_loop3A_392, %parallel_loop3A_393] {strides = array<i32>} : memref<64x128xf32, #tpu.memory_space<vmem>>, vector<16xf32>,
        tpu.vector_store %parallel_loop3A_391[%parallel_loop3A_392, %parallel_loop3A_393], %parallel_loop3A_387 {strides = array<i32>} : memref<64x128xf32, #tpu.memory_space<vmem>>, vector<16xf32>,
        %parallel_loop3A_395 = arith.index_cast %parallel_loop3A_330 : i32 to index
        %parallel_loop3A_396 = arith.constant 96 : index
        %parallel_loop3A_397 = tpu.vector_load %arg5[%parallel_loop3A_395, %parallel_loop3A_396] {strides = array<i32>} : memref<520x128xf32, #tpu.memory_space<vmem>>, vector<16xf32>,
        %parallel_loop3A_398 = arith.constant 0 : i32
        %parallel_loop3A_399 = arith.constant 0 : i32
        %parallel_loop3A_400 = tpu.memref_slice %arg8[%parallel_loop3A_187, %parallel_loop3A_398, %parallel_loop3A_399] : memref<2x64x128xf32, #tpu.memory_space<vmem>> -> memref<1x64x128xf32, #tpu.memory_space<vmem>>
        %parallel_loop3A_401 = tpu.memref_squeeze %parallel_loop3A_400 : memref<1x64x128xf32, #tpu.memory_space<vmem>> -> memref<64x128xf32, #tpu.memory_space<vmem>>
        %parallel_loop3A_402 = arith.index_cast %parallel_loop3A_334 : i32 to index
        %parallel_loop3A_403 = arith.constant 96 : index
        %parallel_loop3A_404 = tpu.vector_load %parallel_loop3A_401[%parallel_loop3A_402, %parallel_loop3A_403] {strides = array<i32>} : memref<64x128xf32, #tpu.memory_space<vmem>>, vector<16xf32>,
        tpu.vector_store %parallel_loop3A_401[%parallel_loop3A_402, %parallel_loop3A_403], %parallel_loop3A_397 {strides = array<i32>} : memref<64x128xf32, #tpu.memory_space<vmem>>, vector<16xf32>,
        %parallel_loop3A_405 = arith.index_cast %parallel_loop3A_330 : i32 to index
        %parallel_loop3A_406 = arith.constant 112 : index
        %parallel_loop3A_407 = tpu.vector_load %arg5[%parallel_loop3A_405, %parallel_loop3A_406] {strides = array<i32>} : memref<520x128xf32, #tpu.memory_space<vmem>>, vector<16xf32>,
        %parallel_loop3A_408 = arith.constant 0 : i32
        %parallel_loop3A_409 = arith.constant 0 : i32
        %parallel_loop3A_410 = tpu.memref_slice %arg8[%parallel_loop3A_187, %parallel_loop3A_408, %parallel_loop3A_409] : memref<2x64x128xf32, #tpu.memory_space<vmem>> -> memref<1x64x128xf32, #tpu.memory_space<vmem>>
        %parallel_loop3A_411 = tpu.memref_squeeze %parallel_loop3A_410 : memref<1x64x128xf32, #tpu.memory_space<vmem>> -> memref<64x128xf32, #tpu.memory_space<vmem>>
        %parallel_loop3A_412 = arith.index_cast %parallel_loop3A_334 : i32 to index
        %parallel_loop3A_413 = arith.constant 112 : index
        %parallel_loop3A_414 = tpu.vector_load %parallel_loop3A_411[%parallel_loop3A_412, %parallel_loop3A_413] {strides = array<i32>} : memref<64x128xf32, #tpu.memory_space<vmem>>, vector<16xf32>,
        tpu.vector_store %parallel_loop3A_411[%parallel_loop3A_412, %parallel_loop3A_413], %parallel_loop3A_407 {strides = array<i32>} : memref<64x128xf32, #tpu.memory_space<vmem>>, vector<16xf32>,
        %parallel_loop3A_415 = vector.extract_strided_slice %parallel_loop3A_242 {offsets = [2], sizes = [1], strides = [1]} : vector<16xi32> to vector<1xi32>
        %parallel_loop3A_416 = vector.extract %parallel_loop3A_415[0] : i32 from vector<1xi32>
        %parallel_loop3A_417 = arith.constant 16 : i32
        %parallel_loop3A_418 = arith.muli %parallel_loop3A_235, %parallel_loop3A_417 : i32
        %parallel_loop3A_419 = arith.constant 2 : i32
        %parallel_loop3A_420 = arith.addi %parallel_loop3A_418, %parallel_loop3A_419 : i32
        %parallel_loop3A_421 = arith.index_cast %parallel_loop3A_416 : i32 to index
        %parallel_loop3A_422 = arith.constant 0 : index
        %parallel_loop3A_423 = tpu.vector_load %arg5[%parallel_loop3A_421, %parallel_loop3A_422] {strides = array<i32>} : memref<520x128xf32, #tpu.memory_space<vmem>>, vector<16xf32>,
        %parallel_loop3A_424 = arith.constant 0 : i32
        %parallel_loop3A_425 = arith.constant 0 : i32
        %parallel_loop3A_426 = tpu.memref_slice %arg8[%parallel_loop3A_187, %parallel_loop3A_424, %parallel_loop3A_425] : memref<2x64x128xf32, #tpu.memory_space<vmem>> -> memref<1x64x128xf32, #tpu.memory_space<vmem>>
        %parallel_loop3A_427 = tpu.memref_squeeze %parallel_loop3A_426 : memref<1x64x128xf32, #tpu.memory_space<vmem>> -> memref<64x128xf32, #tpu.memory_space<vmem>>
        %parallel_loop3A_428 = arith.index_cast %parallel_loop3A_420 : i32 to index
        %parallel_loop3A_429 = arith.constant 0 : index
        %parallel_loop3A_430 = tpu.vector_load %parallel_loop3A_427[%parallel_loop3A_428, %parallel_loop3A_429] {strides = array<i32>} : memref<64x128xf32, #tpu.memory_space<vmem>>, vector<16xf32>,
        tpu.vector_store %parallel_loop3A_427[%parallel_loop3A_428, %parallel_loop3A_429], %parallel_loop3A_423 {strides = array<i32>} : memref<64x128xf32, #tpu.memory_space<vmem>>, vector<16xf32>,
        %parallel_loop3A_431 = arith.index_cast %parallel_loop3A_416 : i32 to index
        %parallel_loop3A_432 = arith.constant 16 : index
        %parallel_loop3A_433 = tpu.vector_load %arg5[%parallel_loop3A_431, %parallel_loop3A_432] {strides = array<i32>} : memref<520x128xf32, #tpu.memory_space<vmem>>, vector<16xf32>,
        %parallel_loop3A_434 = arith.constant 0 : i32
        %parallel_loop3A_435 = arith.constant 0 : i32
        %parallel_loop3A_436 = tpu.memref_slice %arg8[%parallel_loop3A_187, %parallel_loop3A_434, %parallel_loop3A_435] : memref<2x64x128xf32, #tpu.memory_space<vmem>> -> memref<1x64x128xf32, #tpu.memory_space<vmem>>
        %parallel_loop3A_437 = tpu.memref_squeeze %parallel_loop3A_436 : memref<1x64x128xf32, #tpu.memory_space<vmem>> -> memref<64x128xf32, #tpu.memory_space<vmem>>
        %parallel_loop3A_438 = arith.index_cast %parallel_loop3A_420 : i32 to index
        %parallel_loop3A_439 = arith.constant 16 : index
        %parallel_loop3A_440 = tpu.vector_load %parallel_loop3A_437[%parallel_loop3A_438, %parallel_loop3A_439] {strides = array<i32>} : memref<64x128xf32, #tpu.memory_space<vmem>>, vector<16xf32>,
        tpu.vector_store %parallel_loop3A_437[%parallel_loop3A_438, %parallel_loop3A_439], %parallel_loop3A_433 {strides = array<i32>} : memref<64x128xf32, #tpu.memory_space<vmem>>, vector<16xf32>,
        %parallel_loop3A_441 = arith.index_cast %parallel_loop3A_416 : i32 to index
        %parallel_loop3A_442 = arith.constant 32 : index
        %parallel_loop3A_443 = tpu.vector_load %arg5[%parallel_loop3A_441, %parallel_loop3A_442] {strides = array<i32>} : memref<520x128xf32, #tpu.memory_space<vmem>>, vector<16xf32>,
        %parallel_loop3A_444 = arith.constant 0 : i32
        %parallel_loop3A_445 = arith.constant 0 : i32
        %parallel_loop3A_446 = tpu.memref_slice %arg8[%parallel_loop3A_187, %parallel_loop3A_444, %parallel_loop3A_445] : memref<2x64x128xf32, #tpu.memory_space<vmem>> -> memref<1x64x128xf32, #tpu.memory_space<vmem>>
        %parallel_loop3A_447 = tpu.memref_squeeze %parallel_loop3A_446 : memref<1x64x128xf32, #tpu.memory_space<vmem>> -> memref<64x128xf32, #tpu.memory_space<vmem>>
        %parallel_loop3A_448 = arith.index_cast %parallel_loop3A_420 : i32 to index
        %parallel_loop3A_449 = arith.constant 32 : index
        %parallel_loop3A_450 = tpu.vector_load %parallel_loop3A_447[%parallel_loop3A_448, %parallel_loop3A_449] {strides = array<i32>} : memref<64x128xf32, #tpu.memory_space<vmem>>, vector<16xf32>,
        tpu.vector_store %parallel_loop3A_447[%parallel_loop3A_448, %parallel_loop3A_449], %parallel_loop3A_443 {strides = array<i32>} : memref<64x128xf32, #tpu.memory_space<vmem>>, vector<16xf32>,
        %parallel_loop3A_451 = arith.index_cast %parallel_loop3A_416 : i32 to index
        %parallel_loop3A_452 = arith.constant 48 : index
        %parallel_loop3A_453 = tpu.vector_load %arg5[%parallel_loop3A_451, %parallel_loop3A_452] {strides = array<i32>} : memref<520x128xf32, #tpu.memory_space<vmem>>, vector<16xf32>,
        %parallel_loop3A_454 = arith.constant 0 : i32
        %parallel_loop3A_455 = arith.constant 0 : i32
        %parallel_loop3A_456 = tpu.memref_slice %arg8[%parallel_loop3A_187, %parallel_loop3A_454, %parallel_loop3A_455] : memref<2x64x128xf32, #tpu.memory_space<vmem>> -> memref<1x64x128xf32, #tpu.memory_space<vmem>>
        %parallel_loop3A_457 = tpu.memref_squeeze %parallel_loop3A_456 : memref<1x64x128xf32, #tpu.memory_space<vmem>> -> memref<64x128xf32, #tpu.memory_space<vmem>>
        %parallel_loop3A_458 = arith.index_cast %parallel_loop3A_420 : i32 to index
        %parallel_loop3A_459 = arith.constant 48 : index
        %parallel_loop3A_460 = tpu.vector_load %parallel_loop3A_457[%parallel_loop3A_458, %parallel_loop3A_459] {strides = array<i32>} : memref<64x128xf32, #tpu.memory_space<vmem>>, vector<16xf32>,
        tpu.vector_store %parallel_loop3A_457[%parallel_loop3A_458, %parallel_loop3A_459], %parallel_loop3A_453 {strides = array<i32>} : memref<64x128xf32, #tpu.memory_space<vmem>>, vector<16xf32>,
        %parallel_loop3A_461 = arith.index_cast %parallel_loop3A_416 : i32 to index
        %parallel_loop3A_462 = arith.constant 64 : index
        %parallel_loop3A_463 = tpu.vector_load %arg5[%parallel_loop3A_461, %parallel_loop3A_462] {strides = array<i32>} : memref<520x128xf32, #tpu.memory_space<vmem>>, vector<16xf32>,
        %parallel_loop3A_464 = arith.constant 0 : i32
        %parallel_loop3A_465 = arith.constant 0 : i32
        %parallel_loop3A_466 = tpu.memref_slice %arg8[%parallel_loop3A_187, %parallel_loop3A_464, %parallel_loop3A_465] : memref<2x64x128xf32, #tpu.memory_space<vmem>> -> memref<1x64x128xf32, #tpu.memory_space<vmem>>
        %parallel_loop3A_467 = tpu.memref_squeeze %parallel_loop3A_466 : memref<1x64x128xf32, #tpu.memory_space<vmem>> -> memref<64x128xf32, #tpu.memory_space<vmem>>
        %parallel_loop3A_468 = arith.index_cast %parallel_loop3A_420 : i32 to index
        %parallel_loop3A_469 = arith.constant 64 : index
        %parallel_loop3A_470 = tpu.vector_load %parallel_loop3A_467[%parallel_loop3A_468, %parallel_loop3A_469] {strides = array<i32>} : memref<64x128xf32, #tpu.memory_space<vmem>>, vector<16xf32>,
        tpu.vector_store %parallel_loop3A_467[%parallel_loop3A_468, %parallel_loop3A_469], %parallel_loop3A_463 {strides = array<i32>} : memref<64x128xf32, #tpu.memory_space<vmem>>, vector<16xf32>,
        %parallel_loop3A_471 = arith.index_cast %parallel_loop3A_416 : i32 to index
        %parallel_loop3A_472 = arith.constant 80 : index
        %parallel_loop3A_473 = tpu.vector_load %arg5[%parallel_loop3A_471, %parallel_loop3A_472] {strides = array<i32>} : memref<520x128xf32, #tpu.memory_space<vmem>>, vector<16xf32>,
        %parallel_loop3A_474 = arith.constant 0 : i32
        %parallel_loop3A_475 = arith.constant 0 : i32
        %parallel_loop3A_476 = tpu.memref_slice %arg8[%parallel_loop3A_187, %parallel_loop3A_474, %parallel_loop3A_475] : memref<2x64x128xf32, #tpu.memory_space<vmem>> -> memref<1x64x128xf32, #tpu.memory_space<vmem>>
        %parallel_loop3A_477 = tpu.memref_squeeze %parallel_loop3A_476 : memref<1x64x128xf32, #tpu.memory_space<vmem>> -> memref<64x128xf32, #tpu.memory_space<vmem>>
        %parallel_loop3A_478 = arith.index_cast %parallel_loop3A_420 : i32 to index
        %parallel_loop3A_479 = arith.constant 80 : index
        %parallel_loop3A_480 = tpu.vector_load %parallel_loop3A_477[%parallel_loop3A_478, %parallel_loop3A_479] {strides = array<i32>} : memref<64x128xf32, #tpu.memory_space<vmem>>, vector<16xf32>,
        tpu.vector_store %parallel_loop3A_477[%parallel_loop3A_478, %parallel_loop3A_479], %parallel_loop3A_473 {strides = array<i32>} : memref<64x128xf32, #tpu.memory_space<vmem>>, vector<16xf32>,
        %parallel_loop3A_481 = arith.index_cast %parallel_loop3A_416 : i32 to index
        %parallel_loop3A_482 = arith.constant 96 : index
        %parallel_loop3A_483 = tpu.vector_load %arg5[%parallel_loop3A_481, %parallel_loop3A_482] {strides = array<i32>} : memref<520x128xf32, #tpu.memory_space<vmem>>, vector<16xf32>,
        %parallel_loop3A_484 = arith.constant 0 : i32
        %parallel_loop3A_485 = arith.constant 0 : i32
        %parallel_loop3A_486 = tpu.memref_slice %arg8[%parallel_loop3A_187, %parallel_loop3A_484, %parallel_loop3A_485] : memref<2x64x128xf32, #tpu.memory_space<vmem>> -> memref<1x64x128xf32, #tpu.memory_space<vmem>>
        %parallel_loop3A_487 = tpu.memref_squeeze %parallel_loop3A_486 : memref<1x64x128xf32, #tpu.memory_space<vmem>> -> memref<64x128xf32, #tpu.memory_space<vmem>>
        %parallel_loop3A_488 = arith.index_cast %parallel_loop3A_420 : i32 to index
        %parallel_loop3A_489 = arith.constant 96 : index
        %parallel_loop3A_490 = tpu.vector_load %parallel_loop3A_487[%parallel_loop3A_488, %parallel_loop3A_489] {strides = array<i32>} : memref<64x128xf32, #tpu.memory_space<vmem>>, vector<16xf32>,
        tpu.vector_store %parallel_loop3A_487[%parallel_loop3A_488, %parallel_loop3A_489], %parallel_loop3A_483 {strides = array<i32>} : memref<64x128xf32, #tpu.memory_space<vmem>>, vector<16xf32>,
        %parallel_loop3A_491 = arith.index_cast %parallel_loop3A_416 : i32 to index
        %parallel_loop3A_492 = arith.constant 112 : index
        %parallel_loop3A_493 = tpu.vector_load %arg5[%parallel_loop3A_491, %parallel_loop3A_492] {strides = array<i32>} : memref<520x128xf32, #tpu.memory_space<vmem>>, vector<16xf32>,
        %parallel_loop3A_494 = arith.constant 0 : i32
        %parallel_loop3A_495 = arith.constant 0 : i32
        %parallel_loop3A_496 = tpu.memref_slice %arg8[%parallel_loop3A_187, %parallel_loop3A_494, %parallel_loop3A_495] : memref<2x64x128xf32, #tpu.memory_space<vmem>> -> memref<1x64x128xf32, #tpu.memory_space<vmem>>
        %parallel_loop3A_497 = tpu.memref_squeeze %parallel_loop3A_496 : memref<1x64x128xf32, #tpu.memory_space<vmem>> -> memref<64x128xf32, #tpu.memory_space<vmem>>
        %parallel_loop3A_498 = arith.index_cast %parallel_loop3A_420 : i32 to index
        %parallel_loop3A_499 = arith.constant 112 : index
        %parallel_loop3A_500 = tpu.vector_load %parallel_loop3A_497[%parallel_loop3A_498, %parallel_loop3A_499] {strides = array<i32>} : memref<64x128xf32, #tpu.memory_space<vmem>>, vector<16xf32>,
        tpu.vector_store %parallel_loop3A_497[%parallel_loop3A_498, %parallel_loop3A_499], %parallel_loop3A_493 {strides = array<i32>} : memref<64x128xf32, #tpu.memory_space<vmem>>, vector<16xf32>,
        %parallel_loop3A_501 = vector.extract_strided_slice %parallel_loop3A_242 {offsets = [3], sizes = [1], strides = [1]} : vector<16xi32> to vector<1xi32>
        %parallel_loop3A_502 = vector.extract %parallel_loop3A_501[0] : i32 from vector<1xi32>
        %parallel_loop3A_503 = arith.constant 16 : i32
        %parallel_loop3A_504 = arith.muli %parallel_loop3A_235, %parallel_loop3A_503 : i32
        %parallel_loop3A_505 = arith.constant 3 : i32
        %parallel_loop3A_506 = arith.addi %parallel_loop3A_504, %parallel_loop3A_505 : i32
        %parallel_loop3A_507 = arith.index_cast %parallel_loop3A_502 : i32 to index
        %parallel_loop3A_508 = arith.constant 0 : index
        %parallel_loop3A_509 = tpu.vector_load %arg5[%parallel_loop3A_507, %parallel_loop3A_508] {strides = array<i32>} : memref<520x128xf32, #tpu.memory_space<vmem>>, vector<16xf32>,
        %parallel_loop3A_510 = arith.constant 0 : i32
        %parallel_loop3A_511 = arith.constant 0 : i32
        %parallel_loop3A_512 = tpu.memref_slice %arg8[%parallel_loop3A_187, %parallel_loop3A_510, %parallel_loop3A_511] : memref<2x64x128xf32, #tpu.memory_space<vmem>> -> memref<1x64x128xf32, #tpu.memory_space<vmem>>
        %parallel_loop3A_513 = tpu.memref_squeeze %parallel_loop3A_512 : memref<1x64x128xf32, #tpu.memory_space<vmem>> -> memref<64x128xf32, #tpu.memory_space<vmem>>
        %parallel_loop3A_514 = arith.index_cast %parallel_loop3A_506 : i32 to index
        %parallel_loop3A_515 = arith.constant 0 : index
        %parallel_loop3A_516 = tpu.vector_load %parallel_loop3A_513[%parallel_loop3A_514, %parallel_loop3A_515] {strides = array<i32>} : memref<64x128xf32, #tpu.memory_space<vmem>>, vector<16xf32>,
        tpu.vector_store %parallel_loop3A_513[%parallel_loop3A_514, %parallel_loop3A_515], %parallel_loop3A_509 {strides = array<i32>} : memref<64x128xf32, #tpu.memory_space<vmem>>, vector<16xf32>,
        %parallel_loop3A_517 = arith.index_cast %parallel_loop3A_502 : i32 to index
        %parallel_loop3A_518 = arith.constant 16 : index
        %parallel_loop3A_519 = tpu.vector_load %arg5[%parallel_loop3A_517, %parallel_loop3A_518] {strides = array<i32>} : memref<520x128xf32, #tpu.memory_space<vmem>>, vector<16xf32>,
        %parallel_loop3A_520 = arith.constant 0 : i32
        %parallel_loop3A_521 = arith.constant 0 : i32
        %parallel_loop3A_522 = tpu.memref_slice %arg8[%parallel_loop3A_187, %parallel_loop3A_520, %parallel_loop3A_521] : memref<2x64x128xf32, #tpu.memory_space<vmem>> -> memref<1x64x128xf32, #tpu.memory_space<vmem>>
        %parallel_loop3A_523 = tpu.memref_squeeze %parallel_loop3A_522 : memref<1x64x128xf32, #tpu.memory_space<vmem>> -> memref<64x128xf32, #tpu.memory_space<vmem>>
        %parallel_loop3A_524 = arith.index_cast %parallel_loop3A_506 : i32 to index
        %parallel_loop3A_525 = arith.constant 16 : index
        %parallel_loop3A_526 = tpu.vector_load %parallel_loop3A_523[%parallel_loop3A_524, %parallel_loop3A_525] {strides = array<i32>} : memref<64x128xf32, #tpu.memory_space<vmem>>, vector<16xf32>,
        tpu.vector_store %parallel_loop3A_523[%parallel_loop3A_524, %parallel_loop3A_525], %parallel_loop3A_519 {strides = array<i32>} : memref<64x128xf32, #tpu.memory_space<vmem>>, vector<16xf32>,
        %parallel_loop3A_527 = arith.index_cast %parallel_loop3A_502 : i32 to index
        %parallel_loop3A_528 = arith.constant 32 : index
        %parallel_loop3A_529 = tpu.vector_load %arg5[%parallel_loop3A_527, %parallel_loop3A_528] {strides = array<i32>} : memref<520x128xf32, #tpu.memory_space<vmem>>, vector<16xf32>,
        %parallel_loop3A_530 = arith.constant 0 : i32
        %parallel_loop3A_531 = arith.constant 0 : i32
        %parallel_loop3A_532 = tpu.memref_slice %arg8[%parallel_loop3A_187, %parallel_loop3A_530, %parallel_loop3A_531] : memref<2x64x128xf32, #tpu.memory_space<vmem>> -> memref<1x64x128xf32, #tpu.memory_space<vmem>>
        %parallel_loop3A_533 = tpu.memref_squeeze %parallel_loop3A_532 : memref<1x64x128xf32, #tpu.memory_space<vmem>> -> memref<64x128xf32, #tpu.memory_space<vmem>>
        %parallel_loop3A_534 = arith.index_cast %parallel_loop3A_506 : i32 to index
        %parallel_loop3A_535 = arith.constant 32 : index
        %parallel_loop3A_536 = tpu.vector_load %parallel_loop3A_533[%parallel_loop3A_534, %parallel_loop3A_535] {strides = array<i32>} : memref<64x128xf32, #tpu.memory_space<vmem>>, vector<16xf32>,
        tpu.vector_store %parallel_loop3A_533[%parallel_loop3A_534, %parallel_loop3A_535], %parallel_loop3A_529 {strides = array<i32>} : memref<64x128xf32, #tpu.memory_space<vmem>>, vector<16xf32>,
        %parallel_loop3A_537 = arith.index_cast %parallel_loop3A_502 : i32 to index
        %parallel_loop3A_538 = arith.constant 48 : index
        %parallel_loop3A_539 = tpu.vector_load %arg5[%parallel_loop3A_537, %parallel_loop3A_538] {strides = array<i32>} : memref<520x128xf32, #tpu.memory_space<vmem>>, vector<16xf32>,
        %parallel_loop3A_540 = arith.constant 0 : i32
        %parallel_loop3A_541 = arith.constant 0 : i32
        %parallel_loop3A_542 = tpu.memref_slice %arg8[%parallel_loop3A_187, %parallel_loop3A_540, %parallel_loop3A_541] : memref<2x64x128xf32, #tpu.memory_space<vmem>> -> memref<1x64x128xf32, #tpu.memory_space<vmem>>
        %parallel_loop3A_543 = tpu.memref_squeeze %parallel_loop3A_542 : memref<1x64x128xf32, #tpu.memory_space<vmem>> -> memref<64x128xf32, #tpu.memory_space<vmem>>
        %parallel_loop3A_544 = arith.index_cast %parallel_loop3A_506 : i32 to index
        %parallel_loop3A_545 = arith.constant 48 : index
        %parallel_loop3A_546 = tpu.vector_load %parallel_loop3A_543[%parallel_loop3A_544, %parallel_loop3A_545] {strides = array<i32>} : memref<64x128xf32, #tpu.memory_space<vmem>>, vector<16xf32>,
        tpu.vector_store %parallel_loop3A_543[%parallel_loop3A_544, %parallel_loop3A_545], %parallel_loop3A_539 {strides = array<i32>} : memref<64x128xf32, #tpu.memory_space<vmem>>, vector<16xf32>,
        %parallel_loop3A_547 = arith.index_cast %parallel_loop3A_502 : i32 to index
        %parallel_loop3A_548 = arith.constant 64 : index
        %parallel_loop3A_549 = tpu.vector_load %arg5[%parallel_loop3A_547, %parallel_loop3A_548] {strides = array<i32>} : memref<520x128xf32, #tpu.memory_space<vmem>>, vector<16xf32>,
        %parallel_loop3A_550 = arith.constant 0 : i32
        %parallel_loop3A_551 = arith.constant 0 : i32
        %parallel_loop3A_552 = tpu.memref_slice %arg8[%parallel_loop3A_187, %parallel_loop3A_550, %parallel_loop3A_551] : memref<2x64x128xf32, #tpu.memory_space<vmem>> -> memref<1x64x128xf32, #tpu.memory_space<vmem>>
        %parallel_loop3A_553 = tpu.memref_squeeze %parallel_loop3A_552 : memref<1x64x128xf32, #tpu.memory_space<vmem>> -> memref<64x128xf32, #tpu.memory_space<vmem>>
        %parallel_loop3A_554 = arith.index_cast %parallel_loop3A_506 : i32 to index
        %parallel_loop3A_555 = arith.constant 64 : index
        %parallel_loop3A_556 = tpu.vector_load %parallel_loop3A_553[%parallel_loop3A_554, %parallel_loop3A_555] {strides = array<i32>} : memref<64x128xf32, #tpu.memory_space<vmem>>, vector<16xf32>,
        tpu.vector_store %parallel_loop3A_553[%parallel_loop3A_554, %parallel_loop3A_555], %parallel_loop3A_549 {strides = array<i32>} : memref<64x128xf32, #tpu.memory_space<vmem>>, vector<16xf32>,
        %parallel_loop3A_557 = arith.index_cast %parallel_loop3A_502 : i32 to index
        %parallel_loop3A_558 = arith.constant 80 : index
        %parallel_loop3A_559 = tpu.vector_load %arg5[%parallel_loop3A_557, %parallel_loop3A_558] {strides = array<i32>} : memref<520x128xf32, #tpu.memory_space<vmem>>, vector<16xf32>,
        %parallel_loop3A_560 = arith.constant 0 : i32
        %parallel_loop3A_561 = arith.constant 0 : i32
        %parallel_loop3A_562 = tpu.memref_slice %arg8[%parallel_loop3A_187, %parallel_loop3A_560, %parallel_loop3A_561] : memref<2x64x128xf32, #tpu.memory_space<vmem>> -> memref<1x64x128xf32, #tpu.memory_space<vmem>>
        %parallel_loop3A_563 = tpu.memref_squeeze %parallel_loop3A_562 : memref<1x64x128xf32, #tpu.memory_space<vmem>> -> memref<64x128xf32, #tpu.memory_space<vmem>>
        %parallel_loop3A_564 = arith.index_cast %parallel_loop3A_506 : i32 to index
        %parallel_loop3A_565 = arith.constant 80 : index
        %parallel_loop3A_566 = tpu.vector_load %parallel_loop3A_563[%parallel_loop3A_564, %parallel_loop3A_565] {strides = array<i32>} : memref<64x128xf32, #tpu.memory_space<vmem>>, vector<16xf32>,
        tpu.vector_store %parallel_loop3A_563[%parallel_loop3A_564, %parallel_loop3A_565], %parallel_loop3A_559 {strides = array<i32>} : memref<64x128xf32, #tpu.memory_space<vmem>>, vector<16xf32>,
        %parallel_loop3A_567 = arith.index_cast %parallel_loop3A_502 : i32 to index
        %parallel_loop3A_568 = arith.constant 96 : index
        %parallel_loop3A_569 = tpu.vector_load %arg5[%parallel_loop3A_567, %parallel_loop3A_568] {strides = array<i32>} : memref<520x128xf32, #tpu.memory_space<vmem>>, vector<16xf32>,
        %parallel_loop3A_570 = arith.constant 0 : i32
        %parallel_loop3A_571 = arith.constant 0 : i32
        %parallel_loop3A_572 = tpu.memref_slice %arg8[%parallel_loop3A_187, %parallel_loop3A_570, %parallel_loop3A_571] : memref<2x64x128xf32, #tpu.memory_space<vmem>> -> memref<1x64x128xf32, #tpu.memory_space<vmem>>
        %parallel_loop3A_573 = tpu.memref_squeeze %parallel_loop3A_572 : memref<1x64x128xf32, #tpu.memory_space<vmem>> -> memref<64x128xf32, #tpu.memory_space<vmem>>
        %parallel_loop3A_574 = arith.index_cast %parallel_loop3A_506 : i32 to index
        %parallel_loop3A_575 = arith.constant 96 : index
        %parallel_loop3A_576 = tpu.vector_load %parallel_loop3A_573[%parallel_loop3A_574, %parallel_loop3A_575] {strides = array<i32>} : memref<64x128xf32, #tpu.memory_space<vmem>>, vector<16xf32>,
        tpu.vector_store %parallel_loop3A_573[%parallel_loop3A_574, %parallel_loop3A_575], %parallel_loop3A_569 {strides = array<i32>} : memref<64x128xf32, #tpu.memory_space<vmem>>, vector<16xf32>,
        %parallel_loop3A_577 = arith.index_cast %parallel_loop3A_502 : i32 to index
        %parallel_loop3A_578 = arith.constant 112 : index
        %parallel_loop3A_579 = tpu.vector_load %arg5[%parallel_loop3A_577, %parallel_loop3A_578] {strides = array<i32>} : memref<520x128xf32, #tpu.memory_space<vmem>>, vector<16xf32>,
        %parallel_loop3A_580 = arith.constant 0 : i32
        %parallel_loop3A_581 = arith.constant 0 : i32
        %parallel_loop3A_582 = tpu.memref_slice %arg8[%parallel_loop3A_187, %parallel_loop3A_580, %parallel_loop3A_581] : memref<2x64x128xf32, #tpu.memory_space<vmem>> -> memref<1x64x128xf32, #tpu.memory_space<vmem>>
        %parallel_loop3A_583 = tpu.memref_squeeze %parallel_loop3A_582 : memref<1x64x128xf32, #tpu.memory_space<vmem>> -> memref<64x128xf32, #tpu.memory_space<vmem>>
        %parallel_loop3A_584 = arith.index_cast %parallel_loop3A_506 : i32 to index
        %parallel_loop3A_585 = arith.constant 112 : index
        %parallel_loop3A_586 = tpu.vector_load %parallel_loop3A_583[%parallel_loop3A_584, %parallel_loop3A_585] {strides = array<i32>} : memref<64x128xf32, #tpu.memory_space<vmem>>, vector<16xf32>,
        tpu.vector_store %parallel_loop3A_583[%parallel_loop3A_584, %parallel_loop3A_585], %parallel_loop3A_579 {strides = array<i32>} : memref<64x128xf32, #tpu.memory_space<vmem>>, vector<16xf32>,
        %parallel_loop3A_587 = vector.extract_strided_slice %parallel_loop3A_242 {offsets = [4], sizes = [1], strides = [1]} : vector<16xi32> to vector<1xi32>
        %parallel_loop3A_588 = vector.extract %parallel_loop3A_587[0] : i32 from vector<1xi32>
        %parallel_loop3A_589 = arith.constant 16 : i32
        %parallel_loop3A_590 = arith.muli %parallel_loop3A_235, %parallel_loop3A_589 : i32
        %parallel_loop3A_591 = arith.constant 4 : i32
        %parallel_loop3A_592 = arith.addi %parallel_loop3A_590, %parallel_loop3A_591 : i32
        %parallel_loop3A_593 = arith.index_cast %parallel_loop3A_588 : i32 to index
        %parallel_loop3A_594 = arith.constant 0 : index
        %parallel_loop3A_595 = tpu.vector_load %arg5[%parallel_loop3A_593, %parallel_loop3A_594] {strides = array<i32>} : memref<520x128xf32, #tpu.memory_space<vmem>>, vector<16xf32>,
        %parallel_loop3A_596 = arith.constant 0 : i32
        %parallel_loop3A_597 = arith.constant 0 : i32
        %parallel_loop3A_598 = tpu.memref_slice %arg8[%parallel_loop3A_187, %parallel_loop3A_596, %parallel_loop3A_597] : memref<2x64x128xf32, #tpu.memory_space<vmem>> -> memref<1x64x128xf32, #tpu.memory_space<vmem>>
        %parallel_loop3A_599 = tpu.memref_squeeze %parallel_loop3A_598 : memref<1x64x128xf32, #tpu.memory_space<vmem>> -> memref<64x128xf32, #tpu.memory_space<vmem>>
        %parallel_loop3A_600 = arith.index_cast %parallel_loop3A_592 : i32 to index
        %parallel_loop3A_601 = arith.constant 0 : index
        %parallel_loop3A_602 = tpu.vector_load %parallel_loop3A_599[%parallel_loop3A_600, %parallel_loop3A_601] {strides = array<i32>} : memref<64x128xf32, #tpu.memory_space<vmem>>, vector<16xf32>,
        tpu.vector_store %parallel_loop3A_599[%parallel_loop3A_600, %parallel_loop3A_601], %parallel_loop3A_595 {strides = array<i32>} : memref<64x128xf32, #tpu.memory_space<vmem>>, vector<16xf32>,
        %parallel_loop3A_603 = arith.index_cast %parallel_loop3A_588 : i32 to index
        %parallel_loop3A_604 = arith.constant 16 : index
        %parallel_loop3A_605 = tpu.vector_load %arg5[%parallel_loop3A_603, %parallel_loop3A_604] {strides = array<i32>} : memref<520x128xf32, #tpu.memory_space<vmem>>, vector<16xf32>,
        %parallel_loop3A_606 = arith.constant 0 : i32
        %parallel_loop3A_607 = arith.constant 0 : i32
        %parallel_loop3A_608 = tpu.memref_slice %arg8[%parallel_loop3A_187, %parallel_loop3A_606, %parallel_loop3A_607] : memref<2x64x128xf32, #tpu.memory_space<vmem>> -> memref<1x64x128xf32, #tpu.memory_space<vmem>>
        %parallel_loop3A_609 = tpu.memref_squeeze %parallel_loop3A_608 : memref<1x64x128xf32, #tpu.memory_space<vmem>> -> memref<64x128xf32, #tpu.memory_space<vmem>>
        %parallel_loop3A_610 = arith.index_cast %parallel_loop3A_592 : i32 to index
        %parallel_loop3A_611 = arith.constant 16 : index
        %parallel_loop3A_612 = tpu.vector_load %parallel_loop3A_609[%parallel_loop3A_610, %parallel_loop3A_611] {strides = array<i32>} : memref<64x128xf32, #tpu.memory_space<vmem>>, vector<16xf32>,
        tpu.vector_store %parallel_loop3A_609[%parallel_loop3A_610, %parallel_loop3A_611], %parallel_loop3A_605 {strides = array<i32>} : memref<64x128xf32, #tpu.memory_space<vmem>>, vector<16xf32>,
        %parallel_loop3A_613 = arith.index_cast %parallel_loop3A_588 : i32 to index
        %parallel_loop3A_614 = arith.constant 32 : index
        %parallel_loop3A_615 = tpu.vector_load %arg5[%parallel_loop3A_613, %parallel_loop3A_614] {strides = array<i32>} : memref<520x128xf32, #tpu.memory_space<vmem>>, vector<16xf32>,
        %parallel_loop3A_616 = arith.constant 0 : i32
        %parallel_loop3A_617 = arith.constant 0 : i32
        %parallel_loop3A_618 = tpu.memref_slice %arg8[%parallel_loop3A_187, %parallel_loop3A_616, %parallel_loop3A_617] : memref<2x64x128xf32, #tpu.memory_space<vmem>> -> memref<1x64x128xf32, #tpu.memory_space<vmem>>
        %parallel_loop3A_619 = tpu.memref_squeeze %parallel_loop3A_618 : memref<1x64x128xf32, #tpu.memory_space<vmem>> -> memref<64x128xf32, #tpu.memory_space<vmem>>
        %parallel_loop3A_620 = arith.index_cast %parallel_loop3A_592 : i32 to index
        %parallel_loop3A_621 = arith.constant 32 : index
        %parallel_loop3A_622 = tpu.vector_load %parallel_loop3A_619[%parallel_loop3A_620, %parallel_loop3A_621] {strides = array<i32>} : memref<64x128xf32, #tpu.memory_space<vmem>>, vector<16xf32>,
        tpu.vector_store %parallel_loop3A_619[%parallel_loop3A_620, %parallel_loop3A_621], %parallel_loop3A_615 {strides = array<i32>} : memref<64x128xf32, #tpu.memory_space<vmem>>, vector<16xf32>,
        %parallel_loop3A_623 = arith.index_cast %parallel_loop3A_588 : i32 to index
        %parallel_loop3A_624 = arith.constant 48 : index
        %parallel_loop3A_625 = tpu.vector_load %arg5[%parallel_loop3A_623, %parallel_loop3A_624] {strides = array<i32>} : memref<520x128xf32, #tpu.memory_space<vmem>>, vector<16xf32>,
        %parallel_loop3A_626 = arith.constant 0 : i32
        %parallel_loop3A_627 = arith.constant 0 : i32
        %parallel_loop3A_628 = tpu.memref_slice %arg8[%parallel_loop3A_187, %parallel_loop3A_626, %parallel_loop3A_627] : memref<2x64x128xf32, #tpu.memory_space<vmem>> -> memref<1x64x128xf32, #tpu.memory_space<vmem>>
        %parallel_loop3A_629 = tpu.memref_squeeze %parallel_loop3A_628 : memref<1x64x128xf32, #tpu.memory_space<vmem>> -> memref<64x128xf32, #tpu.memory_space<vmem>>
        %parallel_loop3A_630 = arith.index_cast %parallel_loop3A_592 : i32 to index
        %parallel_loop3A_631 = arith.constant 48 : index
        %parallel_loop3A_632 = tpu.vector_load %parallel_loop3A_629[%parallel_loop3A_630, %parallel_loop3A_631] {strides = array<i32>} : memref<64x128xf32, #tpu.memory_space<vmem>>, vector<16xf32>,
        tpu.vector_store %parallel_loop3A_629[%parallel_loop3A_630, %parallel_loop3A_631], %parallel_loop3A_625 {strides = array<i32>} : memref<64x128xf32, #tpu.memory_space<vmem>>, vector<16xf32>,
        %parallel_loop3A_633 = arith.index_cast %parallel_loop3A_588 : i32 to index
        %parallel_loop3A_634 = arith.constant 64 : index
        %parallel_loop3A_635 = tpu.vector_load %arg5[%parallel_loop3A_633, %parallel_loop3A_634] {strides = array<i32>} : memref<520x128xf32, #tpu.memory_space<vmem>>, vector<16xf32>,
        %parallel_loop3A_636 = arith.constant 0 : i32
        %parallel_loop3A_637 = arith.constant 0 : i32
        %parallel_loop3A_638 = tpu.memref_slice %arg8[%parallel_loop3A_187, %parallel_loop3A_636, %parallel_loop3A_637] : memref<2x64x128xf32, #tpu.memory_space<vmem>> -> memref<1x64x128xf32, #tpu.memory_space<vmem>>
        %parallel_loop3A_639 = tpu.memref_squeeze %parallel_loop3A_638 : memref<1x64x128xf32, #tpu.memory_space<vmem>> -> memref<64x128xf32, #tpu.memory_space<vmem>>
        %parallel_loop3A_640 = arith.index_cast %parallel_loop3A_592 : i32 to index
        %parallel_loop3A_641 = arith.constant 64 : index
        %parallel_loop3A_642 = tpu.vector_load %parallel_loop3A_639[%parallel_loop3A_640, %parallel_loop3A_641] {strides = array<i32>} : memref<64x128xf32, #tpu.memory_space<vmem>>, vector<16xf32>,
        tpu.vector_store %parallel_loop3A_639[%parallel_loop3A_640, %parallel_loop3A_641], %parallel_loop3A_635 {strides = array<i32>} : memref<64x128xf32, #tpu.memory_space<vmem>>, vector<16xf32>,
        %parallel_loop3A_643 = arith.index_cast %parallel_loop3A_588 : i32 to index
        %parallel_loop3A_644 = arith.constant 80 : index
        %parallel_loop3A_645 = tpu.vector_load %arg5[%parallel_loop3A_643, %parallel_loop3A_644] {strides = array<i32>} : memref<520x128xf32, #tpu.memory_space<vmem>>, vector<16xf32>,
        %parallel_loop3A_646 = arith.constant 0 : i32
        %parallel_loop3A_647 = arith.constant 0 : i32
        %parallel_loop3A_648 = tpu.memref_slice %arg8[%parallel_loop3A_187, %parallel_loop3A_646, %parallel_loop3A_647] : memref<2x64x128xf32, #tpu.memory_space<vmem>> -> memref<1x64x128xf32, #tpu.memory_space<vmem>>
        %parallel_loop3A_649 = tpu.memref_squeeze %parallel_loop3A_648 : memref<1x64x128xf32, #tpu.memory_space<vmem>> -> memref<64x128xf32, #tpu.memory_space<vmem>>
        %parallel_loop3A_650 = arith.index_cast %parallel_loop3A_592 : i32 to index
        %parallel_loop3A_651 = arith.constant 80 : index
        %parallel_loop3A_652 = tpu.vector_load %parallel_loop3A_649[%parallel_loop3A_650, %parallel_loop3A_651] {strides = array<i32>} : memref<64x128xf32, #tpu.memory_space<vmem>>, vector<16xf32>,
        tpu.vector_store %parallel_loop3A_649[%parallel_loop3A_650, %parallel_loop3A_651], %parallel_loop3A_645 {strides = array<i32>} : memref<64x128xf32, #tpu.memory_space<vmem>>, vector<16xf32>,
        %parallel_loop3A_653 = arith.index_cast %parallel_loop3A_588 : i32 to index
        %parallel_loop3A_654 = arith.constant 96 : index
        %parallel_loop3A_655 = tpu.vector_load %arg5[%parallel_loop3A_653, %parallel_loop3A_654] {strides = array<i32>} : memref<520x128xf32, #tpu.memory_space<vmem>>, vector<16xf32>,
        %parallel_loop3A_656 = arith.constant 0 : i32
        %parallel_loop3A_657 = arith.constant 0 : i32
        %parallel_loop3A_658 = tpu.memref_slice %arg8[%parallel_loop3A_187, %parallel_loop3A_656, %parallel_loop3A_657] : memref<2x64x128xf32, #tpu.memory_space<vmem>> -> memref<1x64x128xf32, #tpu.memory_space<vmem>>
        %parallel_loop3A_659 = tpu.memref_squeeze %parallel_loop3A_658 : memref<1x64x128xf32, #tpu.memory_space<vmem>> -> memref<64x128xf32, #tpu.memory_space<vmem>>
        %parallel_loop3A_660 = arith.index_cast %parallel_loop3A_592 : i32 to index
        %parallel_loop3A_661 = arith.constant 96 : index
        %parallel_loop3A_662 = tpu.vector_load %parallel_loop3A_659[%parallel_loop3A_660, %parallel_loop3A_661] {strides = array<i32>} : memref<64x128xf32, #tpu.memory_space<vmem>>, vector<16xf32>,
        tpu.vector_store %parallel_loop3A_659[%parallel_loop3A_660, %parallel_loop3A_661], %parallel_loop3A_655 {strides = array<i32>} : memref<64x128xf32, #tpu.memory_space<vmem>>, vector<16xf32>,
        %parallel_loop3A_663 = arith.index_cast %parallel_loop3A_588 : i32 to index
        %parallel_loop3A_664 = arith.constant 112 : index
        %parallel_loop3A_665 = tpu.vector_load %arg5[%parallel_loop3A_663, %parallel_loop3A_664] {strides = array<i32>} : memref<520x128xf32, #tpu.memory_space<vmem>>, vector<16xf32>,
        %parallel_loop3A_666 = arith.constant 0 : i32
        %parallel_loop3A_667 = arith.constant 0 : i32
        %parallel_loop3A_668 = tpu.memref_slice %arg8[%parallel_loop3A_187, %parallel_loop3A_666, %parallel_loop3A_667] : memref<2x64x128xf32, #tpu.memory_space<vmem>> -> memref<1x64x128xf32, #tpu.memory_space<vmem>>
        %parallel_loop3A_669 = tpu.memref_squeeze %parallel_loop3A_668 : memref<1x64x128xf32, #tpu.memory_space<vmem>> -> memref<64x128xf32, #tpu.memory_space<vmem>>
        %parallel_loop3A_670 = arith.index_cast %parallel_loop3A_592 : i32 to index
        %parallel_loop3A_671 = arith.constant 112 : index
        %parallel_loop3A_672 = tpu.vector_load %parallel_loop3A_669[%parallel_loop3A_670, %parallel_loop3A_671] {strides = array<i32>} : memref<64x128xf32, #tpu.memory_space<vmem>>, vector<16xf32>,
        tpu.vector_store %parallel_loop3A_669[%parallel_loop3A_670, %parallel_loop3A_671], %parallel_loop3A_665 {strides = array<i32>} : memref<64x128xf32, #tpu.memory_space<vmem>>, vector<16xf32>,
        %parallel_loop3A_673 = vector.extract_strided_slice %parallel_loop3A_242 {offsets = [5], sizes = [1], strides = [1]} : vector<16xi32> to vector<1xi32>
        %parallel_loop3A_674 = vector.extract %parallel_loop3A_673[0] : i32 from vector<1xi32>
        %parallel_loop3A_675 = arith.constant 16 : i32
        %parallel_loop3A_676 = arith.muli %parallel_loop3A_235, %parallel_loop3A_675 : i32
        %parallel_loop3A_677 = arith.constant 5 : i32
        %parallel_loop3A_678 = arith.addi %parallel_loop3A_676, %parallel_loop3A_677 : i32
        %parallel_loop3A_679 = arith.index_cast %parallel_loop3A_674 : i32 to index
        %parallel_loop3A_680 = arith.constant 0 : index
        %parallel_loop3A_681 = tpu.vector_load %arg5[%parallel_loop3A_679, %parallel_loop3A_680] {strides = array<i32>} : memref<520x128xf32, #tpu.memory_space<vmem>>, vector<16xf32>,
        %parallel_loop3A_682 = arith.constant 0 : i32
        %parallel_loop3A_683 = arith.constant 0 : i32
        %parallel_loop3A_684 = tpu.memref_slice %arg8[%parallel_loop3A_187, %parallel_loop3A_682, %parallel_loop3A_683] : memref<2x64x128xf32, #tpu.memory_space<vmem>> -> memref<1x64x128xf32, #tpu.memory_space<vmem>>
        %parallel_loop3A_685 = tpu.memref_squeeze %parallel_loop3A_684 : memref<1x64x128xf32, #tpu.memory_space<vmem>> -> memref<64x128xf32, #tpu.memory_space<vmem>>
        %parallel_loop3A_686 = arith.index_cast %parallel_loop3A_678 : i32 to index
        %parallel_loop3A_687 = arith.constant 0 : index
        %parallel_loop3A_688 = tpu.vector_load %parallel_loop3A_685[%parallel_loop3A_686, %parallel_loop3A_687] {strides = array<i32>} : memref<64x128xf32, #tpu.memory_space<vmem>>, vector<16xf32>,
        tpu.vector_store %parallel_loop3A_685[%parallel_loop3A_686, %parallel_loop3A_687], %parallel_loop3A_681 {strides = array<i32>} : memref<64x128xf32, #tpu.memory_space<vmem>>, vector<16xf32>,
        %parallel_loop3A_689 = arith.index_cast %parallel_loop3A_674 : i32 to index
        %parallel_loop3A_690 = arith.constant 16 : index
        %parallel_loop3A_691 = tpu.vector_load %arg5[%parallel_loop3A_689, %parallel_loop3A_690] {strides = array<i32>} : memref<520x128xf32, #tpu.memory_space<vmem>>, vector<16xf32>,
        %parallel_loop3A_692 = arith.constant 0 : i32
        %parallel_loop3A_693 = arith.constant 0 : i32
        %parallel_loop3A_694 = tpu.memref_slice %arg8[%parallel_loop3A_187, %parallel_loop3A_692, %parallel_loop3A_693] : memref<2x64x128xf32, #tpu.memory_space<vmem>> -> memref<1x64x128xf32, #tpu.memory_space<vmem>>
        %parallel_loop3A_695 = tpu.memref_squeeze %parallel_loop3A_694 : memref<1x64x128xf32, #tpu.memory_space<vmem>> -> memref<64x128xf32, #tpu.memory_space<vmem>>
        %parallel_loop3A_696 = arith.index_cast %parallel_loop3A_678 : i32 to index
        %parallel_loop3A_697 = arith.constant 16 : index
        %parallel_loop3A_698 = tpu.vector_load %parallel_loop3A_695[%parallel_loop3A_696, %parallel_loop3A_697] {strides = array<i32>} : memref<64x128xf32, #tpu.memory_space<vmem>>, vector<16xf32>,
        tpu.vector_store %parallel_loop3A_695[%parallel_loop3A_696, %parallel_loop3A_697], %parallel_loop3A_691 {strides = array<i32>} : memref<64x128xf32, #tpu.memory_space<vmem>>, vector<16xf32>,
        %parallel_loop3A_699 = arith.index_cast %parallel_loop3A_674 : i32 to index
        %parallel_loop3A_700 = arith.constant 32 : index
        %parallel_loop3A_701 = tpu.vector_load %arg5[%parallel_loop3A_699, %parallel_loop3A_700] {strides = array<i32>} : memref<520x128xf32, #tpu.memory_space<vmem>>, vector<16xf32>,
        %parallel_loop3A_702 = arith.constant 0 : i32
        %parallel_loop3A_703 = arith.constant 0 : i32
        %parallel_loop3A_704 = tpu.memref_slice %arg8[%parallel_loop3A_187, %parallel_loop3A_702, %parallel_loop3A_703] : memref<2x64x128xf32, #tpu.memory_space<vmem>> -> memref<1x64x128xf32, #tpu.memory_space<vmem>>
        %parallel_loop3A_705 = tpu.memref_squeeze %parallel_loop3A_704 : memref<1x64x128xf32, #tpu.memory_space<vmem>> -> memref<64x128xf32, #tpu.memory_space<vmem>>
        %parallel_loop3A_706 = arith.index_cast %parallel_loop3A_678 : i32 to index
        %parallel_loop3A_707 = arith.constant 32 : index
        %parallel_loop3A_708 = tpu.vector_load %parallel_loop3A_705[%parallel_loop3A_706, %parallel_loop3A_707] {strides = array<i32>} : memref<64x128xf32, #tpu.memory_space<vmem>>, vector<16xf32>,
        tpu.vector_store %parallel_loop3A_705[%parallel_loop3A_706, %parallel_loop3A_707], %parallel_loop3A_701 {strides = array<i32>} : memref<64x128xf32, #tpu.memory_space<vmem>>, vector<16xf32>,
        %parallel_loop3A_709 = arith.index_cast %parallel_loop3A_674 : i32 to index
        %parallel_loop3A_710 = arith.constant 48 : index
        %parallel_loop3A_711 = tpu.vector_load %arg5[%parallel_loop3A_709, %parallel_loop3A_710] {strides = array<i32>} : memref<520x128xf32, #tpu.memory_space<vmem>>, vector<16xf32>,
        %parallel_loop3A_712 = arith.constant 0 : i32
        %parallel_loop3A_713 = arith.constant 0 : i32
        %parallel_loop3A_714 = tpu.memref_slice %arg8[%parallel_loop3A_187, %parallel_loop3A_712, %parallel_loop3A_713] : memref<2x64x128xf32, #tpu.memory_space<vmem>> -> memref<1x64x128xf32, #tpu.memory_space<vmem>>
        %parallel_loop3A_715 = tpu.memref_squeeze %parallel_loop3A_714 : memref<1x64x128xf32, #tpu.memory_space<vmem>> -> memref<64x128xf32, #tpu.memory_space<vmem>>
        %parallel_loop3A_716 = arith.index_cast %parallel_loop3A_678 : i32 to index
        %parallel_loop3A_717 = arith.constant 48 : index
        %parallel_loop3A_718 = tpu.vector_load %parallel_loop3A_715[%parallel_loop3A_716, %parallel_loop3A_717] {strides = array<i32>} : memref<64x128xf32, #tpu.memory_space<vmem>>, vector<16xf32>,
        tpu.vector_store %parallel_loop3A_715[%parallel_loop3A_716, %parallel_loop3A_717], %parallel_loop3A_711 {strides = array<i32>} : memref<64x128xf32, #tpu.memory_space<vmem>>, vector<16xf32>,
        %parallel_loop3A_719 = arith.index_cast %parallel_loop3A_674 : i32 to index
        %parallel_loop3A_720 = arith.constant 64 : index
        %parallel_loop3A_721 = tpu.vector_load %arg5[%parallel_loop3A_719, %parallel_loop3A_720] {strides = array<i32>} : memref<520x128xf32, #tpu.memory_space<vmem>>, vector<16xf32>,
        %parallel_loop3A_722 = arith.constant 0 : i32
        %parallel_loop3A_723 = arith.constant 0 : i32
        %parallel_loop3A_724 = tpu.memref_slice %arg8[%parallel_loop3A_187, %parallel_loop3A_722, %parallel_loop3A_723] : memref<2x64x128xf32, #tpu.memory_space<vmem>> -> memref<1x64x128xf32, #tpu.memory_space<vmem>>
        %parallel_loop3A_725 = tpu.memref_squeeze %parallel_loop3A_724 : memref<1x64x128xf32, #tpu.memory_space<vmem>> -> memref<64x128xf32, #tpu.memory_space<vmem>>
        %parallel_loop3A_726 = arith.index_cast %parallel_loop3A_678 : i32 to index
        %parallel_loop3A_727 = arith.constant 64 : index
        %parallel_loop3A_728 = tpu.vector_load %parallel_loop3A_725[%parallel_loop3A_726, %parallel_loop3A_727] {strides = array<i32>} : memref<64x128xf32, #tpu.memory_space<vmem>>, vector<16xf32>,
        tpu.vector_store %parallel_loop3A_725[%parallel_loop3A_726, %parallel_loop3A_727], %parallel_loop3A_721 {strides = array<i32>} : memref<64x128xf32, #tpu.memory_space<vmem>>, vector<16xf32>,
        %parallel_loop3A_729 = arith.index_cast %parallel_loop3A_674 : i32 to index
        %parallel_loop3A_730 = arith.constant 80 : index
        %parallel_loop3A_731 = tpu.vector_load %arg5[%parallel_loop3A_729, %parallel_loop3A_730] {strides = array<i32>} : memref<520x128xf32, #tpu.memory_space<vmem>>, vector<16xf32>,
        %parallel_loop3A_732 = arith.constant 0 : i32
        %parallel_loop3A_733 = arith.constant 0 : i32
        %parallel_loop3A_734 = tpu.memref_slice %arg8[%parallel_loop3A_187, %parallel_loop3A_732, %parallel_loop3A_733] : memref<2x64x128xf32, #tpu.memory_space<vmem>> -> memref<1x64x128xf32, #tpu.memory_space<vmem>>
        %parallel_loop3A_735 = tpu.memref_squeeze %parallel_loop3A_734 : memref<1x64x128xf32, #tpu.memory_space<vmem>> -> memref<64x128xf32, #tpu.memory_space<vmem>>
        %parallel_loop3A_736 = arith.index_cast %parallel_loop3A_678 : i32 to index
        %parallel_loop3A_737 = arith.constant 80 : index
        %parallel_loop3A_738 = tpu.vector_load %parallel_loop3A_735[%parallel_loop3A_736, %parallel_loop3A_737] {strides = array<i32>} : memref<64x128xf32, #tpu.memory_space<vmem>>, vector<16xf32>,
        tpu.vector_store %parallel_loop3A_735[%parallel_loop3A_736, %parallel_loop3A_737], %parallel_loop3A_731 {strides = array<i32>} : memref<64x128xf32, #tpu.memory_space<vmem>>, vector<16xf32>,
        %parallel_loop3A_739 = arith.index_cast %parallel_loop3A_674 : i32 to index
        %parallel_loop3A_740 = arith.constant 96 : index
        %parallel_loop3A_741 = tpu.vector_load %arg5[%parallel_loop3A_739, %parallel_loop3A_740] {strides = array<i32>} : memref<520x128xf32, #tpu.memory_space<vmem>>, vector<16xf32>,
        %parallel_loop3A_742 = arith.constant 0 : i32
        %parallel_loop3A_743 = arith.constant 0 : i32
        %parallel_loop3A_744 = tpu.memref_slice %arg8[%parallel_loop3A_187, %parallel_loop3A_742, %parallel_loop3A_743] : memref<2x64x128xf32, #tpu.memory_space<vmem>> -> memref<1x64x128xf32, #tpu.memory_space<vmem>>
        %parallel_loop3A_745 = tpu.memref_squeeze %parallel_loop3A_744 : memref<1x64x128xf32, #tpu.memory_space<vmem>> -> memref<64x128xf32, #tpu.memory_space<vmem>>
        %parallel_loop3A_746 = arith.index_cast %parallel_loop3A_678 : i32 to index
        %parallel_loop3A_747 = arith.constant 96 : index
        %parallel_loop3A_748 = tpu.vector_load %parallel_loop3A_745[%parallel_loop3A_746, %parallel_loop3A_747] {strides = array<i32>} : memref<64x128xf32, #tpu.memory_space<vmem>>, vector<16xf32>,
        tpu.vector_store %parallel_loop3A_745[%parallel_loop3A_746, %parallel_loop3A_747], %parallel_loop3A_741 {strides = array<i32>} : memref<64x128xf32, #tpu.memory_space<vmem>>, vector<16xf32>,
        %parallel_loop3A_749 = arith.index_cast %parallel_loop3A_674 : i32 to index
        %parallel_loop3A_750 = arith.constant 112 : index
        %parallel_loop3A_751 = tpu.vector_load %arg5[%parallel_loop3A_749, %parallel_loop3A_750] {strides = array<i32>} : memref<520x128xf32, #tpu.memory_space<vmem>>, vector<16xf32>,
        %parallel_loop3A_752 = arith.constant 0 : i32
        %parallel_loop3A_753 = arith.constant 0 : i32
        %parallel_loop3A_754 = tpu.memref_slice %arg8[%parallel_loop3A_187, %parallel_loop3A_752, %parallel_loop3A_753] : memref<2x64x128xf32, #tpu.memory_space<vmem>> -> memref<1x64x128xf32, #tpu.memory_space<vmem>>
        %parallel_loop3A_755 = tpu.memref_squeeze %parallel_loop3A_754 : memref<1x64x128xf32, #tpu.memory_space<vmem>> -> memref<64x128xf32, #tpu.memory_space<vmem>>
        %parallel_loop3A_756 = arith.index_cast %parallel_loop3A_678 : i32 to index
        %parallel_loop3A_757 = arith.constant 112 : index
        %parallel_loop3A_758 = tpu.vector_load %parallel_loop3A_755[%parallel_loop3A_756, %parallel_loop3A_757] {strides = array<i32>} : memref<64x128xf32, #tpu.memory_space<vmem>>, vector<16xf32>,
        tpu.vector_store %parallel_loop3A_755[%parallel_loop3A_756, %parallel_loop3A_757], %parallel_loop3A_751 {strides = array<i32>} : memref<64x128xf32, #tpu.memory_space<vmem>>, vector<16xf32>,
        %parallel_loop3A_759 = vector.extract_strided_slice %parallel_loop3A_242 {offsets = [6], sizes = [1], strides = [1]} : vector<16xi32> to vector<1xi32>
        %parallel_loop3A_760 = vector.extract %parallel_loop3A_759[0] : i32 from vector<1xi32>
        %parallel_loop3A_761 = arith.constant 16 : i32
        %parallel_loop3A_762 = arith.muli %parallel_loop3A_235, %parallel_loop3A_761 : i32
        %parallel_loop3A_763 = arith.constant 6 : i32
        %parallel_loop3A_764 = arith.addi %parallel_loop3A_762, %parallel_loop3A_763 : i32
        %parallel_loop3A_765 = arith.index_cast %parallel_loop3A_760 : i32 to index
        %parallel_loop3A_766 = arith.constant 0 : index
        %parallel_loop3A_767 = tpu.vector_load %arg5[%parallel_loop3A_765, %parallel_loop3A_766] {strides = array<i32>} : memref<520x128xf32, #tpu.memory_space<vmem>>, vector<16xf32>,
        %parallel_loop3A_768 = arith.constant 0 : i32
        %parallel_loop3A_769 = arith.constant 0 : i32
        %parallel_loop3A_770 = tpu.memref_slice %arg8[%parallel_loop3A_187, %parallel_loop3A_768, %parallel_loop3A_769] : memref<2x64x128xf32, #tpu.memory_space<vmem>> -> memref<1x64x128xf32, #tpu.memory_space<vmem>>
        %parallel_loop3A_771 = tpu.memref_squeeze %parallel_loop3A_770 : memref<1x64x128xf32, #tpu.memory_space<vmem>> -> memref<64x128xf32, #tpu.memory_space<vmem>>
        %parallel_loop3A_772 = arith.index_cast %parallel_loop3A_764 : i32 to index
        %parallel_loop3A_773 = arith.constant 0 : index
        %parallel_loop3A_774 = tpu.vector_load %parallel_loop3A_771[%parallel_loop3A_772, %parallel_loop3A_773] {strides = array<i32>} : memref<64x128xf32, #tpu.memory_space<vmem>>, vector<16xf32>,
        tpu.vector_store %parallel_loop3A_771[%parallel_loop3A_772, %parallel_loop3A_773], %parallel_loop3A_767 {strides = array<i32>} : memref<64x128xf32, #tpu.memory_space<vmem>>, vector<16xf32>,
        %parallel_loop3A_775 = arith.index_cast %parallel_loop3A_760 : i32 to index
        %parallel_loop3A_776 = arith.constant 16 : index
        %parallel_loop3A_777 = tpu.vector_load %arg5[%parallel_loop3A_775, %parallel_loop3A_776] {strides = array<i32>} : memref<520x128xf32, #tpu.memory_space<vmem>>, vector<16xf32>,
        %parallel_loop3A_778 = arith.constant 0 : i32
        %parallel_loop3A_779 = arith.constant 0 : i32
        %parallel_loop3A_780 = tpu.memref_slice %arg8[%parallel_loop3A_187, %parallel_loop3A_778, %parallel_loop3A_779] : memref<2x64x128xf32, #tpu.memory_space<vmem>> -> memref<1x64x128xf32, #tpu.memory_space<vmem>>
        %parallel_loop3A_781 = tpu.memref_squeeze %parallel_loop3A_780 : memref<1x64x128xf32, #tpu.memory_space<vmem>> -> memref<64x128xf32, #tpu.memory_space<vmem>>
        %parallel_loop3A_782 = arith.index_cast %parallel_loop3A_764 : i32 to index
        %parallel_loop3A_783 = arith.constant 16 : index
        %parallel_loop3A_784 = tpu.vector_load %parallel_loop3A_781[%parallel_loop3A_782, %parallel_loop3A_783] {strides = array<i32>} : memref<64x128xf32, #tpu.memory_space<vmem>>, vector<16xf32>,
        tpu.vector_store %parallel_loop3A_781[%parallel_loop3A_782, %parallel_loop3A_783], %parallel_loop3A_777 {strides = array<i32>} : memref<64x128xf32, #tpu.memory_space<vmem>>, vector<16xf32>,
        %parallel_loop3A_785 = arith.index_cast %parallel_loop3A_760 : i32 to index
        %parallel_loop3A_786 = arith.constant 32 : index
        %parallel_loop3A_787 = tpu.vector_load %arg5[%parallel_loop3A_785, %parallel_loop3A_786] {strides = array<i32>} : memref<520x128xf32, #tpu.memory_space<vmem>>, vector<16xf32>,
        %parallel_loop3A_788 = arith.constant 0 : i32
        %parallel_loop3A_789 = arith.constant 0 : i32
        %parallel_loop3A_790 = tpu.memref_slice %arg8[%parallel_loop3A_187, %parallel_loop3A_788, %parallel_loop3A_789] : memref<2x64x128xf32, #tpu.memory_space<vmem>> -> memref<1x64x128xf32, #tpu.memory_space<vmem>>
        %parallel_loop3A_791 = tpu.memref_squeeze %parallel_loop3A_790 : memref<1x64x128xf32, #tpu.memory_space<vmem>> -> memref<64x128xf32, #tpu.memory_space<vmem>>
        %parallel_loop3A_792 = arith.index_cast %parallel_loop3A_764 : i32 to index
        %parallel_loop3A_793 = arith.constant 32 : index
        %parallel_loop3A_794 = tpu.vector_load %parallel_loop3A_791[%parallel_loop3A_792, %parallel_loop3A_793] {strides = array<i32>} : memref<64x128xf32, #tpu.memory_space<vmem>>, vector<16xf32>,
        tpu.vector_store %parallel_loop3A_791[%parallel_loop3A_792, %parallel_loop3A_793], %parallel_loop3A_787 {strides = array<i32>} : memref<64x128xf32, #tpu.memory_space<vmem>>, vector<16xf32>,
        %parallel_loop3A_795 = arith.index_cast %parallel_loop3A_760 : i32 to index
        %parallel_loop3A_796 = arith.constant 48 : index
        %parallel_loop3A_797 = tpu.vector_load %arg5[%parallel_loop3A_795, %parallel_loop3A_796] {strides = array<i32>} : memref<520x128xf32, #tpu.memory_space<vmem>>, vector<16xf32>,
        %parallel_loop3A_798 = arith.constant 0 : i32
        %parallel_loop3A_799 = arith.constant 0 : i32
        %parallel_loop3A_800 = tpu.memref_slice %arg8[%parallel_loop3A_187, %parallel_loop3A_798, %parallel_loop3A_799] : memref<2x64x128xf32, #tpu.memory_space<vmem>> -> memref<1x64x128xf32, #tpu.memory_space<vmem>>
        %parallel_loop3A_801 = tpu.memref_squeeze %parallel_loop3A_800 : memref<1x64x128xf32, #tpu.memory_space<vmem>> -> memref<64x128xf32, #tpu.memory_space<vmem>>
        %parallel_loop3A_802 = arith.index_cast %parallel_loop3A_764 : i32 to index
        %parallel_loop3A_803 = arith.constant 48 : index
        %parallel_loop3A_804 = tpu.vector_load %parallel_loop3A_801[%parallel_loop3A_802, %parallel_loop3A_803] {strides = array<i32>} : memref<64x128xf32, #tpu.memory_space<vmem>>, vector<16xf32>,
        tpu.vector_store %parallel_loop3A_801[%parallel_loop3A_802, %parallel_loop3A_803], %parallel_loop3A_797 {strides = array<i32>} : memref<64x128xf32, #tpu.memory_space<vmem>>, vector<16xf32>,
        %parallel_loop3A_805 = arith.index_cast %parallel_loop3A_760 : i32 to index
        %parallel_loop3A_806 = arith.constant 64 : index
        %parallel_loop3A_807 = tpu.vector_load %arg5[%parallel_loop3A_805, %parallel_loop3A_806] {strides = array<i32>} : memref<520x128xf32, #tpu.memory_space<vmem>>, vector<16xf32>,
        %parallel_loop3A_808 = arith.constant 0 : i32
        %parallel_loop3A_809 = arith.constant 0 : i32
        %parallel_loop3A_810 = tpu.memref_slice %arg8[%parallel_loop3A_187, %parallel_loop3A_808, %parallel_loop3A_809] : memref<2x64x128xf32, #tpu.memory_space<vmem>> -> memref<1x64x128xf32, #tpu.memory_space<vmem>>
        %parallel_loop3A_811 = tpu.memref_squeeze %parallel_loop3A_810 : memref<1x64x128xf32, #tpu.memory_space<vmem>> -> memref<64x128xf32, #tpu.memory_space<vmem>>
        %parallel_loop3A_812 = arith.index_cast %parallel_loop3A_764 : i32 to index
        %parallel_loop3A_813 = arith.constant 64 : index
        %parallel_loop3A_814 = tpu.vector_load %parallel_loop3A_811[%parallel_loop3A_812, %parallel_loop3A_813] {strides = array<i32>} : memref<64x128xf32, #tpu.memory_space<vmem>>, vector<16xf32>,
        tpu.vector_store %parallel_loop3A_811[%parallel_loop3A_812, %parallel_loop3A_813], %parallel_loop3A_807 {strides = array<i32>} : memref<64x128xf32, #tpu.memory_space<vmem>>, vector<16xf32>,
        %parallel_loop3A_815 = arith.index_cast %parallel_loop3A_760 : i32 to index
        %parallel_loop3A_816 = arith.constant 80 : index
        %parallel_loop3A_817 = tpu.vector_load %arg5[%parallel_loop3A_815, %parallel_loop3A_816] {strides = array<i32>} : memref<520x128xf32, #tpu.memory_space<vmem>>, vector<16xf32>,
        %parallel_loop3A_818 = arith.constant 0 : i32
        %parallel_loop3A_819 = arith.constant 0 : i32
        %parallel_loop3A_820 = tpu.memref_slice %arg8[%parallel_loop3A_187, %parallel_loop3A_818, %parallel_loop3A_819] : memref<2x64x128xf32, #tpu.memory_space<vmem>> -> memref<1x64x128xf32, #tpu.memory_space<vmem>>
        %parallel_loop3A_821 = tpu.memref_squeeze %parallel_loop3A_820 : memref<1x64x128xf32, #tpu.memory_space<vmem>> -> memref<64x128xf32, #tpu.memory_space<vmem>>
        %parallel_loop3A_822 = arith.index_cast %parallel_loop3A_764 : i32 to index
        %parallel_loop3A_823 = arith.constant 80 : index
        %parallel_loop3A_824 = tpu.vector_load %parallel_loop3A_821[%parallel_loop3A_822, %parallel_loop3A_823] {strides = array<i32>} : memref<64x128xf32, #tpu.memory_space<vmem>>, vector<16xf32>,
        tpu.vector_store %parallel_loop3A_821[%parallel_loop3A_822, %parallel_loop3A_823], %parallel_loop3A_817 {strides = array<i32>} : memref<64x128xf32, #tpu.memory_space<vmem>>, vector<16xf32>,
        %parallel_loop3A_825 = arith.index_cast %parallel_loop3A_760 : i32 to index
        %parallel_loop3A_826 = arith.constant 96 : index
        %parallel_loop3A_827 = tpu.vector_load %arg5[%parallel_loop3A_825, %parallel_loop3A_826] {strides = array<i32>} : memref<520x128xf32, #tpu.memory_space<vmem>>, vector<16xf32>,
        %parallel_loop3A_828 = arith.constant 0 : i32
        %parallel_loop3A_829 = arith.constant 0 : i32
        %parallel_loop3A_830 = tpu.memref_slice %arg8[%parallel_loop3A_187, %parallel_loop3A_828, %parallel_loop3A_829] : memref<2x64x128xf32, #tpu.memory_space<vmem>> -> memref<1x64x128xf32, #tpu.memory_space<vmem>>
        %parallel_loop3A_831 = tpu.memref_squeeze %parallel_loop3A_830 : memref<1x64x128xf32, #tpu.memory_space<vmem>> -> memref<64x128xf32, #tpu.memory_space<vmem>>
        %parallel_loop3A_832 = arith.index_cast %parallel_loop3A_764 : i32 to index
        %parallel_loop3A_833 = arith.constant 96 : index
        %parallel_loop3A_834 = tpu.vector_load %parallel_loop3A_831[%parallel_loop3A_832, %parallel_loop3A_833] {strides = array<i32>} : memref<64x128xf32, #tpu.memory_space<vmem>>, vector<16xf32>,
        tpu.vector_store %parallel_loop3A_831[%parallel_loop3A_832, %parallel_loop3A_833], %parallel_loop3A_827 {strides = array<i32>} : memref<64x128xf32, #tpu.memory_space<vmem>>, vector<16xf32>,
        %parallel_loop3A_835 = arith.index_cast %parallel_loop3A_760 : i32 to index
        %parallel_loop3A_836 = arith.constant 112 : index
        %parallel_loop3A_837 = tpu.vector_load %arg5[%parallel_loop3A_835, %parallel_loop3A_836] {strides = array<i32>} : memref<520x128xf32, #tpu.memory_space<vmem>>, vector<16xf32>,
        %parallel_loop3A_838 = arith.constant 0 : i32
        %parallel_loop3A_839 = arith.constant 0 : i32
        %parallel_loop3A_840 = tpu.memref_slice %arg8[%parallel_loop3A_187, %parallel_loop3A_838, %parallel_loop3A_839] : memref<2x64x128xf32, #tpu.memory_space<vmem>> -> memref<1x64x128xf32, #tpu.memory_space<vmem>>
        %parallel_loop3A_841 = tpu.memref_squeeze %parallel_loop3A_840 : memref<1x64x128xf32, #tpu.memory_space<vmem>> -> memref<64x128xf32, #tpu.memory_space<vmem>>
        %parallel_loop3A_842 = arith.index_cast %parallel_loop3A_764 : i32 to index
        %parallel_loop3A_843 = arith.constant 112 : index
        %parallel_loop3A_844 = tpu.vector_load %parallel_loop3A_841[%parallel_loop3A_842, %parallel_loop3A_843] {strides = array<i32>} : memref<64x128xf32, #tpu.memory_space<vmem>>, vector<16xf32>,
        tpu.vector_store %parallel_loop3A_841[%parallel_loop3A_842, %parallel_loop3A_843], %parallel_loop3A_837 {strides = array<i32>} : memref<64x128xf32, #tpu.memory_space<vmem>>, vector<16xf32>,
        %parallel_loop3A_845 = vector.extract_strided_slice %parallel_loop3A_242 {offsets = [7], sizes = [1], strides = [1]} : vector<16xi32> to vector<1xi32>
        %parallel_loop3A_846 = vector.extract %parallel_loop3A_845[0] : i32 from vector<1xi32>
        %parallel_loop3A_847 = arith.constant 16 : i32
        %parallel_loop3A_848 = arith.muli %parallel_loop3A_235, %parallel_loop3A_847 : i32
        %parallel_loop3A_849 = arith.constant 7 : i32
        %parallel_loop3A_850 = arith.addi %parallel_loop3A_848, %parallel_loop3A_849 : i32
        %parallel_loop3A_851 = arith.index_cast %parallel_loop3A_846 : i32 to index
        %parallel_loop3A_852 = arith.constant 0 : index
        %parallel_loop3A_853 = tpu.vector_load %arg5[%parallel_loop3A_851, %parallel_loop3A_852] {strides = array<i32>} : memref<520x128xf32, #tpu.memory_space<vmem>>, vector<16xf32>,
        %parallel_loop3A_854 = arith.constant 0 : i32
        %parallel_loop3A_855 = arith.constant 0 : i32
        %parallel_loop3A_856 = tpu.memref_slice %arg8[%parallel_loop3A_187, %parallel_loop3A_854, %parallel_loop3A_855] : memref<2x64x128xf32, #tpu.memory_space<vmem>> -> memref<1x64x128xf32, #tpu.memory_space<vmem>>
        %parallel_loop3A_857 = tpu.memref_squeeze %parallel_loop3A_856 : memref<1x64x128xf32, #tpu.memory_space<vmem>> -> memref<64x128xf32, #tpu.memory_space<vmem>>
        %parallel_loop3A_858 = arith.index_cast %parallel_loop3A_850 : i32 to index
        %parallel_loop3A_859 = arith.constant 0 : index
        %parallel_loop3A_860 = tpu.vector_load %parallel_loop3A_857[%parallel_loop3A_858, %parallel_loop3A_859] {strides = array<i32>} : memref<64x128xf32, #tpu.memory_space<vmem>>, vector<16xf32>,
        tpu.vector_store %parallel_loop3A_857[%parallel_loop3A_858, %parallel_loop3A_859], %parallel_loop3A_853 {strides = array<i32>} : memref<64x128xf32, #tpu.memory_space<vmem>>, vector<16xf32>,
        %parallel_loop3A_861 = arith.index_cast %parallel_loop3A_846 : i32 to index
        %parallel_loop3A_862 = arith.constant 16 : index
        %parallel_loop3A_863 = tpu.vector_load %arg5[%parallel_loop3A_861, %parallel_loop3A_862] {strides = array<i32>} : memref<520x128xf32, #tpu.memory_space<vmem>>, vector<16xf32>,
        %parallel_loop3A_864 = arith.constant 0 : i32
        %parallel_loop3A_865 = arith.constant 0 : i32
        %parallel_loop3A_866 = tpu.memref_slice %arg8[%parallel_loop3A_187, %parallel_loop3A_864, %parallel_loop3A_865] : memref<2x64x128xf32, #tpu.memory_space<vmem>> -> memref<1x64x128xf32, #tpu.memory_space<vmem>>
        %parallel_loop3A_867 = tpu.memref_squeeze %parallel_loop3A_866 : memref<1x64x128xf32, #tpu.memory_space<vmem>> -> memref<64x128xf32, #tpu.memory_space<vmem>>
        %parallel_loop3A_868 = arith.index_cast %parallel_loop3A_850 : i32 to index
        %parallel_loop3A_869 = arith.constant 16 : index
        %parallel_loop3A_870 = tpu.vector_load %parallel_loop3A_867[%parallel_loop3A_868, %parallel_loop3A_869] {strides = array<i32>} : memref<64x128xf32, #tpu.memory_space<vmem>>, vector<16xf32>,
        tpu.vector_store %parallel_loop3A_867[%parallel_loop3A_868, %parallel_loop3A_869], %parallel_loop3A_863 {strides = array<i32>} : memref<64x128xf32, #tpu.memory_space<vmem>>, vector<16xf32>,
        %parallel_loop3A_871 = arith.index_cast %parallel_loop3A_846 : i32 to index
        %parallel_loop3A_872 = arith.constant 32 : index
        %parallel_loop3A_873 = tpu.vector_load %arg5[%parallel_loop3A_871, %parallel_loop3A_872] {strides = array<i32>} : memref<520x128xf32, #tpu.memory_space<vmem>>, vector<16xf32>,
        %parallel_loop3A_874 = arith.constant 0 : i32
        %parallel_loop3A_875 = arith.constant 0 : i32
        %parallel_loop3A_876 = tpu.memref_slice %arg8[%parallel_loop3A_187, %parallel_loop3A_874, %parallel_loop3A_875] : memref<2x64x128xf32, #tpu.memory_space<vmem>> -> memref<1x64x128xf32, #tpu.memory_space<vmem>>
        %parallel_loop3A_877 = tpu.memref_squeeze %parallel_loop3A_876 : memref<1x64x128xf32, #tpu.memory_space<vmem>> -> memref<64x128xf32, #tpu.memory_space<vmem>>
        %parallel_loop3A_878 = arith.index_cast %parallel_loop3A_850 : i32 to index
        %parallel_loop3A_879 = arith.constant 32 : index
        %parallel_loop3A_880 = tpu.vector_load %parallel_loop3A_877[%parallel_loop3A_878, %parallel_loop3A_879] {strides = array<i32>} : memref<64x128xf32, #tpu.memory_space<vmem>>, vector<16xf32>,
        tpu.vector_store %parallel_loop3A_877[%parallel_loop3A_878, %parallel_loop3A_879], %parallel_loop3A_873 {strides = array<i32>} : memref<64x128xf32, #tpu.memory_space<vmem>>, vector<16xf32>,
        %parallel_loop3A_881 = arith.index_cast %parallel_loop3A_846 : i32 to index
        %parallel_loop3A_882 = arith.constant 48 : index
        %parallel_loop3A_883 = tpu.vector_load %arg5[%parallel_loop3A_881, %parallel_loop3A_882] {strides = array<i32>} : memref<520x128xf32, #tpu.memory_space<vmem>>, vector<16xf32>,
        %parallel_loop3A_884 = arith.constant 0 : i32
        %parallel_loop3A_885 = arith.constant 0 : i32
        %parallel_loop3A_886 = tpu.memref_slice %arg8[%parallel_loop3A_187, %parallel_loop3A_884, %parallel_loop3A_885] : memref<2x64x128xf32, #tpu.memory_space<vmem>> -> memref<1x64x128xf32, #tpu.memory_space<vmem>>
        %parallel_loop3A_887 = tpu.memref_squeeze %parallel_loop3A_886 : memref<1x64x128xf32, #tpu.memory_space<vmem>> -> memref<64x128xf32, #tpu.memory_space<vmem>>
        %parallel_loop3A_888 = arith.index_cast %parallel_loop3A_850 : i32 to index
        %parallel_loop3A_889 = arith.constant 48 : index
        %parallel_loop3A_890 = tpu.vector_load %parallel_loop3A_887[%parallel_loop3A_888, %parallel_loop3A_889] {strides = array<i32>} : memref<64x128xf32, #tpu.memory_space<vmem>>, vector<16xf32>,
        tpu.vector_store %parallel_loop3A_887[%parallel_loop3A_888, %parallel_loop3A_889], %parallel_loop3A_883 {strides = array<i32>} : memref<64x128xf32, #tpu.memory_space<vmem>>, vector<16xf32>,
        %parallel_loop3A_891 = arith.index_cast %parallel_loop3A_846 : i32 to index
        %parallel_loop3A_892 = arith.constant 64 : index
        %parallel_loop3A_893 = tpu.vector_load %arg5[%parallel_loop3A_891, %parallel_loop3A_892] {strides = array<i32>} : memref<520x128xf32, #tpu.memory_space<vmem>>, vector<16xf32>,
        %parallel_loop3A_894 = arith.constant 0 : i32
        %parallel_loop3A_895 = arith.constant 0 : i32
        %parallel_loop3A_896 = tpu.memref_slice %arg8[%parallel_loop3A_187, %parallel_loop3A_894, %parallel_loop3A_895] : memref<2x64x128xf32, #tpu.memory_space<vmem>> -> memref<1x64x128xf32, #tpu.memory_space<vmem>>
        %parallel_loop3A_897 = tpu.memref_squeeze %parallel_loop3A_896 : memref<1x64x128xf32, #tpu.memory_space<vmem>> -> memref<64x128xf32, #tpu.memory_space<vmem>>
        %parallel_loop3A_898 = arith.index_cast %parallel_loop3A_850 : i32 to index
        %parallel_loop3A_899 = arith.constant 64 : index
        %parallel_loop3A_900 = tpu.vector_load %parallel_loop3A_897[%parallel_loop3A_898, %parallel_loop3A_899] {strides = array<i32>} : memref<64x128xf32, #tpu.memory_space<vmem>>, vector<16xf32>,
        tpu.vector_store %parallel_loop3A_897[%parallel_loop3A_898, %parallel_loop3A_899], %parallel_loop3A_893 {strides = array<i32>} : memref<64x128xf32, #tpu.memory_space<vmem>>, vector<16xf32>,
        %parallel_loop3A_901 = arith.index_cast %parallel_loop3A_846 : i32 to index
        %parallel_loop3A_902 = arith.constant 80 : index
        %parallel_loop3A_903 = tpu.vector_load %arg5[%parallel_loop3A_901, %parallel_loop3A_902] {strides = array<i32>} : memref<520x128xf32, #tpu.memory_space<vmem>>, vector<16xf32>,
        %parallel_loop3A_904 = arith.constant 0 : i32
        %parallel_loop3A_905 = arith.constant 0 : i32
        %parallel_loop3A_906 = tpu.memref_slice %arg8[%parallel_loop3A_187, %parallel_loop3A_904, %parallel_loop3A_905] : memref<2x64x128xf32, #tpu.memory_space<vmem>> -> memref<1x64x128xf32, #tpu.memory_space<vmem>>
        %parallel_loop3A_907 = tpu.memref_squeeze %parallel_loop3A_906 : memref<1x64x128xf32, #tpu.memory_space<vmem>> -> memref<64x128xf32, #tpu.memory_space<vmem>>
        %parallel_loop3A_908 = arith.index_cast %parallel_loop3A_850 : i32 to index
        %parallel_loop3A_909 = arith.constant 80 : index
        %parallel_loop3A_910 = tpu.vector_load %parallel_loop3A_907[%parallel_loop3A_908, %parallel_loop3A_909] {strides = array<i32>} : memref<64x128xf32, #tpu.memory_space<vmem>>, vector<16xf32>,
        tpu.vector_store %parallel_loop3A_907[%parallel_loop3A_908, %parallel_loop3A_909], %parallel_loop3A_903 {strides = array<i32>} : memref<64x128xf32, #tpu.memory_space<vmem>>, vector<16xf32>,
        %parallel_loop3A_911 = arith.index_cast %parallel_loop3A_846 : i32 to index
        %parallel_loop3A_912 = arith.constant 96 : index
        %parallel_loop3A_913 = tpu.vector_load %arg5[%parallel_loop3A_911, %parallel_loop3A_912] {strides = array<i32>} : memref<520x128xf32, #tpu.memory_space<vmem>>, vector<16xf32>,
        %parallel_loop3A_914 = arith.constant 0 : i32
        %parallel_loop3A_915 = arith.constant 0 : i32
        %parallel_loop3A_916 = tpu.memref_slice %arg8[%parallel_loop3A_187, %parallel_loop3A_914, %parallel_loop3A_915] : memref<2x64x128xf32, #tpu.memory_space<vmem>> -> memref<1x64x128xf32, #tpu.memory_space<vmem>>
        %parallel_loop3A_917 = tpu.memref_squeeze %parallel_loop3A_916 : memref<1x64x128xf32, #tpu.memory_space<vmem>> -> memref<64x128xf32, #tpu.memory_space<vmem>>
        %parallel_loop3A_918 = arith.index_cast %parallel_loop3A_850 : i32 to index
        %parallel_loop3A_919 = arith.constant 96 : index
        %parallel_loop3A_920 = tpu.vector_load %parallel_loop3A_917[%parallel_loop3A_918, %parallel_loop3A_919] {strides = array<i32>} : memref<64x128xf32, #tpu.memory_space<vmem>>, vector<16xf32>,
        tpu.vector_store %parallel_loop3A_917[%parallel_loop3A_918, %parallel_loop3A_919], %parallel_loop3A_913 {strides = array<i32>} : memref<64x128xf32, #tpu.memory_space<vmem>>, vector<16xf32>,
        %parallel_loop3A_921 = arith.index_cast %parallel_loop3A_846 : i32 to index
        %parallel_loop3A_922 = arith.constant 112 : index
        %parallel_loop3A_923 = tpu.vector_load %arg5[%parallel_loop3A_921, %parallel_loop3A_922] {strides = array<i32>} : memref<520x128xf32, #tpu.memory_space<vmem>>, vector<16xf32>,
        %parallel_loop3A_924 = arith.constant 0 : i32
        %parallel_loop3A_925 = arith.constant 0 : i32
        %parallel_loop3A_926 = tpu.memref_slice %arg8[%parallel_loop3A_187, %parallel_loop3A_924, %parallel_loop3A_925] : memref<2x64x128xf32, #tpu.memory_space<vmem>> -> memref<1x64x128xf32, #tpu.memory_space<vmem>>
        %parallel_loop3A_927 = tpu.memref_squeeze %parallel_loop3A_926 : memref<1x64x128xf32, #tpu.memory_space<vmem>> -> memref<64x128xf32, #tpu.memory_space<vmem>>
        %parallel_loop3A_928 = arith.index_cast %parallel_loop3A_850 : i32 to index
        %parallel_loop3A_929 = arith.constant 112 : index
        %parallel_loop3A_930 = tpu.vector_load %parallel_loop3A_927[%parallel_loop3A_928, %parallel_loop3A_929] {strides = array<i32>} : memref<64x128xf32, #tpu.memory_space<vmem>>, vector<16xf32>,
        tpu.vector_store %parallel_loop3A_927[%parallel_loop3A_928, %parallel_loop3A_929], %parallel_loop3A_923 {strides = array<i32>} : memref<64x128xf32, #tpu.memory_space<vmem>>, vector<16xf32>,
        %parallel_loop3A_931 = vector.extract_strided_slice %parallel_loop3A_242 {offsets = [8], sizes = [1], strides = [1]} : vector<16xi32> to vector<1xi32>
        %parallel_loop3A_932 = vector.extract %parallel_loop3A_931[0] : i32 from vector<1xi32>
        %parallel_loop3A_933 = arith.constant 16 : i32
        %parallel_loop3A_934 = arith.muli %parallel_loop3A_235, %parallel_loop3A_933 : i32
        %parallel_loop3A_935 = arith.constant 8 : i32
        %parallel_loop3A_936 = arith.addi %parallel_loop3A_934, %parallel_loop3A_935 : i32
        %parallel_loop3A_937 = arith.index_cast %parallel_loop3A_932 : i32 to index
        %parallel_loop3A_938 = arith.constant 0 : index
        %parallel_loop3A_939 = tpu.vector_load %arg5[%parallel_loop3A_937, %parallel_loop3A_938] {strides = array<i32>} : memref<520x128xf32, #tpu.memory_space<vmem>>, vector<16xf32>,
        %parallel_loop3A_940 = arith.constant 0 : i32
        %parallel_loop3A_941 = arith.constant 0 : i32
        %parallel_loop3A_942 = tpu.memref_slice %arg8[%parallel_loop3A_187, %parallel_loop3A_940, %parallel_loop3A_941] : memref<2x64x128xf32, #tpu.memory_space<vmem>> -> memref<1x64x128xf32, #tpu.memory_space<vmem>>
        %parallel_loop3A_943 = tpu.memref_squeeze %parallel_loop3A_942 : memref<1x64x128xf32, #tpu.memory_space<vmem>> -> memref<64x128xf32, #tpu.memory_space<vmem>>
        %parallel_loop3A_944 = arith.index_cast %parallel_loop3A_936 : i32 to index
        %parallel_loop3A_945 = arith.constant 0 : index
        %parallel_loop3A_946 = tpu.vector_load %parallel_loop3A_943[%parallel_loop3A_944, %parallel_loop3A_945] {strides = array<i32>} : memref<64x128xf32, #tpu.memory_space<vmem>>, vector<16xf32>,
        tpu.vector_store %parallel_loop3A_943[%parallel_loop3A_944, %parallel_loop3A_945], %parallel_loop3A_939 {strides = array<i32>} : memref<64x128xf32, #tpu.memory_space<vmem>>, vector<16xf32>,
        %parallel_loop3A_947 = arith.index_cast %parallel_loop3A_932 : i32 to index
        %parallel_loop3A_948 = arith.constant 16 : index
        %parallel_loop3A_949 = tpu.vector_load %arg5[%parallel_loop3A_947, %parallel_loop3A_948] {strides = array<i32>} : memref<520x128xf32, #tpu.memory_space<vmem>>, vector<16xf32>,
        %parallel_loop3A_950 = arith.constant 0 : i32
        %parallel_loop3A_951 = arith.constant 0 : i32
        %parallel_loop3A_952 = tpu.memref_slice %arg8[%parallel_loop3A_187, %parallel_loop3A_950, %parallel_loop3A_951] : memref<2x64x128xf32, #tpu.memory_space<vmem>> -> memref<1x64x128xf32, #tpu.memory_space<vmem>>
        %parallel_loop3A_953 = tpu.memref_squeeze %parallel_loop3A_952 : memref<1x64x128xf32, #tpu.memory_space<vmem>> -> memref<64x128xf32, #tpu.memory_space<vmem>>
        %parallel_loop3A_954 = arith.index_cast %parallel_loop3A_936 : i32 to index
        %parallel_loop3A_955 = arith.constant 16 : index
        %parallel_loop3A_956 = tpu.vector_load %parallel_loop3A_953[%parallel_loop3A_954, %parallel_loop3A_955] {strides = array<i32>} : memref<64x128xf32, #tpu.memory_space<vmem>>, vector<16xf32>,
        tpu.vector_store %parallel_loop3A_953[%parallel_loop3A_954, %parallel_loop3A_955], %parallel_loop3A_949 {strides = array<i32>} : memref<64x128xf32, #tpu.memory_space<vmem>>, vector<16xf32>,
        %parallel_loop3A_957 = arith.index_cast %parallel_loop3A_932 : i32 to index
        %parallel_loop3A_958 = arith.constant 32 : index
        %parallel_loop3A_959 = tpu.vector_load %arg5[%parallel_loop3A_957, %parallel_loop3A_958] {strides = array<i32>} : memref<520x128xf32, #tpu.memory_space<vmem>>, vector<16xf32>,
        %parallel_loop3A_960 = arith.constant 0 : i32
        %parallel_loop3A_961 = arith.constant 0 : i32
        %parallel_loop3A_962 = tpu.memref_slice %arg8[%parallel_loop3A_187, %parallel_loop3A_960, %parallel_loop3A_961] : memref<2x64x128xf32, #tpu.memory_space<vmem>> -> memref<1x64x128xf32, #tpu.memory_space<vmem>>
        %parallel_loop3A_963 = tpu.memref_squeeze %parallel_loop3A_962 : memref<1x64x128xf32, #tpu.memory_space<vmem>> -> memref<64x128xf32, #tpu.memory_space<vmem>>
        %parallel_loop3A_964 = arith.index_cast %parallel_loop3A_936 : i32 to index
        %parallel_loop3A_965 = arith.constant 32 : index
        %parallel_loop3A_966 = tpu.vector_load %parallel_loop3A_963[%parallel_loop3A_964, %parallel_loop3A_965] {strides = array<i32>} : memref<64x128xf32, #tpu.memory_space<vmem>>, vector<16xf32>,
        tpu.vector_store %parallel_loop3A_963[%parallel_loop3A_964, %parallel_loop3A_965], %parallel_loop3A_959 {strides = array<i32>} : memref<64x128xf32, #tpu.memory_space<vmem>>, vector<16xf32>,
        %parallel_loop3A_967 = arith.index_cast %parallel_loop3A_932 : i32 to index
        %parallel_loop3A_968 = arith.constant 48 : index
        %parallel_loop3A_969 = tpu.vector_load %arg5[%parallel_loop3A_967, %parallel_loop3A_968] {strides = array<i32>} : memref<520x128xf32, #tpu.memory_space<vmem>>, vector<16xf32>,
        %parallel_loop3A_970 = arith.constant 0 : i32
        %parallel_loop3A_971 = arith.constant 0 : i32
        %parallel_loop3A_972 = tpu.memref_slice %arg8[%parallel_loop3A_187, %parallel_loop3A_970, %parallel_loop3A_971] : memref<2x64x128xf32, #tpu.memory_space<vmem>> -> memref<1x64x128xf32, #tpu.memory_space<vmem>>
        %parallel_loop3A_973 = tpu.memref_squeeze %parallel_loop3A_972 : memref<1x64x128xf32, #tpu.memory_space<vmem>> -> memref<64x128xf32, #tpu.memory_space<vmem>>
        %parallel_loop3A_974 = arith.index_cast %parallel_loop3A_936 : i32 to index
        %parallel_loop3A_975 = arith.constant 48 : index
        %parallel_loop3A_976 = tpu.vector_load %parallel_loop3A_973[%parallel_loop3A_974, %parallel_loop3A_975] {strides = array<i32>} : memref<64x128xf32, #tpu.memory_space<vmem>>, vector<16xf32>,
        tpu.vector_store %parallel_loop3A_973[%parallel_loop3A_974, %parallel_loop3A_975], %parallel_loop3A_969 {strides = array<i32>} : memref<64x128xf32, #tpu.memory_space<vmem>>, vector<16xf32>,
        %parallel_loop3A_977 = arith.index_cast %parallel_loop3A_932 : i32 to index
        %parallel_loop3A_978 = arith.constant 64 : index
        %parallel_loop3A_979 = tpu.vector_load %arg5[%parallel_loop3A_977, %parallel_loop3A_978] {strides = array<i32>} : memref<520x128xf32, #tpu.memory_space<vmem>>, vector<16xf32>,
        %parallel_loop3A_980 = arith.constant 0 : i32
        %parallel_loop3A_981 = arith.constant 0 : i32
        %parallel_loop3A_982 = tpu.memref_slice %arg8[%parallel_loop3A_187, %parallel_loop3A_980, %parallel_loop3A_981] : memref<2x64x128xf32, #tpu.memory_space<vmem>> -> memref<1x64x128xf32, #tpu.memory_space<vmem>>
        %parallel_loop3A_983 = tpu.memref_squeeze %parallel_loop3A_982 : memref<1x64x128xf32, #tpu.memory_space<vmem>> -> memref<64x128xf32, #tpu.memory_space<vmem>>
        %parallel_loop3A_984 = arith.index_cast %parallel_loop3A_936 : i32 to index
        %parallel_loop3A_985 = arith.constant 64 : index
        %parallel_loop3A_986 = tpu.vector_load %parallel_loop3A_983[%parallel_loop3A_984, %parallel_loop3A_985] {strides = array<i32>} : memref<64x128xf32, #tpu.memory_space<vmem>>, vector<16xf32>,
        tpu.vector_store %parallel_loop3A_983[%parallel_loop3A_984, %parallel_loop3A_985], %parallel_loop3A_979 {strides = array<i32>} : memref<64x128xf32, #tpu.memory_space<vmem>>, vector<16xf32>,
        %parallel_loop3A_987 = arith.index_cast %parallel_loop3A_932 : i32 to index
        %parallel_loop3A_988 = arith.constant 80 : index
        %parallel_loop3A_989 = tpu.vector_load %arg5[%parallel_loop3A_987, %parallel_loop3A_988] {strides = array<i32>} : memref<520x128xf32, #tpu.memory_space<vmem>>, vector<16xf32>,
        %parallel_loop3A_990 = arith.constant 0 : i32
        %parallel_loop3A_991 = arith.constant 0 : i32
        %parallel_loop3A_992 = tpu.memref_slice %arg8[%parallel_loop3A_187, %parallel_loop3A_990, %parallel_loop3A_991] : memref<2x64x128xf32, #tpu.memory_space<vmem>> -> memref<1x64x128xf32, #tpu.memory_space<vmem>>
        %parallel_loop3A_993 = tpu.memref_squeeze %parallel_loop3A_992 : memref<1x64x128xf32, #tpu.memory_space<vmem>> -> memref<64x128xf32, #tpu.memory_space<vmem>>
        %parallel_loop3A_994 = arith.index_cast %parallel_loop3A_936 : i32 to index
        %parallel_loop3A_995 = arith.constant 80 : index
        %parallel_loop3A_996 = tpu.vector_load %parallel_loop3A_993[%parallel_loop3A_994, %parallel_loop3A_995] {strides = array<i32>} : memref<64x128xf32, #tpu.memory_space<vmem>>, vector<16xf32>,
        tpu.vector_store %parallel_loop3A_993[%parallel_loop3A_994, %parallel_loop3A_995], %parallel_loop3A_989 {strides = array<i32>} : memref<64x128xf32, #tpu.memory_space<vmem>>, vector<16xf32>,
        %parallel_loop3A_997 = arith.index_cast %parallel_loop3A_932 : i32 to index
        %parallel_loop3A_998 = arith.constant 96 : index
        %parallel_loop3A_999 = tpu.vector_load %arg5[%parallel_loop3A_997, %parallel_loop3A_998] {strides = array<i32>} : memref<520x128xf32, #tpu.memory_space<vmem>>, vector<16xf32>,
        %parallel_loop3A_1000 = arith.constant 0 : i32
        %parallel_loop3A_1001 = arith.constant 0 : i32
        %parallel_loop3A_1002 = tpu.memref_slice %arg8[%parallel_loop3A_187, %parallel_loop3A_1000, %parallel_loop3A_1001] : memref<2x64x128xf32, #tpu.memory_space<vmem>> -> memref<1x64x128xf32, #tpu.memory_space<vmem>>
        %parallel_loop3A_1003 = tpu.memref_squeeze %parallel_loop3A_1002 : memref<1x64x128xf32, #tpu.memory_space<vmem>> -> memref<64x128xf32, #tpu.memory_space<vmem>>
        %parallel_loop3A_1004 = arith.index_cast %parallel_loop3A_936 : i32 to index
        %parallel_loop3A_1005 = arith.constant 96 : index
        %parallel_loop3A_1006 = tpu.vector_load %parallel_loop3A_1003[%parallel_loop3A_1004, %parallel_loop3A_1005] {strides = array<i32>} : memref<64x128xf32, #tpu.memory_space<vmem>>, vector<16xf32>,
        tpu.vector_store %parallel_loop3A_1003[%parallel_loop3A_1004, %parallel_loop3A_1005], %parallel_loop3A_999 {strides = array<i32>} : memref<64x128xf32, #tpu.memory_space<vmem>>, vector<16xf32>,
        %parallel_loop3A_1007 = arith.index_cast %parallel_loop3A_932 : i32 to index
        %parallel_loop3A_1008 = arith.constant 112 : index
        %parallel_loop3A_1009 = tpu.vector_load %arg5[%parallel_loop3A_1007, %parallel_loop3A_1008] {strides = array<i32>} : memref<520x128xf32, #tpu.memory_space<vmem>>, vector<16xf32>,
        %parallel_loop3A_1010 = arith.constant 0 : i32
        %parallel_loop3A_1011 = arith.constant 0 : i32
        %parallel_loop3A_1012 = tpu.memref_slice %arg8[%parallel_loop3A_187, %parallel_loop3A_1010, %parallel_loop3A_1011] : memref<2x64x128xf32, #tpu.memory_space<vmem>> -> memref<1x64x128xf32, #tpu.memory_space<vmem>>
        %parallel_loop3A_1013 = tpu.memref_squeeze %parallel_loop3A_1012 : memref<1x64x128xf32, #tpu.memory_space<vmem>> -> memref<64x128xf32, #tpu.memory_space<vmem>>
        %parallel_loop3A_1014 = arith.index_cast %parallel_loop3A_936 : i32 to index
        %parallel_loop3A_1015 = arith.constant 112 : index
        %parallel_loop3A_1016 = tpu.vector_load %parallel_loop3A_1013[%parallel_loop3A_1014, %parallel_loop3A_1015] {strides = array<i32>} : memref<64x128xf32, #tpu.memory_space<vmem>>, vector<16xf32>,
        tpu.vector_store %parallel_loop3A_1013[%parallel_loop3A_1014, %parallel_loop3A_1015], %parallel_loop3A_1009 {strides = array<i32>} : memref<64x128xf32, #tpu.memory_space<vmem>>, vector<16xf32>,
        %parallel_loop3A_1017 = vector.extract_strided_slice %parallel_loop3A_242 {offsets = [9], sizes = [1], strides = [1]} : vector<16xi32> to vector<1xi32>
        %parallel_loop3A_1018 = vector.extract %parallel_loop3A_1017[0] : i32 from vector<1xi32>
        %parallel_loop3A_1019 = arith.constant 16 : i32
        %parallel_loop3A_1020 = arith.muli %parallel_loop3A_235, %parallel_loop3A_1019 : i32
        %parallel_loop3A_1021 = arith.constant 9 : i32
        %parallel_loop3A_1022 = arith.addi %parallel_loop3A_1020, %parallel_loop3A_1021 : i32
        %parallel_loop3A_1023 = arith.index_cast %parallel_loop3A_1018 : i32 to index
        %parallel_loop3A_1024 = arith.constant 0 : index
        %parallel_loop3A_1025 = tpu.vector_load %arg5[%parallel_loop3A_1023, %parallel_loop3A_1024] {strides = array<i32>} : memref<520x128xf32, #tpu.memory_space<vmem>>, vector<16xf32>,
        %parallel_loop3A_1026 = arith.constant 0 : i32
        %parallel_loop3A_1027 = arith.constant 0 : i32
        %parallel_loop3A_1028 = tpu.memref_slice %arg8[%parallel_loop3A_187, %parallel_loop3A_1026, %parallel_loop3A_1027] : memref<2x64x128xf32, #tpu.memory_space<vmem>> -> memref<1x64x128xf32, #tpu.memory_space<vmem>>
        %parallel_loop3A_1029 = tpu.memref_squeeze %parallel_loop3A_1028 : memref<1x64x128xf32, #tpu.memory_space<vmem>> -> memref<64x128xf32, #tpu.memory_space<vmem>>
        %parallel_loop3A_1030 = arith.index_cast %parallel_loop3A_1022 : i32 to index
        %parallel_loop3A_1031 = arith.constant 0 : index
        %parallel_loop3A_1032 = tpu.vector_load %parallel_loop3A_1029[%parallel_loop3A_1030, %parallel_loop3A_1031] {strides = array<i32>} : memref<64x128xf32, #tpu.memory_space<vmem>>, vector<16xf32>,
        tpu.vector_store %parallel_loop3A_1029[%parallel_loop3A_1030, %parallel_loop3A_1031], %parallel_loop3A_1025 {strides = array<i32>} : memref<64x128xf32, #tpu.memory_space<vmem>>, vector<16xf32>,
        %parallel_loop3A_1033 = arith.index_cast %parallel_loop3A_1018 : i32 to index
        %parallel_loop3A_1034 = arith.constant 16 : index
        %parallel_loop3A_1035 = tpu.vector_load %arg5[%parallel_loop3A_1033, %parallel_loop3A_1034] {strides = array<i32>} : memref<520x128xf32, #tpu.memory_space<vmem>>, vector<16xf32>,
        %parallel_loop3A_1036 = arith.constant 0 : i32
        %parallel_loop3A_1037 = arith.constant 0 : i32
        %parallel_loop3A_1038 = tpu.memref_slice %arg8[%parallel_loop3A_187, %parallel_loop3A_1036, %parallel_loop3A_1037] : memref<2x64x128xf32, #tpu.memory_space<vmem>> -> memref<1x64x128xf32, #tpu.memory_space<vmem>>
        %parallel_loop3A_1039 = tpu.memref_squeeze %parallel_loop3A_1038 : memref<1x64x128xf32, #tpu.memory_space<vmem>> -> memref<64x128xf32, #tpu.memory_space<vmem>>
        %parallel_loop3A_1040 = arith.index_cast %parallel_loop3A_1022 : i32 to index
        %parallel_loop3A_1041 = arith.constant 16 : index
        %parallel_loop3A_1042 = tpu.vector_load %parallel_loop3A_1039[%parallel_loop3A_1040, %parallel_loop3A_1041] {strides = array<i32>} : memref<64x128xf32, #tpu.memory_space<vmem>>, vector<16xf32>,
        tpu.vector_store %parallel_loop3A_1039[%parallel_loop3A_1040, %parallel_loop3A_1041], %parallel_loop3A_1035 {strides = array<i32>} : memref<64x128xf32, #tpu.memory_space<vmem>>, vector<16xf32>,
        %parallel_loop3A_1043 = arith.index_cast %parallel_loop3A_1018 : i32 to index
        %parallel_loop3A_1044 = arith.constant 32 : index
        %parallel_loop3A_1045 = tpu.vector_load %arg5[%parallel_loop3A_1043, %parallel_loop3A_1044] {strides = array<i32>} : memref<520x128xf32, #tpu.memory_space<vmem>>, vector<16xf32>,
        %parallel_loop3A_1046 = arith.constant 0 : i32
        %parallel_loop3A_1047 = arith.constant 0 : i32
        %parallel_loop3A_1048 = tpu.memref_slice %arg8[%parallel_loop3A_187, %parallel_loop3A_1046, %parallel_loop3A_1047] : memref<2x64x128xf32, #tpu.memory_space<vmem>> -> memref<1x64x128xf32, #tpu.memory_space<vmem>>
        %parallel_loop3A_1049 = tpu.memref_squeeze %parallel_loop3A_1048 : memref<1x64x128xf32, #tpu.memory_space<vmem>> -> memref<64x128xf32, #tpu.memory_space<vmem>>
        %parallel_loop3A_1050 = arith.index_cast %parallel_loop3A_1022 : i32 to index
        %parallel_loop3A_1051 = arith.constant 32 : index
        %parallel_loop3A_1052 = tpu.vector_load %parallel_loop3A_1049[%parallel_loop3A_1050, %parallel_loop3A_1051] {strides = array<i32>} : memref<64x128xf32, #tpu.memory_space<vmem>>, vector<16xf32>,
        tpu.vector_store %parallel_loop3A_1049[%parallel_loop3A_1050, %parallel_loop3A_1051], %parallel_loop3A_1045 {strides = array<i32>} : memref<64x128xf32, #tpu.memory_space<vmem>>, vector<16xf32>,
        %parallel_loop3A_1053 = arith.index_cast %parallel_loop3A_1018 : i32 to index
        %parallel_loop3A_1054 = arith.constant 48 : index
        %parallel_loop3A_1055 = tpu.vector_load %arg5[%parallel_loop3A_1053, %parallel_loop3A_1054] {strides = array<i32>} : memref<520x128xf32, #tpu.memory_space<vmem>>, vector<16xf32>,
        %parallel_loop3A_1056 = arith.constant 0 : i32
        %parallel_loop3A_1057 = arith.constant 0 : i32
        %parallel_loop3A_1058 = tpu.memref_slice %arg8[%parallel_loop3A_187, %parallel_loop3A_1056, %parallel_loop3A_1057] : memref<2x64x128xf32, #tpu.memory_space<vmem>> -> memref<1x64x128xf32, #tpu.memory_space<vmem>>
        %parallel_loop3A_1059 = tpu.memref_squeeze %parallel_loop3A_1058 : memref<1x64x128xf32, #tpu.memory_space<vmem>> -> memref<64x128xf32, #tpu.memory_space<vmem>>
        %parallel_loop3A_1060 = arith.index_cast %parallel_loop3A_1022 : i32 to index
        %parallel_loop3A_1061 = arith.constant 48 : index
        %parallel_loop3A_1062 = tpu.vector_load %parallel_loop3A_1059[%parallel_loop3A_1060, %parallel_loop3A_1061] {strides = array<i32>} : memref<64x128xf32, #tpu.memory_space<vmem>>, vector<16xf32>,
        tpu.vector_store %parallel_loop3A_1059[%parallel_loop3A_1060, %parallel_loop3A_1061], %parallel_loop3A_1055 {strides = array<i32>} : memref<64x128xf32, #tpu.memory_space<vmem>>, vector<16xf32>,
        %parallel_loop3A_1063 = arith.index_cast %parallel_loop3A_1018 : i32 to index
        %parallel_loop3A_1064 = arith.constant 64 : index
        %parallel_loop3A_1065 = tpu.vector_load %arg5[%parallel_loop3A_1063, %parallel_loop3A_1064] {strides = array<i32>} : memref<520x128xf32, #tpu.memory_space<vmem>>, vector<16xf32>,
        %parallel_loop3A_1066 = arith.constant 0 : i32
        %parallel_loop3A_1067 = arith.constant 0 : i32
        %parallel_loop3A_1068 = tpu.memref_slice %arg8[%parallel_loop3A_187, %parallel_loop3A_1066, %parallel_loop3A_1067] : memref<2x64x128xf32, #tpu.memory_space<vmem>> -> memref<1x64x128xf32, #tpu.memory_space<vmem>>
        %parallel_loop3A_1069 = tpu.memref_squeeze %parallel_loop3A_1068 : memref<1x64x128xf32, #tpu.memory_space<vmem>> -> memref<64x128xf32, #tpu.memory_space<vmem>>
        %parallel_loop3A_1070 = arith.index_cast %parallel_loop3A_1022 : i32 to index
        %parallel_loop3A_1071 = arith.constant 64 : index
        %parallel_loop3A_1072 = tpu.vector_load %parallel_loop3A_1069[%parallel_loop3A_1070, %parallel_loop3A_1071] {strides = array<i32>} : memref<64x128xf32, #tpu.memory_space<vmem>>, vector<16xf32>,
        tpu.vector_store %parallel_loop3A_1069[%parallel_loop3A_1070, %parallel_loop3A_1071], %parallel_loop3A_1065 {strides = array<i32>} : memref<64x128xf32, #tpu.memory_space<vmem>>, vector<16xf32>,
        %parallel_loop3A_1073 = arith.index_cast %parallel_loop3A_1018 : i32 to index
        %parallel_loop3A_1074 = arith.constant 80 : index
        %parallel_loop3A_1075 = tpu.vector_load %arg5[%parallel_loop3A_1073, %parallel_loop3A_1074] {strides = array<i32>} : memref<520x128xf32, #tpu.memory_space<vmem>>, vector<16xf32>,
        %parallel_loop3A_1076 = arith.constant 0 : i32
        %parallel_loop3A_1077 = arith.constant 0 : i32
        %parallel_loop3A_1078 = tpu.memref_slice %arg8[%parallel_loop3A_187, %parallel_loop3A_1076, %parallel_loop3A_1077] : memref<2x64x128xf32, #tpu.memory_space<vmem>> -> memref<1x64x128xf32, #tpu.memory_space<vmem>>
        %parallel_loop3A_1079 = tpu.memref_squeeze %parallel_loop3A_1078 : memref<1x64x128xf32, #tpu.memory_space<vmem>> -> memref<64x128xf32, #tpu.memory_space<vmem>>
        %parallel_loop3A_1080 = arith.index_cast %parallel_loop3A_1022 : i32 to index
        %parallel_loop3A_1081 = arith.constant 80 : index
        %parallel_loop3A_1082 = tpu.vector_load %parallel_loop3A_1079[%parallel_loop3A_1080, %parallel_loop3A_1081] {strides = array<i32>} : memref<64x128xf32, #tpu.memory_space<vmem>>, vector<16xf32>,
        tpu.vector_store %parallel_loop3A_1079[%parallel_loop3A_1080, %parallel_loop3A_1081], %parallel_loop3A_1075 {strides = array<i32>} : memref<64x128xf32, #tpu.memory_space<vmem>>, vector<16xf32>,
        %parallel_loop3A_1083 = arith.index_cast %parallel_loop3A_1018 : i32 to index
        %parallel_loop3A_1084 = arith.constant 96 : index
        %parallel_loop3A_1085 = tpu.vector_load %arg5[%parallel_loop3A_1083, %parallel_loop3A_1084] {strides = array<i32>} : memref<520x128xf32, #tpu.memory_space<vmem>>, vector<16xf32>,
        %parallel_loop3A_1086 = arith.constant 0 : i32
        %parallel_loop3A_1087 = arith.constant 0 : i32
        %parallel_loop3A_1088 = tpu.memref_slice %arg8[%parallel_loop3A_187, %parallel_loop3A_1086, %parallel_loop3A_1087] : memref<2x64x128xf32, #tpu.memory_space<vmem>> -> memref<1x64x128xf32, #tpu.memory_space<vmem>>
        %parallel_loop3A_1089 = tpu.memref_squeeze %parallel_loop3A_1088 : memref<1x64x128xf32, #tpu.memory_space<vmem>> -> memref<64x128xf32, #tpu.memory_space<vmem>>
        %parallel_loop3A_1090 = arith.index_cast %parallel_loop3A_1022 : i32 to index
        %parallel_loop3A_1091 = arith.constant 96 : index
        %parallel_loop3A_1092 = tpu.vector_load %parallel_loop3A_1089[%parallel_loop3A_1090, %parallel_loop3A_1091] {strides = array<i32>} : memref<64x128xf32, #tpu.memory_space<vmem>>, vector<16xf32>,
        tpu.vector_store %parallel_loop3A_1089[%parallel_loop3A_1090, %parallel_loop3A_1091], %parallel_loop3A_1085 {strides = array<i32>} : memref<64x128xf32, #tpu.memory_space<vmem>>, vector<16xf32>,
        %parallel_loop3A_1093 = arith.index_cast %parallel_loop3A_1018 : i32 to index
        %parallel_loop3A_1094 = arith.constant 112 : index
        %parallel_loop3A_1095 = tpu.vector_load %arg5[%parallel_loop3A_1093, %parallel_loop3A_1094] {strides = array<i32>} : memref<520x128xf32, #tpu.memory_space<vmem>>, vector<16xf32>,
        %parallel_loop3A_1096 = arith.constant 0 : i32
        %parallel_loop3A_1097 = arith.constant 0 : i32
        %parallel_loop3A_1098 = tpu.memref_slice %arg8[%parallel_loop3A_187, %parallel_loop3A_1096, %parallel_loop3A_1097] : memref<2x64x128xf32, #tpu.memory_space<vmem>> -> memref<1x64x128xf32, #tpu.memory_space<vmem>>
        %parallel_loop3A_1099 = tpu.memref_squeeze %parallel_loop3A_1098 : memref<1x64x128xf32, #tpu.memory_space<vmem>> -> memref<64x128xf32, #tpu.memory_space<vmem>>
        %parallel_loop3A_1100 = arith.index_cast %parallel_loop3A_1022 : i32 to index
        %parallel_loop3A_1101 = arith.constant 112 : index
        %parallel_loop3A_1102 = tpu.vector_load %parallel_loop3A_1099[%parallel_loop3A_1100, %parallel_loop3A_1101] {strides = array<i32>} : memref<64x128xf32, #tpu.memory_space<vmem>>, vector<16xf32>,
        tpu.vector_store %parallel_loop3A_1099[%parallel_loop3A_1100, %parallel_loop3A_1101], %parallel_loop3A_1095 {strides = array<i32>} : memref<64x128xf32, #tpu.memory_space<vmem>>, vector<16xf32>,
        %parallel_loop3A_1103 = vector.extract_strided_slice %parallel_loop3A_242 {offsets = [10], sizes = [1], strides = [1]} : vector<16xi32> to vector<1xi32>
        %parallel_loop3A_1104 = vector.extract %parallel_loop3A_1103[0] : i32 from vector<1xi32>
        %parallel_loop3A_1105 = arith.constant 16 : i32
        %parallel_loop3A_1106 = arith.muli %parallel_loop3A_235, %parallel_loop3A_1105 : i32
        %parallel_loop3A_1107 = arith.constant 10 : i32
        %parallel_loop3A_1108 = arith.addi %parallel_loop3A_1106, %parallel_loop3A_1107 : i32
        %parallel_loop3A_1109 = arith.index_cast %parallel_loop3A_1104 : i32 to index
        %parallel_loop3A_1110 = arith.constant 0 : index
        %parallel_loop3A_1111 = tpu.vector_load %arg5[%parallel_loop3A_1109, %parallel_loop3A_1110] {strides = array<i32>} : memref<520x128xf32, #tpu.memory_space<vmem>>, vector<16xf32>,
        %parallel_loop3A_1112 = arith.constant 0 : i32
        %parallel_loop3A_1113 = arith.constant 0 : i32
        %parallel_loop3A_1114 = tpu.memref_slice %arg8[%parallel_loop3A_187, %parallel_loop3A_1112, %parallel_loop3A_1113] : memref<2x64x128xf32, #tpu.memory_space<vmem>> -> memref<1x64x128xf32, #tpu.memory_space<vmem>>
        %parallel_loop3A_1115 = tpu.memref_squeeze %parallel_loop3A_1114 : memref<1x64x128xf32, #tpu.memory_space<vmem>> -> memref<64x128xf32, #tpu.memory_space<vmem>>
        %parallel_loop3A_1116 = arith.index_cast %parallel_loop3A_1108 : i32 to index
        %parallel_loop3A_1117 = arith.constant 0 : index
        %parallel_loop3A_1118 = tpu.vector_load %parallel_loop3A_1115[%parallel_loop3A_1116, %parallel_loop3A_1117] {strides = array<i32>} : memref<64x128xf32, #tpu.memory_space<vmem>>, vector<16xf32>,
        tpu.vector_store %parallel_loop3A_1115[%parallel_loop3A_1116, %parallel_loop3A_1117], %parallel_loop3A_1111 {strides = array<i32>} : memref<64x128xf32, #tpu.memory_space<vmem>>, vector<16xf32>,
        %parallel_loop3A_1119 = arith.index_cast %parallel_loop3A_1104 : i32 to index
        %parallel_loop3A_1120 = arith.constant 16 : index
        %parallel_loop3A_1121 = tpu.vector_load %arg5[%parallel_loop3A_1119, %parallel_loop3A_1120] {strides = array<i32>} : memref<520x128xf32, #tpu.memory_space<vmem>>, vector<16xf32>,
        %parallel_loop3A_1122 = arith.constant 0 : i32
        %parallel_loop3A_1123 = arith.constant 0 : i32
        %parallel_loop3A_1124 = tpu.memref_slice %arg8[%parallel_loop3A_187, %parallel_loop3A_1122, %parallel_loop3A_1123] : memref<2x64x128xf32, #tpu.memory_space<vmem>> -> memref<1x64x128xf32, #tpu.memory_space<vmem>>
        %parallel_loop3A_1125 = tpu.memref_squeeze %parallel_loop3A_1124 : memref<1x64x128xf32, #tpu.memory_space<vmem>> -> memref<64x128xf32, #tpu.memory_space<vmem>>
        %parallel_loop3A_1126 = arith.index_cast %parallel_loop3A_1108 : i32 to index
        %parallel_loop3A_1127 = arith.constant 16 : index
        %parallel_loop3A_1128 = tpu.vector_load %parallel_loop3A_1125[%parallel_loop3A_1126, %parallel_loop3A_1127] {strides = array<i32>} : memref<64x128xf32, #tpu.memory_space<vmem>>, vector<16xf32>,
        tpu.vector_store %parallel_loop3A_1125[%parallel_loop3A_1126, %parallel_loop3A_1127], %parallel_loop3A_1121 {strides = array<i32>} : memref<64x128xf32, #tpu.memory_space<vmem>>, vector<16xf32>,
        %parallel_loop3A_1129 = arith.index_cast %parallel_loop3A_1104 : i32 to index
        %parallel_loop3A_1130 = arith.constant 32 : index
        %parallel_loop3A_1131 = tpu.vector_load %arg5[%parallel_loop3A_1129, %parallel_loop3A_1130] {strides = array<i32>} : memref<520x128xf32, #tpu.memory_space<vmem>>, vector<16xf32>,
        %parallel_loop3A_1132 = arith.constant 0 : i32
        %parallel_loop3A_1133 = arith.constant 0 : i32
        %parallel_loop3A_1134 = tpu.memref_slice %arg8[%parallel_loop3A_187, %parallel_loop3A_1132, %parallel_loop3A_1133] : memref<2x64x128xf32, #tpu.memory_space<vmem>> -> memref<1x64x128xf32, #tpu.memory_space<vmem>>
        %parallel_loop3A_1135 = tpu.memref_squeeze %parallel_loop3A_1134 : memref<1x64x128xf32, #tpu.memory_space<vmem>> -> memref<64x128xf32, #tpu.memory_space<vmem>>
        %parallel_loop3A_1136 = arith.index_cast %parallel_loop3A_1108 : i32 to index
        %parallel_loop3A_1137 = arith.constant 32 : index
        %parallel_loop3A_1138 = tpu.vector_load %parallel_loop3A_1135[%parallel_loop3A_1136, %parallel_loop3A_1137] {strides = array<i32>} : memref<64x128xf32, #tpu.memory_space<vmem>>, vector<16xf32>,
        tpu.vector_store %parallel_loop3A_1135[%parallel_loop3A_1136, %parallel_loop3A_1137], %parallel_loop3A_1131 {strides = array<i32>} : memref<64x128xf32, #tpu.memory_space<vmem>>, vector<16xf32>,
        %parallel_loop3A_1139 = arith.index_cast %parallel_loop3A_1104 : i32 to index
        %parallel_loop3A_1140 = arith.constant 48 : index
        %parallel_loop3A_1141 = tpu.vector_load %arg5[%parallel_loop3A_1139, %parallel_loop3A_1140] {strides = array<i32>} : memref<520x128xf32, #tpu.memory_space<vmem>>, vector<16xf32>,
        %parallel_loop3A_1142 = arith.constant 0 : i32
        %parallel_loop3A_1143 = arith.constant 0 : i32
        %parallel_loop3A_1144 = tpu.memref_slice %arg8[%parallel_loop3A_187, %parallel_loop3A_1142, %parallel_loop3A_1143] : memref<2x64x128xf32, #tpu.memory_space<vmem>> -> memref<1x64x128xf32, #tpu.memory_space<vmem>>
        %parallel_loop3A_1145 = tpu.memref_squeeze %parallel_loop3A_1144 : memref<1x64x128xf32, #tpu.memory_space<vmem>> -> memref<64x128xf32, #tpu.memory_space<vmem>>
        %parallel_loop3A_1146 = arith.index_cast %parallel_loop3A_1108 : i32 to index
        %parallel_loop3A_1147 = arith.constant 48 : index
        %parallel_loop3A_1148 = tpu.vector_load %parallel_loop3A_1145[%parallel_loop3A_1146, %parallel_loop3A_1147] {strides = array<i32>} : memref<64x128xf32, #tpu.memory_space<vmem>>, vector<16xf32>,
        tpu.vector_store %parallel_loop3A_1145[%parallel_loop3A_1146, %parallel_loop3A_1147], %parallel_loop3A_1141 {strides = array<i32>} : memref<64x128xf32, #tpu.memory_space<vmem>>, vector<16xf32>,
        %parallel_loop3A_1149 = arith.index_cast %parallel_loop3A_1104 : i32 to index
        %parallel_loop3A_1150 = arith.constant 64 : index
        %parallel_loop3A_1151 = tpu.vector_load %arg5[%parallel_loop3A_1149, %parallel_loop3A_1150] {strides = array<i32>} : memref<520x128xf32, #tpu.memory_space<vmem>>, vector<16xf32>,
        %parallel_loop3A_1152 = arith.constant 0 : i32
        %parallel_loop3A_1153 = arith.constant 0 : i32
        %parallel_loop3A_1154 = tpu.memref_slice %arg8[%parallel_loop3A_187, %parallel_loop3A_1152, %parallel_loop3A_1153] : memref<2x64x128xf32, #tpu.memory_space<vmem>> -> memref<1x64x128xf32, #tpu.memory_space<vmem>>
        %parallel_loop3A_1155 = tpu.memref_squeeze %parallel_loop3A_1154 : memref<1x64x128xf32, #tpu.memory_space<vmem>> -> memref<64x128xf32, #tpu.memory_space<vmem>>
        %parallel_loop3A_1156 = arith.index_cast %parallel_loop3A_1108 : i32 to index
        %parallel_loop3A_1157 = arith.constant 64 : index
        %parallel_loop3A_1158 = tpu.vector_load %parallel_loop3A_1155[%parallel_loop3A_1156, %parallel_loop3A_1157] {strides = array<i32>} : memref<64x128xf32, #tpu.memory_space<vmem>>, vector<16xf32>,
        tpu.vector_store %parallel_loop3A_1155[%parallel_loop3A_1156, %parallel_loop3A_1157], %parallel_loop3A_1151 {strides = array<i32>} : memref<64x128xf32, #tpu.memory_space<vmem>>, vector<16xf32>,
        %parallel_loop3A_1159 = arith.index_cast %parallel_loop3A_1104 : i32 to index
        %parallel_loop3A_1160 = arith.constant 80 : index
        %parallel_loop3A_1161 = tpu.vector_load %arg5[%parallel_loop3A_1159, %parallel_loop3A_1160] {strides = array<i32>} : memref<520x128xf32, #tpu.memory_space<vmem>>, vector<16xf32>,
        %parallel_loop3A_1162 = arith.constant 0 : i32
        %parallel_loop3A_1163 = arith.constant 0 : i32
        %parallel_loop3A_1164 = tpu.memref_slice %arg8[%parallel_loop3A_187, %parallel_loop3A_1162, %parallel_loop3A_1163] : memref<2x64x128xf32, #tpu.memory_space<vmem>> -> memref<1x64x128xf32, #tpu.memory_space<vmem>>
        %parallel_loop3A_1165 = tpu.memref_squeeze %parallel_loop3A_1164 : memref<1x64x128xf32, #tpu.memory_space<vmem>> -> memref<64x128xf32, #tpu.memory_space<vmem>>
        %parallel_loop3A_1166 = arith.index_cast %parallel_loop3A_1108 : i32 to index
        %parallel_loop3A_1167 = arith.constant 80 : index
        %parallel_loop3A_1168 = tpu.vector_load %parallel_loop3A_1165[%parallel_loop3A_1166, %parallel_loop3A_1167] {strides = array<i32>} : memref<64x128xf32, #tpu.memory_space<vmem>>, vector<16xf32>,
        tpu.vector_store %parallel_loop3A_1165[%parallel_loop3A_1166, %parallel_loop3A_1167], %parallel_loop3A_1161 {strides = array<i32>} : memref<64x128xf32, #tpu.memory_space<vmem>>, vector<16xf32>,
        %parallel_loop3A_1169 = arith.index_cast %parallel_loop3A_1104 : i32 to index
        %parallel_loop3A_1170 = arith.constant 96 : index
        %parallel_loop3A_1171 = tpu.vector_load %arg5[%parallel_loop3A_1169, %parallel_loop3A_1170] {strides = array<i32>} : memref<520x128xf32, #tpu.memory_space<vmem>>, vector<16xf32>,
        %parallel_loop3A_1172 = arith.constant 0 : i32
        %parallel_loop3A_1173 = arith.constant 0 : i32
        %parallel_loop3A_1174 = tpu.memref_slice %arg8[%parallel_loop3A_187, %parallel_loop3A_1172, %parallel_loop3A_1173] : memref<2x64x128xf32, #tpu.memory_space<vmem>> -> memref<1x64x128xf32, #tpu.memory_space<vmem>>
        %parallel_loop3A_1175 = tpu.memref_squeeze %parallel_loop3A_1174 : memref<1x64x128xf32, #tpu.memory_space<vmem>> -> memref<64x128xf32, #tpu.memory_space<vmem>>
        %parallel_loop3A_1176 = arith.index_cast %parallel_loop3A_1108 : i32 to index
        %parallel_loop3A_1177 = arith.constant 96 : index
        %parallel_loop3A_1178 = tpu.vector_load %parallel_loop3A_1175[%parallel_loop3A_1176, %parallel_loop3A_1177] {strides = array<i32>} : memref<64x128xf32, #tpu.memory_space<vmem>>, vector<16xf32>,
        tpu.vector_store %parallel_loop3A_1175[%parallel_loop3A_1176, %parallel_loop3A_1177], %parallel_loop3A_1171 {strides = array<i32>} : memref<64x128xf32, #tpu.memory_space<vmem>>, vector<16xf32>,
        %parallel_loop3A_1179 = arith.index_cast %parallel_loop3A_1104 : i32 to index
        %parallel_loop3A_1180 = arith.constant 112 : index
        %parallel_loop3A_1181 = tpu.vector_load %arg5[%parallel_loop3A_1179, %parallel_loop3A_1180] {strides = array<i32>} : memref<520x128xf32, #tpu.memory_space<vmem>>, vector<16xf32>,
        %parallel_loop3A_1182 = arith.constant 0 : i32
        %parallel_loop3A_1183 = arith.constant 0 : i32
        %parallel_loop3A_1184 = tpu.memref_slice %arg8[%parallel_loop3A_187, %parallel_loop3A_1182, %parallel_loop3A_1183] : memref<2x64x128xf32, #tpu.memory_space<vmem>> -> memref<1x64x128xf32, #tpu.memory_space<vmem>>
        %parallel_loop3A_1185 = tpu.memref_squeeze %parallel_loop3A_1184 : memref<1x64x128xf32, #tpu.memory_space<vmem>> -> memref<64x128xf32, #tpu.memory_space<vmem>>
        %parallel_loop3A_1186 = arith.index_cast %parallel_loop3A_1108 : i32 to index
        %parallel_loop3A_1187 = arith.constant 112 : index
        %parallel_loop3A_1188 = tpu.vector_load %parallel_loop3A_1185[%parallel_loop3A_1186, %parallel_loop3A_1187] {strides = array<i32>} : memref<64x128xf32, #tpu.memory_space<vmem>>, vector<16xf32>,
        tpu.vector_store %parallel_loop3A_1185[%parallel_loop3A_1186, %parallel_loop3A_1187], %parallel_loop3A_1181 {strides = array<i32>} : memref<64x128xf32, #tpu.memory_space<vmem>>, vector<16xf32>,
        %parallel_loop3A_1189 = vector.extract_strided_slice %parallel_loop3A_242 {offsets = [11], sizes = [1], strides = [1]} : vector<16xi32> to vector<1xi32>
        %parallel_loop3A_1190 = vector.extract %parallel_loop3A_1189[0] : i32 from vector<1xi32>
        %parallel_loop3A_1191 = arith.constant 16 : i32
        %parallel_loop3A_1192 = arith.muli %parallel_loop3A_235, %parallel_loop3A_1191 : i32
        %parallel_loop3A_1193 = arith.constant 11 : i32
        %parallel_loop3A_1194 = arith.addi %parallel_loop3A_1192, %parallel_loop3A_1193 : i32
        %parallel_loop3A_1195 = arith.index_cast %parallel_loop3A_1190 : i32 to index
        %parallel_loop3A_1196 = arith.constant 0 : index
        %parallel_loop3A_1197 = tpu.vector_load %arg5[%parallel_loop3A_1195, %parallel_loop3A_1196] {strides = array<i32>} : memref<520x128xf32, #tpu.memory_space<vmem>>, vector<16xf32>,
        %parallel_loop3A_1198 = arith.constant 0 : i32
        %parallel_loop3A_1199 = arith.constant 0 : i32
        %parallel_loop3A_1200 = tpu.memref_slice %arg8[%parallel_loop3A_187, %parallel_loop3A_1198, %parallel_loop3A_1199] : memref<2x64x128xf32, #tpu.memory_space<vmem>> -> memref<1x64x128xf32, #tpu.memory_space<vmem>>
        %parallel_loop3A_1201 = tpu.memref_squeeze %parallel_loop3A_1200 : memref<1x64x128xf32, #tpu.memory_space<vmem>> -> memref<64x128xf32, #tpu.memory_space<vmem>>
        %parallel_loop3A_1202 = arith.index_cast %parallel_loop3A_1194 : i32 to index
        %parallel_loop3A_1203 = arith.constant 0 : index
        %parallel_loop3A_1204 = tpu.vector_load %parallel_loop3A_1201[%parallel_loop3A_1202, %parallel_loop3A_1203] {strides = array<i32>} : memref<64x128xf32, #tpu.memory_space<vmem>>, vector<16xf32>,
        tpu.vector_store %parallel_loop3A_1201[%parallel_loop3A_1202, %parallel_loop3A_1203], %parallel_loop3A_1197 {strides = array<i32>} : memref<64x128xf32, #tpu.memory_space<vmem>>, vector<16xf32>,
        %parallel_loop3A_1205 = arith.index_cast %parallel_loop3A_1190 : i32 to index
        %parallel_loop3A_1206 = arith.constant 16 : index
        %parallel_loop3A_1207 = tpu.vector_load %arg5[%parallel_loop3A_1205, %parallel_loop3A_1206] {strides = array<i32>} : memref<520x128xf32, #tpu.memory_space<vmem>>, vector<16xf32>,
        %parallel_loop3A_1208 = arith.constant 0 : i32
        %parallel_loop3A_1209 = arith.constant 0 : i32
        %parallel_loop3A_1210 = tpu.memref_slice %arg8[%parallel_loop3A_187, %parallel_loop3A_1208, %parallel_loop3A_1209] : memref<2x64x128xf32, #tpu.memory_space<vmem>> -> memref<1x64x128xf32, #tpu.memory_space<vmem>>
        %parallel_loop3A_1211 = tpu.memref_squeeze %parallel_loop3A_1210 : memref<1x64x128xf32, #tpu.memory_space<vmem>> -> memref<64x128xf32, #tpu.memory_space<vmem>>
        %parallel_loop3A_1212 = arith.index_cast %parallel_loop3A_1194 : i32 to index
        %parallel_loop3A_1213 = arith.constant 16 : index
        %parallel_loop3A_1214 = tpu.vector_load %parallel_loop3A_1211[%parallel_loop3A_1212, %parallel_loop3A_1213] {strides = array<i32>} : memref<64x128xf32, #tpu.memory_space<vmem>>, vector<16xf32>,
        tpu.vector_store %parallel_loop3A_1211[%parallel_loop3A_1212, %parallel_loop3A_1213], %parallel_loop3A_1207 {strides = array<i32>} : memref<64x128xf32, #tpu.memory_space<vmem>>, vector<16xf32>,
        %parallel_loop3A_1215 = arith.index_cast %parallel_loop3A_1190 : i32 to index
        %parallel_loop3A_1216 = arith.constant 32 : index
        %parallel_loop3A_1217 = tpu.vector_load %arg5[%parallel_loop3A_1215, %parallel_loop3A_1216] {strides = array<i32>} : memref<520x128xf32, #tpu.memory_space<vmem>>, vector<16xf32>,
        %parallel_loop3A_1218 = arith.constant 0 : i32
        %parallel_loop3A_1219 = arith.constant 0 : i32
        %parallel_loop3A_1220 = tpu.memref_slice %arg8[%parallel_loop3A_187, %parallel_loop3A_1218, %parallel_loop3A_1219] : memref<2x64x128xf32, #tpu.memory_space<vmem>> -> memref<1x64x128xf32, #tpu.memory_space<vmem>>
        %parallel_loop3A_1221 = tpu.memref_squeeze %parallel_loop3A_1220 : memref<1x64x128xf32, #tpu.memory_space<vmem>> -> memref<64x128xf32, #tpu.memory_space<vmem>>
        %parallel_loop3A_1222 = arith.index_cast %parallel_loop3A_1194 : i32 to index
        %parallel_loop3A_1223 = arith.constant 32 : index
        %parallel_loop3A_1224 = tpu.vector_load %parallel_loop3A_1221[%parallel_loop3A_1222, %parallel_loop3A_1223] {strides = array<i32>} : memref<64x128xf32, #tpu.memory_space<vmem>>, vector<16xf32>,
        tpu.vector_store %parallel_loop3A_1221[%parallel_loop3A_1222, %parallel_loop3A_1223], %parallel_loop3A_1217 {strides = array<i32>} : memref<64x128xf32, #tpu.memory_space<vmem>>, vector<16xf32>,
        %parallel_loop3A_1225 = arith.index_cast %parallel_loop3A_1190 : i32 to index
        %parallel_loop3A_1226 = arith.constant 48 : index
        %parallel_loop3A_1227 = tpu.vector_load %arg5[%parallel_loop3A_1225, %parallel_loop3A_1226] {strides = array<i32>} : memref<520x128xf32, #tpu.memory_space<vmem>>, vector<16xf32>,
        %parallel_loop3A_1228 = arith.constant 0 : i32
        %parallel_loop3A_1229 = arith.constant 0 : i32
        %parallel_loop3A_1230 = tpu.memref_slice %arg8[%parallel_loop3A_187, %parallel_loop3A_1228, %parallel_loop3A_1229] : memref<2x64x128xf32, #tpu.memory_space<vmem>> -> memref<1x64x128xf32, #tpu.memory_space<vmem>>
        %parallel_loop3A_1231 = tpu.memref_squeeze %parallel_loop3A_1230 : memref<1x64x128xf32, #tpu.memory_space<vmem>> -> memref<64x128xf32, #tpu.memory_space<vmem>>
        %parallel_loop3A_1232 = arith.index_cast %parallel_loop3A_1194 : i32 to index
        %parallel_loop3A_1233 = arith.constant 48 : index
        %parallel_loop3A_1234 = tpu.vector_load %parallel_loop3A_1231[%parallel_loop3A_1232, %parallel_loop3A_1233] {strides = array<i32>} : memref<64x128xf32, #tpu.memory_space<vmem>>, vector<16xf32>,
        tpu.vector_store %parallel_loop3A_1231[%parallel_loop3A_1232, %parallel_loop3A_1233], %parallel_loop3A_1227 {strides = array<i32>} : memref<64x128xf32, #tpu.memory_space<vmem>>, vector<16xf32>,
        %parallel_loop3A_1235 = arith.index_cast %parallel_loop3A_1190 : i32 to index
        %parallel_loop3A_1236 = arith.constant 64 : index
        %parallel_loop3A_1237 = tpu.vector_load %arg5[%parallel_loop3A_1235, %parallel_loop3A_1236] {strides = array<i32>} : memref<520x128xf32, #tpu.memory_space<vmem>>, vector<16xf32>,
        %parallel_loop3A_1238 = arith.constant 0 : i32
        %parallel_loop3A_1239 = arith.constant 0 : i32
        %parallel_loop3A_1240 = tpu.memref_slice %arg8[%parallel_loop3A_187, %parallel_loop3A_1238, %parallel_loop3A_1239] : memref<2x64x128xf32, #tpu.memory_space<vmem>> -> memref<1x64x128xf32, #tpu.memory_space<vmem>>
        %parallel_loop3A_1241 = tpu.memref_squeeze %parallel_loop3A_1240 : memref<1x64x128xf32, #tpu.memory_space<vmem>> -> memref<64x128xf32, #tpu.memory_space<vmem>>
        %parallel_loop3A_1242 = arith.index_cast %parallel_loop3A_1194 : i32 to index
        %parallel_loop3A_1243 = arith.constant 64 : index
        %parallel_loop3A_1244 = tpu.vector_load %parallel_loop3A_1241[%parallel_loop3A_1242, %parallel_loop3A_1243] {strides = array<i32>} : memref<64x128xf32, #tpu.memory_space<vmem>>, vector<16xf32>,
        tpu.vector_store %parallel_loop3A_1241[%parallel_loop3A_1242, %parallel_loop3A_1243], %parallel_loop3A_1237 {strides = array<i32>} : memref<64x128xf32, #tpu.memory_space<vmem>>, vector<16xf32>,
        %parallel_loop3A_1245 = arith.index_cast %parallel_loop3A_1190 : i32 to index
        %parallel_loop3A_1246 = arith.constant 80 : index
        %parallel_loop3A_1247 = tpu.vector_load %arg5[%parallel_loop3A_1245, %parallel_loop3A_1246] {strides = array<i32>} : memref<520x128xf32, #tpu.memory_space<vmem>>, vector<16xf32>,
        %parallel_loop3A_1248 = arith.constant 0 : i32
        %parallel_loop3A_1249 = arith.constant 0 : i32
        %parallel_loop3A_1250 = tpu.memref_slice %arg8[%parallel_loop3A_187, %parallel_loop3A_1248, %parallel_loop3A_1249] : memref<2x64x128xf32, #tpu.memory_space<vmem>> -> memref<1x64x128xf32, #tpu.memory_space<vmem>>
        %parallel_loop3A_1251 = tpu.memref_squeeze %parallel_loop3A_1250 : memref<1x64x128xf32, #tpu.memory_space<vmem>> -> memref<64x128xf32, #tpu.memory_space<vmem>>
        %parallel_loop3A_1252 = arith.index_cast %parallel_loop3A_1194 : i32 to index
        %parallel_loop3A_1253 = arith.constant 80 : index
        %parallel_loop3A_1254 = tpu.vector_load %parallel_loop3A_1251[%parallel_loop3A_1252, %parallel_loop3A_1253] {strides = array<i32>} : memref<64x128xf32, #tpu.memory_space<vmem>>, vector<16xf32>,
        tpu.vector_store %parallel_loop3A_1251[%parallel_loop3A_1252, %parallel_loop3A_1253], %parallel_loop3A_1247 {strides = array<i32>} : memref<64x128xf32, #tpu.memory_space<vmem>>, vector<16xf32>,
        %parallel_loop3A_1255 = arith.index_cast %parallel_loop3A_1190 : i32 to index
        %parallel_loop3A_1256 = arith.constant 96 : index
        %parallel_loop3A_1257 = tpu.vector_load %arg5[%parallel_loop3A_1255, %parallel_loop3A_1256] {strides = array<i32>} : memref<520x128xf32, #tpu.memory_space<vmem>>, vector<16xf32>,
        %parallel_loop3A_1258 = arith.constant 0 : i32
        %parallel_loop3A_1259 = arith.constant 0 : i32
        %parallel_loop3A_1260 = tpu.memref_slice %arg8[%parallel_loop3A_187, %parallel_loop3A_1258, %parallel_loop3A_1259] : memref<2x64x128xf32, #tpu.memory_space<vmem>> -> memref<1x64x128xf32, #tpu.memory_space<vmem>>
        %parallel_loop3A_1261 = tpu.memref_squeeze %parallel_loop3A_1260 : memref<1x64x128xf32, #tpu.memory_space<vmem>> -> memref<64x128xf32, #tpu.memory_space<vmem>>
        %parallel_loop3A_1262 = arith.index_cast %parallel_loop3A_1194 : i32 to index
        %parallel_loop3A_1263 = arith.constant 96 : index
        %parallel_loop3A_1264 = tpu.vector_load %parallel_loop3A_1261[%parallel_loop3A_1262, %parallel_loop3A_1263] {strides = array<i32>} : memref<64x128xf32, #tpu.memory_space<vmem>>, vector<16xf32>,
        tpu.vector_store %parallel_loop3A_1261[%parallel_loop3A_1262, %parallel_loop3A_1263], %parallel_loop3A_1257 {strides = array<i32>} : memref<64x128xf32, #tpu.memory_space<vmem>>, vector<16xf32>,
        %parallel_loop3A_1265 = arith.index_cast %parallel_loop3A_1190 : i32 to index
        %parallel_loop3A_1266 = arith.constant 112 : index
        %parallel_loop3A_1267 = tpu.vector_load %arg5[%parallel_loop3A_1265, %parallel_loop3A_1266] {strides = array<i32>} : memref<520x128xf32, #tpu.memory_space<vmem>>, vector<16xf32>,
        %parallel_loop3A_1268 = arith.constant 0 : i32
        %parallel_loop3A_1269 = arith.constant 0 : i32
        %parallel_loop3A_1270 = tpu.memref_slice %arg8[%parallel_loop3A_187, %parallel_loop3A_1268, %parallel_loop3A_1269] : memref<2x64x128xf32, #tpu.memory_space<vmem>> -> memref<1x64x128xf32, #tpu.memory_space<vmem>>
        %parallel_loop3A_1271 = tpu.memref_squeeze %parallel_loop3A_1270 : memref<1x64x128xf32, #tpu.memory_space<vmem>> -> memref<64x128xf32, #tpu.memory_space<vmem>>
        %parallel_loop3A_1272 = arith.index_cast %parallel_loop3A_1194 : i32 to index
        %parallel_loop3A_1273 = arith.constant 112 : index
        %parallel_loop3A_1274 = tpu.vector_load %parallel_loop3A_1271[%parallel_loop3A_1272, %parallel_loop3A_1273] {strides = array<i32>} : memref<64x128xf32, #tpu.memory_space<vmem>>, vector<16xf32>,
        tpu.vector_store %parallel_loop3A_1271[%parallel_loop3A_1272, %parallel_loop3A_1273], %parallel_loop3A_1267 {strides = array<i32>} : memref<64x128xf32, #tpu.memory_space<vmem>>, vector<16xf32>,
        %parallel_loop3A_1275 = vector.extract_strided_slice %parallel_loop3A_242 {offsets = [12], sizes = [1], strides = [1]} : vector<16xi32> to vector<1xi32>
        %parallel_loop3A_1276 = vector.extract %parallel_loop3A_1275[0] : i32 from vector<1xi32>
        %parallel_loop3A_1277 = arith.constant 16 : i32
        %parallel_loop3A_1278 = arith.muli %parallel_loop3A_235, %parallel_loop3A_1277 : i32
        %parallel_loop3A_1279 = arith.constant 12 : i32
        %parallel_loop3A_1280 = arith.addi %parallel_loop3A_1278, %parallel_loop3A_1279 : i32
        %parallel_loop3A_1281 = arith.index_cast %parallel_loop3A_1276 : i32 to index
        %parallel_loop3A_1282 = arith.constant 0 : index
        %parallel_loop3A_1283 = tpu.vector_load %arg5[%parallel_loop3A_1281, %parallel_loop3A_1282] {strides = array<i32>} : memref<520x128xf32, #tpu.memory_space<vmem>>, vector<16xf32>,
        %parallel_loop3A_1284 = arith.constant 0 : i32
        %parallel_loop3A_1285 = arith.constant 0 : i32
        %parallel_loop3A_1286 = tpu.memref_slice %arg8[%parallel_loop3A_187, %parallel_loop3A_1284, %parallel_loop3A_1285] : memref<2x64x128xf32, #tpu.memory_space<vmem>> -> memref<1x64x128xf32, #tpu.memory_space<vmem>>
        %parallel_loop3A_1287 = tpu.memref_squeeze %parallel_loop3A_1286 : memref<1x64x128xf32, #tpu.memory_space<vmem>> -> memref<64x128xf32, #tpu.memory_space<vmem>>
        %parallel_loop3A_1288 = arith.index_cast %parallel_loop3A_1280 : i32 to index
        %parallel_loop3A_1289 = arith.constant 0 : index
        %parallel_loop3A_1290 = tpu.vector_load %parallel_loop3A_1287[%parallel_loop3A_1288, %parallel_loop3A_1289] {strides = array<i32>} : memref<64x128xf32, #tpu.memory_space<vmem>>, vector<16xf32>,
        tpu.vector_store %parallel_loop3A_1287[%parallel_loop3A_1288, %parallel_loop3A_1289], %parallel_loop3A_1283 {strides = array<i32>} : memref<64x128xf32, #tpu.memory_space<vmem>>, vector<16xf32>,
        %parallel_loop3A_1291 = arith.index_cast %parallel_loop3A_1276 : i32 to index
        %parallel_loop3A_1292 = arith.constant 16 : index
        %parallel_loop3A_1293 = tpu.vector_load %arg5[%parallel_loop3A_1291, %parallel_loop3A_1292] {strides = array<i32>} : memref<520x128xf32, #tpu.memory_space<vmem>>, vector<16xf32>,
        %parallel_loop3A_1294 = arith.constant 0 : i32
        %parallel_loop3A_1295 = arith.constant 0 : i32
        %parallel_loop3A_1296 = tpu.memref_slice %arg8[%parallel_loop3A_187, %parallel_loop3A_1294, %parallel_loop3A_1295] : memref<2x64x128xf32, #tpu.memory_space<vmem>> -> memref<1x64x128xf32, #tpu.memory_space<vmem>>
        %parallel_loop3A_1297 = tpu.memref_squeeze %parallel_loop3A_1296 : memref<1x64x128xf32, #tpu.memory_space<vmem>> -> memref<64x128xf32, #tpu.memory_space<vmem>>
        %parallel_loop3A_1298 = arith.index_cast %parallel_loop3A_1280 : i32 to index
        %parallel_loop3A_1299 = arith.constant 16 : index
        %parallel_loop3A_1300 = tpu.vector_load %parallel_loop3A_1297[%parallel_loop3A_1298, %parallel_loop3A_1299] {strides = array<i32>} : memref<64x128xf32, #tpu.memory_space<vmem>>, vector<16xf32>,
        tpu.vector_store %parallel_loop3A_1297[%parallel_loop3A_1298, %parallel_loop3A_1299], %parallel_loop3A_1293 {strides = array<i32>} : memref<64x128xf32, #tpu.memory_space<vmem>>, vector<16xf32>,
        %parallel_loop3A_1301 = arith.index_cast %parallel_loop3A_1276 : i32 to index
        %parallel_loop3A_1302 = arith.constant 32 : index
        %parallel_loop3A_1303 = tpu.vector_load %arg5[%parallel_loop3A_1301, %parallel_loop3A_1302] {strides = array<i32>} : memref<520x128xf32, #tpu.memory_space<vmem>>, vector<16xf32>,
        %parallel_loop3A_1304 = arith.constant 0 : i32
        %parallel_loop3A_1305 = arith.constant 0 : i32
        %parallel_loop3A_1306 = tpu.memref_slice %arg8[%parallel_loop3A_187, %parallel_loop3A_1304, %parallel_loop3A_1305] : memref<2x64x128xf32, #tpu.memory_space<vmem>> -> memref<1x64x128xf32, #tpu.memory_space<vmem>>
        %parallel_loop3A_1307 = tpu.memref_squeeze %parallel_loop3A_1306 : memref<1x64x128xf32, #tpu.memory_space<vmem>> -> memref<64x128xf32, #tpu.memory_space<vmem>>
        %parallel_loop3A_1308 = arith.index_cast %parallel_loop3A_1280 : i32 to index
        %parallel_loop3A_1309 = arith.constant 32 : index
        %parallel_loop3A_1310 = tpu.vector_load %parallel_loop3A_1307[%parallel_loop3A_1308, %parallel_loop3A_1309] {strides = array<i32>} : memref<64x128xf32, #tpu.memory_space<vmem>>, vector<16xf32>,
        tpu.vector_store %parallel_loop3A_1307[%parallel_loop3A_1308, %parallel_loop3A_1309], %parallel_loop3A_1303 {strides = array<i32>} : memref<64x128xf32, #tpu.memory_space<vmem>>, vector<16xf32>,
        %parallel_loop3A_1311 = arith.index_cast %parallel_loop3A_1276 : i32 to index
        %parallel_loop3A_1312 = arith.constant 48 : index
        %parallel_loop3A_1313 = tpu.vector_load %arg5[%parallel_loop3A_1311, %parallel_loop3A_1312] {strides = array<i32>} : memref<520x128xf32, #tpu.memory_space<vmem>>, vector<16xf32>,
        %parallel_loop3A_1314 = arith.constant 0 : i32
        %parallel_loop3A_1315 = arith.constant 0 : i32
        %parallel_loop3A_1316 = tpu.memref_slice %arg8[%parallel_loop3A_187, %parallel_loop3A_1314, %parallel_loop3A_1315] : memref<2x64x128xf32, #tpu.memory_space<vmem>> -> memref<1x64x128xf32, #tpu.memory_space<vmem>>
        %parallel_loop3A_1317 = tpu.memref_squeeze %parallel_loop3A_1316 : memref<1x64x128xf32, #tpu.memory_space<vmem>> -> memref<64x128xf32, #tpu.memory_space<vmem>>
        %parallel_loop3A_1318 = arith.index_cast %parallel_loop3A_1280 : i32 to index
        %parallel_loop3A_1319 = arith.constant 48 : index
        %parallel_loop3A_1320 = tpu.vector_load %parallel_loop3A_1317[%parallel_loop3A_1318, %parallel_loop3A_1319] {strides = array<i32>} : memref<64x128xf32, #tpu.memory_space<vmem>>, vector<16xf32>,
        tpu.vector_store %parallel_loop3A_1317[%parallel_loop3A_1318, %parallel_loop3A_1319], %parallel_loop3A_1313 {strides = array<i32>} : memref<64x128xf32, #tpu.memory_space<vmem>>, vector<16xf32>,
        %parallel_loop3A_1321 = arith.index_cast %parallel_loop3A_1276 : i32 to index
        %parallel_loop3A_1322 = arith.constant 64 : index
        %parallel_loop3A_1323 = tpu.vector_load %arg5[%parallel_loop3A_1321, %parallel_loop3A_1322] {strides = array<i32>} : memref<520x128xf32, #tpu.memory_space<vmem>>, vector<16xf32>,
        %parallel_loop3A_1324 = arith.constant 0 : i32
        %parallel_loop3A_1325 = arith.constant 0 : i32
        %parallel_loop3A_1326 = tpu.memref_slice %arg8[%parallel_loop3A_187, %parallel_loop3A_1324, %parallel_loop3A_1325] : memref<2x64x128xf32, #tpu.memory_space<vmem>> -> memref<1x64x128xf32, #tpu.memory_space<vmem>>
        %parallel_loop3A_1327 = tpu.memref_squeeze %parallel_loop3A_1326 : memref<1x64x128xf32, #tpu.memory_space<vmem>> -> memref<64x128xf32, #tpu.memory_space<vmem>>
        %parallel_loop3A_1328 = arith.index_cast %parallel_loop3A_1280 : i32 to index
        %parallel_loop3A_1329 = arith.constant 64 : index
        %parallel_loop3A_1330 = tpu.vector_load %parallel_loop3A_1327[%parallel_loop3A_1328, %parallel_loop3A_1329] {strides = array<i32>} : memref<64x128xf32, #tpu.memory_space<vmem>>, vector<16xf32>,
        tpu.vector_store %parallel_loop3A_1327[%parallel_loop3A_1328, %parallel_loop3A_1329], %parallel_loop3A_1323 {strides = array<i32>} : memref<64x128xf32, #tpu.memory_space<vmem>>, vector<16xf32>,
        %parallel_loop3A_1331 = arith.index_cast %parallel_loop3A_1276 : i32 to index
        %parallel_loop3A_1332 = arith.constant 80 : index
        %parallel_loop3A_1333 = tpu.vector_load %arg5[%parallel_loop3A_1331, %parallel_loop3A_1332] {strides = array<i32>} : memref<520x128xf32, #tpu.memory_space<vmem>>, vector<16xf32>,
        %parallel_loop3A_1334 = arith.constant 0 : i32
        %parallel_loop3A_1335 = arith.constant 0 : i32
        %parallel_loop3A_1336 = tpu.memref_slice %arg8[%parallel_loop3A_187, %parallel_loop3A_1334, %parallel_loop3A_1335] : memref<2x64x128xf32, #tpu.memory_space<vmem>> -> memref<1x64x128xf32, #tpu.memory_space<vmem>>
        %parallel_loop3A_1337 = tpu.memref_squeeze %parallel_loop3A_1336 : memref<1x64x128xf32, #tpu.memory_space<vmem>> -> memref<64x128xf32, #tpu.memory_space<vmem>>
        %parallel_loop3A_1338 = arith.index_cast %parallel_loop3A_1280 : i32 to index
        %parallel_loop3A_1339 = arith.constant 80 : index
        %parallel_loop3A_1340 = tpu.vector_load %parallel_loop3A_1337[%parallel_loop3A_1338, %parallel_loop3A_1339] {strides = array<i32>} : memref<64x128xf32, #tpu.memory_space<vmem>>, vector<16xf32>,
        tpu.vector_store %parallel_loop3A_1337[%parallel_loop3A_1338, %parallel_loop3A_1339], %parallel_loop3A_1333 {strides = array<i32>} : memref<64x128xf32, #tpu.memory_space<vmem>>, vector<16xf32>,
        %parallel_loop3A_1341 = arith.index_cast %parallel_loop3A_1276 : i32 to index
        %parallel_loop3A_1342 = arith.constant 96 : index
        %parallel_loop3A_1343 = tpu.vector_load %arg5[%parallel_loop3A_1341, %parallel_loop3A_1342] {strides = array<i32>} : memref<520x128xf32, #tpu.memory_space<vmem>>, vector<16xf32>,
        %parallel_loop3A_1344 = arith.constant 0 : i32
        %parallel_loop3A_1345 = arith.constant 0 : i32
        %parallel_loop3A_1346 = tpu.memref_slice %arg8[%parallel_loop3A_187, %parallel_loop3A_1344, %parallel_loop3A_1345] : memref<2x64x128xf32, #tpu.memory_space<vmem>> -> memref<1x64x128xf32, #tpu.memory_space<vmem>>
        %parallel_loop3A_1347 = tpu.memref_squeeze %parallel_loop3A_1346 : memref<1x64x128xf32, #tpu.memory_space<vmem>> -> memref<64x128xf32, #tpu.memory_space<vmem>>
        %parallel_loop3A_1348 = arith.index_cast %parallel_loop3A_1280 : i32 to index
        %parallel_loop3A_1349 = arith.constant 96 : index
        %parallel_loop3A_1350 = tpu.vector_load %parallel_loop3A_1347[%parallel_loop3A_1348, %parallel_loop3A_1349] {strides = array<i32>} : memref<64x128xf32, #tpu.memory_space<vmem>>, vector<16xf32>,
        tpu.vector_store %parallel_loop3A_1347[%parallel_loop3A_1348, %parallel_loop3A_1349], %parallel_loop3A_1343 {strides = array<i32>} : memref<64x128xf32, #tpu.memory_space<vmem>>, vector<16xf32>,
        %parallel_loop3A_1351 = arith.index_cast %parallel_loop3A_1276 : i32 to index
        %parallel_loop3A_1352 = arith.constant 112 : index
        %parallel_loop3A_1353 = tpu.vector_load %arg5[%parallel_loop3A_1351, %parallel_loop3A_1352] {strides = array<i32>} : memref<520x128xf32, #tpu.memory_space<vmem>>, vector<16xf32>,
        %parallel_loop3A_1354 = arith.constant 0 : i32
        %parallel_loop3A_1355 = arith.constant 0 : i32
        %parallel_loop3A_1356 = tpu.memref_slice %arg8[%parallel_loop3A_187, %parallel_loop3A_1354, %parallel_loop3A_1355] : memref<2x64x128xf32, #tpu.memory_space<vmem>> -> memref<1x64x128xf32, #tpu.memory_space<vmem>>
        %parallel_loop3A_1357 = tpu.memref_squeeze %parallel_loop3A_1356 : memref<1x64x128xf32, #tpu.memory_space<vmem>> -> memref<64x128xf32, #tpu.memory_space<vmem>>
        %parallel_loop3A_1358 = arith.index_cast %parallel_loop3A_1280 : i32 to index
        %parallel_loop3A_1359 = arith.constant 112 : index
        %parallel_loop3A_1360 = tpu.vector_load %parallel_loop3A_1357[%parallel_loop3A_1358, %parallel_loop3A_1359] {strides = array<i32>} : memref<64x128xf32, #tpu.memory_space<vmem>>, vector<16xf32>,
        tpu.vector_store %parallel_loop3A_1357[%parallel_loop3A_1358, %parallel_loop3A_1359], %parallel_loop3A_1353 {strides = array<i32>} : memref<64x128xf32, #tpu.memory_space<vmem>>, vector<16xf32>,
        %parallel_loop3A_1361 = vector.extract_strided_slice %parallel_loop3A_242 {offsets = [13], sizes = [1], strides = [1]} : vector<16xi32> to vector<1xi32>
        %parallel_loop3A_1362 = vector.extract %parallel_loop3A_1361[0] : i32 from vector<1xi32>
        %parallel_loop3A_1363 = arith.constant 16 : i32
        %parallel_loop3A_1364 = arith.muli %parallel_loop3A_235, %parallel_loop3A_1363 : i32
        %parallel_loop3A_1365 = arith.constant 13 : i32
        %parallel_loop3A_1366 = arith.addi %parallel_loop3A_1364, %parallel_loop3A_1365 : i32
        %parallel_loop3A_1367 = arith.index_cast %parallel_loop3A_1362 : i32 to index
        %parallel_loop3A_1368 = arith.constant 0 : index
        %parallel_loop3A_1369 = tpu.vector_load %arg5[%parallel_loop3A_1367, %parallel_loop3A_1368] {strides = array<i32>} : memref<520x128xf32, #tpu.memory_space<vmem>>, vector<16xf32>,
        %parallel_loop3A_1370 = arith.constant 0 : i32
        %parallel_loop3A_1371 = arith.constant 0 : i32
        %parallel_loop3A_1372 = tpu.memref_slice %arg8[%parallel_loop3A_187, %parallel_loop3A_1370, %parallel_loop3A_1371] : memref<2x64x128xf32, #tpu.memory_space<vmem>> -> memref<1x64x128xf32, #tpu.memory_space<vmem>>
        %parallel_loop3A_1373 = tpu.memref_squeeze %parallel_loop3A_1372 : memref<1x64x128xf32, #tpu.memory_space<vmem>> -> memref<64x128xf32, #tpu.memory_space<vmem>>
        %parallel_loop3A_1374 = arith.index_cast %parallel_loop3A_1366 : i32 to index
        %parallel_loop3A_1375 = arith.constant 0 : index
        %parallel_loop3A_1376 = tpu.vector_load %parallel_loop3A_1373[%parallel_loop3A_1374, %parallel_loop3A_1375] {strides = array<i32>} : memref<64x128xf32, #tpu.memory_space<vmem>>, vector<16xf32>,
        tpu.vector_store %parallel_loop3A_1373[%parallel_loop3A_1374, %parallel_loop3A_1375], %parallel_loop3A_1369 {strides = array<i32>} : memref<64x128xf32, #tpu.memory_space<vmem>>, vector<16xf32>,
        %parallel_loop3A_1377 = arith.index_cast %parallel_loop3A_1362 : i32 to index
        %parallel_loop3A_1378 = arith.constant 16 : index
        %parallel_loop3A_1379 = tpu.vector_load %arg5[%parallel_loop3A_1377, %parallel_loop3A_1378] {strides = array<i32>} : memref<520x128xf32, #tpu.memory_space<vmem>>, vector<16xf32>,
        %parallel_loop3A_1380 = arith.constant 0 : i32
        %parallel_loop3A_1381 = arith.constant 0 : i32
        %parallel_loop3A_1382 = tpu.memref_slice %arg8[%parallel_loop3A_187, %parallel_loop3A_1380, %parallel_loop3A_1381] : memref<2x64x128xf32, #tpu.memory_space<vmem>> -> memref<1x64x128xf32, #tpu.memory_space<vmem>>
        %parallel_loop3A_1383 = tpu.memref_squeeze %parallel_loop3A_1382 : memref<1x64x128xf32, #tpu.memory_space<vmem>> -> memref<64x128xf32, #tpu.memory_space<vmem>>
        %parallel_loop3A_1384 = arith.index_cast %parallel_loop3A_1366 : i32 to index
        %parallel_loop3A_1385 = arith.constant 16 : index
        %parallel_loop3A_1386 = tpu.vector_load %parallel_loop3A_1383[%parallel_loop3A_1384, %parallel_loop3A_1385] {strides = array<i32>} : memref<64x128xf32, #tpu.memory_space<vmem>>, vector<16xf32>,
        tpu.vector_store %parallel_loop3A_1383[%parallel_loop3A_1384, %parallel_loop3A_1385], %parallel_loop3A_1379 {strides = array<i32>} : memref<64x128xf32, #tpu.memory_space<vmem>>, vector<16xf32>,
        %parallel_loop3A_1387 = arith.index_cast %parallel_loop3A_1362 : i32 to index
        %parallel_loop3A_1388 = arith.constant 32 : index
        %parallel_loop3A_1389 = tpu.vector_load %arg5[%parallel_loop3A_1387, %parallel_loop3A_1388] {strides = array<i32>} : memref<520x128xf32, #tpu.memory_space<vmem>>, vector<16xf32>,
        %parallel_loop3A_1390 = arith.constant 0 : i32
        %parallel_loop3A_1391 = arith.constant 0 : i32
        %parallel_loop3A_1392 = tpu.memref_slice %arg8[%parallel_loop3A_187, %parallel_loop3A_1390, %parallel_loop3A_1391] : memref<2x64x128xf32, #tpu.memory_space<vmem>> -> memref<1x64x128xf32, #tpu.memory_space<vmem>>
        %parallel_loop3A_1393 = tpu.memref_squeeze %parallel_loop3A_1392 : memref<1x64x128xf32, #tpu.memory_space<vmem>> -> memref<64x128xf32, #tpu.memory_space<vmem>>
        %parallel_loop3A_1394 = arith.index_cast %parallel_loop3A_1366 : i32 to index
        %parallel_loop3A_1395 = arith.constant 32 : index
        %parallel_loop3A_1396 = tpu.vector_load %parallel_loop3A_1393[%parallel_loop3A_1394, %parallel_loop3A_1395] {strides = array<i32>} : memref<64x128xf32, #tpu.memory_space<vmem>>, vector<16xf32>,
        tpu.vector_store %parallel_loop3A_1393[%parallel_loop3A_1394, %parallel_loop3A_1395], %parallel_loop3A_1389 {strides = array<i32>} : memref<64x128xf32, #tpu.memory_space<vmem>>, vector<16xf32>,
        %parallel_loop3A_1397 = arith.index_cast %parallel_loop3A_1362 : i32 to index
        %parallel_loop3A_1398 = arith.constant 48 : index
        %parallel_loop3A_1399 = tpu.vector_load %arg5[%parallel_loop3A_1397, %parallel_loop3A_1398] {strides = array<i32>} : memref<520x128xf32, #tpu.memory_space<vmem>>, vector<16xf32>,
        %parallel_loop3A_1400 = arith.constant 0 : i32
        %parallel_loop3A_1401 = arith.constant 0 : i32
        %parallel_loop3A_1402 = tpu.memref_slice %arg8[%parallel_loop3A_187, %parallel_loop3A_1400, %parallel_loop3A_1401] : memref<2x64x128xf32, #tpu.memory_space<vmem>> -> memref<1x64x128xf32, #tpu.memory_space<vmem>>
        %parallel_loop3A_1403 = tpu.memref_squeeze %parallel_loop3A_1402 : memref<1x64x128xf32, #tpu.memory_space<vmem>> -> memref<64x128xf32, #tpu.memory_space<vmem>>
        %parallel_loop3A_1404 = arith.index_cast %parallel_loop3A_1366 : i32 to index
        %parallel_loop3A_1405 = arith.constant 48 : index
        %parallel_loop3A_1406 = tpu.vector_load %parallel_loop3A_1403[%parallel_loop3A_1404, %parallel_loop3A_1405] {strides = array<i32>} : memref<64x128xf32, #tpu.memory_space<vmem>>, vector<16xf32>,
        tpu.vector_store %parallel_loop3A_1403[%parallel_loop3A_1404, %parallel_loop3A_1405], %parallel_loop3A_1399 {strides = array<i32>} : memref<64x128xf32, #tpu.memory_space<vmem>>, vector<16xf32>,
        %parallel_loop3A_1407 = arith.index_cast %parallel_loop3A_1362 : i32 to index
        %parallel_loop3A_1408 = arith.constant 64 : index
        %parallel_loop3A_1409 = tpu.vector_load %arg5[%parallel_loop3A_1407, %parallel_loop3A_1408] {strides = array<i32>} : memref<520x128xf32, #tpu.memory_space<vmem>>, vector<16xf32>,
        %parallel_loop3A_1410 = arith.constant 0 : i32
        %parallel_loop3A_1411 = arith.constant 0 : i32
        %parallel_loop3A_1412 = tpu.memref_slice %arg8[%parallel_loop3A_187, %parallel_loop3A_1410, %parallel_loop3A_1411] : memref<2x64x128xf32, #tpu.memory_space<vmem>> -> memref<1x64x128xf32, #tpu.memory_space<vmem>>
        %parallel_loop3A_1413 = tpu.memref_squeeze %parallel_loop3A_1412 : memref<1x64x128xf32, #tpu.memory_space<vmem>> -> memref<64x128xf32, #tpu.memory_space<vmem>>
        %parallel_loop3A_1414 = arith.index_cast %parallel_loop3A_1366 : i32 to index
        %parallel_loop3A_1415 = arith.constant 64 : index
        %parallel_loop3A_1416 = tpu.vector_load %parallel_loop3A_1413[%parallel_loop3A_1414, %parallel_loop3A_1415] {strides = array<i32>} : memref<64x128xf32, #tpu.memory_space<vmem>>, vector<16xf32>,
        tpu.vector_store %parallel_loop3A_1413[%parallel_loop3A_1414, %parallel_loop3A_1415], %parallel_loop3A_1409 {strides = array<i32>} : memref<64x128xf32, #tpu.memory_space<vmem>>, vector<16xf32>,
        %parallel_loop3A_1417 = arith.index_cast %parallel_loop3A_1362 : i32 to index
        %parallel_loop3A_1418 = arith.constant 80 : index
        %parallel_loop3A_1419 = tpu.vector_load %arg5[%parallel_loop3A_1417, %parallel_loop3A_1418] {strides = array<i32>} : memref<520x128xf32, #tpu.memory_space<vmem>>, vector<16xf32>,
        %parallel_loop3A_1420 = arith.constant 0 : i32
        %parallel_loop3A_1421 = arith.constant 0 : i32
        %parallel_loop3A_1422 = tpu.memref_slice %arg8[%parallel_loop3A_187, %parallel_loop3A_1420, %parallel_loop3A_1421] : memref<2x64x128xf32, #tpu.memory_space<vmem>> -> memref<1x64x128xf32, #tpu.memory_space<vmem>>
        %parallel_loop3A_1423 = tpu.memref_squeeze %parallel_loop3A_1422 : memref<1x64x128xf32, #tpu.memory_space<vmem>> -> memref<64x128xf32, #tpu.memory_space<vmem>>
        %parallel_loop3A_1424 = arith.index_cast %parallel_loop3A_1366 : i32 to index
        %parallel_loop3A_1425 = arith.constant 80 : index
        %parallel_loop3A_1426 = tpu.vector_load %parallel_loop3A_1423[%parallel_loop3A_1424, %parallel_loop3A_1425] {strides = array<i32>} : memref<64x128xf32, #tpu.memory_space<vmem>>, vector<16xf32>,
        tpu.vector_store %parallel_loop3A_1423[%parallel_loop3A_1424, %parallel_loop3A_1425], %parallel_loop3A_1419 {strides = array<i32>} : memref<64x128xf32, #tpu.memory_space<vmem>>, vector<16xf32>,
        %parallel_loop3A_1427 = arith.index_cast %parallel_loop3A_1362 : i32 to index
        %parallel_loop3A_1428 = arith.constant 96 : index
        %parallel_loop3A_1429 = tpu.vector_load %arg5[%parallel_loop3A_1427, %parallel_loop3A_1428] {strides = array<i32>} : memref<520x128xf32, #tpu.memory_space<vmem>>, vector<16xf32>,
        %parallel_loop3A_1430 = arith.constant 0 : i32
        %parallel_loop3A_1431 = arith.constant 0 : i32
        %parallel_loop3A_1432 = tpu.memref_slice %arg8[%parallel_loop3A_187, %parallel_loop3A_1430, %parallel_loop3A_1431] : memref<2x64x128xf32, #tpu.memory_space<vmem>> -> memref<1x64x128xf32, #tpu.memory_space<vmem>>
        %parallel_loop3A_1433 = tpu.memref_squeeze %parallel_loop3A_1432 : memref<1x64x128xf32, #tpu.memory_space<vmem>> -> memref<64x128xf32, #tpu.memory_space<vmem>>
        %parallel_loop3A_1434 = arith.index_cast %parallel_loop3A_1366 : i32 to index
        %parallel_loop3A_1435 = arith.constant 96 : index
        %parallel_loop3A_1436 = tpu.vector_load %parallel_loop3A_1433[%parallel_loop3A_1434, %parallel_loop3A_1435] {strides = array<i32>} : memref<64x128xf32, #tpu.memory_space<vmem>>, vector<16xf32>,
        tpu.vector_store %parallel_loop3A_1433[%parallel_loop3A_1434, %parallel_loop3A_1435], %parallel_loop3A_1429 {strides = array<i32>} : memref<64x128xf32, #tpu.memory_space<vmem>>, vector<16xf32>,
        %parallel_loop3A_1437 = arith.index_cast %parallel_loop3A_1362 : i32 to index
        %parallel_loop3A_1438 = arith.constant 112 : index
        %parallel_loop3A_1439 = tpu.vector_load %arg5[%parallel_loop3A_1437, %parallel_loop3A_1438] {strides = array<i32>} : memref<520x128xf32, #tpu.memory_space<vmem>>, vector<16xf32>,
        %parallel_loop3A_1440 = arith.constant 0 : i32
        %parallel_loop3A_1441 = arith.constant 0 : i32
        %parallel_loop3A_1442 = tpu.memref_slice %arg8[%parallel_loop3A_187, %parallel_loop3A_1440, %parallel_loop3A_1441] : memref<2x64x128xf32, #tpu.memory_space<vmem>> -> memref<1x64x128xf32, #tpu.memory_space<vmem>>
        %parallel_loop3A_1443 = tpu.memref_squeeze %parallel_loop3A_1442 : memref<1x64x128xf32, #tpu.memory_space<vmem>> -> memref<64x128xf32, #tpu.memory_space<vmem>>
        %parallel_loop3A_1444 = arith.index_cast %parallel_loop3A_1366 : i32 to index
        %parallel_loop3A_1445 = arith.constant 112 : index
        %parallel_loop3A_1446 = tpu.vector_load %parallel_loop3A_1443[%parallel_loop3A_1444, %parallel_loop3A_1445] {strides = array<i32>} : memref<64x128xf32, #tpu.memory_space<vmem>>, vector<16xf32>,
        tpu.vector_store %parallel_loop3A_1443[%parallel_loop3A_1444, %parallel_loop3A_1445], %parallel_loop3A_1439 {strides = array<i32>} : memref<64x128xf32, #tpu.memory_space<vmem>>, vector<16xf32>,
        %parallel_loop3A_1447 = vector.extract_strided_slice %parallel_loop3A_242 {offsets = [14], sizes = [1], strides = [1]} : vector<16xi32> to vector<1xi32>
        %parallel_loop3A_1448 = vector.extract %parallel_loop3A_1447[0] : i32 from vector<1xi32>
        %parallel_loop3A_1449 = arith.constant 16 : i32
        %parallel_loop3A_1450 = arith.muli %parallel_loop3A_235, %parallel_loop3A_1449 : i32
        %parallel_loop3A_1451 = arith.constant 14 : i32
        %parallel_loop3A_1452 = arith.addi %parallel_loop3A_1450, %parallel_loop3A_1451 : i32
        %parallel_loop3A_1453 = arith.index_cast %parallel_loop3A_1448 : i32 to index
        %parallel_loop3A_1454 = arith.constant 0 : index
        %parallel_loop3A_1455 = tpu.vector_load %arg5[%parallel_loop3A_1453, %parallel_loop3A_1454] {strides = array<i32>} : memref<520x128xf32, #tpu.memory_space<vmem>>, vector<16xf32>,
        %parallel_loop3A_1456 = arith.constant 0 : i32
        %parallel_loop3A_1457 = arith.constant 0 : i32
        %parallel_loop3A_1458 = tpu.memref_slice %arg8[%parallel_loop3A_187, %parallel_loop3A_1456, %parallel_loop3A_1457] : memref<2x64x128xf32, #tpu.memory_space<vmem>> -> memref<1x64x128xf32, #tpu.memory_space<vmem>>
        %parallel_loop3A_1459 = tpu.memref_squeeze %parallel_loop3A_1458 : memref<1x64x128xf32, #tpu.memory_space<vmem>> -> memref<64x128xf32, #tpu.memory_space<vmem>>
        %parallel_loop3A_1460 = arith.index_cast %parallel_loop3A_1452 : i32 to index
        %parallel_loop3A_1461 = arith.constant 0 : index
        %parallel_loop3A_1462 = tpu.vector_load %parallel_loop3A_1459[%parallel_loop3A_1460, %parallel_loop3A_1461] {strides = array<i32>} : memref<64x128xf32, #tpu.memory_space<vmem>>, vector<16xf32>,
        tpu.vector_store %parallel_loop3A_1459[%parallel_loop3A_1460, %parallel_loop3A_1461], %parallel_loop3A_1455 {strides = array<i32>} : memref<64x128xf32, #tpu.memory_space<vmem>>, vector<16xf32>,
        %parallel_loop3A_1463 = arith.index_cast %parallel_loop3A_1448 : i32 to index
        %parallel_loop3A_1464 = arith.constant 16 : index
        %parallel_loop3A_1465 = tpu.vector_load %arg5[%parallel_loop3A_1463, %parallel_loop3A_1464] {strides = array<i32>} : memref<520x128xf32, #tpu.memory_space<vmem>>, vector<16xf32>,
        %parallel_loop3A_1466 = arith.constant 0 : i32
        %parallel_loop3A_1467 = arith.constant 0 : i32
        %parallel_loop3A_1468 = tpu.memref_slice %arg8[%parallel_loop3A_187, %parallel_loop3A_1466, %parallel_loop3A_1467] : memref<2x64x128xf32, #tpu.memory_space<vmem>> -> memref<1x64x128xf32, #tpu.memory_space<vmem>>
        %parallel_loop3A_1469 = tpu.memref_squeeze %parallel_loop3A_1468 : memref<1x64x128xf32, #tpu.memory_space<vmem>> -> memref<64x128xf32, #tpu.memory_space<vmem>>
        %parallel_loop3A_1470 = arith.index_cast %parallel_loop3A_1452 : i32 to index
        %parallel_loop3A_1471 = arith.constant 16 : index
        %parallel_loop3A_1472 = tpu.vector_load %parallel_loop3A_1469[%parallel_loop3A_1470, %parallel_loop3A_1471] {strides = array<i32>} : memref<64x128xf32, #tpu.memory_space<vmem>>, vector<16xf32>,
        tpu.vector_store %parallel_loop3A_1469[%parallel_loop3A_1470, %parallel_loop3A_1471], %parallel_loop3A_1465 {strides = array<i32>} : memref<64x128xf32, #tpu.memory_space<vmem>>, vector<16xf32>,
        %parallel_loop3A_1473 = arith.index_cast %parallel_loop3A_1448 : i32 to index
        %parallel_loop3A_1474 = arith.constant 32 : index
        %parallel_loop3A_1475 = tpu.vector_load %arg5[%parallel_loop3A_1473, %parallel_loop3A_1474] {strides = array<i32>} : memref<520x128xf32, #tpu.memory_space<vmem>>, vector<16xf32>,
        %parallel_loop3A_1476 = arith.constant 0 : i32
        %parallel_loop3A_1477 = arith.constant 0 : i32
        %parallel_loop3A_1478 = tpu.memref_slice %arg8[%parallel_loop3A_187, %parallel_loop3A_1476, %parallel_loop3A_1477] : memref<2x64x128xf32, #tpu.memory_space<vmem>> -> memref<1x64x128xf32, #tpu.memory_space<vmem>>
        %parallel_loop3A_1479 = tpu.memref_squeeze %parallel_loop3A_1478 : memref<1x64x128xf32, #tpu.memory_space<vmem>> -> memref<64x128xf32, #tpu.memory_space<vmem>>
        %parallel_loop3A_1480 = arith.index_cast %parallel_loop3A_1452 : i32 to index
        %parallel_loop3A_1481 = arith.constant 32 : index
        %parallel_loop3A_1482 = tpu.vector_load %parallel_loop3A_1479[%parallel_loop3A_1480, %parallel_loop3A_1481] {strides = array<i32>} : memref<64x128xf32, #tpu.memory_space<vmem>>, vector<16xf32>,
        tpu.vector_store %parallel_loop3A_1479[%parallel_loop3A_1480, %parallel_loop3A_1481], %parallel_loop3A_1475 {strides = array<i32>} : memref<64x128xf32, #tpu.memory_space<vmem>>, vector<16xf32>,
        %parallel_loop3A_1483 = arith.index_cast %parallel_loop3A_1448 : i32 to index
        %parallel_loop3A_1484 = arith.constant 48 : index
        %parallel_loop3A_1485 = tpu.vector_load %arg5[%parallel_loop3A_1483, %parallel_loop3A_1484] {strides = array<i32>} : memref<520x128xf32, #tpu.memory_space<vmem>>, vector<16xf32>,
        %parallel_loop3A_1486 = arith.constant 0 : i32
        %parallel_loop3A_1487 = arith.constant 0 : i32
        %parallel_loop3A_1488 = tpu.memref_slice %arg8[%parallel_loop3A_187, %parallel_loop3A_1486, %parallel_loop3A_1487] : memref<2x64x128xf32, #tpu.memory_space<vmem>> -> memref<1x64x128xf32, #tpu.memory_space<vmem>>
        %parallel_loop3A_1489 = tpu.memref_squeeze %parallel_loop3A_1488 : memref<1x64x128xf32, #tpu.memory_space<vmem>> -> memref<64x128xf32, #tpu.memory_space<vmem>>
        %parallel_loop3A_1490 = arith.index_cast %parallel_loop3A_1452 : i32 to index
        %parallel_loop3A_1491 = arith.constant 48 : index
        %parallel_loop3A_1492 = tpu.vector_load %parallel_loop3A_1489[%parallel_loop3A_1490, %parallel_loop3A_1491] {strides = array<i32>} : memref<64x128xf32, #tpu.memory_space<vmem>>, vector<16xf32>,
        tpu.vector_store %parallel_loop3A_1489[%parallel_loop3A_1490, %parallel_loop3A_1491], %parallel_loop3A_1485 {strides = array<i32>} : memref<64x128xf32, #tpu.memory_space<vmem>>, vector<16xf32>,
        %parallel_loop3A_1493 = arith.index_cast %parallel_loop3A_1448 : i32 to index
        %parallel_loop3A_1494 = arith.constant 64 : index
        %parallel_loop3A_1495 = tpu.vector_load %arg5[%parallel_loop3A_1493, %parallel_loop3A_1494] {strides = array<i32>} : memref<520x128xf32, #tpu.memory_space<vmem>>, vector<16xf32>,
        %parallel_loop3A_1496 = arith.constant 0 : i32
        %parallel_loop3A_1497 = arith.constant 0 : i32
        %parallel_loop3A_1498 = tpu.memref_slice %arg8[%parallel_loop3A_187, %parallel_loop3A_1496, %parallel_loop3A_1497] : memref<2x64x128xf32, #tpu.memory_space<vmem>> -> memref<1x64x128xf32, #tpu.memory_space<vmem>>
        %parallel_loop3A_1499 = tpu.memref_squeeze %parallel_loop3A_1498 : memref<1x64x128xf32, #tpu.memory_space<vmem>> -> memref<64x128xf32, #tpu.memory_space<vmem>>
        %parallel_loop3A_1500 = arith.index_cast %parallel_loop3A_1452 : i32 to index
        %parallel_loop3A_1501 = arith.constant 64 : index
        %parallel_loop3A_1502 = tpu.vector_load %parallel_loop3A_1499[%parallel_loop3A_1500, %parallel_loop3A_1501] {strides = array<i32>} : memref<64x128xf32, #tpu.memory_space<vmem>>, vector<16xf32>,
        tpu.vector_store %parallel_loop3A_1499[%parallel_loop3A_1500, %parallel_loop3A_1501], %parallel_loop3A_1495 {strides = array<i32>} : memref<64x128xf32, #tpu.memory_space<vmem>>, vector<16xf32>,
        %parallel_loop3A_1503 = arith.index_cast %parallel_loop3A_1448 : i32 to index
        %parallel_loop3A_1504 = arith.constant 80 : index
        %parallel_loop3A_1505 = tpu.vector_load %arg5[%parallel_loop3A_1503, %parallel_loop3A_1504] {strides = array<i32>} : memref<520x128xf32, #tpu.memory_space<vmem>>, vector<16xf32>,
        %parallel_loop3A_1506 = arith.constant 0 : i32
        %parallel_loop3A_1507 = arith.constant 0 : i32
        %parallel_loop3A_1508 = tpu.memref_slice %arg8[%parallel_loop3A_187, %parallel_loop3A_1506, %parallel_loop3A_1507] : memref<2x64x128xf32, #tpu.memory_space<vmem>> -> memref<1x64x128xf32, #tpu.memory_space<vmem>>
        %parallel_loop3A_1509 = tpu.memref_squeeze %parallel_loop3A_1508 : memref<1x64x128xf32, #tpu.memory_space<vmem>> -> memref<64x128xf32, #tpu.memory_space<vmem>>
        %parallel_loop3A_1510 = arith.index_cast %parallel_loop3A_1452 : i32 to index
        %parallel_loop3A_1511 = arith.constant 80 : index
        %parallel_loop3A_1512 = tpu.vector_load %parallel_loop3A_1509[%parallel_loop3A_1510, %parallel_loop3A_1511] {strides = array<i32>} : memref<64x128xf32, #tpu.memory_space<vmem>>, vector<16xf32>,
        tpu.vector_store %parallel_loop3A_1509[%parallel_loop3A_1510, %parallel_loop3A_1511], %parallel_loop3A_1505 {strides = array<i32>} : memref<64x128xf32, #tpu.memory_space<vmem>>, vector<16xf32>,
        %parallel_loop3A_1513 = arith.index_cast %parallel_loop3A_1448 : i32 to index
        %parallel_loop3A_1514 = arith.constant 96 : index
        %parallel_loop3A_1515 = tpu.vector_load %arg5[%parallel_loop3A_1513, %parallel_loop3A_1514] {strides = array<i32>} : memref<520x128xf32, #tpu.memory_space<vmem>>, vector<16xf32>,
        %parallel_loop3A_1516 = arith.constant 0 : i32
        %parallel_loop3A_1517 = arith.constant 0 : i32
        %parallel_loop3A_1518 = tpu.memref_slice %arg8[%parallel_loop3A_187, %parallel_loop3A_1516, %parallel_loop3A_1517] : memref<2x64x128xf32, #tpu.memory_space<vmem>> -> memref<1x64x128xf32, #tpu.memory_space<vmem>>
        %parallel_loop3A_1519 = tpu.memref_squeeze %parallel_loop3A_1518 : memref<1x64x128xf32, #tpu.memory_space<vmem>> -> memref<64x128xf32, #tpu.memory_space<vmem>>
        %parallel_loop3A_1520 = arith.index_cast %parallel_loop3A_1452 : i32 to index
        %parallel_loop3A_1521 = arith.constant 96 : index
        %parallel_loop3A_1522 = tpu.vector_load %parallel_loop3A_1519[%parallel_loop3A_1520, %parallel_loop3A_1521] {strides = array<i32>} : memref<64x128xf32, #tpu.memory_space<vmem>>, vector<16xf32>,
        tpu.vector_store %parallel_loop3A_1519[%parallel_loop3A_1520, %parallel_loop3A_1521], %parallel_loop3A_1515 {strides = array<i32>} : memref<64x128xf32, #tpu.memory_space<vmem>>, vector<16xf32>,
        %parallel_loop3A_1523 = arith.index_cast %parallel_loop3A_1448 : i32 to index
        %parallel_loop3A_1524 = arith.constant 112 : index
        %parallel_loop3A_1525 = tpu.vector_load %arg5[%parallel_loop3A_1523, %parallel_loop3A_1524] {strides = array<i32>} : memref<520x128xf32, #tpu.memory_space<vmem>>, vector<16xf32>,
        %parallel_loop3A_1526 = arith.constant 0 : i32
        %parallel_loop3A_1527 = arith.constant 0 : i32
        %parallel_loop3A_1528 = tpu.memref_slice %arg8[%parallel_loop3A_187, %parallel_loop3A_1526, %parallel_loop3A_1527] : memref<2x64x128xf32, #tpu.memory_space<vmem>> -> memref<1x64x128xf32, #tpu.memory_space<vmem>>
        %parallel_loop3A_1529 = tpu.memref_squeeze %parallel_loop3A_1528 : memref<1x64x128xf32, #tpu.memory_space<vmem>> -> memref<64x128xf32, #tpu.memory_space<vmem>>
        %parallel_loop3A_1530 = arith.index_cast %parallel_loop3A_1452 : i32 to index
        %parallel_loop3A_1531 = arith.constant 112 : index
        %parallel_loop3A_1532 = tpu.vector_load %parallel_loop3A_1529[%parallel_loop3A_1530, %parallel_loop3A_1531] {strides = array<i32>} : memref<64x128xf32, #tpu.memory_space<vmem>>, vector<16xf32>,
        tpu.vector_store %parallel_loop3A_1529[%parallel_loop3A_1530, %parallel_loop3A_1531], %parallel_loop3A_1525 {strides = array<i32>} : memref<64x128xf32, #tpu.memory_space<vmem>>, vector<16xf32>,
        %parallel_loop3A_1533 = vector.extract_strided_slice %parallel_loop3A_242 {offsets = [15], sizes = [1], strides = [1]} : vector<16xi32> to vector<1xi32>
        %parallel_loop3A_1534 = vector.extract %parallel_loop3A_1533[0] : i32 from vector<1xi32>
        %parallel_loop3A_1535 = arith.constant 16 : i32
        %parallel_loop3A_1536 = arith.muli %parallel_loop3A_235, %parallel_loop3A_1535 : i32
        %parallel_loop3A_1537 = arith.constant 15 : i32
        %parallel_loop3A_1538 = arith.addi %parallel_loop3A_1536, %parallel_loop3A_1537 : i32
        %parallel_loop3A_1539 = arith.index_cast %parallel_loop3A_1534 : i32 to index
        %parallel_loop3A_1540 = arith.constant 0 : index
        %parallel_loop3A_1541 = tpu.vector_load %arg5[%parallel_loop3A_1539, %parallel_loop3A_1540] {strides = array<i32>} : memref<520x128xf32, #tpu.memory_space<vmem>>, vector<16xf32>,
        %parallel_loop3A_1542 = arith.constant 0 : i32
        %parallel_loop3A_1543 = arith.constant 0 : i32
        %parallel_loop3A_1544 = tpu.memref_slice %arg8[%parallel_loop3A_187, %parallel_loop3A_1542, %parallel_loop3A_1543] : memref<2x64x128xf32, #tpu.memory_space<vmem>> -> memref<1x64x128xf32, #tpu.memory_space<vmem>>
        %parallel_loop3A_1545 = tpu.memref_squeeze %parallel_loop3A_1544 : memref<1x64x128xf32, #tpu.memory_space<vmem>> -> memref<64x128xf32, #tpu.memory_space<vmem>>
        %parallel_loop3A_1546 = arith.index_cast %parallel_loop3A_1538 : i32 to index
        %parallel_loop3A_1547 = arith.constant 0 : index
        %parallel_loop3A_1548 = tpu.vector_load %parallel_loop3A_1545[%parallel_loop3A_1546, %parallel_loop3A_1547] {strides = array<i32>} : memref<64x128xf32, #tpu.memory_space<vmem>>, vector<16xf32>,
        tpu.vector_store %parallel_loop3A_1545[%parallel_loop3A_1546, %parallel_loop3A_1547], %parallel_loop3A_1541 {strides = array<i32>} : memref<64x128xf32, #tpu.memory_space<vmem>>, vector<16xf32>,
        %parallel_loop3A_1549 = arith.index_cast %parallel_loop3A_1534 : i32 to index
        %parallel_loop3A_1550 = arith.constant 16 : index
        %parallel_loop3A_1551 = tpu.vector_load %arg5[%parallel_loop3A_1549, %parallel_loop3A_1550] {strides = array<i32>} : memref<520x128xf32, #tpu.memory_space<vmem>>, vector<16xf32>,
        %parallel_loop3A_1552 = arith.constant 0 : i32
        %parallel_loop3A_1553 = arith.constant 0 : i32
        %parallel_loop3A_1554 = tpu.memref_slice %arg8[%parallel_loop3A_187, %parallel_loop3A_1552, %parallel_loop3A_1553] : memref<2x64x128xf32, #tpu.memory_space<vmem>> -> memref<1x64x128xf32, #tpu.memory_space<vmem>>
        %parallel_loop3A_1555 = tpu.memref_squeeze %parallel_loop3A_1554 : memref<1x64x128xf32, #tpu.memory_space<vmem>> -> memref<64x128xf32, #tpu.memory_space<vmem>>
        %parallel_loop3A_1556 = arith.index_cast %parallel_loop3A_1538 : i32 to index
        %parallel_loop3A_1557 = arith.constant 16 : index
        %parallel_loop3A_1558 = tpu.vector_load %parallel_loop3A_1555[%parallel_loop3A_1556, %parallel_loop3A_1557] {strides = array<i32>} : memref<64x128xf32, #tpu.memory_space<vmem>>, vector<16xf32>,
        tpu.vector_store %parallel_loop3A_1555[%parallel_loop3A_1556, %parallel_loop3A_1557], %parallel_loop3A_1551 {strides = array<i32>} : memref<64x128xf32, #tpu.memory_space<vmem>>, vector<16xf32>,
        %parallel_loop3A_1559 = arith.index_cast %parallel_loop3A_1534 : i32 to index
        %parallel_loop3A_1560 = arith.constant 32 : index
        %parallel_loop3A_1561 = tpu.vector_load %arg5[%parallel_loop3A_1559, %parallel_loop3A_1560] {strides = array<i32>} : memref<520x128xf32, #tpu.memory_space<vmem>>, vector<16xf32>,
        %parallel_loop3A_1562 = arith.constant 0 : i32
        %parallel_loop3A_1563 = arith.constant 0 : i32
        %parallel_loop3A_1564 = tpu.memref_slice %arg8[%parallel_loop3A_187, %parallel_loop3A_1562, %parallel_loop3A_1563] : memref<2x64x128xf32, #tpu.memory_space<vmem>> -> memref<1x64x128xf32, #tpu.memory_space<vmem>>
        %parallel_loop3A_1565 = tpu.memref_squeeze %parallel_loop3A_1564 : memref<1x64x128xf32, #tpu.memory_space<vmem>> -> memref<64x128xf32, #tpu.memory_space<vmem>>
        %parallel_loop3A_1566 = arith.index_cast %parallel_loop3A_1538 : i32 to index
        %parallel_loop3A_1567 = arith.constant 32 : index
        %parallel_loop3A_1568 = tpu.vector_load %parallel_loop3A_1565[%parallel_loop3A_1566, %parallel_loop3A_1567] {strides = array<i32>} : memref<64x128xf32, #tpu.memory_space<vmem>>, vector<16xf32>,
        tpu.vector_store %parallel_loop3A_1565[%parallel_loop3A_1566, %parallel_loop3A_1567], %parallel_loop3A_1561 {strides = array<i32>} : memref<64x128xf32, #tpu.memory_space<vmem>>, vector<16xf32>,
        %parallel_loop3A_1569 = arith.index_cast %parallel_loop3A_1534 : i32 to index
        %parallel_loop3A_1570 = arith.constant 48 : index
        %parallel_loop3A_1571 = tpu.vector_load %arg5[%parallel_loop3A_1569, %parallel_loop3A_1570] {strides = array<i32>} : memref<520x128xf32, #tpu.memory_space<vmem>>, vector<16xf32>,
        %parallel_loop3A_1572 = arith.constant 0 : i32
        %parallel_loop3A_1573 = arith.constant 0 : i32
        %parallel_loop3A_1574 = tpu.memref_slice %arg8[%parallel_loop3A_187, %parallel_loop3A_1572, %parallel_loop3A_1573] : memref<2x64x128xf32, #tpu.memory_space<vmem>> -> memref<1x64x128xf32, #tpu.memory_space<vmem>>
        %parallel_loop3A_1575 = tpu.memref_squeeze %parallel_loop3A_1574 : memref<1x64x128xf32, #tpu.memory_space<vmem>> -> memref<64x128xf32, #tpu.memory_space<vmem>>
        %parallel_loop3A_1576 = arith.index_cast %parallel_loop3A_1538 : i32 to index
        %parallel_loop3A_1577 = arith.constant 48 : index
        %parallel_loop3A_1578 = tpu.vector_load %parallel_loop3A_1575[%parallel_loop3A_1576, %parallel_loop3A_1577] {strides = array<i32>} : memref<64x128xf32, #tpu.memory_space<vmem>>, vector<16xf32>,
        tpu.vector_store %parallel_loop3A_1575[%parallel_loop3A_1576, %parallel_loop3A_1577], %parallel_loop3A_1571 {strides = array<i32>} : memref<64x128xf32, #tpu.memory_space<vmem>>, vector<16xf32>,
        %parallel_loop3A_1579 = arith.index_cast %parallel_loop3A_1534 : i32 to index
        %parallel_loop3A_1580 = arith.constant 64 : index
        %parallel_loop3A_1581 = tpu.vector_load %arg5[%parallel_loop3A_1579, %parallel_loop3A_1580] {strides = array<i32>} : memref<520x128xf32, #tpu.memory_space<vmem>>, vector<16xf32>,
        %parallel_loop3A_1582 = arith.constant 0 : i32
        %parallel_loop3A_1583 = arith.constant 0 : i32
        %parallel_loop3A_1584 = tpu.memref_slice %arg8[%parallel_loop3A_187, %parallel_loop3A_1582, %parallel_loop3A_1583] : memref<2x64x128xf32, #tpu.memory_space<vmem>> -> memref<1x64x128xf32, #tpu.memory_space<vmem>>
        %parallel_loop3A_1585 = tpu.memref_squeeze %parallel_loop3A_1584 : memref<1x64x128xf32, #tpu.memory_space<vmem>> -> memref<64x128xf32, #tpu.memory_space<vmem>>
        %parallel_loop3A_1586 = arith.index_cast %parallel_loop3A_1538 : i32 to index
        %parallel_loop3A_1587 = arith.constant 64 : index
        %parallel_loop3A_1588 = tpu.vector_load %parallel_loop3A_1585[%parallel_loop3A_1586, %parallel_loop3A_1587] {strides = array<i32>} : memref<64x128xf32, #tpu.memory_space<vmem>>, vector<16xf32>,
        tpu.vector_store %parallel_loop3A_1585[%parallel_loop3A_1586, %parallel_loop3A_1587], %parallel_loop3A_1581 {strides = array<i32>} : memref<64x128xf32, #tpu.memory_space<vmem>>, vector<16xf32>,
        %parallel_loop3A_1589 = arith.index_cast %parallel_loop3A_1534 : i32 to index
        %parallel_loop3A_1590 = arith.constant 80 : index
        %parallel_loop3A_1591 = tpu.vector_load %arg5[%parallel_loop3A_1589, %parallel_loop3A_1590] {strides = array<i32>} : memref<520x128xf32, #tpu.memory_space<vmem>>, vector<16xf32>,
        %parallel_loop3A_1592 = arith.constant 0 : i32
        %parallel_loop3A_1593 = arith.constant 0 : i32
        %parallel_loop3A_1594 = tpu.memref_slice %arg8[%parallel_loop3A_187, %parallel_loop3A_1592, %parallel_loop3A_1593] : memref<2x64x128xf32, #tpu.memory_space<vmem>> -> memref<1x64x128xf32, #tpu.memory_space<vmem>>
        %parallel_loop3A_1595 = tpu.memref_squeeze %parallel_loop3A_1594 : memref<1x64x128xf32, #tpu.memory_space<vmem>> -> memref<64x128xf32, #tpu.memory_space<vmem>>
        %parallel_loop3A_1596 = arith.index_cast %parallel_loop3A_1538 : i32 to index
        %parallel_loop3A_1597 = arith.constant 80 : index
        %parallel_loop3A_1598 = tpu.vector_load %parallel_loop3A_1595[%parallel_loop3A_1596, %parallel_loop3A_1597] {strides = array<i32>} : memref<64x128xf32, #tpu.memory_space<vmem>>, vector<16xf32>,
        tpu.vector_store %parallel_loop3A_1595[%parallel_loop3A_1596, %parallel_loop3A_1597], %parallel_loop3A_1591 {strides = array<i32>} : memref<64x128xf32, #tpu.memory_space<vmem>>, vector<16xf32>,
        %parallel_loop3A_1599 = arith.index_cast %parallel_loop3A_1534 : i32 to index
        %parallel_loop3A_1600 = arith.constant 96 : index
        %parallel_loop3A_1601 = tpu.vector_load %arg5[%parallel_loop3A_1599, %parallel_loop3A_1600] {strides = array<i32>} : memref<520x128xf32, #tpu.memory_space<vmem>>, vector<16xf32>,
        %parallel_loop3A_1602 = arith.constant 0 : i32
        %parallel_loop3A_1603 = arith.constant 0 : i32
        %parallel_loop3A_1604 = tpu.memref_slice %arg8[%parallel_loop3A_187, %parallel_loop3A_1602, %parallel_loop3A_1603] : memref<2x64x128xf32, #tpu.memory_space<vmem>> -> memref<1x64x128xf32, #tpu.memory_space<vmem>>
        %parallel_loop3A_1605 = tpu.memref_squeeze %parallel_loop3A_1604 : memref<1x64x128xf32, #tpu.memory_space<vmem>> -> memref<64x128xf32, #tpu.memory_space<vmem>>
        %parallel_loop3A_1606 = arith.index_cast %parallel_loop3A_1538 : i32 to index
        %parallel_loop3A_1607 = arith.constant 96 : index
        %parallel_loop3A_1608 = tpu.vector_load %parallel_loop3A_1605[%parallel_loop3A_1606, %parallel_loop3A_1607] {strides = array<i32>} : memref<64x128xf32, #tpu.memory_space<vmem>>, vector<16xf32>,
        tpu.vector_store %parallel_loop3A_1605[%parallel_loop3A_1606, %parallel_loop3A_1607], %parallel_loop3A_1601 {strides = array<i32>} : memref<64x128xf32, #tpu.memory_space<vmem>>, vector<16xf32>,
        %parallel_loop3A_1609 = arith.index_cast %parallel_loop3A_1534 : i32 to index
        %parallel_loop3A_1610 = arith.constant 112 : index
        %parallel_loop3A_1611 = tpu.vector_load %arg5[%parallel_loop3A_1609, %parallel_loop3A_1610] {strides = array<i32>} : memref<520x128xf32, #tpu.memory_space<vmem>>, vector<16xf32>,
        %parallel_loop3A_1612 = arith.constant 0 : i32
        %parallel_loop3A_1613 = arith.constant 0 : i32
        %parallel_loop3A_1614 = tpu.memref_slice %arg8[%parallel_loop3A_187, %parallel_loop3A_1612, %parallel_loop3A_1613] : memref<2x64x128xf32, #tpu.memory_space<vmem>> -> memref<1x64x128xf32, #tpu.memory_space<vmem>>
        %parallel_loop3A_1615 = tpu.memref_squeeze %parallel_loop3A_1614 : memref<1x64x128xf32, #tpu.memory_space<vmem>> -> memref<64x128xf32, #tpu.memory_space<vmem>>
        %parallel_loop3A_1616 = arith.index_cast %parallel_loop3A_1538 : i32 to index
        %parallel_loop3A_1617 = arith.constant 112 : index
        %parallel_loop3A_1618 = tpu.vector_load %parallel_loop3A_1615[%parallel_loop3A_1616, %parallel_loop3A_1617] {strides = array<i32>} : memref<64x128xf32, #tpu.memory_space<vmem>>, vector<16xf32>,
        tpu.vector_store %parallel_loop3A_1615[%parallel_loop3A_1616, %parallel_loop3A_1617], %parallel_loop3A_1611 {strides = array<i32>} : memref<64x128xf32, #tpu.memory_space<vmem>>, vector<16xf32>,
      } {sc.loop_unroll_factor = 1 : i64, sc.parallel_access}
      %mul3A_188 = arith.constant 64 : i32
      %mul3A_189 = arith.muli %add3A_181, %mul3A_188 : i32
      %add3A_190 = arith.addi %add3A_138, %mul3A_189 : i32
      %mul3A_191 = arith.constant 128 : i32
      %mul3A_192 = arith.muli %select_n3A_54, %mul3A_191 : i32
      %dma_start3A_193 = arith.constant 0 : i32
      %dma_start3A_194 = arith.constant 0 : i32
      %dma_start3A_195 = arith.constant 0 : i32
      %dma_start3A_196 = tpu.memref_slice %arg8[%dma_start3A_193, %dma_start3A_194, %dma_start3A_195] : memref<2x64x128xf32, #tpu.memory_space<vmem>> -> memref<1x64x128xf32, #tpu.memory_space<vmem>>
      %dma_start3A_197 = tpu.memref_squeeze %dma_start3A_196 : memref<1x64x128xf32, #tpu.memory_space<vmem>> -> memref<64x128xf32, #tpu.memory_space<vmem>>
      %dma_start3A_198 = tpu.memref_slice %arg4[%add3A_190, %mul3A_192] : memref<8192x256xf32, #tpu.memory_space<hbm>> -> memref<64x128xf32, #tpu.memory_space<hbm>>
      %dma_start3A_199 = tpu.memref_slice %arg4[%add3A_190, %mul3A_192] : memref<8192x256xf32, #tpu.memory_space<hbm>> -> memref<64x128xf32, #tpu.memory_space<hbm>>
      %dma_start3A_200 = arith.constant 0 : i32
      %dma_start3A_201 = arith.constant 0 : i32
      %dma_start3A_202 = tpu.memref_slice %arg8[%dma_start3A_193, %dma_start3A_200, %dma_start3A_201] : memref<2x64x128xf32, #tpu.memory_space<vmem>> -> memref<1x64x128xf32, #tpu.memory_space<vmem>>
      %dma_start3A_203 = tpu.memref_squeeze %dma_start3A_202 : memref<1x64x128xf32, #tpu.memory_space<vmem>> -> memref<64x128xf32, #tpu.memory_space<vmem>>
      tpu.enqueue_dma source(%dma_start3A_203 : memref<64x128xf32, #tpu.memory_space<vmem>>) target(%dma_start3A_199 : memref<64x128xf32, #tpu.memory_space<hbm>>) target_semaphore(%arg10 : memref<!tpu.dma_semaphore, #tpu.memory_space<semaphore_mem>>)
      %mul3A_204 = arith.constant 2 : i32
      %mul3A_205 = arith.muli %scan3A_176, %mul3A_204 : i32
      %add3A_206 = arith.constant 1 : i32
      %add3A_207 = arith.addi %mul3A_205, %add3A_206 : i32
      %gt3A_208 = arith.constant 0 : i32
      %gt3A_209 = arith.cmpi sgt, %scan3A_176, %gt3A_208 : i32
      %convert_element_type3A_210 = arith.extui %gt3A_209 : i1 to i32
      %cond3A_211 = arith.constant 1 : i32
      %cond3A_212 = arith.constant 0 : i32
      %cond3A_213 = arith.cmpi ne, %convert_element_type3A_210, %cond3A_212 : i32
      scf.if %cond3A_213 {
        %dma_wait3A_235 = arith.constant 0 : i32
        %dma_wait3A_236 = arith.constant 0 : i32
        %dma_wait3A_237 = tpu.memref_slice %arg8[%cond3A_211, %dma_wait3A_235, %dma_wait3A_236] : memref<2x64x128xf32, #tpu.memory_space<vmem>> -> memref<1x64x128xf32, #tpu.memory_space<vmem>>
        %dma_wait3A_238 = tpu.memref_squeeze %dma_wait3A_237 : memref<1x64x128xf32, #tpu.memory_space<vmem>> -> memref<64x128xf32, #tpu.memory_space<vmem>>
        %dma_wait3A_239 = arith.constant 0 : i32
        %dma_wait3A_240 = arith.constant 0 : i32
        %dma_wait3A_241 = tpu.memref_slice %arg2[%dma_wait3A_239, %dma_wait3A_240] : memref<4096x256xf32, #tpu.memory_space<hbm>> -> memref<64x128xf32, #tpu.memory_space<hbm>>
        %dma_wait3A_242 = arith.constant 0 : i32
        %dma_wait3A_243 = arith.constant 0 : i32
        %dma_wait3A_244 = tpu.memref_slice %arg8[%cond3A_211, %dma_wait3A_242, %dma_wait3A_243] : memref<2x64x128xf32, #tpu.memory_space<vmem>> -> memref<1x64x128xf32, #tpu.memory_space<vmem>>
        %dma_wait3A_245 = tpu.memref_squeeze %dma_wait3A_244 : memref<1x64x128xf32, #tpu.memory_space<vmem>> -> memref<64x128xf32, #tpu.memory_space<vmem>>
        %dma_wait3A_246 = arith.constant 0 : i32
        %dma_wait3A_247 = arith.constant 0 : i32
        %dma_wait3A_248 = tpu.memref_slice %arg2[%dma_wait3A_246, %dma_wait3A_247] : memref<4096x256xf32, #tpu.memory_space<hbm>> -> memref<64x128xf32, #tpu.memory_space<hbm>>
        tpu.wait_dma2 semaphore(%arg11 : memref<!tpu.dma_semaphore, #tpu.memory_space<semaphore_mem>>) src(%dma_wait3A_248 : memref<64x128xf32, #tpu.memory_space<hbm>>) dst(%dma_wait3A_245 : memref<64x128xf32, #tpu.memory_space<vmem>>)
      } else {
      }
      %parallel_loop3A_214 = arith.constant 0 : i32
      %parallel_loop3A_215 = arith.constant 4 : i32
      %parallel_loop3A_216 = arith.constant 1 : i32
      %parallel_loop3A_217 = arith.constant 1 : i32
      scf.for %parallel_loop3A_235 = %parallel_loop3A_214 to %parallel_loop3A_215 step %parallel_loop3A_216  : i32 {
        %parallel_loop3A_236 = arith.constant 4 : i32
        %parallel_loop3A_237 = arith.muli %add3A_207, %parallel_loop3A_236 : i32
        %parallel_loop3A_238 = arith.addi %parallel_loop3A_237, %parallel_loop3A_235 : i32
        %parallel_loop3A_239 = arith.constant 16 : i32
        %parallel_loop3A_240 = arith.muli %parallel_loop3A_238, %parallel_loop3A_239 : i32
        %parallel_loop3A_241 = arith.index_cast %parallel_loop3A_240 : i32 to index
        %parallel_loop3A_242 = tpu.vector_load %arg7[%parallel_loop3A_241] {strides = array<i32>} : memref<512xi32, #tpu.memory_space<vmem>>, vector<16xi32>,
        %parallel_loop3A_243 = vector.extract_strided_slice %parallel_loop3A_242 {offsets = [0], sizes = [1], strides = [1]} : vector<16xi32> to vector<1xi32>
        %parallel_loop3A_244 = vector.extract %parallel_loop3A_243[0] : i32 from vector<1xi32>
        %parallel_loop3A_245 = arith.constant 16 : i32
        %parallel_loop3A_246 = arith.muli %parallel_loop3A_235, %parallel_loop3A_245 : i32
        %parallel_loop3A_247 = arith.constant 0 : i32
        %parallel_loop3A_248 = arith.addi %parallel_loop3A_246, %parallel_loop3A_247 : i32
        %parallel_loop3A_249 = arith.index_cast %parallel_loop3A_244 : i32 to index
        %parallel_loop3A_250 = arith.constant 0 : index
        %parallel_loop3A_251 = tpu.vector_load %arg5[%parallel_loop3A_249, %parallel_loop3A_250] {strides = array<i32>} : memref<520x128xf32, #tpu.memory_space<vmem>>, vector<16xf32>,
        %parallel_loop3A_252 = arith.constant 0 : i32
        %parallel_loop3A_253 = arith.constant 0 : i32
        %parallel_loop3A_254 = tpu.memref_slice %arg8[%parallel_loop3A_217, %parallel_loop3A_252, %parallel_loop3A_253] : memref<2x64x128xf32, #tpu.memory_space<vmem>> -> memref<1x64x128xf32, #tpu.memory_space<vmem>>
        %parallel_loop3A_255 = tpu.memref_squeeze %parallel_loop3A_254 : memref<1x64x128xf32, #tpu.memory_space<vmem>> -> memref<64x128xf32, #tpu.memory_space<vmem>>
        %parallel_loop3A_256 = arith.index_cast %parallel_loop3A_248 : i32 to index
        %parallel_loop3A_257 = arith.constant 0 : index
        %parallel_loop3A_258 = tpu.vector_load %parallel_loop3A_255[%parallel_loop3A_256, %parallel_loop3A_257] {strides = array<i32>} : memref<64x128xf32, #tpu.memory_space<vmem>>, vector<16xf32>,
        tpu.vector_store %parallel_loop3A_255[%parallel_loop3A_256, %parallel_loop3A_257], %parallel_loop3A_251 {strides = array<i32>} : memref<64x128xf32, #tpu.memory_space<vmem>>, vector<16xf32>,
        %parallel_loop3A_259 = arith.index_cast %parallel_loop3A_244 : i32 to index
        %parallel_loop3A_260 = arith.constant 16 : index
        %parallel_loop3A_261 = tpu.vector_load %arg5[%parallel_loop3A_259, %parallel_loop3A_260] {strides = array<i32>} : memref<520x128xf32, #tpu.memory_space<vmem>>, vector<16xf32>,
        %parallel_loop3A_262 = arith.constant 0 : i32
        %parallel_loop3A_263 = arith.constant 0 : i32
        %parallel_loop3A_264 = tpu.memref_slice %arg8[%parallel_loop3A_217, %parallel_loop3A_262, %parallel_loop3A_263] : memref<2x64x128xf32, #tpu.memory_space<vmem>> -> memref<1x64x128xf32, #tpu.memory_space<vmem>>
        %parallel_loop3A_265 = tpu.memref_squeeze %parallel_loop3A_264 : memref<1x64x128xf32, #tpu.memory_space<vmem>> -> memref<64x128xf32, #tpu.memory_space<vmem>>
        %parallel_loop3A_266 = arith.index_cast %parallel_loop3A_248 : i32 to index
        %parallel_loop3A_267 = arith.constant 16 : index
        %parallel_loop3A_268 = tpu.vector_load %parallel_loop3A_265[%parallel_loop3A_266, %parallel_loop3A_267] {strides = array<i32>} : memref<64x128xf32, #tpu.memory_space<vmem>>, vector<16xf32>,
        tpu.vector_store %parallel_loop3A_265[%parallel_loop3A_266, %parallel_loop3A_267], %parallel_loop3A_261 {strides = array<i32>} : memref<64x128xf32, #tpu.memory_space<vmem>>, vector<16xf32>,
        %parallel_loop3A_269 = arith.index_cast %parallel_loop3A_244 : i32 to index
        %parallel_loop3A_270 = arith.constant 32 : index
        %parallel_loop3A_271 = tpu.vector_load %arg5[%parallel_loop3A_269, %parallel_loop3A_270] {strides = array<i32>} : memref<520x128xf32, #tpu.memory_space<vmem>>, vector<16xf32>,
        %parallel_loop3A_272 = arith.constant 0 : i32
        %parallel_loop3A_273 = arith.constant 0 : i32
        %parallel_loop3A_274 = tpu.memref_slice %arg8[%parallel_loop3A_217, %parallel_loop3A_272, %parallel_loop3A_273] : memref<2x64x128xf32, #tpu.memory_space<vmem>> -> memref<1x64x128xf32, #tpu.memory_space<vmem>>
        %parallel_loop3A_275 = tpu.memref_squeeze %parallel_loop3A_274 : memref<1x64x128xf32, #tpu.memory_space<vmem>> -> memref<64x128xf32, #tpu.memory_space<vmem>>
        %parallel_loop3A_276 = arith.index_cast %parallel_loop3A_248 : i32 to index
        %parallel_loop3A_277 = arith.constant 32 : index
        %parallel_loop3A_278 = tpu.vector_load %parallel_loop3A_275[%parallel_loop3A_276, %parallel_loop3A_277] {strides = array<i32>} : memref<64x128xf32, #tpu.memory_space<vmem>>, vector<16xf32>,
        tpu.vector_store %parallel_loop3A_275[%parallel_loop3A_276, %parallel_loop3A_277], %parallel_loop3A_271 {strides = array<i32>} : memref<64x128xf32, #tpu.memory_space<vmem>>, vector<16xf32>,
        %parallel_loop3A_279 = arith.index_cast %parallel_loop3A_244 : i32 to index
        %parallel_loop3A_280 = arith.constant 48 : index
        %parallel_loop3A_281 = tpu.vector_load %arg5[%parallel_loop3A_279, %parallel_loop3A_280] {strides = array<i32>} : memref<520x128xf32, #tpu.memory_space<vmem>>, vector<16xf32>,
        %parallel_loop3A_282 = arith.constant 0 : i32
        %parallel_loop3A_283 = arith.constant 0 : i32
        %parallel_loop3A_284 = tpu.memref_slice %arg8[%parallel_loop3A_217, %parallel_loop3A_282, %parallel_loop3A_283] : memref<2x64x128xf32, #tpu.memory_space<vmem>> -> memref<1x64x128xf32, #tpu.memory_space<vmem>>
        %parallel_loop3A_285 = tpu.memref_squeeze %parallel_loop3A_284 : memref<1x64x128xf32, #tpu.memory_space<vmem>> -> memref<64x128xf32, #tpu.memory_space<vmem>>
        %parallel_loop3A_286 = arith.index_cast %parallel_loop3A_248 : i32 to index
        %parallel_loop3A_287 = arith.constant 48 : index
        %parallel_loop3A_288 = tpu.vector_load %parallel_loop3A_285[%parallel_loop3A_286, %parallel_loop3A_287] {strides = array<i32>} : memref<64x128xf32, #tpu.memory_space<vmem>>, vector<16xf32>,
        tpu.vector_store %parallel_loop3A_285[%parallel_loop3A_286, %parallel_loop3A_287], %parallel_loop3A_281 {strides = array<i32>} : memref<64x128xf32, #tpu.memory_space<vmem>>, vector<16xf32>,
        %parallel_loop3A_289 = arith.index_cast %parallel_loop3A_244 : i32 to index
        %parallel_loop3A_290 = arith.constant 64 : index
        %parallel_loop3A_291 = tpu.vector_load %arg5[%parallel_loop3A_289, %parallel_loop3A_290] {strides = array<i32>} : memref<520x128xf32, #tpu.memory_space<vmem>>, vector<16xf32>,
        %parallel_loop3A_292 = arith.constant 0 : i32
        %parallel_loop3A_293 = arith.constant 0 : i32
        %parallel_loop3A_294 = tpu.memref_slice %arg8[%parallel_loop3A_217, %parallel_loop3A_292, %parallel_loop3A_293] : memref<2x64x128xf32, #tpu.memory_space<vmem>> -> memref<1x64x128xf32, #tpu.memory_space<vmem>>
        %parallel_loop3A_295 = tpu.memref_squeeze %parallel_loop3A_294 : memref<1x64x128xf32, #tpu.memory_space<vmem>> -> memref<64x128xf32, #tpu.memory_space<vmem>>
        %parallel_loop3A_296 = arith.index_cast %parallel_loop3A_248 : i32 to index
        %parallel_loop3A_297 = arith.constant 64 : index
        %parallel_loop3A_298 = tpu.vector_load %parallel_loop3A_295[%parallel_loop3A_296, %parallel_loop3A_297] {strides = array<i32>} : memref<64x128xf32, #tpu.memory_space<vmem>>, vector<16xf32>,
        tpu.vector_store %parallel_loop3A_295[%parallel_loop3A_296, %parallel_loop3A_297], %parallel_loop3A_291 {strides = array<i32>} : memref<64x128xf32, #tpu.memory_space<vmem>>, vector<16xf32>,
        %parallel_loop3A_299 = arith.index_cast %parallel_loop3A_244 : i32 to index
        %parallel_loop3A_300 = arith.constant 80 : index
        %parallel_loop3A_301 = tpu.vector_load %arg5[%parallel_loop3A_299, %parallel_loop3A_300] {strides = array<i32>} : memref<520x128xf32, #tpu.memory_space<vmem>>, vector<16xf32>,
        %parallel_loop3A_302 = arith.constant 0 : i32
        %parallel_loop3A_303 = arith.constant 0 : i32
        %parallel_loop3A_304 = tpu.memref_slice %arg8[%parallel_loop3A_217, %parallel_loop3A_302, %parallel_loop3A_303] : memref<2x64x128xf32, #tpu.memory_space<vmem>> -> memref<1x64x128xf32, #tpu.memory_space<vmem>>
        %parallel_loop3A_305 = tpu.memref_squeeze %parallel_loop3A_304 : memref<1x64x128xf32, #tpu.memory_space<vmem>> -> memref<64x128xf32, #tpu.memory_space<vmem>>
        %parallel_loop3A_306 = arith.index_cast %parallel_loop3A_248 : i32 to index
        %parallel_loop3A_307 = arith.constant 80 : index
        %parallel_loop3A_308 = tpu.vector_load %parallel_loop3A_305[%parallel_loop3A_306, %parallel_loop3A_307] {strides = array<i32>} : memref<64x128xf32, #tpu.memory_space<vmem>>, vector<16xf32>,
        tpu.vector_store %parallel_loop3A_305[%parallel_loop3A_306, %parallel_loop3A_307], %parallel_loop3A_301 {strides = array<i32>} : memref<64x128xf32, #tpu.memory_space<vmem>>, vector<16xf32>,
        %parallel_loop3A_309 = arith.index_cast %parallel_loop3A_244 : i32 to index
        %parallel_loop3A_310 = arith.constant 96 : index
        %parallel_loop3A_311 = tpu.vector_load %arg5[%parallel_loop3A_309, %parallel_loop3A_310] {strides = array<i32>} : memref<520x128xf32, #tpu.memory_space<vmem>>, vector<16xf32>,
        %parallel_loop3A_312 = arith.constant 0 : i32
        %parallel_loop3A_313 = arith.constant 0 : i32
        %parallel_loop3A_314 = tpu.memref_slice %arg8[%parallel_loop3A_217, %parallel_loop3A_312, %parallel_loop3A_313] : memref<2x64x128xf32, #tpu.memory_space<vmem>> -> memref<1x64x128xf32, #tpu.memory_space<vmem>>
        %parallel_loop3A_315 = tpu.memref_squeeze %parallel_loop3A_314 : memref<1x64x128xf32, #tpu.memory_space<vmem>> -> memref<64x128xf32, #tpu.memory_space<vmem>>
        %parallel_loop3A_316 = arith.index_cast %parallel_loop3A_248 : i32 to index
        %parallel_loop3A_317 = arith.constant 96 : index
        %parallel_loop3A_318 = tpu.vector_load %parallel_loop3A_315[%parallel_loop3A_316, %parallel_loop3A_317] {strides = array<i32>} : memref<64x128xf32, #tpu.memory_space<vmem>>, vector<16xf32>,
        tpu.vector_store %parallel_loop3A_315[%parallel_loop3A_316, %parallel_loop3A_317], %parallel_loop3A_311 {strides = array<i32>} : memref<64x128xf32, #tpu.memory_space<vmem>>, vector<16xf32>,
        %parallel_loop3A_319 = arith.index_cast %parallel_loop3A_244 : i32 to index
        %parallel_loop3A_320 = arith.constant 112 : index
        %parallel_loop3A_321 = tpu.vector_load %arg5[%parallel_loop3A_319, %parallel_loop3A_320] {strides = array<i32>} : memref<520x128xf32, #tpu.memory_space<vmem>>, vector<16xf32>,
        %parallel_loop3A_322 = arith.constant 0 : i32
        %parallel_loop3A_323 = arith.constant 0 : i32
        %parallel_loop3A_324 = tpu.memref_slice %arg8[%parallel_loop3A_217, %parallel_loop3A_322, %parallel_loop3A_323] : memref<2x64x128xf32, #tpu.memory_space<vmem>> -> memref<1x64x128xf32, #tpu.memory_space<vmem>>
        %parallel_loop3A_325 = tpu.memref_squeeze %parallel_loop3A_324 : memref<1x64x128xf32, #tpu.memory_space<vmem>> -> memref<64x128xf32, #tpu.memory_space<vmem>>
        %parallel_loop3A_326 = arith.index_cast %parallel_loop3A_248 : i32 to index
        %parallel_loop3A_327 = arith.constant 112 : index
        %parallel_loop3A_328 = tpu.vector_load %parallel_loop3A_325[%parallel_loop3A_326, %parallel_loop3A_327] {strides = array<i32>} : memref<64x128xf32, #tpu.memory_space<vmem>>, vector<16xf32>,
        tpu.vector_store %parallel_loop3A_325[%parallel_loop3A_326, %parallel_loop3A_327], %parallel_loop3A_321 {strides = array<i32>} : memref<64x128xf32, #tpu.memory_space<vmem>>, vector<16xf32>,
        %parallel_loop3A_329 = vector.extract_strided_slice %parallel_loop3A_242 {offsets = [1], sizes = [1], strides = [1]} : vector<16xi32> to vector<1xi32>
        %parallel_loop3A_330 = vector.extract %parallel_loop3A_329[0] : i32 from vector<1xi32>
        %parallel_loop3A_331 = arith.constant 16 : i32
        %parallel_loop3A_332 = arith.muli %parallel_loop3A_235, %parallel_loop3A_331 : i32
        %parallel_loop3A_333 = arith.constant 1 : i32
        %parallel_loop3A_334 = arith.addi %parallel_loop3A_332, %parallel_loop3A_333 : i32
        %parallel_loop3A_335 = arith.index_cast %parallel_loop3A_330 : i32 to index
        %parallel_loop3A_336 = arith.constant 0 : index
        %parallel_loop3A_337 = tpu.vector_load %arg5[%parallel_loop3A_335, %parallel_loop3A_336] {strides = array<i32>} : memref<520x128xf32, #tpu.memory_space<vmem>>, vector<16xf32>,
        %parallel_loop3A_338 = arith.constant 0 : i32
        %parallel_loop3A_339 = arith.constant 0 : i32
        %parallel_loop3A_340 = tpu.memref_slice %arg8[%parallel_loop3A_217, %parallel_loop3A_338, %parallel_loop3A_339] : memref<2x64x128xf32, #tpu.memory_space<vmem>> -> memref<1x64x128xf32, #tpu.memory_space<vmem>>
        %parallel_loop3A_341 = tpu.memref_squeeze %parallel_loop3A_340 : memref<1x64x128xf32, #tpu.memory_space<vmem>> -> memref<64x128xf32, #tpu.memory_space<vmem>>
        %parallel_loop3A_342 = arith.index_cast %parallel_loop3A_334 : i32 to index
        %parallel_loop3A_343 = arith.constant 0 : index
        %parallel_loop3A_344 = tpu.vector_load %parallel_loop3A_341[%parallel_loop3A_342, %parallel_loop3A_343] {strides = array<i32>} : memref<64x128xf32, #tpu.memory_space<vmem>>, vector<16xf32>,
        tpu.vector_store %parallel_loop3A_341[%parallel_loop3A_342, %parallel_loop3A_343], %parallel_loop3A_337 {strides = array<i32>} : memref<64x128xf32, #tpu.memory_space<vmem>>, vector<16xf32>,
        %parallel_loop3A_345 = arith.index_cast %parallel_loop3A_330 : i32 to index
        %parallel_loop3A_346 = arith.constant 16 : index
        %parallel_loop3A_347 = tpu.vector_load %arg5[%parallel_loop3A_345, %parallel_loop3A_346] {strides = array<i32>} : memref<520x128xf32, #tpu.memory_space<vmem>>, vector<16xf32>,
        %parallel_loop3A_348 = arith.constant 0 : i32
        %parallel_loop3A_349 = arith.constant 0 : i32
        %parallel_loop3A_350 = tpu.memref_slice %arg8[%parallel_loop3A_217, %parallel_loop3A_348, %parallel_loop3A_349] : memref<2x64x128xf32, #tpu.memory_space<vmem>> -> memref<1x64x128xf32, #tpu.memory_space<vmem>>
        %parallel_loop3A_351 = tpu.memref_squeeze %parallel_loop3A_350 : memref<1x64x128xf32, #tpu.memory_space<vmem>> -> memref<64x128xf32, #tpu.memory_space<vmem>>
        %parallel_loop3A_352 = arith.index_cast %parallel_loop3A_334 : i32 to index
        %parallel_loop3A_353 = arith.constant 16 : index
        %parallel_loop3A_354 = tpu.vector_load %parallel_loop3A_351[%parallel_loop3A_352, %parallel_loop3A_353] {strides = array<i32>} : memref<64x128xf32, #tpu.memory_space<vmem>>, vector<16xf32>,
        tpu.vector_store %parallel_loop3A_351[%parallel_loop3A_352, %parallel_loop3A_353], %parallel_loop3A_347 {strides = array<i32>} : memref<64x128xf32, #tpu.memory_space<vmem>>, vector<16xf32>,
        %parallel_loop3A_355 = arith.index_cast %parallel_loop3A_330 : i32 to index
        %parallel_loop3A_356 = arith.constant 32 : index
        %parallel_loop3A_357 = tpu.vector_load %arg5[%parallel_loop3A_355, %parallel_loop3A_356] {strides = array<i32>} : memref<520x128xf32, #tpu.memory_space<vmem>>, vector<16xf32>,
        %parallel_loop3A_358 = arith.constant 0 : i32
        %parallel_loop3A_359 = arith.constant 0 : i32
        %parallel_loop3A_360 = tpu.memref_slice %arg8[%parallel_loop3A_217, %parallel_loop3A_358, %parallel_loop3A_359] : memref<2x64x128xf32, #tpu.memory_space<vmem>> -> memref<1x64x128xf32, #tpu.memory_space<vmem>>
        %parallel_loop3A_361 = tpu.memref_squeeze %parallel_loop3A_360 : memref<1x64x128xf32, #tpu.memory_space<vmem>> -> memref<64x128xf32, #tpu.memory_space<vmem>>
        %parallel_loop3A_362 = arith.index_cast %parallel_loop3A_334 : i32 to index
        %parallel_loop3A_363 = arith.constant 32 : index
        %parallel_loop3A_364 = tpu.vector_load %parallel_loop3A_361[%parallel_loop3A_362, %parallel_loop3A_363] {strides = array<i32>} : memref<64x128xf32, #tpu.memory_space<vmem>>, vector<16xf32>,
        tpu.vector_store %parallel_loop3A_361[%parallel_loop3A_362, %parallel_loop3A_363], %parallel_loop3A_357 {strides = array<i32>} : memref<64x128xf32, #tpu.memory_space<vmem>>, vector<16xf32>,
        %parallel_loop3A_365 = arith.index_cast %parallel_loop3A_330 : i32 to index
        %parallel_loop3A_366 = arith.constant 48 : index
        %parallel_loop3A_367 = tpu.vector_load %arg5[%parallel_loop3A_365, %parallel_loop3A_366] {strides = array<i32>} : memref<520x128xf32, #tpu.memory_space<vmem>>, vector<16xf32>,
        %parallel_loop3A_368 = arith.constant 0 : i32
        %parallel_loop3A_369 = arith.constant 0 : i32
        %parallel_loop3A_370 = tpu.memref_slice %arg8[%parallel_loop3A_217, %parallel_loop3A_368, %parallel_loop3A_369] : memref<2x64x128xf32, #tpu.memory_space<vmem>> -> memref<1x64x128xf32, #tpu.memory_space<vmem>>
        %parallel_loop3A_371 = tpu.memref_squeeze %parallel_loop3A_370 : memref<1x64x128xf32, #tpu.memory_space<vmem>> -> memref<64x128xf32, #tpu.memory_space<vmem>>
        %parallel_loop3A_372 = arith.index_cast %parallel_loop3A_334 : i32 to index
        %parallel_loop3A_373 = arith.constant 48 : index
        %parallel_loop3A_374 = tpu.vector_load %parallel_loop3A_371[%parallel_loop3A_372, %parallel_loop3A_373] {strides = array<i32>} : memref<64x128xf32, #tpu.memory_space<vmem>>, vector<16xf32>,
        tpu.vector_store %parallel_loop3A_371[%parallel_loop3A_372, %parallel_loop3A_373], %parallel_loop3A_367 {strides = array<i32>} : memref<64x128xf32, #tpu.memory_space<vmem>>, vector<16xf32>,
        %parallel_loop3A_375 = arith.index_cast %parallel_loop3A_330 : i32 to index
        %parallel_loop3A_376 = arith.constant 64 : index
        %parallel_loop3A_377 = tpu.vector_load %arg5[%parallel_loop3A_375, %parallel_loop3A_376] {strides = array<i32>} : memref<520x128xf32, #tpu.memory_space<vmem>>, vector<16xf32>,
        %parallel_loop3A_378 = arith.constant 0 : i32
        %parallel_loop3A_379 = arith.constant 0 : i32
        %parallel_loop3A_380 = tpu.memref_slice %arg8[%parallel_loop3A_217, %parallel_loop3A_378, %parallel_loop3A_379] : memref<2x64x128xf32, #tpu.memory_space<vmem>> -> memref<1x64x128xf32, #tpu.memory_space<vmem>>
        %parallel_loop3A_381 = tpu.memref_squeeze %parallel_loop3A_380 : memref<1x64x128xf32, #tpu.memory_space<vmem>> -> memref<64x128xf32, #tpu.memory_space<vmem>>
        %parallel_loop3A_382 = arith.index_cast %parallel_loop3A_334 : i32 to index
        %parallel_loop3A_383 = arith.constant 64 : index
        %parallel_loop3A_384 = tpu.vector_load %parallel_loop3A_381[%parallel_loop3A_382, %parallel_loop3A_383] {strides = array<i32>} : memref<64x128xf32, #tpu.memory_space<vmem>>, vector<16xf32>,
        tpu.vector_store %parallel_loop3A_381[%parallel_loop3A_382, %parallel_loop3A_383], %parallel_loop3A_377 {strides = array<i32>} : memref<64x128xf32, #tpu.memory_space<vmem>>, vector<16xf32>,
        %parallel_loop3A_385 = arith.index_cast %parallel_loop3A_330 : i32 to index
        %parallel_loop3A_386 = arith.constant 80 : index
        %parallel_loop3A_387 = tpu.vector_load %arg5[%parallel_loop3A_385, %parallel_loop3A_386] {strides = array<i32>} : memref<520x128xf32, #tpu.memory_space<vmem>>, vector<16xf32>,
        %parallel_loop3A_388 = arith.constant 0 : i32
        %parallel_loop3A_389 = arith.constant 0 : i32
        %parallel_loop3A_390 = tpu.memref_slice %arg8[%parallel_loop3A_217, %parallel_loop3A_388, %parallel_loop3A_389] : memref<2x64x128xf32, #tpu.memory_space<vmem>> -> memref<1x64x128xf32, #tpu.memory_space<vmem>>
        %parallel_loop3A_391 = tpu.memref_squeeze %parallel_loop3A_390 : memref<1x64x128xf32, #tpu.memory_space<vmem>> -> memref<64x128xf32, #tpu.memory_space<vmem>>
        %parallel_loop3A_392 = arith.index_cast %parallel_loop3A_334 : i32 to index
        %parallel_loop3A_393 = arith.constant 80 : index
        %parallel_loop3A_394 = tpu.vector_load %parallel_loop3A_391[%parallel_loop3A_392, %parallel_loop3A_393] {strides = array<i32>} : memref<64x128xf32, #tpu.memory_space<vmem>>, vector<16xf32>,
        tpu.vector_store %parallel_loop3A_391[%parallel_loop3A_392, %parallel_loop3A_393], %parallel_loop3A_387 {strides = array<i32>} : memref<64x128xf32, #tpu.memory_space<vmem>>, vector<16xf32>,
        %parallel_loop3A_395 = arith.index_cast %parallel_loop3A_330 : i32 to index
        %parallel_loop3A_396 = arith.constant 96 : index
        %parallel_loop3A_397 = tpu.vector_load %arg5[%parallel_loop3A_395, %parallel_loop3A_396] {strides = array<i32>} : memref<520x128xf32, #tpu.memory_space<vmem>>, vector<16xf32>,
        %parallel_loop3A_398 = arith.constant 0 : i32
        %parallel_loop3A_399 = arith.constant 0 : i32
        %parallel_loop3A_400 = tpu.memref_slice %arg8[%parallel_loop3A_217, %parallel_loop3A_398, %parallel_loop3A_399] : memref<2x64x128xf32, #tpu.memory_space<vmem>> -> memref<1x64x128xf32, #tpu.memory_space<vmem>>
        %parallel_loop3A_401 = tpu.memref_squeeze %parallel_loop3A_400 : memref<1x64x128xf32, #tpu.memory_space<vmem>> -> memref<64x128xf32, #tpu.memory_space<vmem>>
        %parallel_loop3A_402 = arith.index_cast %parallel_loop3A_334 : i32 to index
        %parallel_loop3A_403 = arith.constant 96 : index
        %parallel_loop3A_404 = tpu.vector_load %parallel_loop3A_401[%parallel_loop3A_402, %parallel_loop3A_403] {strides = array<i32>} : memref<64x128xf32, #tpu.memory_space<vmem>>, vector<16xf32>,
        tpu.vector_store %parallel_loop3A_401[%parallel_loop3A_402, %parallel_loop3A_403], %parallel_loop3A_397 {strides = array<i32>} : memref<64x128xf32, #tpu.memory_space<vmem>>, vector<16xf32>,
        %parallel_loop3A_405 = arith.index_cast %parallel_loop3A_330 : i32 to index
        %parallel_loop3A_406 = arith.constant 112 : index
        %parallel_loop3A_407 = tpu.vector_load %arg5[%parallel_loop3A_405, %parallel_loop3A_406] {strides = array<i32>} : memref<520x128xf32, #tpu.memory_space<vmem>>, vector<16xf32>,
        %parallel_loop3A_408 = arith.constant 0 : i32
        %parallel_loop3A_409 = arith.constant 0 : i32
        %parallel_loop3A_410 = tpu.memref_slice %arg8[%parallel_loop3A_217, %parallel_loop3A_408, %parallel_loop3A_409] : memref<2x64x128xf32, #tpu.memory_space<vmem>> -> memref<1x64x128xf32, #tpu.memory_space<vmem>>
        %parallel_loop3A_411 = tpu.memref_squeeze %parallel_loop3A_410 : memref<1x64x128xf32, #tpu.memory_space<vmem>> -> memref<64x128xf32, #tpu.memory_space<vmem>>
        %parallel_loop3A_412 = arith.index_cast %parallel_loop3A_334 : i32 to index
        %parallel_loop3A_413 = arith.constant 112 : index
        %parallel_loop3A_414 = tpu.vector_load %parallel_loop3A_411[%parallel_loop3A_412, %parallel_loop3A_413] {strides = array<i32>} : memref<64x128xf32, #tpu.memory_space<vmem>>, vector<16xf32>,
        tpu.vector_store %parallel_loop3A_411[%parallel_loop3A_412, %parallel_loop3A_413], %parallel_loop3A_407 {strides = array<i32>} : memref<64x128xf32, #tpu.memory_space<vmem>>, vector<16xf32>,
        %parallel_loop3A_415 = vector.extract_strided_slice %parallel_loop3A_242 {offsets = [2], sizes = [1], strides = [1]} : vector<16xi32> to vector<1xi32>
        %parallel_loop3A_416 = vector.extract %parallel_loop3A_415[0] : i32 from vector<1xi32>
        %parallel_loop3A_417 = arith.constant 16 : i32
        %parallel_loop3A_418 = arith.muli %parallel_loop3A_235, %parallel_loop3A_417 : i32
        %parallel_loop3A_419 = arith.constant 2 : i32
        %parallel_loop3A_420 = arith.addi %parallel_loop3A_418, %parallel_loop3A_419 : i32
        %parallel_loop3A_421 = arith.index_cast %parallel_loop3A_416 : i32 to index
        %parallel_loop3A_422 = arith.constant 0 : index
        %parallel_loop3A_423 = tpu.vector_load %arg5[%parallel_loop3A_421, %parallel_loop3A_422] {strides = array<i32>} : memref<520x128xf32, #tpu.memory_space<vmem>>, vector<16xf32>,
        %parallel_loop3A_424 = arith.constant 0 : i32
        %parallel_loop3A_425 = arith.constant 0 : i32
        %parallel_loop3A_426 = tpu.memref_slice %arg8[%parallel_loop3A_217, %parallel_loop3A_424, %parallel_loop3A_425] : memref<2x64x128xf32, #tpu.memory_space<vmem>> -> memref<1x64x128xf32, #tpu.memory_space<vmem>>
        %parallel_loop3A_427 = tpu.memref_squeeze %parallel_loop3A_426 : memref<1x64x128xf32, #tpu.memory_space<vmem>> -> memref<64x128xf32, #tpu.memory_space<vmem>>
        %parallel_loop3A_428 = arith.index_cast %parallel_loop3A_420 : i32 to index
        %parallel_loop3A_429 = arith.constant 0 : index
        %parallel_loop3A_430 = tpu.vector_load %parallel_loop3A_427[%parallel_loop3A_428, %parallel_loop3A_429] {strides = array<i32>} : memref<64x128xf32, #tpu.memory_space<vmem>>, vector<16xf32>,
        tpu.vector_store %parallel_loop3A_427[%parallel_loop3A_428, %parallel_loop3A_429], %parallel_loop3A_423 {strides = array<i32>} : memref<64x128xf32, #tpu.memory_space<vmem>>, vector<16xf32>,
        %parallel_loop3A_431 = arith.index_cast %parallel_loop3A_416 : i32 to index
        %parallel_loop3A_432 = arith.constant 16 : index
        %parallel_loop3A_433 = tpu.vector_load %arg5[%parallel_loop3A_431, %parallel_loop3A_432] {strides = array<i32>} : memref<520x128xf32, #tpu.memory_space<vmem>>, vector<16xf32>,
        %parallel_loop3A_434 = arith.constant 0 : i32
        %parallel_loop3A_435 = arith.constant 0 : i32
        %parallel_loop3A_436 = tpu.memref_slice %arg8[%parallel_loop3A_217, %parallel_loop3A_434, %parallel_loop3A_435] : memref<2x64x128xf32, #tpu.memory_space<vmem>> -> memref<1x64x128xf32, #tpu.memory_space<vmem>>
        %parallel_loop3A_437 = tpu.memref_squeeze %parallel_loop3A_436 : memref<1x64x128xf32, #tpu.memory_space<vmem>> -> memref<64x128xf32, #tpu.memory_space<vmem>>
        %parallel_loop3A_438 = arith.index_cast %parallel_loop3A_420 : i32 to index
        %parallel_loop3A_439 = arith.constant 16 : index
        %parallel_loop3A_440 = tpu.vector_load %parallel_loop3A_437[%parallel_loop3A_438, %parallel_loop3A_439] {strides = array<i32>} : memref<64x128xf32, #tpu.memory_space<vmem>>, vector<16xf32>,
        tpu.vector_store %parallel_loop3A_437[%parallel_loop3A_438, %parallel_loop3A_439], %parallel_loop3A_433 {strides = array<i32>} : memref<64x128xf32, #tpu.memory_space<vmem>>, vector<16xf32>,
        %parallel_loop3A_441 = arith.index_cast %parallel_loop3A_416 : i32 to index
        %parallel_loop3A_442 = arith.constant 32 : index
        %parallel_loop3A_443 = tpu.vector_load %arg5[%parallel_loop3A_441, %parallel_loop3A_442] {strides = array<i32>} : memref<520x128xf32, #tpu.memory_space<vmem>>, vector<16xf32>,
        %parallel_loop3A_444 = arith.constant 0 : i32
        %parallel_loop3A_445 = arith.constant 0 : i32
        %parallel_loop3A_446 = tpu.memref_slice %arg8[%parallel_loop3A_217, %parallel_loop3A_444, %parallel_loop3A_445] : memref<2x64x128xf32, #tpu.memory_space<vmem>> -> memref<1x64x128xf32, #tpu.memory_space<vmem>>
        %parallel_loop3A_447 = tpu.memref_squeeze %parallel_loop3A_446 : memref<1x64x128xf32, #tpu.memory_space<vmem>> -> memref<64x128xf32, #tpu.memory_space<vmem>>
        %parallel_loop3A_448 = arith.index_cast %parallel_loop3A_420 : i32 to index
        %parallel_loop3A_449 = arith.constant 32 : index
        %parallel_loop3A_450 = tpu.vector_load %parallel_loop3A_447[%parallel_loop3A_448, %parallel_loop3A_449] {strides = array<i32>} : memref<64x128xf32, #tpu.memory_space<vmem>>, vector<16xf32>,
        tpu.vector_store %parallel_loop3A_447[%parallel_loop3A_448, %parallel_loop3A_449], %parallel_loop3A_443 {strides = array<i32>} : memref<64x128xf32, #tpu.memory_space<vmem>>, vector<16xf32>,
        %parallel_loop3A_451 = arith.index_cast %parallel_loop3A_416 : i32 to index
        %parallel_loop3A_452 = arith.constant 48 : index
        %parallel_loop3A_453 = tpu.vector_load %arg5[%parallel_loop3A_451, %parallel_loop3A_452] {strides = array<i32>} : memref<520x128xf32, #tpu.memory_space<vmem>>, vector<16xf32>,
        %parallel_loop3A_454 = arith.constant 0 : i32
        %parallel_loop3A_455 = arith.constant 0 : i32
        %parallel_loop3A_456 = tpu.memref_slice %arg8[%parallel_loop3A_217, %parallel_loop3A_454, %parallel_loop3A_455] : memref<2x64x128xf32, #tpu.memory_space<vmem>> -> memref<1x64x128xf32, #tpu.memory_space<vmem>>
        %parallel_loop3A_457 = tpu.memref_squeeze %parallel_loop3A_456 : memref<1x64x128xf32, #tpu.memory_space<vmem>> -> memref<64x128xf32, #tpu.memory_space<vmem>>
        %parallel_loop3A_458 = arith.index_cast %parallel_loop3A_420 : i32 to index
        %parallel_loop3A_459 = arith.constant 48 : index
        %parallel_loop3A_460 = tpu.vector_load %parallel_loop3A_457[%parallel_loop3A_458, %parallel_loop3A_459] {strides = array<i32>} : memref<64x128xf32, #tpu.memory_space<vmem>>, vector<16xf32>,
        tpu.vector_store %parallel_loop3A_457[%parallel_loop3A_458, %parallel_loop3A_459], %parallel_loop3A_453 {strides = array<i32>} : memref<64x128xf32, #tpu.memory_space<vmem>>, vector<16xf32>,
        %parallel_loop3A_461 = arith.index_cast %parallel_loop3A_416 : i32 to index
        %parallel_loop3A_462 = arith.constant 64 : index
        %parallel_loop3A_463 = tpu.vector_load %arg5[%parallel_loop3A_461, %parallel_loop3A_462] {strides = array<i32>} : memref<520x128xf32, #tpu.memory_space<vmem>>, vector<16xf32>,
        %parallel_loop3A_464 = arith.constant 0 : i32
        %parallel_loop3A_465 = arith.constant 0 : i32
        %parallel_loop3A_466 = tpu.memref_slice %arg8[%parallel_loop3A_217, %parallel_loop3A_464, %parallel_loop3A_465] : memref<2x64x128xf32, #tpu.memory_space<vmem>> -> memref<1x64x128xf32, #tpu.memory_space<vmem>>
        %parallel_loop3A_467 = tpu.memref_squeeze %parallel_loop3A_466 : memref<1x64x128xf32, #tpu.memory_space<vmem>> -> memref<64x128xf32, #tpu.memory_space<vmem>>
        %parallel_loop3A_468 = arith.index_cast %parallel_loop3A_420 : i32 to index
        %parallel_loop3A_469 = arith.constant 64 : index
        %parallel_loop3A_470 = tpu.vector_load %parallel_loop3A_467[%parallel_loop3A_468, %parallel_loop3A_469] {strides = array<i32>} : memref<64x128xf32, #tpu.memory_space<vmem>>, vector<16xf32>,
        tpu.vector_store %parallel_loop3A_467[%parallel_loop3A_468, %parallel_loop3A_469], %parallel_loop3A_463 {strides = array<i32>} : memref<64x128xf32, #tpu.memory_space<vmem>>, vector<16xf32>,
        %parallel_loop3A_471 = arith.index_cast %parallel_loop3A_416 : i32 to index
        %parallel_loop3A_472 = arith.constant 80 : index
        %parallel_loop3A_473 = tpu.vector_load %arg5[%parallel_loop3A_471, %parallel_loop3A_472] {strides = array<i32>} : memref<520x128xf32, #tpu.memory_space<vmem>>, vector<16xf32>,
        %parallel_loop3A_474 = arith.constant 0 : i32
        %parallel_loop3A_475 = arith.constant 0 : i32
        %parallel_loop3A_476 = tpu.memref_slice %arg8[%parallel_loop3A_217, %parallel_loop3A_474, %parallel_loop3A_475] : memref<2x64x128xf32, #tpu.memory_space<vmem>> -> memref<1x64x128xf32, #tpu.memory_space<vmem>>
        %parallel_loop3A_477 = tpu.memref_squeeze %parallel_loop3A_476 : memref<1x64x128xf32, #tpu.memory_space<vmem>> -> memref<64x128xf32, #tpu.memory_space<vmem>>
        %parallel_loop3A_478 = arith.index_cast %parallel_loop3A_420 : i32 to index
        %parallel_loop3A_479 = arith.constant 80 : index
        %parallel_loop3A_480 = tpu.vector_load %parallel_loop3A_477[%parallel_loop3A_478, %parallel_loop3A_479] {strides = array<i32>} : memref<64x128xf32, #tpu.memory_space<vmem>>, vector<16xf32>,
        tpu.vector_store %parallel_loop3A_477[%parallel_loop3A_478, %parallel_loop3A_479], %parallel_loop3A_473 {strides = array<i32>} : memref<64x128xf32, #tpu.memory_space<vmem>>, vector<16xf32>,
        %parallel_loop3A_481 = arith.index_cast %parallel_loop3A_416 : i32 to index
        %parallel_loop3A_482 = arith.constant 96 : index
        %parallel_loop3A_483 = tpu.vector_load %arg5[%parallel_loop3A_481, %parallel_loop3A_482] {strides = array<i32>} : memref<520x128xf32, #tpu.memory_space<vmem>>, vector<16xf32>,
        %parallel_loop3A_484 = arith.constant 0 : i32
        %parallel_loop3A_485 = arith.constant 0 : i32
        %parallel_loop3A_486 = tpu.memref_slice %arg8[%parallel_loop3A_217, %parallel_loop3A_484, %parallel_loop3A_485] : memref<2x64x128xf32, #tpu.memory_space<vmem>> -> memref<1x64x128xf32, #tpu.memory_space<vmem>>
        %parallel_loop3A_487 = tpu.memref_squeeze %parallel_loop3A_486 : memref<1x64x128xf32, #tpu.memory_space<vmem>> -> memref<64x128xf32, #tpu.memory_space<vmem>>
        %parallel_loop3A_488 = arith.index_cast %parallel_loop3A_420 : i32 to index
        %parallel_loop3A_489 = arith.constant 96 : index
        %parallel_loop3A_490 = tpu.vector_load %parallel_loop3A_487[%parallel_loop3A_488, %parallel_loop3A_489] {strides = array<i32>} : memref<64x128xf32, #tpu.memory_space<vmem>>, vector<16xf32>,
        tpu.vector_store %parallel_loop3A_487[%parallel_loop3A_488, %parallel_loop3A_489], %parallel_loop3A_483 {strides = array<i32>} : memref<64x128xf32, #tpu.memory_space<vmem>>, vector<16xf32>,
        %parallel_loop3A_491 = arith.index_cast %parallel_loop3A_416 : i32 to index
        %parallel_loop3A_492 = arith.constant 112 : index
        %parallel_loop3A_493 = tpu.vector_load %arg5[%parallel_loop3A_491, %parallel_loop3A_492] {strides = array<i32>} : memref<520x128xf32, #tpu.memory_space<vmem>>, vector<16xf32>,
        %parallel_loop3A_494 = arith.constant 0 : i32
        %parallel_loop3A_495 = arith.constant 0 : i32
        %parallel_loop3A_496 = tpu.memref_slice %arg8[%parallel_loop3A_217, %parallel_loop3A_494, %parallel_loop3A_495] : memref<2x64x128xf32, #tpu.memory_space<vmem>> -> memref<1x64x128xf32, #tpu.memory_space<vmem>>
        %parallel_loop3A_497 = tpu.memref_squeeze %parallel_loop3A_496 : memref<1x64x128xf32, #tpu.memory_space<vmem>> -> memref<64x128xf32, #tpu.memory_space<vmem>>
        %parallel_loop3A_498 = arith.index_cast %parallel_loop3A_420 : i32 to index
        %parallel_loop3A_499 = arith.constant 112 : index
        %parallel_loop3A_500 = tpu.vector_load %parallel_loop3A_497[%parallel_loop3A_498, %parallel_loop3A_499] {strides = array<i32>} : memref<64x128xf32, #tpu.memory_space<vmem>>, vector<16xf32>,
        tpu.vector_store %parallel_loop3A_497[%parallel_loop3A_498, %parallel_loop3A_499], %parallel_loop3A_493 {strides = array<i32>} : memref<64x128xf32, #tpu.memory_space<vmem>>, vector<16xf32>,
        %parallel_loop3A_501 = vector.extract_strided_slice %parallel_loop3A_242 {offsets = [3], sizes = [1], strides = [1]} : vector<16xi32> to vector<1xi32>
        %parallel_loop3A_502 = vector.extract %parallel_loop3A_501[0] : i32 from vector<1xi32>
        %parallel_loop3A_503 = arith.constant 16 : i32
        %parallel_loop3A_504 = arith.muli %parallel_loop3A_235, %parallel_loop3A_503 : i32
        %parallel_loop3A_505 = arith.constant 3 : i32
        %parallel_loop3A_506 = arith.addi %parallel_loop3A_504, %parallel_loop3A_505 : i32
        %parallel_loop3A_507 = arith.index_cast %parallel_loop3A_502 : i32 to index
        %parallel_loop3A_508 = arith.constant 0 : index
        %parallel_loop3A_509 = tpu.vector_load %arg5[%parallel_loop3A_507, %parallel_loop3A_508] {strides = array<i32>} : memref<520x128xf32, #tpu.memory_space<vmem>>, vector<16xf32>,
        %parallel_loop3A_510 = arith.constant 0 : i32
        %parallel_loop3A_511 = arith.constant 0 : i32
        %parallel_loop3A_512 = tpu.memref_slice %arg8[%parallel_loop3A_217, %parallel_loop3A_510, %parallel_loop3A_511] : memref<2x64x128xf32, #tpu.memory_space<vmem>> -> memref<1x64x128xf32, #tpu.memory_space<vmem>>
        %parallel_loop3A_513 = tpu.memref_squeeze %parallel_loop3A_512 : memref<1x64x128xf32, #tpu.memory_space<vmem>> -> memref<64x128xf32, #tpu.memory_space<vmem>>
        %parallel_loop3A_514 = arith.index_cast %parallel_loop3A_506 : i32 to index
        %parallel_loop3A_515 = arith.constant 0 : index
        %parallel_loop3A_516 = tpu.vector_load %parallel_loop3A_513[%parallel_loop3A_514, %parallel_loop3A_515] {strides = array<i32>} : memref<64x128xf32, #tpu.memory_space<vmem>>, vector<16xf32>,
        tpu.vector_store %parallel_loop3A_513[%parallel_loop3A_514, %parallel_loop3A_515], %parallel_loop3A_509 {strides = array<i32>} : memref<64x128xf32, #tpu.memory_space<vmem>>, vector<16xf32>,
        %parallel_loop3A_517 = arith.index_cast %parallel_loop3A_502 : i32 to index
        %parallel_loop3A_518 = arith.constant 16 : index
        %parallel_loop3A_519 = tpu.vector_load %arg5[%parallel_loop3A_517, %parallel_loop3A_518] {strides = array<i32>} : memref<520x128xf32, #tpu.memory_space<vmem>>, vector<16xf32>,
        %parallel_loop3A_520 = arith.constant 0 : i32
        %parallel_loop3A_521 = arith.constant 0 : i32
        %parallel_loop3A_522 = tpu.memref_slice %arg8[%parallel_loop3A_217, %parallel_loop3A_520, %parallel_loop3A_521] : memref<2x64x128xf32, #tpu.memory_space<vmem>> -> memref<1x64x128xf32, #tpu.memory_space<vmem>>
        %parallel_loop3A_523 = tpu.memref_squeeze %parallel_loop3A_522 : memref<1x64x128xf32, #tpu.memory_space<vmem>> -> memref<64x128xf32, #tpu.memory_space<vmem>>
        %parallel_loop3A_524 = arith.index_cast %parallel_loop3A_506 : i32 to index
        %parallel_loop3A_525 = arith.constant 16 : index
        %parallel_loop3A_526 = tpu.vector_load %parallel_loop3A_523[%parallel_loop3A_524, %parallel_loop3A_525] {strides = array<i32>} : memref<64x128xf32, #tpu.memory_space<vmem>>, vector<16xf32>,
        tpu.vector_store %parallel_loop3A_523[%parallel_loop3A_524, %parallel_loop3A_525], %parallel_loop3A_519 {strides = array<i32>} : memref<64x128xf32, #tpu.memory_space<vmem>>, vector<16xf32>,
        %parallel_loop3A_527 = arith.index_cast %parallel_loop3A_502 : i32 to index
        %parallel_loop3A_528 = arith.constant 32 : index
        %parallel_loop3A_529 = tpu.vector_load %arg5[%parallel_loop3A_527, %parallel_loop3A_528] {strides = array<i32>} : memref<520x128xf32, #tpu.memory_space<vmem>>, vector<16xf32>,
        %parallel_loop3A_530 = arith.constant 0 : i32
        %parallel_loop3A_531 = arith.constant 0 : i32
        %parallel_loop3A_532 = tpu.memref_slice %arg8[%parallel_loop3A_217, %parallel_loop3A_530, %parallel_loop3A_531] : memref<2x64x128xf32, #tpu.memory_space<vmem>> -> memref<1x64x128xf32, #tpu.memory_space<vmem>>
        %parallel_loop3A_533 = tpu.memref_squeeze %parallel_loop3A_532 : memref<1x64x128xf32, #tpu.memory_space<vmem>> -> memref<64x128xf32, #tpu.memory_space<vmem>>
        %parallel_loop3A_534 = arith.index_cast %parallel_loop3A_506 : i32 to index
        %parallel_loop3A_535 = arith.constant 32 : index
        %parallel_loop3A_536 = tpu.vector_load %parallel_loop3A_533[%parallel_loop3A_534, %parallel_loop3A_535] {strides = array<i32>} : memref<64x128xf32, #tpu.memory_space<vmem>>, vector<16xf32>,
        tpu.vector_store %parallel_loop3A_533[%parallel_loop3A_534, %parallel_loop3A_535], %parallel_loop3A_529 {strides = array<i32>} : memref<64x128xf32, #tpu.memory_space<vmem>>, vector<16xf32>,
        %parallel_loop3A_537 = arith.index_cast %parallel_loop3A_502 : i32 to index
        %parallel_loop3A_538 = arith.constant 48 : index
        %parallel_loop3A_539 = tpu.vector_load %arg5[%parallel_loop3A_537, %parallel_loop3A_538] {strides = array<i32>} : memref<520x128xf32, #tpu.memory_space<vmem>>, vector<16xf32>,
        %parallel_loop3A_540 = arith.constant 0 : i32
        %parallel_loop3A_541 = arith.constant 0 : i32
        %parallel_loop3A_542 = tpu.memref_slice %arg8[%parallel_loop3A_217, %parallel_loop3A_540, %parallel_loop3A_541] : memref<2x64x128xf32, #tpu.memory_space<vmem>> -> memref<1x64x128xf32, #tpu.memory_space<vmem>>
        %parallel_loop3A_543 = tpu.memref_squeeze %parallel_loop3A_542 : memref<1x64x128xf32, #tpu.memory_space<vmem>> -> memref<64x128xf32, #tpu.memory_space<vmem>>
        %parallel_loop3A_544 = arith.index_cast %parallel_loop3A_506 : i32 to index
        %parallel_loop3A_545 = arith.constant 48 : index
        %parallel_loop3A_546 = tpu.vector_load %parallel_loop3A_543[%parallel_loop3A_544, %parallel_loop3A_545] {strides = array<i32>} : memref<64x128xf32, #tpu.memory_space<vmem>>, vector<16xf32>,
        tpu.vector_store %parallel_loop3A_543[%parallel_loop3A_544, %parallel_loop3A_545], %parallel_loop3A_539 {strides = array<i32>} : memref<64x128xf32, #tpu.memory_space<vmem>>, vector<16xf32>,
        %parallel_loop3A_547 = arith.index_cast %parallel_loop3A_502 : i32 to index
        %parallel_loop3A_548 = arith.constant 64 : index
        %parallel_loop3A_549 = tpu.vector_load %arg5[%parallel_loop3A_547, %parallel_loop3A_548] {strides = array<i32>} : memref<520x128xf32, #tpu.memory_space<vmem>>, vector<16xf32>,
        %parallel_loop3A_550 = arith.constant 0 : i32
        %parallel_loop3A_551 = arith.constant 0 : i32
        %parallel_loop3A_552 = tpu.memref_slice %arg8[%parallel_loop3A_217, %parallel_loop3A_550, %parallel_loop3A_551] : memref<2x64x128xf32, #tpu.memory_space<vmem>> -> memref<1x64x128xf32, #tpu.memory_space<vmem>>
        %parallel_loop3A_553 = tpu.memref_squeeze %parallel_loop3A_552 : memref<1x64x128xf32, #tpu.memory_space<vmem>> -> memref<64x128xf32, #tpu.memory_space<vmem>>
        %parallel_loop3A_554 = arith.index_cast %parallel_loop3A_506 : i32 to index
        %parallel_loop3A_555 = arith.constant 64 : index
        %parallel_loop3A_556 = tpu.vector_load %parallel_loop3A_553[%parallel_loop3A_554, %parallel_loop3A_555] {strides = array<i32>} : memref<64x128xf32, #tpu.memory_space<vmem>>, vector<16xf32>,
        tpu.vector_store %parallel_loop3A_553[%parallel_loop3A_554, %parallel_loop3A_555], %parallel_loop3A_549 {strides = array<i32>} : memref<64x128xf32, #tpu.memory_space<vmem>>, vector<16xf32>,
        %parallel_loop3A_557 = arith.index_cast %parallel_loop3A_502 : i32 to index
        %parallel_loop3A_558 = arith.constant 80 : index
        %parallel_loop3A_559 = tpu.vector_load %arg5[%parallel_loop3A_557, %parallel_loop3A_558] {strides = array<i32>} : memref<520x128xf32, #tpu.memory_space<vmem>>, vector<16xf32>,
        %parallel_loop3A_560 = arith.constant 0 : i32
        %parallel_loop3A_561 = arith.constant 0 : i32
        %parallel_loop3A_562 = tpu.memref_slice %arg8[%parallel_loop3A_217, %parallel_loop3A_560, %parallel_loop3A_561] : memref<2x64x128xf32, #tpu.memory_space<vmem>> -> memref<1x64x128xf32, #tpu.memory_space<vmem>>
        %parallel_loop3A_563 = tpu.memref_squeeze %parallel_loop3A_562 : memref<1x64x128xf32, #tpu.memory_space<vmem>> -> memref<64x128xf32, #tpu.memory_space<vmem>>
        %parallel_loop3A_564 = arith.index_cast %parallel_loop3A_506 : i32 to index
        %parallel_loop3A_565 = arith.constant 80 : index
        %parallel_loop3A_566 = tpu.vector_load %parallel_loop3A_563[%parallel_loop3A_564, %parallel_loop3A_565] {strides = array<i32>} : memref<64x128xf32, #tpu.memory_space<vmem>>, vector<16xf32>,
        tpu.vector_store %parallel_loop3A_563[%parallel_loop3A_564, %parallel_loop3A_565], %parallel_loop3A_559 {strides = array<i32>} : memref<64x128xf32, #tpu.memory_space<vmem>>, vector<16xf32>,
        %parallel_loop3A_567 = arith.index_cast %parallel_loop3A_502 : i32 to index
        %parallel_loop3A_568 = arith.constant 96 : index
        %parallel_loop3A_569 = tpu.vector_load %arg5[%parallel_loop3A_567, %parallel_loop3A_568] {strides = array<i32>} : memref<520x128xf32, #tpu.memory_space<vmem>>, vector<16xf32>,
        %parallel_loop3A_570 = arith.constant 0 : i32
        %parallel_loop3A_571 = arith.constant 0 : i32
        %parallel_loop3A_572 = tpu.memref_slice %arg8[%parallel_loop3A_217, %parallel_loop3A_570, %parallel_loop3A_571] : memref<2x64x128xf32, #tpu.memory_space<vmem>> -> memref<1x64x128xf32, #tpu.memory_space<vmem>>
        %parallel_loop3A_573 = tpu.memref_squeeze %parallel_loop3A_572 : memref<1x64x128xf32, #tpu.memory_space<vmem>> -> memref<64x128xf32, #tpu.memory_space<vmem>>
        %parallel_loop3A_574 = arith.index_cast %parallel_loop3A_506 : i32 to index
        %parallel_loop3A_575 = arith.constant 96 : index
        %parallel_loop3A_576 = tpu.vector_load %parallel_loop3A_573[%parallel_loop3A_574, %parallel_loop3A_575] {strides = array<i32>} : memref<64x128xf32, #tpu.memory_space<vmem>>, vector<16xf32>,
        tpu.vector_store %parallel_loop3A_573[%parallel_loop3A_574, %parallel_loop3A_575], %parallel_loop3A_569 {strides = array<i32>} : memref<64x128xf32, #tpu.memory_space<vmem>>, vector<16xf32>,
        %parallel_loop3A_577 = arith.index_cast %parallel_loop3A_502 : i32 to index
        %parallel_loop3A_578 = arith.constant 112 : index
        %parallel_loop3A_579 = tpu.vector_load %arg5[%parallel_loop3A_577, %parallel_loop3A_578] {strides = array<i32>} : memref<520x128xf32, #tpu.memory_space<vmem>>, vector<16xf32>,
        %parallel_loop3A_580 = arith.constant 0 : i32
        %parallel_loop3A_581 = arith.constant 0 : i32
        %parallel_loop3A_582 = tpu.memref_slice %arg8[%parallel_loop3A_217, %parallel_loop3A_580, %parallel_loop3A_581] : memref<2x64x128xf32, #tpu.memory_space<vmem>> -> memref<1x64x128xf32, #tpu.memory_space<vmem>>
        %parallel_loop3A_583 = tpu.memref_squeeze %parallel_loop3A_582 : memref<1x64x128xf32, #tpu.memory_space<vmem>> -> memref<64x128xf32, #tpu.memory_space<vmem>>
        %parallel_loop3A_584 = arith.index_cast %parallel_loop3A_506 : i32 to index
        %parallel_loop3A_585 = arith.constant 112 : index
        %parallel_loop3A_586 = tpu.vector_load %parallel_loop3A_583[%parallel_loop3A_584, %parallel_loop3A_585] {strides = array<i32>} : memref<64x128xf32, #tpu.memory_space<vmem>>, vector<16xf32>,
        tpu.vector_store %parallel_loop3A_583[%parallel_loop3A_584, %parallel_loop3A_585], %parallel_loop3A_579 {strides = array<i32>} : memref<64x128xf32, #tpu.memory_space<vmem>>, vector<16xf32>,
        %parallel_loop3A_587 = vector.extract_strided_slice %parallel_loop3A_242 {offsets = [4], sizes = [1], strides = [1]} : vector<16xi32> to vector<1xi32>
        %parallel_loop3A_588 = vector.extract %parallel_loop3A_587[0] : i32 from vector<1xi32>
        %parallel_loop3A_589 = arith.constant 16 : i32
        %parallel_loop3A_590 = arith.muli %parallel_loop3A_235, %parallel_loop3A_589 : i32
        %parallel_loop3A_591 = arith.constant 4 : i32
        %parallel_loop3A_592 = arith.addi %parallel_loop3A_590, %parallel_loop3A_591 : i32
        %parallel_loop3A_593 = arith.index_cast %parallel_loop3A_588 : i32 to index
        %parallel_loop3A_594 = arith.constant 0 : index
        %parallel_loop3A_595 = tpu.vector_load %arg5[%parallel_loop3A_593, %parallel_loop3A_594] {strides = array<i32>} : memref<520x128xf32, #tpu.memory_space<vmem>>, vector<16xf32>,
        %parallel_loop3A_596 = arith.constant 0 : i32
        %parallel_loop3A_597 = arith.constant 0 : i32
        %parallel_loop3A_598 = tpu.memref_slice %arg8[%parallel_loop3A_217, %parallel_loop3A_596, %parallel_loop3A_597] : memref<2x64x128xf32, #tpu.memory_space<vmem>> -> memref<1x64x128xf32, #tpu.memory_space<vmem>>
        %parallel_loop3A_599 = tpu.memref_squeeze %parallel_loop3A_598 : memref<1x64x128xf32, #tpu.memory_space<vmem>> -> memref<64x128xf32, #tpu.memory_space<vmem>>
        %parallel_loop3A_600 = arith.index_cast %parallel_loop3A_592 : i32 to index
        %parallel_loop3A_601 = arith.constant 0 : index
        %parallel_loop3A_602 = tpu.vector_load %parallel_loop3A_599[%parallel_loop3A_600, %parallel_loop3A_601] {strides = array<i32>} : memref<64x128xf32, #tpu.memory_space<vmem>>, vector<16xf32>,
        tpu.vector_store %parallel_loop3A_599[%parallel_loop3A_600, %parallel_loop3A_601], %parallel_loop3A_595 {strides = array<i32>} : memref<64x128xf32, #tpu.memory_space<vmem>>, vector<16xf32>,
        %parallel_loop3A_603 = arith.index_cast %parallel_loop3A_588 : i32 to index
        %parallel_loop3A_604 = arith.constant 16 : index
        %parallel_loop3A_605 = tpu.vector_load %arg5[%parallel_loop3A_603, %parallel_loop3A_604] {strides = array<i32>} : memref<520x128xf32, #tpu.memory_space<vmem>>, vector<16xf32>,
        %parallel_loop3A_606 = arith.constant 0 : i32
        %parallel_loop3A_607 = arith.constant 0 : i32
        %parallel_loop3A_608 = tpu.memref_slice %arg8[%parallel_loop3A_217, %parallel_loop3A_606, %parallel_loop3A_607] : memref<2x64x128xf32, #tpu.memory_space<vmem>> -> memref<1x64x128xf32, #tpu.memory_space<vmem>>
        %parallel_loop3A_609 = tpu.memref_squeeze %parallel_loop3A_608 : memref<1x64x128xf32, #tpu.memory_space<vmem>> -> memref<64x128xf32, #tpu.memory_space<vmem>>
        %parallel_loop3A_610 = arith.index_cast %parallel_loop3A_592 : i32 to index
        %parallel_loop3A_611 = arith.constant 16 : index
        %parallel_loop3A_612 = tpu.vector_load %parallel_loop3A_609[%parallel_loop3A_610, %parallel_loop3A_611] {strides = array<i32>} : memref<64x128xf32, #tpu.memory_space<vmem>>, vector<16xf32>,
        tpu.vector_store %parallel_loop3A_609[%parallel_loop3A_610, %parallel_loop3A_611], %parallel_loop3A_605 {strides = array<i32>} : memref<64x128xf32, #tpu.memory_space<vmem>>, vector<16xf32>,
        %parallel_loop3A_613 = arith.index_cast %parallel_loop3A_588 : i32 to index
        %parallel_loop3A_614 = arith.constant 32 : index
        %parallel_loop3A_615 = tpu.vector_load %arg5[%parallel_loop3A_613, %parallel_loop3A_614] {strides = array<i32>} : memref<520x128xf32, #tpu.memory_space<vmem>>, vector<16xf32>,
        %parallel_loop3A_616 = arith.constant 0 : i32
        %parallel_loop3A_617 = arith.constant 0 : i32
        %parallel_loop3A_618 = tpu.memref_slice %arg8[%parallel_loop3A_217, %parallel_loop3A_616, %parallel_loop3A_617] : memref<2x64x128xf32, #tpu.memory_space<vmem>> -> memref<1x64x128xf32, #tpu.memory_space<vmem>>
        %parallel_loop3A_619 = tpu.memref_squeeze %parallel_loop3A_618 : memref<1x64x128xf32, #tpu.memory_space<vmem>> -> memref<64x128xf32, #tpu.memory_space<vmem>>
        %parallel_loop3A_620 = arith.index_cast %parallel_loop3A_592 : i32 to index
        %parallel_loop3A_621 = arith.constant 32 : index
        %parallel_loop3A_622 = tpu.vector_load %parallel_loop3A_619[%parallel_loop3A_620, %parallel_loop3A_621] {strides = array<i32>} : memref<64x128xf32, #tpu.memory_space<vmem>>, vector<16xf32>,
        tpu.vector_store %parallel_loop3A_619[%parallel_loop3A_620, %parallel_loop3A_621], %parallel_loop3A_615 {strides = array<i32>} : memref<64x128xf32, #tpu.memory_space<vmem>>, vector<16xf32>,
        %parallel_loop3A_623 = arith.index_cast %parallel_loop3A_588 : i32 to index
        %parallel_loop3A_624 = arith.constant 48 : index
        %parallel_loop3A_625 = tpu.vector_load %arg5[%parallel_loop3A_623, %parallel_loop3A_624] {strides = array<i32>} : memref<520x128xf32, #tpu.memory_space<vmem>>, vector<16xf32>,
        %parallel_loop3A_626 = arith.constant 0 : i32
        %parallel_loop3A_627 = arith.constant 0 : i32
        %parallel_loop3A_628 = tpu.memref_slice %arg8[%parallel_loop3A_217, %parallel_loop3A_626, %parallel_loop3A_627] : memref<2x64x128xf32, #tpu.memory_space<vmem>> -> memref<1x64x128xf32, #tpu.memory_space<vmem>>
        %parallel_loop3A_629 = tpu.memref_squeeze %parallel_loop3A_628 : memref<1x64x128xf32, #tpu.memory_space<vmem>> -> memref<64x128xf32, #tpu.memory_space<vmem>>
        %parallel_loop3A_630 = arith.index_cast %parallel_loop3A_592 : i32 to index
        %parallel_loop3A_631 = arith.constant 48 : index
        %parallel_loop3A_632 = tpu.vector_load %parallel_loop3A_629[%parallel_loop3A_630, %parallel_loop3A_631] {strides = array<i32>} : memref<64x128xf32, #tpu.memory_space<vmem>>, vector<16xf32>,
        tpu.vector_store %parallel_loop3A_629[%parallel_loop3A_630, %parallel_loop3A_631], %parallel_loop3A_625 {strides = array<i32>} : memref<64x128xf32, #tpu.memory_space<vmem>>, vector<16xf32>,
        %parallel_loop3A_633 = arith.index_cast %parallel_loop3A_588 : i32 to index
        %parallel_loop3A_634 = arith.constant 64 : index
        %parallel_loop3A_635 = tpu.vector_load %arg5[%parallel_loop3A_633, %parallel_loop3A_634] {strides = array<i32>} : memref<520x128xf32, #tpu.memory_space<vmem>>, vector<16xf32>,
        %parallel_loop3A_636 = arith.constant 0 : i32
        %parallel_loop3A_637 = arith.constant 0 : i32
        %parallel_loop3A_638 = tpu.memref_slice %arg8[%parallel_loop3A_217, %parallel_loop3A_636, %parallel_loop3A_637] : memref<2x64x128xf32, #tpu.memory_space<vmem>> -> memref<1x64x128xf32, #tpu.memory_space<vmem>>
        %parallel_loop3A_639 = tpu.memref_squeeze %parallel_loop3A_638 : memref<1x64x128xf32, #tpu.memory_space<vmem>> -> memref<64x128xf32, #tpu.memory_space<vmem>>
        %parallel_loop3A_640 = arith.index_cast %parallel_loop3A_592 : i32 to index
        %parallel_loop3A_641 = arith.constant 64 : index
        %parallel_loop3A_642 = tpu.vector_load %parallel_loop3A_639[%parallel_loop3A_640, %parallel_loop3A_641] {strides = array<i32>} : memref<64x128xf32, #tpu.memory_space<vmem>>, vector<16xf32>,
        tpu.vector_store %parallel_loop3A_639[%parallel_loop3A_640, %parallel_loop3A_641], %parallel_loop3A_635 {strides = array<i32>} : memref<64x128xf32, #tpu.memory_space<vmem>>, vector<16xf32>,
        %parallel_loop3A_643 = arith.index_cast %parallel_loop3A_588 : i32 to index
        %parallel_loop3A_644 = arith.constant 80 : index
        %parallel_loop3A_645 = tpu.vector_load %arg5[%parallel_loop3A_643, %parallel_loop3A_644] {strides = array<i32>} : memref<520x128xf32, #tpu.memory_space<vmem>>, vector<16xf32>,
        %parallel_loop3A_646 = arith.constant 0 : i32
        %parallel_loop3A_647 = arith.constant 0 : i32
        %parallel_loop3A_648 = tpu.memref_slice %arg8[%parallel_loop3A_217, %parallel_loop3A_646, %parallel_loop3A_647] : memref<2x64x128xf32, #tpu.memory_space<vmem>> -> memref<1x64x128xf32, #tpu.memory_space<vmem>>
        %parallel_loop3A_649 = tpu.memref_squeeze %parallel_loop3A_648 : memref<1x64x128xf32, #tpu.memory_space<vmem>> -> memref<64x128xf32, #tpu.memory_space<vmem>>
        %parallel_loop3A_650 = arith.index_cast %parallel_loop3A_592 : i32 to index
        %parallel_loop3A_651 = arith.constant 80 : index
        %parallel_loop3A_652 = tpu.vector_load %parallel_loop3A_649[%parallel_loop3A_650, %parallel_loop3A_651] {strides = array<i32>} : memref<64x128xf32, #tpu.memory_space<vmem>>, vector<16xf32>,
        tpu.vector_store %parallel_loop3A_649[%parallel_loop3A_650, %parallel_loop3A_651], %parallel_loop3A_645 {strides = array<i32>} : memref<64x128xf32, #tpu.memory_space<vmem>>, vector<16xf32>,
        %parallel_loop3A_653 = arith.index_cast %parallel_loop3A_588 : i32 to index
        %parallel_loop3A_654 = arith.constant 96 : index
        %parallel_loop3A_655 = tpu.vector_load %arg5[%parallel_loop3A_653, %parallel_loop3A_654] {strides = array<i32>} : memref<520x128xf32, #tpu.memory_space<vmem>>, vector<16xf32>,
        %parallel_loop3A_656 = arith.constant 0 : i32
        %parallel_loop3A_657 = arith.constant 0 : i32
        %parallel_loop3A_658 = tpu.memref_slice %arg8[%parallel_loop3A_217, %parallel_loop3A_656, %parallel_loop3A_657] : memref<2x64x128xf32, #tpu.memory_space<vmem>> -> memref<1x64x128xf32, #tpu.memory_space<vmem>>
        %parallel_loop3A_659 = tpu.memref_squeeze %parallel_loop3A_658 : memref<1x64x128xf32, #tpu.memory_space<vmem>> -> memref<64x128xf32, #tpu.memory_space<vmem>>
        %parallel_loop3A_660 = arith.index_cast %parallel_loop3A_592 : i32 to index
        %parallel_loop3A_661 = arith.constant 96 : index
        %parallel_loop3A_662 = tpu.vector_load %parallel_loop3A_659[%parallel_loop3A_660, %parallel_loop3A_661] {strides = array<i32>} : memref<64x128xf32, #tpu.memory_space<vmem>>, vector<16xf32>,
        tpu.vector_store %parallel_loop3A_659[%parallel_loop3A_660, %parallel_loop3A_661], %parallel_loop3A_655 {strides = array<i32>} : memref<64x128xf32, #tpu.memory_space<vmem>>, vector<16xf32>,
        %parallel_loop3A_663 = arith.index_cast %parallel_loop3A_588 : i32 to index
        %parallel_loop3A_664 = arith.constant 112 : index
        %parallel_loop3A_665 = tpu.vector_load %arg5[%parallel_loop3A_663, %parallel_loop3A_664] {strides = array<i32>} : memref<520x128xf32, #tpu.memory_space<vmem>>, vector<16xf32>,
        %parallel_loop3A_666 = arith.constant 0 : i32
        %parallel_loop3A_667 = arith.constant 0 : i32
        %parallel_loop3A_668 = tpu.memref_slice %arg8[%parallel_loop3A_217, %parallel_loop3A_666, %parallel_loop3A_667] : memref<2x64x128xf32, #tpu.memory_space<vmem>> -> memref<1x64x128xf32, #tpu.memory_space<vmem>>
        %parallel_loop3A_669 = tpu.memref_squeeze %parallel_loop3A_668 : memref<1x64x128xf32, #tpu.memory_space<vmem>> -> memref<64x128xf32, #tpu.memory_space<vmem>>
        %parallel_loop3A_670 = arith.index_cast %parallel_loop3A_592 : i32 to index
        %parallel_loop3A_671 = arith.constant 112 : index
        %parallel_loop3A_672 = tpu.vector_load %parallel_loop3A_669[%parallel_loop3A_670, %parallel_loop3A_671] {strides = array<i32>} : memref<64x128xf32, #tpu.memory_space<vmem>>, vector<16xf32>,
        tpu.vector_store %parallel_loop3A_669[%parallel_loop3A_670, %parallel_loop3A_671], %parallel_loop3A_665 {strides = array<i32>} : memref<64x128xf32, #tpu.memory_space<vmem>>, vector<16xf32>,
        %parallel_loop3A_673 = vector.extract_strided_slice %parallel_loop3A_242 {offsets = [5], sizes = [1], strides = [1]} : vector<16xi32> to vector<1xi32>
        %parallel_loop3A_674 = vector.extract %parallel_loop3A_673[0] : i32 from vector<1xi32>
        %parallel_loop3A_675 = arith.constant 16 : i32
        %parallel_loop3A_676 = arith.muli %parallel_loop3A_235, %parallel_loop3A_675 : i32
        %parallel_loop3A_677 = arith.constant 5 : i32
        %parallel_loop3A_678 = arith.addi %parallel_loop3A_676, %parallel_loop3A_677 : i32
        %parallel_loop3A_679 = arith.index_cast %parallel_loop3A_674 : i32 to index
        %parallel_loop3A_680 = arith.constant 0 : index
        %parallel_loop3A_681 = tpu.vector_load %arg5[%parallel_loop3A_679, %parallel_loop3A_680] {strides = array<i32>} : memref<520x128xf32, #tpu.memory_space<vmem>>, vector<16xf32>,
        %parallel_loop3A_682 = arith.constant 0 : i32
        %parallel_loop3A_683 = arith.constant 0 : i32
        %parallel_loop3A_684 = tpu.memref_slice %arg8[%parallel_loop3A_217, %parallel_loop3A_682, %parallel_loop3A_683] : memref<2x64x128xf32, #tpu.memory_space<vmem>> -> memref<1x64x128xf32, #tpu.memory_space<vmem>>
        %parallel_loop3A_685 = tpu.memref_squeeze %parallel_loop3A_684 : memref<1x64x128xf32, #tpu.memory_space<vmem>> -> memref<64x128xf32, #tpu.memory_space<vmem>>
        %parallel_loop3A_686 = arith.index_cast %parallel_loop3A_678 : i32 to index
        %parallel_loop3A_687 = arith.constant 0 : index
        %parallel_loop3A_688 = tpu.vector_load %parallel_loop3A_685[%parallel_loop3A_686, %parallel_loop3A_687] {strides = array<i32>} : memref<64x128xf32, #tpu.memory_space<vmem>>, vector<16xf32>,
        tpu.vector_store %parallel_loop3A_685[%parallel_loop3A_686, %parallel_loop3A_687], %parallel_loop3A_681 {strides = array<i32>} : memref<64x128xf32, #tpu.memory_space<vmem>>, vector<16xf32>,
        %parallel_loop3A_689 = arith.index_cast %parallel_loop3A_674 : i32 to index
        %parallel_loop3A_690 = arith.constant 16 : index
        %parallel_loop3A_691 = tpu.vector_load %arg5[%parallel_loop3A_689, %parallel_loop3A_690] {strides = array<i32>} : memref<520x128xf32, #tpu.memory_space<vmem>>, vector<16xf32>,
        %parallel_loop3A_692 = arith.constant 0 : i32
        %parallel_loop3A_693 = arith.constant 0 : i32
        %parallel_loop3A_694 = tpu.memref_slice %arg8[%parallel_loop3A_217, %parallel_loop3A_692, %parallel_loop3A_693] : memref<2x64x128xf32, #tpu.memory_space<vmem>> -> memref<1x64x128xf32, #tpu.memory_space<vmem>>
        %parallel_loop3A_695 = tpu.memref_squeeze %parallel_loop3A_694 : memref<1x64x128xf32, #tpu.memory_space<vmem>> -> memref<64x128xf32, #tpu.memory_space<vmem>>
        %parallel_loop3A_696 = arith.index_cast %parallel_loop3A_678 : i32 to index
        %parallel_loop3A_697 = arith.constant 16 : index
        %parallel_loop3A_698 = tpu.vector_load %parallel_loop3A_695[%parallel_loop3A_696, %parallel_loop3A_697] {strides = array<i32>} : memref<64x128xf32, #tpu.memory_space<vmem>>, vector<16xf32>,
        tpu.vector_store %parallel_loop3A_695[%parallel_loop3A_696, %parallel_loop3A_697], %parallel_loop3A_691 {strides = array<i32>} : memref<64x128xf32, #tpu.memory_space<vmem>>, vector<16xf32>,
        %parallel_loop3A_699 = arith.index_cast %parallel_loop3A_674 : i32 to index
        %parallel_loop3A_700 = arith.constant 32 : index
        %parallel_loop3A_701 = tpu.vector_load %arg5[%parallel_loop3A_699, %parallel_loop3A_700] {strides = array<i32>} : memref<520x128xf32, #tpu.memory_space<vmem>>, vector<16xf32>,
        %parallel_loop3A_702 = arith.constant 0 : i32
        %parallel_loop3A_703 = arith.constant 0 : i32
        %parallel_loop3A_704 = tpu.memref_slice %arg8[%parallel_loop3A_217, %parallel_loop3A_702, %parallel_loop3A_703] : memref<2x64x128xf32, #tpu.memory_space<vmem>> -> memref<1x64x128xf32, #tpu.memory_space<vmem>>
        %parallel_loop3A_705 = tpu.memref_squeeze %parallel_loop3A_704 : memref<1x64x128xf32, #tpu.memory_space<vmem>> -> memref<64x128xf32, #tpu.memory_space<vmem>>
        %parallel_loop3A_706 = arith.index_cast %parallel_loop3A_678 : i32 to index
        %parallel_loop3A_707 = arith.constant 32 : index
        %parallel_loop3A_708 = tpu.vector_load %parallel_loop3A_705[%parallel_loop3A_706, %parallel_loop3A_707] {strides = array<i32>} : memref<64x128xf32, #tpu.memory_space<vmem>>, vector<16xf32>,
        tpu.vector_store %parallel_loop3A_705[%parallel_loop3A_706, %parallel_loop3A_707], %parallel_loop3A_701 {strides = array<i32>} : memref<64x128xf32, #tpu.memory_space<vmem>>, vector<16xf32>,
        %parallel_loop3A_709 = arith.index_cast %parallel_loop3A_674 : i32 to index
        %parallel_loop3A_710 = arith.constant 48 : index
        %parallel_loop3A_711 = tpu.vector_load %arg5[%parallel_loop3A_709, %parallel_loop3A_710] {strides = array<i32>} : memref<520x128xf32, #tpu.memory_space<vmem>>, vector<16xf32>,
        %parallel_loop3A_712 = arith.constant 0 : i32
        %parallel_loop3A_713 = arith.constant 0 : i32
        %parallel_loop3A_714 = tpu.memref_slice %arg8[%parallel_loop3A_217, %parallel_loop3A_712, %parallel_loop3A_713] : memref<2x64x128xf32, #tpu.memory_space<vmem>> -> memref<1x64x128xf32, #tpu.memory_space<vmem>>
        %parallel_loop3A_715 = tpu.memref_squeeze %parallel_loop3A_714 : memref<1x64x128xf32, #tpu.memory_space<vmem>> -> memref<64x128xf32, #tpu.memory_space<vmem>>
        %parallel_loop3A_716 = arith.index_cast %parallel_loop3A_678 : i32 to index
        %parallel_loop3A_717 = arith.constant 48 : index
        %parallel_loop3A_718 = tpu.vector_load %parallel_loop3A_715[%parallel_loop3A_716, %parallel_loop3A_717] {strides = array<i32>} : memref<64x128xf32, #tpu.memory_space<vmem>>, vector<16xf32>,
        tpu.vector_store %parallel_loop3A_715[%parallel_loop3A_716, %parallel_loop3A_717], %parallel_loop3A_711 {strides = array<i32>} : memref<64x128xf32, #tpu.memory_space<vmem>>, vector<16xf32>,
        %parallel_loop3A_719 = arith.index_cast %parallel_loop3A_674 : i32 to index
        %parallel_loop3A_720 = arith.constant 64 : index
        %parallel_loop3A_721 = tpu.vector_load %arg5[%parallel_loop3A_719, %parallel_loop3A_720] {strides = array<i32>} : memref<520x128xf32, #tpu.memory_space<vmem>>, vector<16xf32>,
        %parallel_loop3A_722 = arith.constant 0 : i32
        %parallel_loop3A_723 = arith.constant 0 : i32
        %parallel_loop3A_724 = tpu.memref_slice %arg8[%parallel_loop3A_217, %parallel_loop3A_722, %parallel_loop3A_723] : memref<2x64x128xf32, #tpu.memory_space<vmem>> -> memref<1x64x128xf32, #tpu.memory_space<vmem>>
        %parallel_loop3A_725 = tpu.memref_squeeze %parallel_loop3A_724 : memref<1x64x128xf32, #tpu.memory_space<vmem>> -> memref<64x128xf32, #tpu.memory_space<vmem>>
        %parallel_loop3A_726 = arith.index_cast %parallel_loop3A_678 : i32 to index
        %parallel_loop3A_727 = arith.constant 64 : index
        %parallel_loop3A_728 = tpu.vector_load %parallel_loop3A_725[%parallel_loop3A_726, %parallel_loop3A_727] {strides = array<i32>} : memref<64x128xf32, #tpu.memory_space<vmem>>, vector<16xf32>,
        tpu.vector_store %parallel_loop3A_725[%parallel_loop3A_726, %parallel_loop3A_727], %parallel_loop3A_721 {strides = array<i32>} : memref<64x128xf32, #tpu.memory_space<vmem>>, vector<16xf32>,
        %parallel_loop3A_729 = arith.index_cast %parallel_loop3A_674 : i32 to index
        %parallel_loop3A_730 = arith.constant 80 : index
        %parallel_loop3A_731 = tpu.vector_load %arg5[%parallel_loop3A_729, %parallel_loop3A_730] {strides = array<i32>} : memref<520x128xf32, #tpu.memory_space<vmem>>, vector<16xf32>,
        %parallel_loop3A_732 = arith.constant 0 : i32
        %parallel_loop3A_733 = arith.constant 0 : i32
        %parallel_loop3A_734 = tpu.memref_slice %arg8[%parallel_loop3A_217, %parallel_loop3A_732, %parallel_loop3A_733] : memref<2x64x128xf32, #tpu.memory_space<vmem>> -> memref<1x64x128xf32, #tpu.memory_space<vmem>>
        %parallel_loop3A_735 = tpu.memref_squeeze %parallel_loop3A_734 : memref<1x64x128xf32, #tpu.memory_space<vmem>> -> memref<64x128xf32, #tpu.memory_space<vmem>>
        %parallel_loop3A_736 = arith.index_cast %parallel_loop3A_678 : i32 to index
        %parallel_loop3A_737 = arith.constant 80 : index
        %parallel_loop3A_738 = tpu.vector_load %parallel_loop3A_735[%parallel_loop3A_736, %parallel_loop3A_737] {strides = array<i32>} : memref<64x128xf32, #tpu.memory_space<vmem>>, vector<16xf32>,
        tpu.vector_store %parallel_loop3A_735[%parallel_loop3A_736, %parallel_loop3A_737], %parallel_loop3A_731 {strides = array<i32>} : memref<64x128xf32, #tpu.memory_space<vmem>>, vector<16xf32>,
        %parallel_loop3A_739 = arith.index_cast %parallel_loop3A_674 : i32 to index
        %parallel_loop3A_740 = arith.constant 96 : index
        %parallel_loop3A_741 = tpu.vector_load %arg5[%parallel_loop3A_739, %parallel_loop3A_740] {strides = array<i32>} : memref<520x128xf32, #tpu.memory_space<vmem>>, vector<16xf32>,
        %parallel_loop3A_742 = arith.constant 0 : i32
        %parallel_loop3A_743 = arith.constant 0 : i32
        %parallel_loop3A_744 = tpu.memref_slice %arg8[%parallel_loop3A_217, %parallel_loop3A_742, %parallel_loop3A_743] : memref<2x64x128xf32, #tpu.memory_space<vmem>> -> memref<1x64x128xf32, #tpu.memory_space<vmem>>
        %parallel_loop3A_745 = tpu.memref_squeeze %parallel_loop3A_744 : memref<1x64x128xf32, #tpu.memory_space<vmem>> -> memref<64x128xf32, #tpu.memory_space<vmem>>
        %parallel_loop3A_746 = arith.index_cast %parallel_loop3A_678 : i32 to index
        %parallel_loop3A_747 = arith.constant 96 : index
        %parallel_loop3A_748 = tpu.vector_load %parallel_loop3A_745[%parallel_loop3A_746, %parallel_loop3A_747] {strides = array<i32>} : memref<64x128xf32, #tpu.memory_space<vmem>>, vector<16xf32>,
        tpu.vector_store %parallel_loop3A_745[%parallel_loop3A_746, %parallel_loop3A_747], %parallel_loop3A_741 {strides = array<i32>} : memref<64x128xf32, #tpu.memory_space<vmem>>, vector<16xf32>,
        %parallel_loop3A_749 = arith.index_cast %parallel_loop3A_674 : i32 to index
        %parallel_loop3A_750 = arith.constant 112 : index
        %parallel_loop3A_751 = tpu.vector_load %arg5[%parallel_loop3A_749, %parallel_loop3A_750] {strides = array<i32>} : memref<520x128xf32, #tpu.memory_space<vmem>>, vector<16xf32>,
        %parallel_loop3A_752 = arith.constant 0 : i32
        %parallel_loop3A_753 = arith.constant 0 : i32
        %parallel_loop3A_754 = tpu.memref_slice %arg8[%parallel_loop3A_217, %parallel_loop3A_752, %parallel_loop3A_753] : memref<2x64x128xf32, #tpu.memory_space<vmem>> -> memref<1x64x128xf32, #tpu.memory_space<vmem>>
        %parallel_loop3A_755 = tpu.memref_squeeze %parallel_loop3A_754 : memref<1x64x128xf32, #tpu.memory_space<vmem>> -> memref<64x128xf32, #tpu.memory_space<vmem>>
        %parallel_loop3A_756 = arith.index_cast %parallel_loop3A_678 : i32 to index
        %parallel_loop3A_757 = arith.constant 112 : index
        %parallel_loop3A_758 = tpu.vector_load %parallel_loop3A_755[%parallel_loop3A_756, %parallel_loop3A_757] {strides = array<i32>} : memref<64x128xf32, #tpu.memory_space<vmem>>, vector<16xf32>,
        tpu.vector_store %parallel_loop3A_755[%parallel_loop3A_756, %parallel_loop3A_757], %parallel_loop3A_751 {strides = array<i32>} : memref<64x128xf32, #tpu.memory_space<vmem>>, vector<16xf32>,
        %parallel_loop3A_759 = vector.extract_strided_slice %parallel_loop3A_242 {offsets = [6], sizes = [1], strides = [1]} : vector<16xi32> to vector<1xi32>
        %parallel_loop3A_760 = vector.extract %parallel_loop3A_759[0] : i32 from vector<1xi32>
        %parallel_loop3A_761 = arith.constant 16 : i32
        %parallel_loop3A_762 = arith.muli %parallel_loop3A_235, %parallel_loop3A_761 : i32
        %parallel_loop3A_763 = arith.constant 6 : i32
        %parallel_loop3A_764 = arith.addi %parallel_loop3A_762, %parallel_loop3A_763 : i32
        %parallel_loop3A_765 = arith.index_cast %parallel_loop3A_760 : i32 to index
        %parallel_loop3A_766 = arith.constant 0 : index
        %parallel_loop3A_767 = tpu.vector_load %arg5[%parallel_loop3A_765, %parallel_loop3A_766] {strides = array<i32>} : memref<520x128xf32, #tpu.memory_space<vmem>>, vector<16xf32>,
        %parallel_loop3A_768 = arith.constant 0 : i32
        %parallel_loop3A_769 = arith.constant 0 : i32
        %parallel_loop3A_770 = tpu.memref_slice %arg8[%parallel_loop3A_217, %parallel_loop3A_768, %parallel_loop3A_769] : memref<2x64x128xf32, #tpu.memory_space<vmem>> -> memref<1x64x128xf32, #tpu.memory_space<vmem>>
        %parallel_loop3A_771 = tpu.memref_squeeze %parallel_loop3A_770 : memref<1x64x128xf32, #tpu.memory_space<vmem>> -> memref<64x128xf32, #tpu.memory_space<vmem>>
        %parallel_loop3A_772 = arith.index_cast %parallel_loop3A_764 : i32 to index
        %parallel_loop3A_773 = arith.constant 0 : index
        %parallel_loop3A_774 = tpu.vector_load %parallel_loop3A_771[%parallel_loop3A_772, %parallel_loop3A_773] {strides = array<i32>} : memref<64x128xf32, #tpu.memory_space<vmem>>, vector<16xf32>,
        tpu.vector_store %parallel_loop3A_771[%parallel_loop3A_772, %parallel_loop3A_773], %parallel_loop3A_767 {strides = array<i32>} : memref<64x128xf32, #tpu.memory_space<vmem>>, vector<16xf32>,
        %parallel_loop3A_775 = arith.index_cast %parallel_loop3A_760 : i32 to index
        %parallel_loop3A_776 = arith.constant 16 : index
        %parallel_loop3A_777 = tpu.vector_load %arg5[%parallel_loop3A_775, %parallel_loop3A_776] {strides = array<i32>} : memref<520x128xf32, #tpu.memory_space<vmem>>, vector<16xf32>,
        %parallel_loop3A_778 = arith.constant 0 : i32
        %parallel_loop3A_779 = arith.constant 0 : i32
        %parallel_loop3A_780 = tpu.memref_slice %arg8[%parallel_loop3A_217, %parallel_loop3A_778, %parallel_loop3A_779] : memref<2x64x128xf32, #tpu.memory_space<vmem>> -> memref<1x64x128xf32, #tpu.memory_space<vmem>>
        %parallel_loop3A_781 = tpu.memref_squeeze %parallel_loop3A_780 : memref<1x64x128xf32, #tpu.memory_space<vmem>> -> memref<64x128xf32, #tpu.memory_space<vmem>>
        %parallel_loop3A_782 = arith.index_cast %parallel_loop3A_764 : i32 to index
        %parallel_loop3A_783 = arith.constant 16 : index
        %parallel_loop3A_784 = tpu.vector_load %parallel_loop3A_781[%parallel_loop3A_782, %parallel_loop3A_783] {strides = array<i32>} : memref<64x128xf32, #tpu.memory_space<vmem>>, vector<16xf32>,
        tpu.vector_store %parallel_loop3A_781[%parallel_loop3A_782, %parallel_loop3A_783], %parallel_loop3A_777 {strides = array<i32>} : memref<64x128xf32, #tpu.memory_space<vmem>>, vector<16xf32>,
        %parallel_loop3A_785 = arith.index_cast %parallel_loop3A_760 : i32 to index
        %parallel_loop3A_786 = arith.constant 32 : index
        %parallel_loop3A_787 = tpu.vector_load %arg5[%parallel_loop3A_785, %parallel_loop3A_786] {strides = array<i32>} : memref<520x128xf32, #tpu.memory_space<vmem>>, vector<16xf32>,
        %parallel_loop3A_788 = arith.constant 0 : i32
        %parallel_loop3A_789 = arith.constant 0 : i32
        %parallel_loop3A_790 = tpu.memref_slice %arg8[%parallel_loop3A_217, %parallel_loop3A_788, %parallel_loop3A_789] : memref<2x64x128xf32, #tpu.memory_space<vmem>> -> memref<1x64x128xf32, #tpu.memory_space<vmem>>
        %parallel_loop3A_791 = tpu.memref_squeeze %parallel_loop3A_790 : memref<1x64x128xf32, #tpu.memory_space<vmem>> -> memref<64x128xf32, #tpu.memory_space<vmem>>
        %parallel_loop3A_792 = arith.index_cast %parallel_loop3A_764 : i32 to index
        %parallel_loop3A_793 = arith.constant 32 : index
        %parallel_loop3A_794 = tpu.vector_load %parallel_loop3A_791[%parallel_loop3A_792, %parallel_loop3A_793] {strides = array<i32>} : memref<64x128xf32, #tpu.memory_space<vmem>>, vector<16xf32>,
        tpu.vector_store %parallel_loop3A_791[%parallel_loop3A_792, %parallel_loop3A_793], %parallel_loop3A_787 {strides = array<i32>} : memref<64x128xf32, #tpu.memory_space<vmem>>, vector<16xf32>,
        %parallel_loop3A_795 = arith.index_cast %parallel_loop3A_760 : i32 to index
        %parallel_loop3A_796 = arith.constant 48 : index
        %parallel_loop3A_797 = tpu.vector_load %arg5[%parallel_loop3A_795, %parallel_loop3A_796] {strides = array<i32>} : memref<520x128xf32, #tpu.memory_space<vmem>>, vector<16xf32>,
        %parallel_loop3A_798 = arith.constant 0 : i32
        %parallel_loop3A_799 = arith.constant 0 : i32
        %parallel_loop3A_800 = tpu.memref_slice %arg8[%parallel_loop3A_217, %parallel_loop3A_798, %parallel_loop3A_799] : memref<2x64x128xf32, #tpu.memory_space<vmem>> -> memref<1x64x128xf32, #tpu.memory_space<vmem>>
        %parallel_loop3A_801 = tpu.memref_squeeze %parallel_loop3A_800 : memref<1x64x128xf32, #tpu.memory_space<vmem>> -> memref<64x128xf32, #tpu.memory_space<vmem>>
        %parallel_loop3A_802 = arith.index_cast %parallel_loop3A_764 : i32 to index
        %parallel_loop3A_803 = arith.constant 48 : index
        %parallel_loop3A_804 = tpu.vector_load %parallel_loop3A_801[%parallel_loop3A_802, %parallel_loop3A_803] {strides = array<i32>} : memref<64x128xf32, #tpu.memory_space<vmem>>, vector<16xf32>,
        tpu.vector_store %parallel_loop3A_801[%parallel_loop3A_802, %parallel_loop3A_803], %parallel_loop3A_797 {strides = array<i32>} : memref<64x128xf32, #tpu.memory_space<vmem>>, vector<16xf32>,
        %parallel_loop3A_805 = arith.index_cast %parallel_loop3A_760 : i32 to index
        %parallel_loop3A_806 = arith.constant 64 : index
        %parallel_loop3A_807 = tpu.vector_load %arg5[%parallel_loop3A_805, %parallel_loop3A_806] {strides = array<i32>} : memref<520x128xf32, #tpu.memory_space<vmem>>, vector<16xf32>,
        %parallel_loop3A_808 = arith.constant 0 : i32
        %parallel_loop3A_809 = arith.constant 0 : i32
        %parallel_loop3A_810 = tpu.memref_slice %arg8[%parallel_loop3A_217, %parallel_loop3A_808, %parallel_loop3A_809] : memref<2x64x128xf32, #tpu.memory_space<vmem>> -> memref<1x64x128xf32, #tpu.memory_space<vmem>>
        %parallel_loop3A_811 = tpu.memref_squeeze %parallel_loop3A_810 : memref<1x64x128xf32, #tpu.memory_space<vmem>> -> memref<64x128xf32, #tpu.memory_space<vmem>>
        %parallel_loop3A_812 = arith.index_cast %parallel_loop3A_764 : i32 to index
        %parallel_loop3A_813 = arith.constant 64 : index
        %parallel_loop3A_814 = tpu.vector_load %parallel_loop3A_811[%parallel_loop3A_812, %parallel_loop3A_813] {strides = array<i32>} : memref<64x128xf32, #tpu.memory_space<vmem>>, vector<16xf32>,
        tpu.vector_store %parallel_loop3A_811[%parallel_loop3A_812, %parallel_loop3A_813], %parallel_loop3A_807 {strides = array<i32>} : memref<64x128xf32, #tpu.memory_space<vmem>>, vector<16xf32>,
        %parallel_loop3A_815 = arith.index_cast %parallel_loop3A_760 : i32 to index
        %parallel_loop3A_816 = arith.constant 80 : index
        %parallel_loop3A_817 = tpu.vector_load %arg5[%parallel_loop3A_815, %parallel_loop3A_816] {strides = array<i32>} : memref<520x128xf32, #tpu.memory_space<vmem>>, vector<16xf32>,
        %parallel_loop3A_818 = arith.constant 0 : i32
        %parallel_loop3A_819 = arith.constant 0 : i32
        %parallel_loop3A_820 = tpu.memref_slice %arg8[%parallel_loop3A_217, %parallel_loop3A_818, %parallel_loop3A_819] : memref<2x64x128xf32, #tpu.memory_space<vmem>> -> memref<1x64x128xf32, #tpu.memory_space<vmem>>
        %parallel_loop3A_821 = tpu.memref_squeeze %parallel_loop3A_820 : memref<1x64x128xf32, #tpu.memory_space<vmem>> -> memref<64x128xf32, #tpu.memory_space<vmem>>
        %parallel_loop3A_822 = arith.index_cast %parallel_loop3A_764 : i32 to index
        %parallel_loop3A_823 = arith.constant 80 : index
        %parallel_loop3A_824 = tpu.vector_load %parallel_loop3A_821[%parallel_loop3A_822, %parallel_loop3A_823] {strides = array<i32>} : memref<64x128xf32, #tpu.memory_space<vmem>>, vector<16xf32>,
        tpu.vector_store %parallel_loop3A_821[%parallel_loop3A_822, %parallel_loop3A_823], %parallel_loop3A_817 {strides = array<i32>} : memref<64x128xf32, #tpu.memory_space<vmem>>, vector<16xf32>,
        %parallel_loop3A_825 = arith.index_cast %parallel_loop3A_760 : i32 to index
        %parallel_loop3A_826 = arith.constant 96 : index
        %parallel_loop3A_827 = tpu.vector_load %arg5[%parallel_loop3A_825, %parallel_loop3A_826] {strides = array<i32>} : memref<520x128xf32, #tpu.memory_space<vmem>>, vector<16xf32>,
        %parallel_loop3A_828 = arith.constant 0 : i32
        %parallel_loop3A_829 = arith.constant 0 : i32
        %parallel_loop3A_830 = tpu.memref_slice %arg8[%parallel_loop3A_217, %parallel_loop3A_828, %parallel_loop3A_829] : memref<2x64x128xf32, #tpu.memory_space<vmem>> -> memref<1x64x128xf32, #tpu.memory_space<vmem>>
        %parallel_loop3A_831 = tpu.memref_squeeze %parallel_loop3A_830 : memref<1x64x128xf32, #tpu.memory_space<vmem>> -> memref<64x128xf32, #tpu.memory_space<vmem>>
        %parallel_loop3A_832 = arith.index_cast %parallel_loop3A_764 : i32 to index
        %parallel_loop3A_833 = arith.constant 96 : index
        %parallel_loop3A_834 = tpu.vector_load %parallel_loop3A_831[%parallel_loop3A_832, %parallel_loop3A_833] {strides = array<i32>} : memref<64x128xf32, #tpu.memory_space<vmem>>, vector<16xf32>,
        tpu.vector_store %parallel_loop3A_831[%parallel_loop3A_832, %parallel_loop3A_833], %parallel_loop3A_827 {strides = array<i32>} : memref<64x128xf32, #tpu.memory_space<vmem>>, vector<16xf32>,
        %parallel_loop3A_835 = arith.index_cast %parallel_loop3A_760 : i32 to index
        %parallel_loop3A_836 = arith.constant 112 : index
        %parallel_loop3A_837 = tpu.vector_load %arg5[%parallel_loop3A_835, %parallel_loop3A_836] {strides = array<i32>} : memref<520x128xf32, #tpu.memory_space<vmem>>, vector<16xf32>,
        %parallel_loop3A_838 = arith.constant 0 : i32
        %parallel_loop3A_839 = arith.constant 0 : i32
        %parallel_loop3A_840 = tpu.memref_slice %arg8[%parallel_loop3A_217, %parallel_loop3A_838, %parallel_loop3A_839] : memref<2x64x128xf32, #tpu.memory_space<vmem>> -> memref<1x64x128xf32, #tpu.memory_space<vmem>>
        %parallel_loop3A_841 = tpu.memref_squeeze %parallel_loop3A_840 : memref<1x64x128xf32, #tpu.memory_space<vmem>> -> memref<64x128xf32, #tpu.memory_space<vmem>>
        %parallel_loop3A_842 = arith.index_cast %parallel_loop3A_764 : i32 to index
        %parallel_loop3A_843 = arith.constant 112 : index
        %parallel_loop3A_844 = tpu.vector_load %parallel_loop3A_841[%parallel_loop3A_842, %parallel_loop3A_843] {strides = array<i32>} : memref<64x128xf32, #tpu.memory_space<vmem>>, vector<16xf32>,
        tpu.vector_store %parallel_loop3A_841[%parallel_loop3A_842, %parallel_loop3A_843], %parallel_loop3A_837 {strides = array<i32>} : memref<64x128xf32, #tpu.memory_space<vmem>>, vector<16xf32>,
        %parallel_loop3A_845 = vector.extract_strided_slice %parallel_loop3A_242 {offsets = [7], sizes = [1], strides = [1]} : vector<16xi32> to vector<1xi32>
        %parallel_loop3A_846 = vector.extract %parallel_loop3A_845[0] : i32 from vector<1xi32>
        %parallel_loop3A_847 = arith.constant 16 : i32
        %parallel_loop3A_848 = arith.muli %parallel_loop3A_235, %parallel_loop3A_847 : i32
        %parallel_loop3A_849 = arith.constant 7 : i32
        %parallel_loop3A_850 = arith.addi %parallel_loop3A_848, %parallel_loop3A_849 : i32
        %parallel_loop3A_851 = arith.index_cast %parallel_loop3A_846 : i32 to index
        %parallel_loop3A_852 = arith.constant 0 : index
        %parallel_loop3A_853 = tpu.vector_load %arg5[%parallel_loop3A_851, %parallel_loop3A_852] {strides = array<i32>} : memref<520x128xf32, #tpu.memory_space<vmem>>, vector<16xf32>,
        %parallel_loop3A_854 = arith.constant 0 : i32
        %parallel_loop3A_855 = arith.constant 0 : i32
        %parallel_loop3A_856 = tpu.memref_slice %arg8[%parallel_loop3A_217, %parallel_loop3A_854, %parallel_loop3A_855] : memref<2x64x128xf32, #tpu.memory_space<vmem>> -> memref<1x64x128xf32, #tpu.memory_space<vmem>>
        %parallel_loop3A_857 = tpu.memref_squeeze %parallel_loop3A_856 : memref<1x64x128xf32, #tpu.memory_space<vmem>> -> memref<64x128xf32, #tpu.memory_space<vmem>>
        %parallel_loop3A_858 = arith.index_cast %parallel_loop3A_850 : i32 to index
        %parallel_loop3A_859 = arith.constant 0 : index
        %parallel_loop3A_860 = tpu.vector_load %parallel_loop3A_857[%parallel_loop3A_858, %parallel_loop3A_859] {strides = array<i32>} : memref<64x128xf32, #tpu.memory_space<vmem>>, vector<16xf32>,
        tpu.vector_store %parallel_loop3A_857[%parallel_loop3A_858, %parallel_loop3A_859], %parallel_loop3A_853 {strides = array<i32>} : memref<64x128xf32, #tpu.memory_space<vmem>>, vector<16xf32>,
        %parallel_loop3A_861 = arith.index_cast %parallel_loop3A_846 : i32 to index
        %parallel_loop3A_862 = arith.constant 16 : index
        %parallel_loop3A_863 = tpu.vector_load %arg5[%parallel_loop3A_861, %parallel_loop3A_862] {strides = array<i32>} : memref<520x128xf32, #tpu.memory_space<vmem>>, vector<16xf32>,
        %parallel_loop3A_864 = arith.constant 0 : i32
        %parallel_loop3A_865 = arith.constant 0 : i32
        %parallel_loop3A_866 = tpu.memref_slice %arg8[%parallel_loop3A_217, %parallel_loop3A_864, %parallel_loop3A_865] : memref<2x64x128xf32, #tpu.memory_space<vmem>> -> memref<1x64x128xf32, #tpu.memory_space<vmem>>
        %parallel_loop3A_867 = tpu.memref_squeeze %parallel_loop3A_866 : memref<1x64x128xf32, #tpu.memory_space<vmem>> -> memref<64x128xf32, #tpu.memory_space<vmem>>
        %parallel_loop3A_868 = arith.index_cast %parallel_loop3A_850 : i32 to index
        %parallel_loop3A_869 = arith.constant 16 : index
        %parallel_loop3A_870 = tpu.vector_load %parallel_loop3A_867[%parallel_loop3A_868, %parallel_loop3A_869] {strides = array<i32>} : memref<64x128xf32, #tpu.memory_space<vmem>>, vector<16xf32>,
        tpu.vector_store %parallel_loop3A_867[%parallel_loop3A_868, %parallel_loop3A_869], %parallel_loop3A_863 {strides = array<i32>} : memref<64x128xf32, #tpu.memory_space<vmem>>, vector<16xf32>,
        %parallel_loop3A_871 = arith.index_cast %parallel_loop3A_846 : i32 to index
        %parallel_loop3A_872 = arith.constant 32 : index
        %parallel_loop3A_873 = tpu.vector_load %arg5[%parallel_loop3A_871, %parallel_loop3A_872] {strides = array<i32>} : memref<520x128xf32, #tpu.memory_space<vmem>>, vector<16xf32>,
        %parallel_loop3A_874 = arith.constant 0 : i32
        %parallel_loop3A_875 = arith.constant 0 : i32
        %parallel_loop3A_876 = tpu.memref_slice %arg8[%parallel_loop3A_217, %parallel_loop3A_874, %parallel_loop3A_875] : memref<2x64x128xf32, #tpu.memory_space<vmem>> -> memref<1x64x128xf32, #tpu.memory_space<vmem>>
        %parallel_loop3A_877 = tpu.memref_squeeze %parallel_loop3A_876 : memref<1x64x128xf32, #tpu.memory_space<vmem>> -> memref<64x128xf32, #tpu.memory_space<vmem>>
        %parallel_loop3A_878 = arith.index_cast %parallel_loop3A_850 : i32 to index
        %parallel_loop3A_879 = arith.constant 32 : index
        %parallel_loop3A_880 = tpu.vector_load %parallel_loop3A_877[%parallel_loop3A_878, %parallel_loop3A_879] {strides = array<i32>} : memref<64x128xf32, #tpu.memory_space<vmem>>, vector<16xf32>,
        tpu.vector_store %parallel_loop3A_877[%parallel_loop3A_878, %parallel_loop3A_879], %parallel_loop3A_873 {strides = array<i32>} : memref<64x128xf32, #tpu.memory_space<vmem>>, vector<16xf32>,
        %parallel_loop3A_881 = arith.index_cast %parallel_loop3A_846 : i32 to index
        %parallel_loop3A_882 = arith.constant 48 : index
        %parallel_loop3A_883 = tpu.vector_load %arg5[%parallel_loop3A_881, %parallel_loop3A_882] {strides = array<i32>} : memref<520x128xf32, #tpu.memory_space<vmem>>, vector<16xf32>,
        %parallel_loop3A_884 = arith.constant 0 : i32
        %parallel_loop3A_885 = arith.constant 0 : i32
        %parallel_loop3A_886 = tpu.memref_slice %arg8[%parallel_loop3A_217, %parallel_loop3A_884, %parallel_loop3A_885] : memref<2x64x128xf32, #tpu.memory_space<vmem>> -> memref<1x64x128xf32, #tpu.memory_space<vmem>>
        %parallel_loop3A_887 = tpu.memref_squeeze %parallel_loop3A_886 : memref<1x64x128xf32, #tpu.memory_space<vmem>> -> memref<64x128xf32, #tpu.memory_space<vmem>>
        %parallel_loop3A_888 = arith.index_cast %parallel_loop3A_850 : i32 to index
        %parallel_loop3A_889 = arith.constant 48 : index
        %parallel_loop3A_890 = tpu.vector_load %parallel_loop3A_887[%parallel_loop3A_888, %parallel_loop3A_889] {strides = array<i32>} : memref<64x128xf32, #tpu.memory_space<vmem>>, vector<16xf32>,
        tpu.vector_store %parallel_loop3A_887[%parallel_loop3A_888, %parallel_loop3A_889], %parallel_loop3A_883 {strides = array<i32>} : memref<64x128xf32, #tpu.memory_space<vmem>>, vector<16xf32>,
        %parallel_loop3A_891 = arith.index_cast %parallel_loop3A_846 : i32 to index
        %parallel_loop3A_892 = arith.constant 64 : index
        %parallel_loop3A_893 = tpu.vector_load %arg5[%parallel_loop3A_891, %parallel_loop3A_892] {strides = array<i32>} : memref<520x128xf32, #tpu.memory_space<vmem>>, vector<16xf32>,
        %parallel_loop3A_894 = arith.constant 0 : i32
        %parallel_loop3A_895 = arith.constant 0 : i32
        %parallel_loop3A_896 = tpu.memref_slice %arg8[%parallel_loop3A_217, %parallel_loop3A_894, %parallel_loop3A_895] : memref<2x64x128xf32, #tpu.memory_space<vmem>> -> memref<1x64x128xf32, #tpu.memory_space<vmem>>
        %parallel_loop3A_897 = tpu.memref_squeeze %parallel_loop3A_896 : memref<1x64x128xf32, #tpu.memory_space<vmem>> -> memref<64x128xf32, #tpu.memory_space<vmem>>
        %parallel_loop3A_898 = arith.index_cast %parallel_loop3A_850 : i32 to index
        %parallel_loop3A_899 = arith.constant 64 : index
        %parallel_loop3A_900 = tpu.vector_load %parallel_loop3A_897[%parallel_loop3A_898, %parallel_loop3A_899] {strides = array<i32>} : memref<64x128xf32, #tpu.memory_space<vmem>>, vector<16xf32>,
        tpu.vector_store %parallel_loop3A_897[%parallel_loop3A_898, %parallel_loop3A_899], %parallel_loop3A_893 {strides = array<i32>} : memref<64x128xf32, #tpu.memory_space<vmem>>, vector<16xf32>,
        %parallel_loop3A_901 = arith.index_cast %parallel_loop3A_846 : i32 to index
        %parallel_loop3A_902 = arith.constant 80 : index
        %parallel_loop3A_903 = tpu.vector_load %arg5[%parallel_loop3A_901, %parallel_loop3A_902] {strides = array<i32>} : memref<520x128xf32, #tpu.memory_space<vmem>>, vector<16xf32>,
        %parallel_loop3A_904 = arith.constant 0 : i32
        %parallel_loop3A_905 = arith.constant 0 : i32
        %parallel_loop3A_906 = tpu.memref_slice %arg8[%parallel_loop3A_217, %parallel_loop3A_904, %parallel_loop3A_905] : memref<2x64x128xf32, #tpu.memory_space<vmem>> -> memref<1x64x128xf32, #tpu.memory_space<vmem>>
        %parallel_loop3A_907 = tpu.memref_squeeze %parallel_loop3A_906 : memref<1x64x128xf32, #tpu.memory_space<vmem>> -> memref<64x128xf32, #tpu.memory_space<vmem>>
        %parallel_loop3A_908 = arith.index_cast %parallel_loop3A_850 : i32 to index
        %parallel_loop3A_909 = arith.constant 80 : index
        %parallel_loop3A_910 = tpu.vector_load %parallel_loop3A_907[%parallel_loop3A_908, %parallel_loop3A_909] {strides = array<i32>} : memref<64x128xf32, #tpu.memory_space<vmem>>, vector<16xf32>,
        tpu.vector_store %parallel_loop3A_907[%parallel_loop3A_908, %parallel_loop3A_909], %parallel_loop3A_903 {strides = array<i32>} : memref<64x128xf32, #tpu.memory_space<vmem>>, vector<16xf32>,
        %parallel_loop3A_911 = arith.index_cast %parallel_loop3A_846 : i32 to index
        %parallel_loop3A_912 = arith.constant 96 : index
        %parallel_loop3A_913 = tpu.vector_load %arg5[%parallel_loop3A_911, %parallel_loop3A_912] {strides = array<i32>} : memref<520x128xf32, #tpu.memory_space<vmem>>, vector<16xf32>,
        %parallel_loop3A_914 = arith.constant 0 : i32
        %parallel_loop3A_915 = arith.constant 0 : i32
        %parallel_loop3A_916 = tpu.memref_slice %arg8[%parallel_loop3A_217, %parallel_loop3A_914, %parallel_loop3A_915] : memref<2x64x128xf32, #tpu.memory_space<vmem>> -> memref<1x64x128xf32, #tpu.memory_space<vmem>>
        %parallel_loop3A_917 = tpu.memref_squeeze %parallel_loop3A_916 : memref<1x64x128xf32, #tpu.memory_space<vmem>> -> memref<64x128xf32, #tpu.memory_space<vmem>>
        %parallel_loop3A_918 = arith.index_cast %parallel_loop3A_850 : i32 to index
        %parallel_loop3A_919 = arith.constant 96 : index
        %parallel_loop3A_920 = tpu.vector_load %parallel_loop3A_917[%parallel_loop3A_918, %parallel_loop3A_919] {strides = array<i32>} : memref<64x128xf32, #tpu.memory_space<vmem>>, vector<16xf32>,
        tpu.vector_store %parallel_loop3A_917[%parallel_loop3A_918, %parallel_loop3A_919], %parallel_loop3A_913 {strides = array<i32>} : memref<64x128xf32, #tpu.memory_space<vmem>>, vector<16xf32>,
        %parallel_loop3A_921 = arith.index_cast %parallel_loop3A_846 : i32 to index
        %parallel_loop3A_922 = arith.constant 112 : index
        %parallel_loop3A_923 = tpu.vector_load %arg5[%parallel_loop3A_921, %parallel_loop3A_922] {strides = array<i32>} : memref<520x128xf32, #tpu.memory_space<vmem>>, vector<16xf32>,
        %parallel_loop3A_924 = arith.constant 0 : i32
        %parallel_loop3A_925 = arith.constant 0 : i32
        %parallel_loop3A_926 = tpu.memref_slice %arg8[%parallel_loop3A_217, %parallel_loop3A_924, %parallel_loop3A_925] : memref<2x64x128xf32, #tpu.memory_space<vmem>> -> memref<1x64x128xf32, #tpu.memory_space<vmem>>
        %parallel_loop3A_927 = tpu.memref_squeeze %parallel_loop3A_926 : memref<1x64x128xf32, #tpu.memory_space<vmem>> -> memref<64x128xf32, #tpu.memory_space<vmem>>
        %parallel_loop3A_928 = arith.index_cast %parallel_loop3A_850 : i32 to index
        %parallel_loop3A_929 = arith.constant 112 : index
        %parallel_loop3A_930 = tpu.vector_load %parallel_loop3A_927[%parallel_loop3A_928, %parallel_loop3A_929] {strides = array<i32>} : memref<64x128xf32, #tpu.memory_space<vmem>>, vector<16xf32>,
        tpu.vector_store %parallel_loop3A_927[%parallel_loop3A_928, %parallel_loop3A_929], %parallel_loop3A_923 {strides = array<i32>} : memref<64x128xf32, #tpu.memory_space<vmem>>, vector<16xf32>,
        %parallel_loop3A_931 = vector.extract_strided_slice %parallel_loop3A_242 {offsets = [8], sizes = [1], strides = [1]} : vector<16xi32> to vector<1xi32>
        %parallel_loop3A_932 = vector.extract %parallel_loop3A_931[0] : i32 from vector<1xi32>
        %parallel_loop3A_933 = arith.constant 16 : i32
        %parallel_loop3A_934 = arith.muli %parallel_loop3A_235, %parallel_loop3A_933 : i32
        %parallel_loop3A_935 = arith.constant 8 : i32
        %parallel_loop3A_936 = arith.addi %parallel_loop3A_934, %parallel_loop3A_935 : i32
        %parallel_loop3A_937 = arith.index_cast %parallel_loop3A_932 : i32 to index
        %parallel_loop3A_938 = arith.constant 0 : index
        %parallel_loop3A_939 = tpu.vector_load %arg5[%parallel_loop3A_937, %parallel_loop3A_938] {strides = array<i32>} : memref<520x128xf32, #tpu.memory_space<vmem>>, vector<16xf32>,
        %parallel_loop3A_940 = arith.constant 0 : i32
        %parallel_loop3A_941 = arith.constant 0 : i32
        %parallel_loop3A_942 = tpu.memref_slice %arg8[%parallel_loop3A_217, %parallel_loop3A_940, %parallel_loop3A_941] : memref<2x64x128xf32, #tpu.memory_space<vmem>> -> memref<1x64x128xf32, #tpu.memory_space<vmem>>
        %parallel_loop3A_943 = tpu.memref_squeeze %parallel_loop3A_942 : memref<1x64x128xf32, #tpu.memory_space<vmem>> -> memref<64x128xf32, #tpu.memory_space<vmem>>
        %parallel_loop3A_944 = arith.index_cast %parallel_loop3A_936 : i32 to index
        %parallel_loop3A_945 = arith.constant 0 : index
        %parallel_loop3A_946 = tpu.vector_load %parallel_loop3A_943[%parallel_loop3A_944, %parallel_loop3A_945] {strides = array<i32>} : memref<64x128xf32, #tpu.memory_space<vmem>>, vector<16xf32>,
        tpu.vector_store %parallel_loop3A_943[%parallel_loop3A_944, %parallel_loop3A_945], %parallel_loop3A_939 {strides = array<i32>} : memref<64x128xf32, #tpu.memory_space<vmem>>, vector<16xf32>,
        %parallel_loop3A_947 = arith.index_cast %parallel_loop3A_932 : i32 to index
        %parallel_loop3A_948 = arith.constant 16 : index
        %parallel_loop3A_949 = tpu.vector_load %arg5[%parallel_loop3A_947, %parallel_loop3A_948] {strides = array<i32>} : memref<520x128xf32, #tpu.memory_space<vmem>>, vector<16xf32>,
        %parallel_loop3A_950 = arith.constant 0 : i32
        %parallel_loop3A_951 = arith.constant 0 : i32
        %parallel_loop3A_952 = tpu.memref_slice %arg8[%parallel_loop3A_217, %parallel_loop3A_950, %parallel_loop3A_951] : memref<2x64x128xf32, #tpu.memory_space<vmem>> -> memref<1x64x128xf32, #tpu.memory_space<vmem>>
        %parallel_loop3A_953 = tpu.memref_squeeze %parallel_loop3A_952 : memref<1x64x128xf32, #tpu.memory_space<vmem>> -> memref<64x128xf32, #tpu.memory_space<vmem>>
        %parallel_loop3A_954 = arith.index_cast %parallel_loop3A_936 : i32 to index
        %parallel_loop3A_955 = arith.constant 16 : index
        %parallel_loop3A_956 = tpu.vector_load %parallel_loop3A_953[%parallel_loop3A_954, %parallel_loop3A_955] {strides = array<i32>} : memref<64x128xf32, #tpu.memory_space<vmem>>, vector<16xf32>,
        tpu.vector_store %parallel_loop3A_953[%parallel_loop3A_954, %parallel_loop3A_955], %parallel_loop3A_949 {strides = array<i32>} : memref<64x128xf32, #tpu.memory_space<vmem>>, vector<16xf32>,
        %parallel_loop3A_957 = arith.index_cast %parallel_loop3A_932 : i32 to index
        %parallel_loop3A_958 = arith.constant 32 : index
        %parallel_loop3A_959 = tpu.vector_load %arg5[%parallel_loop3A_957, %parallel_loop3A_958] {strides = array<i32>} : memref<520x128xf32, #tpu.memory_space<vmem>>, vector<16xf32>,
        %parallel_loop3A_960 = arith.constant 0 : i32
        %parallel_loop3A_961 = arith.constant 0 : i32
        %parallel_loop3A_962 = tpu.memref_slice %arg8[%parallel_loop3A_217, %parallel_loop3A_960, %parallel_loop3A_961] : memref<2x64x128xf32, #tpu.memory_space<vmem>> -> memref<1x64x128xf32, #tpu.memory_space<vmem>>
        %parallel_loop3A_963 = tpu.memref_squeeze %parallel_loop3A_962 : memref<1x64x128xf32, #tpu.memory_space<vmem>> -> memref<64x128xf32, #tpu.memory_space<vmem>>
        %parallel_loop3A_964 = arith.index_cast %parallel_loop3A_936 : i32 to index
        %parallel_loop3A_965 = arith.constant 32 : index
        %parallel_loop3A_966 = tpu.vector_load %parallel_loop3A_963[%parallel_loop3A_964, %parallel_loop3A_965] {strides = array<i32>} : memref<64x128xf32, #tpu.memory_space<vmem>>, vector<16xf32>,
        tpu.vector_store %parallel_loop3A_963[%parallel_loop3A_964, %parallel_loop3A_965], %parallel_loop3A_959 {strides = array<i32>} : memref<64x128xf32, #tpu.memory_space<vmem>>, vector<16xf32>,
        %parallel_loop3A_967 = arith.index_cast %parallel_loop3A_932 : i32 to index
        %parallel_loop3A_968 = arith.constant 48 : index
        %parallel_loop3A_969 = tpu.vector_load %arg5[%parallel_loop3A_967, %parallel_loop3A_968] {strides = array<i32>} : memref<520x128xf32, #tpu.memory_space<vmem>>, vector<16xf32>,
        %parallel_loop3A_970 = arith.constant 0 : i32
        %parallel_loop3A_971 = arith.constant 0 : i32
        %parallel_loop3A_972 = tpu.memref_slice %arg8[%parallel_loop3A_217, %parallel_loop3A_970, %parallel_loop3A_971] : memref<2x64x128xf32, #tpu.memory_space<vmem>> -> memref<1x64x128xf32, #tpu.memory_space<vmem>>
        %parallel_loop3A_973 = tpu.memref_squeeze %parallel_loop3A_972 : memref<1x64x128xf32, #tpu.memory_space<vmem>> -> memref<64x128xf32, #tpu.memory_space<vmem>>
        %parallel_loop3A_974 = arith.index_cast %parallel_loop3A_936 : i32 to index
        %parallel_loop3A_975 = arith.constant 48 : index
        %parallel_loop3A_976 = tpu.vector_load %parallel_loop3A_973[%parallel_loop3A_974, %parallel_loop3A_975] {strides = array<i32>} : memref<64x128xf32, #tpu.memory_space<vmem>>, vector<16xf32>,
        tpu.vector_store %parallel_loop3A_973[%parallel_loop3A_974, %parallel_loop3A_975], %parallel_loop3A_969 {strides = array<i32>} : memref<64x128xf32, #tpu.memory_space<vmem>>, vector<16xf32>,
        %parallel_loop3A_977 = arith.index_cast %parallel_loop3A_932 : i32 to index
        %parallel_loop3A_978 = arith.constant 64 : index
        %parallel_loop3A_979 = tpu.vector_load %arg5[%parallel_loop3A_977, %parallel_loop3A_978] {strides = array<i32>} : memref<520x128xf32, #tpu.memory_space<vmem>>, vector<16xf32>,
        %parallel_loop3A_980 = arith.constant 0 : i32
        %parallel_loop3A_981 = arith.constant 0 : i32
        %parallel_loop3A_982 = tpu.memref_slice %arg8[%parallel_loop3A_217, %parallel_loop3A_980, %parallel_loop3A_981] : memref<2x64x128xf32, #tpu.memory_space<vmem>> -> memref<1x64x128xf32, #tpu.memory_space<vmem>>
        %parallel_loop3A_983 = tpu.memref_squeeze %parallel_loop3A_982 : memref<1x64x128xf32, #tpu.memory_space<vmem>> -> memref<64x128xf32, #tpu.memory_space<vmem>>
        %parallel_loop3A_984 = arith.index_cast %parallel_loop3A_936 : i32 to index
        %parallel_loop3A_985 = arith.constant 64 : index
        %parallel_loop3A_986 = tpu.vector_load %parallel_loop3A_983[%parallel_loop3A_984, %parallel_loop3A_985] {strides = array<i32>} : memref<64x128xf32, #tpu.memory_space<vmem>>, vector<16xf32>,
        tpu.vector_store %parallel_loop3A_983[%parallel_loop3A_984, %parallel_loop3A_985], %parallel_loop3A_979 {strides = array<i32>} : memref<64x128xf32, #tpu.memory_space<vmem>>, vector<16xf32>,
        %parallel_loop3A_987 = arith.index_cast %parallel_loop3A_932 : i32 to index
        %parallel_loop3A_988 = arith.constant 80 : index
        %parallel_loop3A_989 = tpu.vector_load %arg5[%parallel_loop3A_987, %parallel_loop3A_988] {strides = array<i32>} : memref<520x128xf32, #tpu.memory_space<vmem>>, vector<16xf32>,
        %parallel_loop3A_990 = arith.constant 0 : i32
        %parallel_loop3A_991 = arith.constant 0 : i32
        %parallel_loop3A_992 = tpu.memref_slice %arg8[%parallel_loop3A_217, %parallel_loop3A_990, %parallel_loop3A_991] : memref<2x64x128xf32, #tpu.memory_space<vmem>> -> memref<1x64x128xf32, #tpu.memory_space<vmem>>
        %parallel_loop3A_993 = tpu.memref_squeeze %parallel_loop3A_992 : memref<1x64x128xf32, #tpu.memory_space<vmem>> -> memref<64x128xf32, #tpu.memory_space<vmem>>
        %parallel_loop3A_994 = arith.index_cast %parallel_loop3A_936 : i32 to index
        %parallel_loop3A_995 = arith.constant 80 : index
        %parallel_loop3A_996 = tpu.vector_load %parallel_loop3A_993[%parallel_loop3A_994, %parallel_loop3A_995] {strides = array<i32>} : memref<64x128xf32, #tpu.memory_space<vmem>>, vector<16xf32>,
        tpu.vector_store %parallel_loop3A_993[%parallel_loop3A_994, %parallel_loop3A_995], %parallel_loop3A_989 {strides = array<i32>} : memref<64x128xf32, #tpu.memory_space<vmem>>, vector<16xf32>,
        %parallel_loop3A_997 = arith.index_cast %parallel_loop3A_932 : i32 to index
        %parallel_loop3A_998 = arith.constant 96 : index
        %parallel_loop3A_999 = tpu.vector_load %arg5[%parallel_loop3A_997, %parallel_loop3A_998] {strides = array<i32>} : memref<520x128xf32, #tpu.memory_space<vmem>>, vector<16xf32>,
        %parallel_loop3A_1000 = arith.constant 0 : i32
        %parallel_loop3A_1001 = arith.constant 0 : i32
        %parallel_loop3A_1002 = tpu.memref_slice %arg8[%parallel_loop3A_217, %parallel_loop3A_1000, %parallel_loop3A_1001] : memref<2x64x128xf32, #tpu.memory_space<vmem>> -> memref<1x64x128xf32, #tpu.memory_space<vmem>>
        %parallel_loop3A_1003 = tpu.memref_squeeze %parallel_loop3A_1002 : memref<1x64x128xf32, #tpu.memory_space<vmem>> -> memref<64x128xf32, #tpu.memory_space<vmem>>
        %parallel_loop3A_1004 = arith.index_cast %parallel_loop3A_936 : i32 to index
        %parallel_loop3A_1005 = arith.constant 96 : index
        %parallel_loop3A_1006 = tpu.vector_load %parallel_loop3A_1003[%parallel_loop3A_1004, %parallel_loop3A_1005] {strides = array<i32>} : memref<64x128xf32, #tpu.memory_space<vmem>>, vector<16xf32>,
        tpu.vector_store %parallel_loop3A_1003[%parallel_loop3A_1004, %parallel_loop3A_1005], %parallel_loop3A_999 {strides = array<i32>} : memref<64x128xf32, #tpu.memory_space<vmem>>, vector<16xf32>,
        %parallel_loop3A_1007 = arith.index_cast %parallel_loop3A_932 : i32 to index
        %parallel_loop3A_1008 = arith.constant 112 : index
        %parallel_loop3A_1009 = tpu.vector_load %arg5[%parallel_loop3A_1007, %parallel_loop3A_1008] {strides = array<i32>} : memref<520x128xf32, #tpu.memory_space<vmem>>, vector<16xf32>,
        %parallel_loop3A_1010 = arith.constant 0 : i32
        %parallel_loop3A_1011 = arith.constant 0 : i32
        %parallel_loop3A_1012 = tpu.memref_slice %arg8[%parallel_loop3A_217, %parallel_loop3A_1010, %parallel_loop3A_1011] : memref<2x64x128xf32, #tpu.memory_space<vmem>> -> memref<1x64x128xf32, #tpu.memory_space<vmem>>
        %parallel_loop3A_1013 = tpu.memref_squeeze %parallel_loop3A_1012 : memref<1x64x128xf32, #tpu.memory_space<vmem>> -> memref<64x128xf32, #tpu.memory_space<vmem>>
        %parallel_loop3A_1014 = arith.index_cast %parallel_loop3A_936 : i32 to index
        %parallel_loop3A_1015 = arith.constant 112 : index
        %parallel_loop3A_1016 = tpu.vector_load %parallel_loop3A_1013[%parallel_loop3A_1014, %parallel_loop3A_1015] {strides = array<i32>} : memref<64x128xf32, #tpu.memory_space<vmem>>, vector<16xf32>,
        tpu.vector_store %parallel_loop3A_1013[%parallel_loop3A_1014, %parallel_loop3A_1015], %parallel_loop3A_1009 {strides = array<i32>} : memref<64x128xf32, #tpu.memory_space<vmem>>, vector<16xf32>,
        %parallel_loop3A_1017 = vector.extract_strided_slice %parallel_loop3A_242 {offsets = [9], sizes = [1], strides = [1]} : vector<16xi32> to vector<1xi32>
        %parallel_loop3A_1018 = vector.extract %parallel_loop3A_1017[0] : i32 from vector<1xi32>
        %parallel_loop3A_1019 = arith.constant 16 : i32
        %parallel_loop3A_1020 = arith.muli %parallel_loop3A_235, %parallel_loop3A_1019 : i32
        %parallel_loop3A_1021 = arith.constant 9 : i32
        %parallel_loop3A_1022 = arith.addi %parallel_loop3A_1020, %parallel_loop3A_1021 : i32
        %parallel_loop3A_1023 = arith.index_cast %parallel_loop3A_1018 : i32 to index
        %parallel_loop3A_1024 = arith.constant 0 : index
        %parallel_loop3A_1025 = tpu.vector_load %arg5[%parallel_loop3A_1023, %parallel_loop3A_1024] {strides = array<i32>} : memref<520x128xf32, #tpu.memory_space<vmem>>, vector<16xf32>,
        %parallel_loop3A_1026 = arith.constant 0 : i32
        %parallel_loop3A_1027 = arith.constant 0 : i32
        %parallel_loop3A_1028 = tpu.memref_slice %arg8[%parallel_loop3A_217, %parallel_loop3A_1026, %parallel_loop3A_1027] : memref<2x64x128xf32, #tpu.memory_space<vmem>> -> memref<1x64x128xf32, #tpu.memory_space<vmem>>
        %parallel_loop3A_1029 = tpu.memref_squeeze %parallel_loop3A_1028 : memref<1x64x128xf32, #tpu.memory_space<vmem>> -> memref<64x128xf32, #tpu.memory_space<vmem>>
        %parallel_loop3A_1030 = arith.index_cast %parallel_loop3A_1022 : i32 to index
        %parallel_loop3A_1031 = arith.constant 0 : index
        %parallel_loop3A_1032 = tpu.vector_load %parallel_loop3A_1029[%parallel_loop3A_1030, %parallel_loop3A_1031] {strides = array<i32>} : memref<64x128xf32, #tpu.memory_space<vmem>>, vector<16xf32>,
        tpu.vector_store %parallel_loop3A_1029[%parallel_loop3A_1030, %parallel_loop3A_1031], %parallel_loop3A_1025 {strides = array<i32>} : memref<64x128xf32, #tpu.memory_space<vmem>>, vector<16xf32>,
        %parallel_loop3A_1033 = arith.index_cast %parallel_loop3A_1018 : i32 to index
        %parallel_loop3A_1034 = arith.constant 16 : index
        %parallel_loop3A_1035 = tpu.vector_load %arg5[%parallel_loop3A_1033, %parallel_loop3A_1034] {strides = array<i32>} : memref<520x128xf32, #tpu.memory_space<vmem>>, vector<16xf32>,
        %parallel_loop3A_1036 = arith.constant 0 : i32
        %parallel_loop3A_1037 = arith.constant 0 : i32
        %parallel_loop3A_1038 = tpu.memref_slice %arg8[%parallel_loop3A_217, %parallel_loop3A_1036, %parallel_loop3A_1037] : memref<2x64x128xf32, #tpu.memory_space<vmem>> -> memref<1x64x128xf32, #tpu.memory_space<vmem>>
        %parallel_loop3A_1039 = tpu.memref_squeeze %parallel_loop3A_1038 : memref<1x64x128xf32, #tpu.memory_space<vmem>> -> memref<64x128xf32, #tpu.memory_space<vmem>>
        %parallel_loop3A_1040 = arith.index_cast %parallel_loop3A_1022 : i32 to index
        %parallel_loop3A_1041 = arith.constant 16 : index
        %parallel_loop3A_1042 = tpu.vector_load %parallel_loop3A_1039[%parallel_loop3A_1040, %parallel_loop3A_1041] {strides = array<i32>} : memref<64x128xf32, #tpu.memory_space<vmem>>, vector<16xf32>,
        tpu.vector_store %parallel_loop3A_1039[%parallel_loop3A_1040, %parallel_loop3A_1041], %parallel_loop3A_1035 {strides = array<i32>} : memref<64x128xf32, #tpu.memory_space<vmem>>, vector<16xf32>,
        %parallel_loop3A_1043 = arith.index_cast %parallel_loop3A_1018 : i32 to index
        %parallel_loop3A_1044 = arith.constant 32 : index
        %parallel_loop3A_1045 = tpu.vector_load %arg5[%parallel_loop3A_1043, %parallel_loop3A_1044] {strides = array<i32>} : memref<520x128xf32, #tpu.memory_space<vmem>>, vector<16xf32>,
        %parallel_loop3A_1046 = arith.constant 0 : i32
        %parallel_loop3A_1047 = arith.constant 0 : i32
        %parallel_loop3A_1048 = tpu.memref_slice %arg8[%parallel_loop3A_217, %parallel_loop3A_1046, %parallel_loop3A_1047] : memref<2x64x128xf32, #tpu.memory_space<vmem>> -> memref<1x64x128xf32, #tpu.memory_space<vmem>>
        %parallel_loop3A_1049 = tpu.memref_squeeze %parallel_loop3A_1048 : memref<1x64x128xf32, #tpu.memory_space<vmem>> -> memref<64x128xf32, #tpu.memory_space<vmem>>
        %parallel_loop3A_1050 = arith.index_cast %parallel_loop3A_1022 : i32 to index
        %parallel_loop3A_1051 = arith.constant 32 : index
        %parallel_loop3A_1052 = tpu.vector_load %parallel_loop3A_1049[%parallel_loop3A_1050, %parallel_loop3A_1051] {strides = array<i32>} : memref<64x128xf32, #tpu.memory_space<vmem>>, vector<16xf32>,
        tpu.vector_store %parallel_loop3A_1049[%parallel_loop3A_1050, %parallel_loop3A_1051], %parallel_loop3A_1045 {strides = array<i32>} : memref<64x128xf32, #tpu.memory_space<vmem>>, vector<16xf32>,
        %parallel_loop3A_1053 = arith.index_cast %parallel_loop3A_1018 : i32 to index
        %parallel_loop3A_1054 = arith.constant 48 : index
        %parallel_loop3A_1055 = tpu.vector_load %arg5[%parallel_loop3A_1053, %parallel_loop3A_1054] {strides = array<i32>} : memref<520x128xf32, #tpu.memory_space<vmem>>, vector<16xf32>,
        %parallel_loop3A_1056 = arith.constant 0 : i32
        %parallel_loop3A_1057 = arith.constant 0 : i32
        %parallel_loop3A_1058 = tpu.memref_slice %arg8[%parallel_loop3A_217, %parallel_loop3A_1056, %parallel_loop3A_1057] : memref<2x64x128xf32, #tpu.memory_space<vmem>> -> memref<1x64x128xf32, #tpu.memory_space<vmem>>
        %parallel_loop3A_1059 = tpu.memref_squeeze %parallel_loop3A_1058 : memref<1x64x128xf32, #tpu.memory_space<vmem>> -> memref<64x128xf32, #tpu.memory_space<vmem>>
        %parallel_loop3A_1060 = arith.index_cast %parallel_loop3A_1022 : i32 to index
        %parallel_loop3A_1061 = arith.constant 48 : index
        %parallel_loop3A_1062 = tpu.vector_load %parallel_loop3A_1059[%parallel_loop3A_1060, %parallel_loop3A_1061] {strides = array<i32>} : memref<64x128xf32, #tpu.memory_space<vmem>>, vector<16xf32>,
        tpu.vector_store %parallel_loop3A_1059[%parallel_loop3A_1060, %parallel_loop3A_1061], %parallel_loop3A_1055 {strides = array<i32>} : memref<64x128xf32, #tpu.memory_space<vmem>>, vector<16xf32>,
        %parallel_loop3A_1063 = arith.index_cast %parallel_loop3A_1018 : i32 to index
        %parallel_loop3A_1064 = arith.constant 64 : index
        %parallel_loop3A_1065 = tpu.vector_load %arg5[%parallel_loop3A_1063, %parallel_loop3A_1064] {strides = array<i32>} : memref<520x128xf32, #tpu.memory_space<vmem>>, vector<16xf32>,
        %parallel_loop3A_1066 = arith.constant 0 : i32
        %parallel_loop3A_1067 = arith.constant 0 : i32
        %parallel_loop3A_1068 = tpu.memref_slice %arg8[%parallel_loop3A_217, %parallel_loop3A_1066, %parallel_loop3A_1067] : memref<2x64x128xf32, #tpu.memory_space<vmem>> -> memref<1x64x128xf32, #tpu.memory_space<vmem>>
        %parallel_loop3A_1069 = tpu.memref_squeeze %parallel_loop3A_1068 : memref<1x64x128xf32, #tpu.memory_space<vmem>> -> memref<64x128xf32, #tpu.memory_space<vmem>>
        %parallel_loop3A_1070 = arith.index_cast %parallel_loop3A_1022 : i32 to index
        %parallel_loop3A_1071 = arith.constant 64 : index
        %parallel_loop3A_1072 = tpu.vector_load %parallel_loop3A_1069[%parallel_loop3A_1070, %parallel_loop3A_1071] {strides = array<i32>} : memref<64x128xf32, #tpu.memory_space<vmem>>, vector<16xf32>,
        tpu.vector_store %parallel_loop3A_1069[%parallel_loop3A_1070, %parallel_loop3A_1071], %parallel_loop3A_1065 {strides = array<i32>} : memref<64x128xf32, #tpu.memory_space<vmem>>, vector<16xf32>,
        %parallel_loop3A_1073 = arith.index_cast %parallel_loop3A_1018 : i32 to index
        %parallel_loop3A_1074 = arith.constant 80 : index
        %parallel_loop3A_1075 = tpu.vector_load %arg5[%parallel_loop3A_1073, %parallel_loop3A_1074] {strides = array<i32>} : memref<520x128xf32, #tpu.memory_space<vmem>>, vector<16xf32>,
        %parallel_loop3A_1076 = arith.constant 0 : i32
        %parallel_loop3A_1077 = arith.constant 0 : i32
        %parallel_loop3A_1078 = tpu.memref_slice %arg8[%parallel_loop3A_217, %parallel_loop3A_1076, %parallel_loop3A_1077] : memref<2x64x128xf32, #tpu.memory_space<vmem>> -> memref<1x64x128xf32, #tpu.memory_space<vmem>>
        %parallel_loop3A_1079 = tpu.memref_squeeze %parallel_loop3A_1078 : memref<1x64x128xf32, #tpu.memory_space<vmem>> -> memref<64x128xf32, #tpu.memory_space<vmem>>
        %parallel_loop3A_1080 = arith.index_cast %parallel_loop3A_1022 : i32 to index
        %parallel_loop3A_1081 = arith.constant 80 : index
        %parallel_loop3A_1082 = tpu.vector_load %parallel_loop3A_1079[%parallel_loop3A_1080, %parallel_loop3A_1081] {strides = array<i32>} : memref<64x128xf32, #tpu.memory_space<vmem>>, vector<16xf32>,
        tpu.vector_store %parallel_loop3A_1079[%parallel_loop3A_1080, %parallel_loop3A_1081], %parallel_loop3A_1075 {strides = array<i32>} : memref<64x128xf32, #tpu.memory_space<vmem>>, vector<16xf32>,
        %parallel_loop3A_1083 = arith.index_cast %parallel_loop3A_1018 : i32 to index
        %parallel_loop3A_1084 = arith.constant 96 : index
        %parallel_loop3A_1085 = tpu.vector_load %arg5[%parallel_loop3A_1083, %parallel_loop3A_1084] {strides = array<i32>} : memref<520x128xf32, #tpu.memory_space<vmem>>, vector<16xf32>,
        %parallel_loop3A_1086 = arith.constant 0 : i32
        %parallel_loop3A_1087 = arith.constant 0 : i32
        %parallel_loop3A_1088 = tpu.memref_slice %arg8[%parallel_loop3A_217, %parallel_loop3A_1086, %parallel_loop3A_1087] : memref<2x64x128xf32, #tpu.memory_space<vmem>> -> memref<1x64x128xf32, #tpu.memory_space<vmem>>
        %parallel_loop3A_1089 = tpu.memref_squeeze %parallel_loop3A_1088 : memref<1x64x128xf32, #tpu.memory_space<vmem>> -> memref<64x128xf32, #tpu.memory_space<vmem>>
        %parallel_loop3A_1090 = arith.index_cast %parallel_loop3A_1022 : i32 to index
        %parallel_loop3A_1091 = arith.constant 96 : index
        %parallel_loop3A_1092 = tpu.vector_load %parallel_loop3A_1089[%parallel_loop3A_1090, %parallel_loop3A_1091] {strides = array<i32>} : memref<64x128xf32, #tpu.memory_space<vmem>>, vector<16xf32>,
        tpu.vector_store %parallel_loop3A_1089[%parallel_loop3A_1090, %parallel_loop3A_1091], %parallel_loop3A_1085 {strides = array<i32>} : memref<64x128xf32, #tpu.memory_space<vmem>>, vector<16xf32>,
        %parallel_loop3A_1093 = arith.index_cast %parallel_loop3A_1018 : i32 to index
        %parallel_loop3A_1094 = arith.constant 112 : index
        %parallel_loop3A_1095 = tpu.vector_load %arg5[%parallel_loop3A_1093, %parallel_loop3A_1094] {strides = array<i32>} : memref<520x128xf32, #tpu.memory_space<vmem>>, vector<16xf32>,
        %parallel_loop3A_1096 = arith.constant 0 : i32
        %parallel_loop3A_1097 = arith.constant 0 : i32
        %parallel_loop3A_1098 = tpu.memref_slice %arg8[%parallel_loop3A_217, %parallel_loop3A_1096, %parallel_loop3A_1097] : memref<2x64x128xf32, #tpu.memory_space<vmem>> -> memref<1x64x128xf32, #tpu.memory_space<vmem>>
        %parallel_loop3A_1099 = tpu.memref_squeeze %parallel_loop3A_1098 : memref<1x64x128xf32, #tpu.memory_space<vmem>> -> memref<64x128xf32, #tpu.memory_space<vmem>>
        %parallel_loop3A_1100 = arith.index_cast %parallel_loop3A_1022 : i32 to index
        %parallel_loop3A_1101 = arith.constant 112 : index
        %parallel_loop3A_1102 = tpu.vector_load %parallel_loop3A_1099[%parallel_loop3A_1100, %parallel_loop3A_1101] {strides = array<i32>} : memref<64x128xf32, #tpu.memory_space<vmem>>, vector<16xf32>,
        tpu.vector_store %parallel_loop3A_1099[%parallel_loop3A_1100, %parallel_loop3A_1101], %parallel_loop3A_1095 {strides = array<i32>} : memref<64x128xf32, #tpu.memory_space<vmem>>, vector<16xf32>,
        %parallel_loop3A_1103 = vector.extract_strided_slice %parallel_loop3A_242 {offsets = [10], sizes = [1], strides = [1]} : vector<16xi32> to vector<1xi32>
        %parallel_loop3A_1104 = vector.extract %parallel_loop3A_1103[0] : i32 from vector<1xi32>
        %parallel_loop3A_1105 = arith.constant 16 : i32
        %parallel_loop3A_1106 = arith.muli %parallel_loop3A_235, %parallel_loop3A_1105 : i32
        %parallel_loop3A_1107 = arith.constant 10 : i32
        %parallel_loop3A_1108 = arith.addi %parallel_loop3A_1106, %parallel_loop3A_1107 : i32
        %parallel_loop3A_1109 = arith.index_cast %parallel_loop3A_1104 : i32 to index
        %parallel_loop3A_1110 = arith.constant 0 : index
        %parallel_loop3A_1111 = tpu.vector_load %arg5[%parallel_loop3A_1109, %parallel_loop3A_1110] {strides = array<i32>} : memref<520x128xf32, #tpu.memory_space<vmem>>, vector<16xf32>,
        %parallel_loop3A_1112 = arith.constant 0 : i32
        %parallel_loop3A_1113 = arith.constant 0 : i32
        %parallel_loop3A_1114 = tpu.memref_slice %arg8[%parallel_loop3A_217, %parallel_loop3A_1112, %parallel_loop3A_1113] : memref<2x64x128xf32, #tpu.memory_space<vmem>> -> memref<1x64x128xf32, #tpu.memory_space<vmem>>
        %parallel_loop3A_1115 = tpu.memref_squeeze %parallel_loop3A_1114 : memref<1x64x128xf32, #tpu.memory_space<vmem>> -> memref<64x128xf32, #tpu.memory_space<vmem>>
        %parallel_loop3A_1116 = arith.index_cast %parallel_loop3A_1108 : i32 to index
        %parallel_loop3A_1117 = arith.constant 0 : index
        %parallel_loop3A_1118 = tpu.vector_load %parallel_loop3A_1115[%parallel_loop3A_1116, %parallel_loop3A_1117] {strides = array<i32>} : memref<64x128xf32, #tpu.memory_space<vmem>>, vector<16xf32>,
        tpu.vector_store %parallel_loop3A_1115[%parallel_loop3A_1116, %parallel_loop3A_1117], %parallel_loop3A_1111 {strides = array<i32>} : memref<64x128xf32, #tpu.memory_space<vmem>>, vector<16xf32>,
        %parallel_loop3A_1119 = arith.index_cast %parallel_loop3A_1104 : i32 to index
        %parallel_loop3A_1120 = arith.constant 16 : index
        %parallel_loop3A_1121 = tpu.vector_load %arg5[%parallel_loop3A_1119, %parallel_loop3A_1120] {strides = array<i32>} : memref<520x128xf32, #tpu.memory_space<vmem>>, vector<16xf32>,
        %parallel_loop3A_1122 = arith.constant 0 : i32
        %parallel_loop3A_1123 = arith.constant 0 : i32
        %parallel_loop3A_1124 = tpu.memref_slice %arg8[%parallel_loop3A_217, %parallel_loop3A_1122, %parallel_loop3A_1123] : memref<2x64x128xf32, #tpu.memory_space<vmem>> -> memref<1x64x128xf32, #tpu.memory_space<vmem>>
        %parallel_loop3A_1125 = tpu.memref_squeeze %parallel_loop3A_1124 : memref<1x64x128xf32, #tpu.memory_space<vmem>> -> memref<64x128xf32, #tpu.memory_space<vmem>>
        %parallel_loop3A_1126 = arith.index_cast %parallel_loop3A_1108 : i32 to index
        %parallel_loop3A_1127 = arith.constant 16 : index
        %parallel_loop3A_1128 = tpu.vector_load %parallel_loop3A_1125[%parallel_loop3A_1126, %parallel_loop3A_1127] {strides = array<i32>} : memref<64x128xf32, #tpu.memory_space<vmem>>, vector<16xf32>,
        tpu.vector_store %parallel_loop3A_1125[%parallel_loop3A_1126, %parallel_loop3A_1127], %parallel_loop3A_1121 {strides = array<i32>} : memref<64x128xf32, #tpu.memory_space<vmem>>, vector<16xf32>,
        %parallel_loop3A_1129 = arith.index_cast %parallel_loop3A_1104 : i32 to index
        %parallel_loop3A_1130 = arith.constant 32 : index
        %parallel_loop3A_1131 = tpu.vector_load %arg5[%parallel_loop3A_1129, %parallel_loop3A_1130] {strides = array<i32>} : memref<520x128xf32, #tpu.memory_space<vmem>>, vector<16xf32>,
        %parallel_loop3A_1132 = arith.constant 0 : i32
        %parallel_loop3A_1133 = arith.constant 0 : i32
        %parallel_loop3A_1134 = tpu.memref_slice %arg8[%parallel_loop3A_217, %parallel_loop3A_1132, %parallel_loop3A_1133] : memref<2x64x128xf32, #tpu.memory_space<vmem>> -> memref<1x64x128xf32, #tpu.memory_space<vmem>>
        %parallel_loop3A_1135 = tpu.memref_squeeze %parallel_loop3A_1134 : memref<1x64x128xf32, #tpu.memory_space<vmem>> -> memref<64x128xf32, #tpu.memory_space<vmem>>
        %parallel_loop3A_1136 = arith.index_cast %parallel_loop3A_1108 : i32 to index
        %parallel_loop3A_1137 = arith.constant 32 : index
        %parallel_loop3A_1138 = tpu.vector_load %parallel_loop3A_1135[%parallel_loop3A_1136, %parallel_loop3A_1137] {strides = array<i32>} : memref<64x128xf32, #tpu.memory_space<vmem>>, vector<16xf32>,
        tpu.vector_store %parallel_loop3A_1135[%parallel_loop3A_1136, %parallel_loop3A_1137], %parallel_loop3A_1131 {strides = array<i32>} : memref<64x128xf32, #tpu.memory_space<vmem>>, vector<16xf32>,
        %parallel_loop3A_1139 = arith.index_cast %parallel_loop3A_1104 : i32 to index
        %parallel_loop3A_1140 = arith.constant 48 : index
        %parallel_loop3A_1141 = tpu.vector_load %arg5[%parallel_loop3A_1139, %parallel_loop3A_1140] {strides = array<i32>} : memref<520x128xf32, #tpu.memory_space<vmem>>, vector<16xf32>,
        %parallel_loop3A_1142 = arith.constant 0 : i32
        %parallel_loop3A_1143 = arith.constant 0 : i32
        %parallel_loop3A_1144 = tpu.memref_slice %arg8[%parallel_loop3A_217, %parallel_loop3A_1142, %parallel_loop3A_1143] : memref<2x64x128xf32, #tpu.memory_space<vmem>> -> memref<1x64x128xf32, #tpu.memory_space<vmem>>
        %parallel_loop3A_1145 = tpu.memref_squeeze %parallel_loop3A_1144 : memref<1x64x128xf32, #tpu.memory_space<vmem>> -> memref<64x128xf32, #tpu.memory_space<vmem>>
        %parallel_loop3A_1146 = arith.index_cast %parallel_loop3A_1108 : i32 to index
        %parallel_loop3A_1147 = arith.constant 48 : index
        %parallel_loop3A_1148 = tpu.vector_load %parallel_loop3A_1145[%parallel_loop3A_1146, %parallel_loop3A_1147] {strides = array<i32>} : memref<64x128xf32, #tpu.memory_space<vmem>>, vector<16xf32>,
        tpu.vector_store %parallel_loop3A_1145[%parallel_loop3A_1146, %parallel_loop3A_1147], %parallel_loop3A_1141 {strides = array<i32>} : memref<64x128xf32, #tpu.memory_space<vmem>>, vector<16xf32>,
        %parallel_loop3A_1149 = arith.index_cast %parallel_loop3A_1104 : i32 to index
        %parallel_loop3A_1150 = arith.constant 64 : index
        %parallel_loop3A_1151 = tpu.vector_load %arg5[%parallel_loop3A_1149, %parallel_loop3A_1150] {strides = array<i32>} : memref<520x128xf32, #tpu.memory_space<vmem>>, vector<16xf32>,
        %parallel_loop3A_1152 = arith.constant 0 : i32
        %parallel_loop3A_1153 = arith.constant 0 : i32
        %parallel_loop3A_1154 = tpu.memref_slice %arg8[%parallel_loop3A_217, %parallel_loop3A_1152, %parallel_loop3A_1153] : memref<2x64x128xf32, #tpu.memory_space<vmem>> -> memref<1x64x128xf32, #tpu.memory_space<vmem>>
        %parallel_loop3A_1155 = tpu.memref_squeeze %parallel_loop3A_1154 : memref<1x64x128xf32, #tpu.memory_space<vmem>> -> memref<64x128xf32, #tpu.memory_space<vmem>>
        %parallel_loop3A_1156 = arith.index_cast %parallel_loop3A_1108 : i32 to index
        %parallel_loop3A_1157 = arith.constant 64 : index
        %parallel_loop3A_1158 = tpu.vector_load %parallel_loop3A_1155[%parallel_loop3A_1156, %parallel_loop3A_1157] {strides = array<i32>} : memref<64x128xf32, #tpu.memory_space<vmem>>, vector<16xf32>,
        tpu.vector_store %parallel_loop3A_1155[%parallel_loop3A_1156, %parallel_loop3A_1157], %parallel_loop3A_1151 {strides = array<i32>} : memref<64x128xf32, #tpu.memory_space<vmem>>, vector<16xf32>,
        %parallel_loop3A_1159 = arith.index_cast %parallel_loop3A_1104 : i32 to index
        %parallel_loop3A_1160 = arith.constant 80 : index
        %parallel_loop3A_1161 = tpu.vector_load %arg5[%parallel_loop3A_1159, %parallel_loop3A_1160] {strides = array<i32>} : memref<520x128xf32, #tpu.memory_space<vmem>>, vector<16xf32>,
        %parallel_loop3A_1162 = arith.constant 0 : i32
        %parallel_loop3A_1163 = arith.constant 0 : i32
        %parallel_loop3A_1164 = tpu.memref_slice %arg8[%parallel_loop3A_217, %parallel_loop3A_1162, %parallel_loop3A_1163] : memref<2x64x128xf32, #tpu.memory_space<vmem>> -> memref<1x64x128xf32, #tpu.memory_space<vmem>>
        %parallel_loop3A_1165 = tpu.memref_squeeze %parallel_loop3A_1164 : memref<1x64x128xf32, #tpu.memory_space<vmem>> -> memref<64x128xf32, #tpu.memory_space<vmem>>
        %parallel_loop3A_1166 = arith.index_cast %parallel_loop3A_1108 : i32 to index
        %parallel_loop3A_1167 = arith.constant 80 : index
        %parallel_loop3A_1168 = tpu.vector_load %parallel_loop3A_1165[%parallel_loop3A_1166, %parallel_loop3A_1167] {strides = array<i32>} : memref<64x128xf32, #tpu.memory_space<vmem>>, vector<16xf32>,
        tpu.vector_store %parallel_loop3A_1165[%parallel_loop3A_1166, %parallel_loop3A_1167], %parallel_loop3A_1161 {strides = array<i32>} : memref<64x128xf32, #tpu.memory_space<vmem>>, vector<16xf32>,
        %parallel_loop3A_1169 = arith.index_cast %parallel_loop3A_1104 : i32 to index
        %parallel_loop3A_1170 = arith.constant 96 : index
        %parallel_loop3A_1171 = tpu.vector_load %arg5[%parallel_loop3A_1169, %parallel_loop3A_1170] {strides = array<i32>} : memref<520x128xf32, #tpu.memory_space<vmem>>, vector<16xf32>,
        %parallel_loop3A_1172 = arith.constant 0 : i32
        %parallel_loop3A_1173 = arith.constant 0 : i32
        %parallel_loop3A_1174 = tpu.memref_slice %arg8[%parallel_loop3A_217, %parallel_loop3A_1172, %parallel_loop3A_1173] : memref<2x64x128xf32, #tpu.memory_space<vmem>> -> memref<1x64x128xf32, #tpu.memory_space<vmem>>
        %parallel_loop3A_1175 = tpu.memref_squeeze %parallel_loop3A_1174 : memref<1x64x128xf32, #tpu.memory_space<vmem>> -> memref<64x128xf32, #tpu.memory_space<vmem>>
        %parallel_loop3A_1176 = arith.index_cast %parallel_loop3A_1108 : i32 to index
        %parallel_loop3A_1177 = arith.constant 96 : index
        %parallel_loop3A_1178 = tpu.vector_load %parallel_loop3A_1175[%parallel_loop3A_1176, %parallel_loop3A_1177] {strides = array<i32>} : memref<64x128xf32, #tpu.memory_space<vmem>>, vector<16xf32>,
        tpu.vector_store %parallel_loop3A_1175[%parallel_loop3A_1176, %parallel_loop3A_1177], %parallel_loop3A_1171 {strides = array<i32>} : memref<64x128xf32, #tpu.memory_space<vmem>>, vector<16xf32>,
        %parallel_loop3A_1179 = arith.index_cast %parallel_loop3A_1104 : i32 to index
        %parallel_loop3A_1180 = arith.constant 112 : index
        %parallel_loop3A_1181 = tpu.vector_load %arg5[%parallel_loop3A_1179, %parallel_loop3A_1180] {strides = array<i32>} : memref<520x128xf32, #tpu.memory_space<vmem>>, vector<16xf32>,
        %parallel_loop3A_1182 = arith.constant 0 : i32
        %parallel_loop3A_1183 = arith.constant 0 : i32
        %parallel_loop3A_1184 = tpu.memref_slice %arg8[%parallel_loop3A_217, %parallel_loop3A_1182, %parallel_loop3A_1183] : memref<2x64x128xf32, #tpu.memory_space<vmem>> -> memref<1x64x128xf32, #tpu.memory_space<vmem>>
        %parallel_loop3A_1185 = tpu.memref_squeeze %parallel_loop3A_1184 : memref<1x64x128xf32, #tpu.memory_space<vmem>> -> memref<64x128xf32, #tpu.memory_space<vmem>>
        %parallel_loop3A_1186 = arith.index_cast %parallel_loop3A_1108 : i32 to index
        %parallel_loop3A_1187 = arith.constant 112 : index
        %parallel_loop3A_1188 = tpu.vector_load %parallel_loop3A_1185[%parallel_loop3A_1186, %parallel_loop3A_1187] {strides = array<i32>} : memref<64x128xf32, #tpu.memory_space<vmem>>, vector<16xf32>,
        tpu.vector_store %parallel_loop3A_1185[%parallel_loop3A_1186, %parallel_loop3A_1187], %parallel_loop3A_1181 {strides = array<i32>} : memref<64x128xf32, #tpu.memory_space<vmem>>, vector<16xf32>,
        %parallel_loop3A_1189 = vector.extract_strided_slice %parallel_loop3A_242 {offsets = [11], sizes = [1], strides = [1]} : vector<16xi32> to vector<1xi32>
        %parallel_loop3A_1190 = vector.extract %parallel_loop3A_1189[0] : i32 from vector<1xi32>
        %parallel_loop3A_1191 = arith.constant 16 : i32
        %parallel_loop3A_1192 = arith.muli %parallel_loop3A_235, %parallel_loop3A_1191 : i32
        %parallel_loop3A_1193 = arith.constant 11 : i32
        %parallel_loop3A_1194 = arith.addi %parallel_loop3A_1192, %parallel_loop3A_1193 : i32
        %parallel_loop3A_1195 = arith.index_cast %parallel_loop3A_1190 : i32 to index
        %parallel_loop3A_1196 = arith.constant 0 : index
        %parallel_loop3A_1197 = tpu.vector_load %arg5[%parallel_loop3A_1195, %parallel_loop3A_1196] {strides = array<i32>} : memref<520x128xf32, #tpu.memory_space<vmem>>, vector<16xf32>,
        %parallel_loop3A_1198 = arith.constant 0 : i32
        %parallel_loop3A_1199 = arith.constant 0 : i32
        %parallel_loop3A_1200 = tpu.memref_slice %arg8[%parallel_loop3A_217, %parallel_loop3A_1198, %parallel_loop3A_1199] : memref<2x64x128xf32, #tpu.memory_space<vmem>> -> memref<1x64x128xf32, #tpu.memory_space<vmem>>
        %parallel_loop3A_1201 = tpu.memref_squeeze %parallel_loop3A_1200 : memref<1x64x128xf32, #tpu.memory_space<vmem>> -> memref<64x128xf32, #tpu.memory_space<vmem>>
        %parallel_loop3A_1202 = arith.index_cast %parallel_loop3A_1194 : i32 to index
        %parallel_loop3A_1203 = arith.constant 0 : index
        %parallel_loop3A_1204 = tpu.vector_load %parallel_loop3A_1201[%parallel_loop3A_1202, %parallel_loop3A_1203] {strides = array<i32>} : memref<64x128xf32, #tpu.memory_space<vmem>>, vector<16xf32>,
        tpu.vector_store %parallel_loop3A_1201[%parallel_loop3A_1202, %parallel_loop3A_1203], %parallel_loop3A_1197 {strides = array<i32>} : memref<64x128xf32, #tpu.memory_space<vmem>>, vector<16xf32>,
        %parallel_loop3A_1205 = arith.index_cast %parallel_loop3A_1190 : i32 to index
        %parallel_loop3A_1206 = arith.constant 16 : index
        %parallel_loop3A_1207 = tpu.vector_load %arg5[%parallel_loop3A_1205, %parallel_loop3A_1206] {strides = array<i32>} : memref<520x128xf32, #tpu.memory_space<vmem>>, vector<16xf32>,
        %parallel_loop3A_1208 = arith.constant 0 : i32
        %parallel_loop3A_1209 = arith.constant 0 : i32
        %parallel_loop3A_1210 = tpu.memref_slice %arg8[%parallel_loop3A_217, %parallel_loop3A_1208, %parallel_loop3A_1209] : memref<2x64x128xf32, #tpu.memory_space<vmem>> -> memref<1x64x128xf32, #tpu.memory_space<vmem>>
        %parallel_loop3A_1211 = tpu.memref_squeeze %parallel_loop3A_1210 : memref<1x64x128xf32, #tpu.memory_space<vmem>> -> memref<64x128xf32, #tpu.memory_space<vmem>>
        %parallel_loop3A_1212 = arith.index_cast %parallel_loop3A_1194 : i32 to index
        %parallel_loop3A_1213 = arith.constant 16 : index
        %parallel_loop3A_1214 = tpu.vector_load %parallel_loop3A_1211[%parallel_loop3A_1212, %parallel_loop3A_1213] {strides = array<i32>} : memref<64x128xf32, #tpu.memory_space<vmem>>, vector<16xf32>,
        tpu.vector_store %parallel_loop3A_1211[%parallel_loop3A_1212, %parallel_loop3A_1213], %parallel_loop3A_1207 {strides = array<i32>} : memref<64x128xf32, #tpu.memory_space<vmem>>, vector<16xf32>,
        %parallel_loop3A_1215 = arith.index_cast %parallel_loop3A_1190 : i32 to index
        %parallel_loop3A_1216 = arith.constant 32 : index
        %parallel_loop3A_1217 = tpu.vector_load %arg5[%parallel_loop3A_1215, %parallel_loop3A_1216] {strides = array<i32>} : memref<520x128xf32, #tpu.memory_space<vmem>>, vector<16xf32>,
        %parallel_loop3A_1218 = arith.constant 0 : i32
        %parallel_loop3A_1219 = arith.constant 0 : i32
        %parallel_loop3A_1220 = tpu.memref_slice %arg8[%parallel_loop3A_217, %parallel_loop3A_1218, %parallel_loop3A_1219] : memref<2x64x128xf32, #tpu.memory_space<vmem>> -> memref<1x64x128xf32, #tpu.memory_space<vmem>>
        %parallel_loop3A_1221 = tpu.memref_squeeze %parallel_loop3A_1220 : memref<1x64x128xf32, #tpu.memory_space<vmem>> -> memref<64x128xf32, #tpu.memory_space<vmem>>
        %parallel_loop3A_1222 = arith.index_cast %parallel_loop3A_1194 : i32 to index
        %parallel_loop3A_1223 = arith.constant 32 : index
        %parallel_loop3A_1224 = tpu.vector_load %parallel_loop3A_1221[%parallel_loop3A_1222, %parallel_loop3A_1223] {strides = array<i32>} : memref<64x128xf32, #tpu.memory_space<vmem>>, vector<16xf32>,
        tpu.vector_store %parallel_loop3A_1221[%parallel_loop3A_1222, %parallel_loop3A_1223], %parallel_loop3A_1217 {strides = array<i32>} : memref<64x128xf32, #tpu.memory_space<vmem>>, vector<16xf32>,
        %parallel_loop3A_1225 = arith.index_cast %parallel_loop3A_1190 : i32 to index
        %parallel_loop3A_1226 = arith.constant 48 : index
        %parallel_loop3A_1227 = tpu.vector_load %arg5[%parallel_loop3A_1225, %parallel_loop3A_1226] {strides = array<i32>} : memref<520x128xf32, #tpu.memory_space<vmem>>, vector<16xf32>,
        %parallel_loop3A_1228 = arith.constant 0 : i32
        %parallel_loop3A_1229 = arith.constant 0 : i32
        %parallel_loop3A_1230 = tpu.memref_slice %arg8[%parallel_loop3A_217, %parallel_loop3A_1228, %parallel_loop3A_1229] : memref<2x64x128xf32, #tpu.memory_space<vmem>> -> memref<1x64x128xf32, #tpu.memory_space<vmem>>
        %parallel_loop3A_1231 = tpu.memref_squeeze %parallel_loop3A_1230 : memref<1x64x128xf32, #tpu.memory_space<vmem>> -> memref<64x128xf32, #tpu.memory_space<vmem>>
        %parallel_loop3A_1232 = arith.index_cast %parallel_loop3A_1194 : i32 to index
        %parallel_loop3A_1233 = arith.constant 48 : index
        %parallel_loop3A_1234 = tpu.vector_load %parallel_loop3A_1231[%parallel_loop3A_1232, %parallel_loop3A_1233] {strides = array<i32>} : memref<64x128xf32, #tpu.memory_space<vmem>>, vector<16xf32>,
        tpu.vector_store %parallel_loop3A_1231[%parallel_loop3A_1232, %parallel_loop3A_1233], %parallel_loop3A_1227 {strides = array<i32>} : memref<64x128xf32, #tpu.memory_space<vmem>>, vector<16xf32>,
        %parallel_loop3A_1235 = arith.index_cast %parallel_loop3A_1190 : i32 to index
        %parallel_loop3A_1236 = arith.constant 64 : index
        %parallel_loop3A_1237 = tpu.vector_load %arg5[%parallel_loop3A_1235, %parallel_loop3A_1236] {strides = array<i32>} : memref<520x128xf32, #tpu.memory_space<vmem>>, vector<16xf32>,
        %parallel_loop3A_1238 = arith.constant 0 : i32
        %parallel_loop3A_1239 = arith.constant 0 : i32
        %parallel_loop3A_1240 = tpu.memref_slice %arg8[%parallel_loop3A_217, %parallel_loop3A_1238, %parallel_loop3A_1239] : memref<2x64x128xf32, #tpu.memory_space<vmem>> -> memref<1x64x128xf32, #tpu.memory_space<vmem>>
        %parallel_loop3A_1241 = tpu.memref_squeeze %parallel_loop3A_1240 : memref<1x64x128xf32, #tpu.memory_space<vmem>> -> memref<64x128xf32, #tpu.memory_space<vmem>>
        %parallel_loop3A_1242 = arith.index_cast %parallel_loop3A_1194 : i32 to index
        %parallel_loop3A_1243 = arith.constant 64 : index
        %parallel_loop3A_1244 = tpu.vector_load %parallel_loop3A_1241[%parallel_loop3A_1242, %parallel_loop3A_1243] {strides = array<i32>} : memref<64x128xf32, #tpu.memory_space<vmem>>, vector<16xf32>,
        tpu.vector_store %parallel_loop3A_1241[%parallel_loop3A_1242, %parallel_loop3A_1243], %parallel_loop3A_1237 {strides = array<i32>} : memref<64x128xf32, #tpu.memory_space<vmem>>, vector<16xf32>,
        %parallel_loop3A_1245 = arith.index_cast %parallel_loop3A_1190 : i32 to index
        %parallel_loop3A_1246 = arith.constant 80 : index
        %parallel_loop3A_1247 = tpu.vector_load %arg5[%parallel_loop3A_1245, %parallel_loop3A_1246] {strides = array<i32>} : memref<520x128xf32, #tpu.memory_space<vmem>>, vector<16xf32>,
        %parallel_loop3A_1248 = arith.constant 0 : i32
        %parallel_loop3A_1249 = arith.constant 0 : i32
        %parallel_loop3A_1250 = tpu.memref_slice %arg8[%parallel_loop3A_217, %parallel_loop3A_1248, %parallel_loop3A_1249] : memref<2x64x128xf32, #tpu.memory_space<vmem>> -> memref<1x64x128xf32, #tpu.memory_space<vmem>>
        %parallel_loop3A_1251 = tpu.memref_squeeze %parallel_loop3A_1250 : memref<1x64x128xf32, #tpu.memory_space<vmem>> -> memref<64x128xf32, #tpu.memory_space<vmem>>
        %parallel_loop3A_1252 = arith.index_cast %parallel_loop3A_1194 : i32 to index
        %parallel_loop3A_1253 = arith.constant 80 : index
        %parallel_loop3A_1254 = tpu.vector_load %parallel_loop3A_1251[%parallel_loop3A_1252, %parallel_loop3A_1253] {strides = array<i32>} : memref<64x128xf32, #tpu.memory_space<vmem>>, vector<16xf32>,
        tpu.vector_store %parallel_loop3A_1251[%parallel_loop3A_1252, %parallel_loop3A_1253], %parallel_loop3A_1247 {strides = array<i32>} : memref<64x128xf32, #tpu.memory_space<vmem>>, vector<16xf32>,
        %parallel_loop3A_1255 = arith.index_cast %parallel_loop3A_1190 : i32 to index
        %parallel_loop3A_1256 = arith.constant 96 : index
        %parallel_loop3A_1257 = tpu.vector_load %arg5[%parallel_loop3A_1255, %parallel_loop3A_1256] {strides = array<i32>} : memref<520x128xf32, #tpu.memory_space<vmem>>, vector<16xf32>,
        %parallel_loop3A_1258 = arith.constant 0 : i32
        %parallel_loop3A_1259 = arith.constant 0 : i32
        %parallel_loop3A_1260 = tpu.memref_slice %arg8[%parallel_loop3A_217, %parallel_loop3A_1258, %parallel_loop3A_1259] : memref<2x64x128xf32, #tpu.memory_space<vmem>> -> memref<1x64x128xf32, #tpu.memory_space<vmem>>
        %parallel_loop3A_1261 = tpu.memref_squeeze %parallel_loop3A_1260 : memref<1x64x128xf32, #tpu.memory_space<vmem>> -> memref<64x128xf32, #tpu.memory_space<vmem>>
        %parallel_loop3A_1262 = arith.index_cast %parallel_loop3A_1194 : i32 to index
        %parallel_loop3A_1263 = arith.constant 96 : index
        %parallel_loop3A_1264 = tpu.vector_load %parallel_loop3A_1261[%parallel_loop3A_1262, %parallel_loop3A_1263] {strides = array<i32>} : memref<64x128xf32, #tpu.memory_space<vmem>>, vector<16xf32>,
        tpu.vector_store %parallel_loop3A_1261[%parallel_loop3A_1262, %parallel_loop3A_1263], %parallel_loop3A_1257 {strides = array<i32>} : memref<64x128xf32, #tpu.memory_space<vmem>>, vector<16xf32>,
        %parallel_loop3A_1265 = arith.index_cast %parallel_loop3A_1190 : i32 to index
        %parallel_loop3A_1266 = arith.constant 112 : index
        %parallel_loop3A_1267 = tpu.vector_load %arg5[%parallel_loop3A_1265, %parallel_loop3A_1266] {strides = array<i32>} : memref<520x128xf32, #tpu.memory_space<vmem>>, vector<16xf32>,
        %parallel_loop3A_1268 = arith.constant 0 : i32
        %parallel_loop3A_1269 = arith.constant 0 : i32
        %parallel_loop3A_1270 = tpu.memref_slice %arg8[%parallel_loop3A_217, %parallel_loop3A_1268, %parallel_loop3A_1269] : memref<2x64x128xf32, #tpu.memory_space<vmem>> -> memref<1x64x128xf32, #tpu.memory_space<vmem>>
        %parallel_loop3A_1271 = tpu.memref_squeeze %parallel_loop3A_1270 : memref<1x64x128xf32, #tpu.memory_space<vmem>> -> memref<64x128xf32, #tpu.memory_space<vmem>>
        %parallel_loop3A_1272 = arith.index_cast %parallel_loop3A_1194 : i32 to index
        %parallel_loop3A_1273 = arith.constant 112 : index
        %parallel_loop3A_1274 = tpu.vector_load %parallel_loop3A_1271[%parallel_loop3A_1272, %parallel_loop3A_1273] {strides = array<i32>} : memref<64x128xf32, #tpu.memory_space<vmem>>, vector<16xf32>,
        tpu.vector_store %parallel_loop3A_1271[%parallel_loop3A_1272, %parallel_loop3A_1273], %parallel_loop3A_1267 {strides = array<i32>} : memref<64x128xf32, #tpu.memory_space<vmem>>, vector<16xf32>,
        %parallel_loop3A_1275 = vector.extract_strided_slice %parallel_loop3A_242 {offsets = [12], sizes = [1], strides = [1]} : vector<16xi32> to vector<1xi32>
        %parallel_loop3A_1276 = vector.extract %parallel_loop3A_1275[0] : i32 from vector<1xi32>
        %parallel_loop3A_1277 = arith.constant 16 : i32
        %parallel_loop3A_1278 = arith.muli %parallel_loop3A_235, %parallel_loop3A_1277 : i32
        %parallel_loop3A_1279 = arith.constant 12 : i32
        %parallel_loop3A_1280 = arith.addi %parallel_loop3A_1278, %parallel_loop3A_1279 : i32
        %parallel_loop3A_1281 = arith.index_cast %parallel_loop3A_1276 : i32 to index
        %parallel_loop3A_1282 = arith.constant 0 : index
        %parallel_loop3A_1283 = tpu.vector_load %arg5[%parallel_loop3A_1281, %parallel_loop3A_1282] {strides = array<i32>} : memref<520x128xf32, #tpu.memory_space<vmem>>, vector<16xf32>,
        %parallel_loop3A_1284 = arith.constant 0 : i32
        %parallel_loop3A_1285 = arith.constant 0 : i32
        %parallel_loop3A_1286 = tpu.memref_slice %arg8[%parallel_loop3A_217, %parallel_loop3A_1284, %parallel_loop3A_1285] : memref<2x64x128xf32, #tpu.memory_space<vmem>> -> memref<1x64x128xf32, #tpu.memory_space<vmem>>
        %parallel_loop3A_1287 = tpu.memref_squeeze %parallel_loop3A_1286 : memref<1x64x128xf32, #tpu.memory_space<vmem>> -> memref<64x128xf32, #tpu.memory_space<vmem>>
        %parallel_loop3A_1288 = arith.index_cast %parallel_loop3A_1280 : i32 to index
        %parallel_loop3A_1289 = arith.constant 0 : index
        %parallel_loop3A_1290 = tpu.vector_load %parallel_loop3A_1287[%parallel_loop3A_1288, %parallel_loop3A_1289] {strides = array<i32>} : memref<64x128xf32, #tpu.memory_space<vmem>>, vector<16xf32>,
        tpu.vector_store %parallel_loop3A_1287[%parallel_loop3A_1288, %parallel_loop3A_1289], %parallel_loop3A_1283 {strides = array<i32>} : memref<64x128xf32, #tpu.memory_space<vmem>>, vector<16xf32>,
        %parallel_loop3A_1291 = arith.index_cast %parallel_loop3A_1276 : i32 to index
        %parallel_loop3A_1292 = arith.constant 16 : index
        %parallel_loop3A_1293 = tpu.vector_load %arg5[%parallel_loop3A_1291, %parallel_loop3A_1292] {strides = array<i32>} : memref<520x128xf32, #tpu.memory_space<vmem>>, vector<16xf32>,
        %parallel_loop3A_1294 = arith.constant 0 : i32
        %parallel_loop3A_1295 = arith.constant 0 : i32
        %parallel_loop3A_1296 = tpu.memref_slice %arg8[%parallel_loop3A_217, %parallel_loop3A_1294, %parallel_loop3A_1295] : memref<2x64x128xf32, #tpu.memory_space<vmem>> -> memref<1x64x128xf32, #tpu.memory_space<vmem>>
        %parallel_loop3A_1297 = tpu.memref_squeeze %parallel_loop3A_1296 : memref<1x64x128xf32, #tpu.memory_space<vmem>> -> memref<64x128xf32, #tpu.memory_space<vmem>>
        %parallel_loop3A_1298 = arith.index_cast %parallel_loop3A_1280 : i32 to index
        %parallel_loop3A_1299 = arith.constant 16 : index
        %parallel_loop3A_1300 = tpu.vector_load %parallel_loop3A_1297[%parallel_loop3A_1298, %parallel_loop3A_1299] {strides = array<i32>} : memref<64x128xf32, #tpu.memory_space<vmem>>, vector<16xf32>,
        tpu.vector_store %parallel_loop3A_1297[%parallel_loop3A_1298, %parallel_loop3A_1299], %parallel_loop3A_1293 {strides = array<i32>} : memref<64x128xf32, #tpu.memory_space<vmem>>, vector<16xf32>,
        %parallel_loop3A_1301 = arith.index_cast %parallel_loop3A_1276 : i32 to index
        %parallel_loop3A_1302 = arith.constant 32 : index
        %parallel_loop3A_1303 = tpu.vector_load %arg5[%parallel_loop3A_1301, %parallel_loop3A_1302] {strides = array<i32>} : memref<520x128xf32, #tpu.memory_space<vmem>>, vector<16xf32>,
        %parallel_loop3A_1304 = arith.constant 0 : i32
        %parallel_loop3A_1305 = arith.constant 0 : i32
        %parallel_loop3A_1306 = tpu.memref_slice %arg8[%parallel_loop3A_217, %parallel_loop3A_1304, %parallel_loop3A_1305] : memref<2x64x128xf32, #tpu.memory_space<vmem>> -> memref<1x64x128xf32, #tpu.memory_space<vmem>>
        %parallel_loop3A_1307 = tpu.memref_squeeze %parallel_loop3A_1306 : memref<1x64x128xf32, #tpu.memory_space<vmem>> -> memref<64x128xf32, #tpu.memory_space<vmem>>
        %parallel_loop3A_1308 = arith.index_cast %parallel_loop3A_1280 : i32 to index
        %parallel_loop3A_1309 = arith.constant 32 : index
        %parallel_loop3A_1310 = tpu.vector_load %parallel_loop3A_1307[%parallel_loop3A_1308, %parallel_loop3A_1309] {strides = array<i32>} : memref<64x128xf32, #tpu.memory_space<vmem>>, vector<16xf32>,
        tpu.vector_store %parallel_loop3A_1307[%parallel_loop3A_1308, %parallel_loop3A_1309], %parallel_loop3A_1303 {strides = array<i32>} : memref<64x128xf32, #tpu.memory_space<vmem>>, vector<16xf32>,
        %parallel_loop3A_1311 = arith.index_cast %parallel_loop3A_1276 : i32 to index
        %parallel_loop3A_1312 = arith.constant 48 : index
        %parallel_loop3A_1313 = tpu.vector_load %arg5[%parallel_loop3A_1311, %parallel_loop3A_1312] {strides = array<i32>} : memref<520x128xf32, #tpu.memory_space<vmem>>, vector<16xf32>,
        %parallel_loop3A_1314 = arith.constant 0 : i32
        %parallel_loop3A_1315 = arith.constant 0 : i32
        %parallel_loop3A_1316 = tpu.memref_slice %arg8[%parallel_loop3A_217, %parallel_loop3A_1314, %parallel_loop3A_1315] : memref<2x64x128xf32, #tpu.memory_space<vmem>> -> memref<1x64x128xf32, #tpu.memory_space<vmem>>
        %parallel_loop3A_1317 = tpu.memref_squeeze %parallel_loop3A_1316 : memref<1x64x128xf32, #tpu.memory_space<vmem>> -> memref<64x128xf32, #tpu.memory_space<vmem>>
        %parallel_loop3A_1318 = arith.index_cast %parallel_loop3A_1280 : i32 to index
        %parallel_loop3A_1319 = arith.constant 48 : index
        %parallel_loop3A_1320 = tpu.vector_load %parallel_loop3A_1317[%parallel_loop3A_1318, %parallel_loop3A_1319] {strides = array<i32>} : memref<64x128xf32, #tpu.memory_space<vmem>>, vector<16xf32>,
        tpu.vector_store %parallel_loop3A_1317[%parallel_loop3A_1318, %parallel_loop3A_1319], %parallel_loop3A_1313 {strides = array<i32>} : memref<64x128xf32, #tpu.memory_space<vmem>>, vector<16xf32>,
        %parallel_loop3A_1321 = arith.index_cast %parallel_loop3A_1276 : i32 to index
        %parallel_loop3A_1322 = arith.constant 64 : index
        %parallel_loop3A_1323 = tpu.vector_load %arg5[%parallel_loop3A_1321, %parallel_loop3A_1322] {strides = array<i32>} : memref<520x128xf32, #tpu.memory_space<vmem>>, vector<16xf32>,
        %parallel_loop3A_1324 = arith.constant 0 : i32
        %parallel_loop3A_1325 = arith.constant 0 : i32
        %parallel_loop3A_1326 = tpu.memref_slice %arg8[%parallel_loop3A_217, %parallel_loop3A_1324, %parallel_loop3A_1325] : memref<2x64x128xf32, #tpu.memory_space<vmem>> -> memref<1x64x128xf32, #tpu.memory_space<vmem>>
        %parallel_loop3A_1327 = tpu.memref_squeeze %parallel_loop3A_1326 : memref<1x64x128xf32, #tpu.memory_space<vmem>> -> memref<64x128xf32, #tpu.memory_space<vmem>>
        %parallel_loop3A_1328 = arith.index_cast %parallel_loop3A_1280 : i32 to index
        %parallel_loop3A_1329 = arith.constant 64 : index
        %parallel_loop3A_1330 = tpu.vector_load %parallel_loop3A_1327[%parallel_loop3A_1328, %parallel_loop3A_1329] {strides = array<i32>} : memref<64x128xf32, #tpu.memory_space<vmem>>, vector<16xf32>,
        tpu.vector_store %parallel_loop3A_1327[%parallel_loop3A_1328, %parallel_loop3A_1329], %parallel_loop3A_1323 {strides = array<i32>} : memref<64x128xf32, #tpu.memory_space<vmem>>, vector<16xf32>,
        %parallel_loop3A_1331 = arith.index_cast %parallel_loop3A_1276 : i32 to index
        %parallel_loop3A_1332 = arith.constant 80 : index
        %parallel_loop3A_1333 = tpu.vector_load %arg5[%parallel_loop3A_1331, %parallel_loop3A_1332] {strides = array<i32>} : memref<520x128xf32, #tpu.memory_space<vmem>>, vector<16xf32>,
        %parallel_loop3A_1334 = arith.constant 0 : i32
        %parallel_loop3A_1335 = arith.constant 0 : i32
        %parallel_loop3A_1336 = tpu.memref_slice %arg8[%parallel_loop3A_217, %parallel_loop3A_1334, %parallel_loop3A_1335] : memref<2x64x128xf32, #tpu.memory_space<vmem>> -> memref<1x64x128xf32, #tpu.memory_space<vmem>>
        %parallel_loop3A_1337 = tpu.memref_squeeze %parallel_loop3A_1336 : memref<1x64x128xf32, #tpu.memory_space<vmem>> -> memref<64x128xf32, #tpu.memory_space<vmem>>
        %parallel_loop3A_1338 = arith.index_cast %parallel_loop3A_1280 : i32 to index
        %parallel_loop3A_1339 = arith.constant 80 : index
        %parallel_loop3A_1340 = tpu.vector_load %parallel_loop3A_1337[%parallel_loop3A_1338, %parallel_loop3A_1339] {strides = array<i32>} : memref<64x128xf32, #tpu.memory_space<vmem>>, vector<16xf32>,
        tpu.vector_store %parallel_loop3A_1337[%parallel_loop3A_1338, %parallel_loop3A_1339], %parallel_loop3A_1333 {strides = array<i32>} : memref<64x128xf32, #tpu.memory_space<vmem>>, vector<16xf32>,
        %parallel_loop3A_1341 = arith.index_cast %parallel_loop3A_1276 : i32 to index
        %parallel_loop3A_1342 = arith.constant 96 : index
        %parallel_loop3A_1343 = tpu.vector_load %arg5[%parallel_loop3A_1341, %parallel_loop3A_1342] {strides = array<i32>} : memref<520x128xf32, #tpu.memory_space<vmem>>, vector<16xf32>,
        %parallel_loop3A_1344 = arith.constant 0 : i32
        %parallel_loop3A_1345 = arith.constant 0 : i32
        %parallel_loop3A_1346 = tpu.memref_slice %arg8[%parallel_loop3A_217, %parallel_loop3A_1344, %parallel_loop3A_1345] : memref<2x64x128xf32, #tpu.memory_space<vmem>> -> memref<1x64x128xf32, #tpu.memory_space<vmem>>
        %parallel_loop3A_1347 = tpu.memref_squeeze %parallel_loop3A_1346 : memref<1x64x128xf32, #tpu.memory_space<vmem>> -> memref<64x128xf32, #tpu.memory_space<vmem>>
        %parallel_loop3A_1348 = arith.index_cast %parallel_loop3A_1280 : i32 to index
        %parallel_loop3A_1349 = arith.constant 96 : index
        %parallel_loop3A_1350 = tpu.vector_load %parallel_loop3A_1347[%parallel_loop3A_1348, %parallel_loop3A_1349] {strides = array<i32>} : memref<64x128xf32, #tpu.memory_space<vmem>>, vector<16xf32>,
        tpu.vector_store %parallel_loop3A_1347[%parallel_loop3A_1348, %parallel_loop3A_1349], %parallel_loop3A_1343 {strides = array<i32>} : memref<64x128xf32, #tpu.memory_space<vmem>>, vector<16xf32>,
        %parallel_loop3A_1351 = arith.index_cast %parallel_loop3A_1276 : i32 to index
        %parallel_loop3A_1352 = arith.constant 112 : index
        %parallel_loop3A_1353 = tpu.vector_load %arg5[%parallel_loop3A_1351, %parallel_loop3A_1352] {strides = array<i32>} : memref<520x128xf32, #tpu.memory_space<vmem>>, vector<16xf32>,
        %parallel_loop3A_1354 = arith.constant 0 : i32
        %parallel_loop3A_1355 = arith.constant 0 : i32
        %parallel_loop3A_1356 = tpu.memref_slice %arg8[%parallel_loop3A_217, %parallel_loop3A_1354, %parallel_loop3A_1355] : memref<2x64x128xf32, #tpu.memory_space<vmem>> -> memref<1x64x128xf32, #tpu.memory_space<vmem>>
        %parallel_loop3A_1357 = tpu.memref_squeeze %parallel_loop3A_1356 : memref<1x64x128xf32, #tpu.memory_space<vmem>> -> memref<64x128xf32, #tpu.memory_space<vmem>>
        %parallel_loop3A_1358 = arith.index_cast %parallel_loop3A_1280 : i32 to index
        %parallel_loop3A_1359 = arith.constant 112 : index
        %parallel_loop3A_1360 = tpu.vector_load %parallel_loop3A_1357[%parallel_loop3A_1358, %parallel_loop3A_1359] {strides = array<i32>} : memref<64x128xf32, #tpu.memory_space<vmem>>, vector<16xf32>,
        tpu.vector_store %parallel_loop3A_1357[%parallel_loop3A_1358, %parallel_loop3A_1359], %parallel_loop3A_1353 {strides = array<i32>} : memref<64x128xf32, #tpu.memory_space<vmem>>, vector<16xf32>,
        %parallel_loop3A_1361 = vector.extract_strided_slice %parallel_loop3A_242 {offsets = [13], sizes = [1], strides = [1]} : vector<16xi32> to vector<1xi32>
        %parallel_loop3A_1362 = vector.extract %parallel_loop3A_1361[0] : i32 from vector<1xi32>
        %parallel_loop3A_1363 = arith.constant 16 : i32
        %parallel_loop3A_1364 = arith.muli %parallel_loop3A_235, %parallel_loop3A_1363 : i32
        %parallel_loop3A_1365 = arith.constant 13 : i32
        %parallel_loop3A_1366 = arith.addi %parallel_loop3A_1364, %parallel_loop3A_1365 : i32
        %parallel_loop3A_1367 = arith.index_cast %parallel_loop3A_1362 : i32 to index
        %parallel_loop3A_1368 = arith.constant 0 : index
        %parallel_loop3A_1369 = tpu.vector_load %arg5[%parallel_loop3A_1367, %parallel_loop3A_1368] {strides = array<i32>} : memref<520x128xf32, #tpu.memory_space<vmem>>, vector<16xf32>,
        %parallel_loop3A_1370 = arith.constant 0 : i32
        %parallel_loop3A_1371 = arith.constant 0 : i32
        %parallel_loop3A_1372 = tpu.memref_slice %arg8[%parallel_loop3A_217, %parallel_loop3A_1370, %parallel_loop3A_1371] : memref<2x64x128xf32, #tpu.memory_space<vmem>> -> memref<1x64x128xf32, #tpu.memory_space<vmem>>
        %parallel_loop3A_1373 = tpu.memref_squeeze %parallel_loop3A_1372 : memref<1x64x128xf32, #tpu.memory_space<vmem>> -> memref<64x128xf32, #tpu.memory_space<vmem>>
        %parallel_loop3A_1374 = arith.index_cast %parallel_loop3A_1366 : i32 to index
        %parallel_loop3A_1375 = arith.constant 0 : index
        %parallel_loop3A_1376 = tpu.vector_load %parallel_loop3A_1373[%parallel_loop3A_1374, %parallel_loop3A_1375] {strides = array<i32>} : memref<64x128xf32, #tpu.memory_space<vmem>>, vector<16xf32>,
        tpu.vector_store %parallel_loop3A_1373[%parallel_loop3A_1374, %parallel_loop3A_1375], %parallel_loop3A_1369 {strides = array<i32>} : memref<64x128xf32, #tpu.memory_space<vmem>>, vector<16xf32>,
        %parallel_loop3A_1377 = arith.index_cast %parallel_loop3A_1362 : i32 to index
        %parallel_loop3A_1378 = arith.constant 16 : index
        %parallel_loop3A_1379 = tpu.vector_load %arg5[%parallel_loop3A_1377, %parallel_loop3A_1378] {strides = array<i32>} : memref<520x128xf32, #tpu.memory_space<vmem>>, vector<16xf32>,
        %parallel_loop3A_1380 = arith.constant 0 : i32
        %parallel_loop3A_1381 = arith.constant 0 : i32
        %parallel_loop3A_1382 = tpu.memref_slice %arg8[%parallel_loop3A_217, %parallel_loop3A_1380, %parallel_loop3A_1381] : memref<2x64x128xf32, #tpu.memory_space<vmem>> -> memref<1x64x128xf32, #tpu.memory_space<vmem>>
        %parallel_loop3A_1383 = tpu.memref_squeeze %parallel_loop3A_1382 : memref<1x64x128xf32, #tpu.memory_space<vmem>> -> memref<64x128xf32, #tpu.memory_space<vmem>>
        %parallel_loop3A_1384 = arith.index_cast %parallel_loop3A_1366 : i32 to index
        %parallel_loop3A_1385 = arith.constant 16 : index
        %parallel_loop3A_1386 = tpu.vector_load %parallel_loop3A_1383[%parallel_loop3A_1384, %parallel_loop3A_1385] {strides = array<i32>} : memref<64x128xf32, #tpu.memory_space<vmem>>, vector<16xf32>,
        tpu.vector_store %parallel_loop3A_1383[%parallel_loop3A_1384, %parallel_loop3A_1385], %parallel_loop3A_1379 {strides = array<i32>} : memref<64x128xf32, #tpu.memory_space<vmem>>, vector<16xf32>,
        %parallel_loop3A_1387 = arith.index_cast %parallel_loop3A_1362 : i32 to index
        %parallel_loop3A_1388 = arith.constant 32 : index
        %parallel_loop3A_1389 = tpu.vector_load %arg5[%parallel_loop3A_1387, %parallel_loop3A_1388] {strides = array<i32>} : memref<520x128xf32, #tpu.memory_space<vmem>>, vector<16xf32>,
        %parallel_loop3A_1390 = arith.constant 0 : i32
        %parallel_loop3A_1391 = arith.constant 0 : i32
        %parallel_loop3A_1392 = tpu.memref_slice %arg8[%parallel_loop3A_217, %parallel_loop3A_1390, %parallel_loop3A_1391] : memref<2x64x128xf32, #tpu.memory_space<vmem>> -> memref<1x64x128xf32, #tpu.memory_space<vmem>>
        %parallel_loop3A_1393 = tpu.memref_squeeze %parallel_loop3A_1392 : memref<1x64x128xf32, #tpu.memory_space<vmem>> -> memref<64x128xf32, #tpu.memory_space<vmem>>
        %parallel_loop3A_1394 = arith.index_cast %parallel_loop3A_1366 : i32 to index
        %parallel_loop3A_1395 = arith.constant 32 : index
        %parallel_loop3A_1396 = tpu.vector_load %parallel_loop3A_1393[%parallel_loop3A_1394, %parallel_loop3A_1395] {strides = array<i32>} : memref<64x128xf32, #tpu.memory_space<vmem>>, vector<16xf32>,
        tpu.vector_store %parallel_loop3A_1393[%parallel_loop3A_1394, %parallel_loop3A_1395], %parallel_loop3A_1389 {strides = array<i32>} : memref<64x128xf32, #tpu.memory_space<vmem>>, vector<16xf32>,
        %parallel_loop3A_1397 = arith.index_cast %parallel_loop3A_1362 : i32 to index
        %parallel_loop3A_1398 = arith.constant 48 : index
        %parallel_loop3A_1399 = tpu.vector_load %arg5[%parallel_loop3A_1397, %parallel_loop3A_1398] {strides = array<i32>} : memref<520x128xf32, #tpu.memory_space<vmem>>, vector<16xf32>,
        %parallel_loop3A_1400 = arith.constant 0 : i32
        %parallel_loop3A_1401 = arith.constant 0 : i32
        %parallel_loop3A_1402 = tpu.memref_slice %arg8[%parallel_loop3A_217, %parallel_loop3A_1400, %parallel_loop3A_1401] : memref<2x64x128xf32, #tpu.memory_space<vmem>> -> memref<1x64x128xf32, #tpu.memory_space<vmem>>
        %parallel_loop3A_1403 = tpu.memref_squeeze %parallel_loop3A_1402 : memref<1x64x128xf32, #tpu.memory_space<vmem>> -> memref<64x128xf32, #tpu.memory_space<vmem>>
        %parallel_loop3A_1404 = arith.index_cast %parallel_loop3A_1366 : i32 to index
        %parallel_loop3A_1405 = arith.constant 48 : index
        %parallel_loop3A_1406 = tpu.vector_load %parallel_loop3A_1403[%parallel_loop3A_1404, %parallel_loop3A_1405] {strides = array<i32>} : memref<64x128xf32, #tpu.memory_space<vmem>>, vector<16xf32>,
        tpu.vector_store %parallel_loop3A_1403[%parallel_loop3A_1404, %parallel_loop3A_1405], %parallel_loop3A_1399 {strides = array<i32>} : memref<64x128xf32, #tpu.memory_space<vmem>>, vector<16xf32>,
        %parallel_loop3A_1407 = arith.index_cast %parallel_loop3A_1362 : i32 to index
        %parallel_loop3A_1408 = arith.constant 64 : index
        %parallel_loop3A_1409 = tpu.vector_load %arg5[%parallel_loop3A_1407, %parallel_loop3A_1408] {strides = array<i32>} : memref<520x128xf32, #tpu.memory_space<vmem>>, vector<16xf32>,
        %parallel_loop3A_1410 = arith.constant 0 : i32
        %parallel_loop3A_1411 = arith.constant 0 : i32
        %parallel_loop3A_1412 = tpu.memref_slice %arg8[%parallel_loop3A_217, %parallel_loop3A_1410, %parallel_loop3A_1411] : memref<2x64x128xf32, #tpu.memory_space<vmem>> -> memref<1x64x128xf32, #tpu.memory_space<vmem>>
        %parallel_loop3A_1413 = tpu.memref_squeeze %parallel_loop3A_1412 : memref<1x64x128xf32, #tpu.memory_space<vmem>> -> memref<64x128xf32, #tpu.memory_space<vmem>>
        %parallel_loop3A_1414 = arith.index_cast %parallel_loop3A_1366 : i32 to index
        %parallel_loop3A_1415 = arith.constant 64 : index
        %parallel_loop3A_1416 = tpu.vector_load %parallel_loop3A_1413[%parallel_loop3A_1414, %parallel_loop3A_1415] {strides = array<i32>} : memref<64x128xf32, #tpu.memory_space<vmem>>, vector<16xf32>,
        tpu.vector_store %parallel_loop3A_1413[%parallel_loop3A_1414, %parallel_loop3A_1415], %parallel_loop3A_1409 {strides = array<i32>} : memref<64x128xf32, #tpu.memory_space<vmem>>, vector<16xf32>,
        %parallel_loop3A_1417 = arith.index_cast %parallel_loop3A_1362 : i32 to index
        %parallel_loop3A_1418 = arith.constant 80 : index
        %parallel_loop3A_1419 = tpu.vector_load %arg5[%parallel_loop3A_1417, %parallel_loop3A_1418] {strides = array<i32>} : memref<520x128xf32, #tpu.memory_space<vmem>>, vector<16xf32>,
        %parallel_loop3A_1420 = arith.constant 0 : i32
        %parallel_loop3A_1421 = arith.constant 0 : i32
        %parallel_loop3A_1422 = tpu.memref_slice %arg8[%parallel_loop3A_217, %parallel_loop3A_1420, %parallel_loop3A_1421] : memref<2x64x128xf32, #tpu.memory_space<vmem>> -> memref<1x64x128xf32, #tpu.memory_space<vmem>>
        %parallel_loop3A_1423 = tpu.memref_squeeze %parallel_loop3A_1422 : memref<1x64x128xf32, #tpu.memory_space<vmem>> -> memref<64x128xf32, #tpu.memory_space<vmem>>
        %parallel_loop3A_1424 = arith.index_cast %parallel_loop3A_1366 : i32 to index
        %parallel_loop3A_1425 = arith.constant 80 : index
        %parallel_loop3A_1426 = tpu.vector_load %parallel_loop3A_1423[%parallel_loop3A_1424, %parallel_loop3A_1425] {strides = array<i32>} : memref<64x128xf32, #tpu.memory_space<vmem>>, vector<16xf32>,
        tpu.vector_store %parallel_loop3A_1423[%parallel_loop3A_1424, %parallel_loop3A_1425], %parallel_loop3A_1419 {strides = array<i32>} : memref<64x128xf32, #tpu.memory_space<vmem>>, vector<16xf32>,
        %parallel_loop3A_1427 = arith.index_cast %parallel_loop3A_1362 : i32 to index
        %parallel_loop3A_1428 = arith.constant 96 : index
        %parallel_loop3A_1429 = tpu.vector_load %arg5[%parallel_loop3A_1427, %parallel_loop3A_1428] {strides = array<i32>} : memref<520x128xf32, #tpu.memory_space<vmem>>, vector<16xf32>,
        %parallel_loop3A_1430 = arith.constant 0 : i32
        %parallel_loop3A_1431 = arith.constant 0 : i32
        %parallel_loop3A_1432 = tpu.memref_slice %arg8[%parallel_loop3A_217, %parallel_loop3A_1430, %parallel_loop3A_1431] : memref<2x64x128xf32, #tpu.memory_space<vmem>> -> memref<1x64x128xf32, #tpu.memory_space<vmem>>
        %parallel_loop3A_1433 = tpu.memref_squeeze %parallel_loop3A_1432 : memref<1x64x128xf32, #tpu.memory_space<vmem>> -> memref<64x128xf32, #tpu.memory_space<vmem>>
        %parallel_loop3A_1434 = arith.index_cast %parallel_loop3A_1366 : i32 to index
        %parallel_loop3A_1435 = arith.constant 96 : index
        %parallel_loop3A_1436 = tpu.vector_load %parallel_loop3A_1433[%parallel_loop3A_1434, %parallel_loop3A_1435] {strides = array<i32>} : memref<64x128xf32, #tpu.memory_space<vmem>>, vector<16xf32>,
        tpu.vector_store %parallel_loop3A_1433[%parallel_loop3A_1434, %parallel_loop3A_1435], %parallel_loop3A_1429 {strides = array<i32>} : memref<64x128xf32, #tpu.memory_space<vmem>>, vector<16xf32>,
        %parallel_loop3A_1437 = arith.index_cast %parallel_loop3A_1362 : i32 to index
        %parallel_loop3A_1438 = arith.constant 112 : index
        %parallel_loop3A_1439 = tpu.vector_load %arg5[%parallel_loop3A_1437, %parallel_loop3A_1438] {strides = array<i32>} : memref<520x128xf32, #tpu.memory_space<vmem>>, vector<16xf32>,
        %parallel_loop3A_1440 = arith.constant 0 : i32
        %parallel_loop3A_1441 = arith.constant 0 : i32
        %parallel_loop3A_1442 = tpu.memref_slice %arg8[%parallel_loop3A_217, %parallel_loop3A_1440, %parallel_loop3A_1441] : memref<2x64x128xf32, #tpu.memory_space<vmem>> -> memref<1x64x128xf32, #tpu.memory_space<vmem>>
        %parallel_loop3A_1443 = tpu.memref_squeeze %parallel_loop3A_1442 : memref<1x64x128xf32, #tpu.memory_space<vmem>> -> memref<64x128xf32, #tpu.memory_space<vmem>>
        %parallel_loop3A_1444 = arith.index_cast %parallel_loop3A_1366 : i32 to index
        %parallel_loop3A_1445 = arith.constant 112 : index
        %parallel_loop3A_1446 = tpu.vector_load %parallel_loop3A_1443[%parallel_loop3A_1444, %parallel_loop3A_1445] {strides = array<i32>} : memref<64x128xf32, #tpu.memory_space<vmem>>, vector<16xf32>,
        tpu.vector_store %parallel_loop3A_1443[%parallel_loop3A_1444, %parallel_loop3A_1445], %parallel_loop3A_1439 {strides = array<i32>} : memref<64x128xf32, #tpu.memory_space<vmem>>, vector<16xf32>,
        %parallel_loop3A_1447 = vector.extract_strided_slice %parallel_loop3A_242 {offsets = [14], sizes = [1], strides = [1]} : vector<16xi32> to vector<1xi32>
        %parallel_loop3A_1448 = vector.extract %parallel_loop3A_1447[0] : i32 from vector<1xi32>
        %parallel_loop3A_1449 = arith.constant 16 : i32
        %parallel_loop3A_1450 = arith.muli %parallel_loop3A_235, %parallel_loop3A_1449 : i32
        %parallel_loop3A_1451 = arith.constant 14 : i32
        %parallel_loop3A_1452 = arith.addi %parallel_loop3A_1450, %parallel_loop3A_1451 : i32
        %parallel_loop3A_1453 = arith.index_cast %parallel_loop3A_1448 : i32 to index
        %parallel_loop3A_1454 = arith.constant 0 : index
        %parallel_loop3A_1455 = tpu.vector_load %arg5[%parallel_loop3A_1453, %parallel_loop3A_1454] {strides = array<i32>} : memref<520x128xf32, #tpu.memory_space<vmem>>, vector<16xf32>,
        %parallel_loop3A_1456 = arith.constant 0 : i32
        %parallel_loop3A_1457 = arith.constant 0 : i32
        %parallel_loop3A_1458 = tpu.memref_slice %arg8[%parallel_loop3A_217, %parallel_loop3A_1456, %parallel_loop3A_1457] : memref<2x64x128xf32, #tpu.memory_space<vmem>> -> memref<1x64x128xf32, #tpu.memory_space<vmem>>
        %parallel_loop3A_1459 = tpu.memref_squeeze %parallel_loop3A_1458 : memref<1x64x128xf32, #tpu.memory_space<vmem>> -> memref<64x128xf32, #tpu.memory_space<vmem>>
        %parallel_loop3A_1460 = arith.index_cast %parallel_loop3A_1452 : i32 to index
        %parallel_loop3A_1461 = arith.constant 0 : index
        %parallel_loop3A_1462 = tpu.vector_load %parallel_loop3A_1459[%parallel_loop3A_1460, %parallel_loop3A_1461] {strides = array<i32>} : memref<64x128xf32, #tpu.memory_space<vmem>>, vector<16xf32>,
        tpu.vector_store %parallel_loop3A_1459[%parallel_loop3A_1460, %parallel_loop3A_1461], %parallel_loop3A_1455 {strides = array<i32>} : memref<64x128xf32, #tpu.memory_space<vmem>>, vector<16xf32>,
        %parallel_loop3A_1463 = arith.index_cast %parallel_loop3A_1448 : i32 to index
        %parallel_loop3A_1464 = arith.constant 16 : index
        %parallel_loop3A_1465 = tpu.vector_load %arg5[%parallel_loop3A_1463, %parallel_loop3A_1464] {strides = array<i32>} : memref<520x128xf32, #tpu.memory_space<vmem>>, vector<16xf32>,
        %parallel_loop3A_1466 = arith.constant 0 : i32
        %parallel_loop3A_1467 = arith.constant 0 : i32
        %parallel_loop3A_1468 = tpu.memref_slice %arg8[%parallel_loop3A_217, %parallel_loop3A_1466, %parallel_loop3A_1467] : memref<2x64x128xf32, #tpu.memory_space<vmem>> -> memref<1x64x128xf32, #tpu.memory_space<vmem>>
        %parallel_loop3A_1469 = tpu.memref_squeeze %parallel_loop3A_1468 : memref<1x64x128xf32, #tpu.memory_space<vmem>> -> memref<64x128xf32, #tpu.memory_space<vmem>>
        %parallel_loop3A_1470 = arith.index_cast %parallel_loop3A_1452 : i32 to index
        %parallel_loop3A_1471 = arith.constant 16 : index
        %parallel_loop3A_1472 = tpu.vector_load %parallel_loop3A_1469[%parallel_loop3A_1470, %parallel_loop3A_1471] {strides = array<i32>} : memref<64x128xf32, #tpu.memory_space<vmem>>, vector<16xf32>,
        tpu.vector_store %parallel_loop3A_1469[%parallel_loop3A_1470, %parallel_loop3A_1471], %parallel_loop3A_1465 {strides = array<i32>} : memref<64x128xf32, #tpu.memory_space<vmem>>, vector<16xf32>,
        %parallel_loop3A_1473 = arith.index_cast %parallel_loop3A_1448 : i32 to index
        %parallel_loop3A_1474 = arith.constant 32 : index
        %parallel_loop3A_1475 = tpu.vector_load %arg5[%parallel_loop3A_1473, %parallel_loop3A_1474] {strides = array<i32>} : memref<520x128xf32, #tpu.memory_space<vmem>>, vector<16xf32>,
        %parallel_loop3A_1476 = arith.constant 0 : i32
        %parallel_loop3A_1477 = arith.constant 0 : i32
        %parallel_loop3A_1478 = tpu.memref_slice %arg8[%parallel_loop3A_217, %parallel_loop3A_1476, %parallel_loop3A_1477] : memref<2x64x128xf32, #tpu.memory_space<vmem>> -> memref<1x64x128xf32, #tpu.memory_space<vmem>>
        %parallel_loop3A_1479 = tpu.memref_squeeze %parallel_loop3A_1478 : memref<1x64x128xf32, #tpu.memory_space<vmem>> -> memref<64x128xf32, #tpu.memory_space<vmem>>
        %parallel_loop3A_1480 = arith.index_cast %parallel_loop3A_1452 : i32 to index
        %parallel_loop3A_1481 = arith.constant 32 : index
        %parallel_loop3A_1482 = tpu.vector_load %parallel_loop3A_1479[%parallel_loop3A_1480, %parallel_loop3A_1481] {strides = array<i32>} : memref<64x128xf32, #tpu.memory_space<vmem>>, vector<16xf32>,
        tpu.vector_store %parallel_loop3A_1479[%parallel_loop3A_1480, %parallel_loop3A_1481], %parallel_loop3A_1475 {strides = array<i32>} : memref<64x128xf32, #tpu.memory_space<vmem>>, vector<16xf32>,
        %parallel_loop3A_1483 = arith.index_cast %parallel_loop3A_1448 : i32 to index
        %parallel_loop3A_1484 = arith.constant 48 : index
        %parallel_loop3A_1485 = tpu.vector_load %arg5[%parallel_loop3A_1483, %parallel_loop3A_1484] {strides = array<i32>} : memref<520x128xf32, #tpu.memory_space<vmem>>, vector<16xf32>,
        %parallel_loop3A_1486 = arith.constant 0 : i32
        %parallel_loop3A_1487 = arith.constant 0 : i32
        %parallel_loop3A_1488 = tpu.memref_slice %arg8[%parallel_loop3A_217, %parallel_loop3A_1486, %parallel_loop3A_1487] : memref<2x64x128xf32, #tpu.memory_space<vmem>> -> memref<1x64x128xf32, #tpu.memory_space<vmem>>
        %parallel_loop3A_1489 = tpu.memref_squeeze %parallel_loop3A_1488 : memref<1x64x128xf32, #tpu.memory_space<vmem>> -> memref<64x128xf32, #tpu.memory_space<vmem>>
        %parallel_loop3A_1490 = arith.index_cast %parallel_loop3A_1452 : i32 to index
        %parallel_loop3A_1491 = arith.constant 48 : index
        %parallel_loop3A_1492 = tpu.vector_load %parallel_loop3A_1489[%parallel_loop3A_1490, %parallel_loop3A_1491] {strides = array<i32>} : memref<64x128xf32, #tpu.memory_space<vmem>>, vector<16xf32>,
        tpu.vector_store %parallel_loop3A_1489[%parallel_loop3A_1490, %parallel_loop3A_1491], %parallel_loop3A_1485 {strides = array<i32>} : memref<64x128xf32, #tpu.memory_space<vmem>>, vector<16xf32>,
        %parallel_loop3A_1493 = arith.index_cast %parallel_loop3A_1448 : i32 to index
        %parallel_loop3A_1494 = arith.constant 64 : index
        %parallel_loop3A_1495 = tpu.vector_load %arg5[%parallel_loop3A_1493, %parallel_loop3A_1494] {strides = array<i32>} : memref<520x128xf32, #tpu.memory_space<vmem>>, vector<16xf32>,
        %parallel_loop3A_1496 = arith.constant 0 : i32
        %parallel_loop3A_1497 = arith.constant 0 : i32
        %parallel_loop3A_1498 = tpu.memref_slice %arg8[%parallel_loop3A_217, %parallel_loop3A_1496, %parallel_loop3A_1497] : memref<2x64x128xf32, #tpu.memory_space<vmem>> -> memref<1x64x128xf32, #tpu.memory_space<vmem>>
        %parallel_loop3A_1499 = tpu.memref_squeeze %parallel_loop3A_1498 : memref<1x64x128xf32, #tpu.memory_space<vmem>> -> memref<64x128xf32, #tpu.memory_space<vmem>>
        %parallel_loop3A_1500 = arith.index_cast %parallel_loop3A_1452 : i32 to index
        %parallel_loop3A_1501 = arith.constant 64 : index
        %parallel_loop3A_1502 = tpu.vector_load %parallel_loop3A_1499[%parallel_loop3A_1500, %parallel_loop3A_1501] {strides = array<i32>} : memref<64x128xf32, #tpu.memory_space<vmem>>, vector<16xf32>,
        tpu.vector_store %parallel_loop3A_1499[%parallel_loop3A_1500, %parallel_loop3A_1501], %parallel_loop3A_1495 {strides = array<i32>} : memref<64x128xf32, #tpu.memory_space<vmem>>, vector<16xf32>,
        %parallel_loop3A_1503 = arith.index_cast %parallel_loop3A_1448 : i32 to index
        %parallel_loop3A_1504 = arith.constant 80 : index
        %parallel_loop3A_1505 = tpu.vector_load %arg5[%parallel_loop3A_1503, %parallel_loop3A_1504] {strides = array<i32>} : memref<520x128xf32, #tpu.memory_space<vmem>>, vector<16xf32>,
        %parallel_loop3A_1506 = arith.constant 0 : i32
        %parallel_loop3A_1507 = arith.constant 0 : i32
        %parallel_loop3A_1508 = tpu.memref_slice %arg8[%parallel_loop3A_217, %parallel_loop3A_1506, %parallel_loop3A_1507] : memref<2x64x128xf32, #tpu.memory_space<vmem>> -> memref<1x64x128xf32, #tpu.memory_space<vmem>>
        %parallel_loop3A_1509 = tpu.memref_squeeze %parallel_loop3A_1508 : memref<1x64x128xf32, #tpu.memory_space<vmem>> -> memref<64x128xf32, #tpu.memory_space<vmem>>
        %parallel_loop3A_1510 = arith.index_cast %parallel_loop3A_1452 : i32 to index
        %parallel_loop3A_1511 = arith.constant 80 : index
        %parallel_loop3A_1512 = tpu.vector_load %parallel_loop3A_1509[%parallel_loop3A_1510, %parallel_loop3A_1511] {strides = array<i32>} : memref<64x128xf32, #tpu.memory_space<vmem>>, vector<16xf32>,
        tpu.vector_store %parallel_loop3A_1509[%parallel_loop3A_1510, %parallel_loop3A_1511], %parallel_loop3A_1505 {strides = array<i32>} : memref<64x128xf32, #tpu.memory_space<vmem>>, vector<16xf32>,
        %parallel_loop3A_1513 = arith.index_cast %parallel_loop3A_1448 : i32 to index
        %parallel_loop3A_1514 = arith.constant 96 : index
        %parallel_loop3A_1515 = tpu.vector_load %arg5[%parallel_loop3A_1513, %parallel_loop3A_1514] {strides = array<i32>} : memref<520x128xf32, #tpu.memory_space<vmem>>, vector<16xf32>,
        %parallel_loop3A_1516 = arith.constant 0 : i32
        %parallel_loop3A_1517 = arith.constant 0 : i32
        %parallel_loop3A_1518 = tpu.memref_slice %arg8[%parallel_loop3A_217, %parallel_loop3A_1516, %parallel_loop3A_1517] : memref<2x64x128xf32, #tpu.memory_space<vmem>> -> memref<1x64x128xf32, #tpu.memory_space<vmem>>
        %parallel_loop3A_1519 = tpu.memref_squeeze %parallel_loop3A_1518 : memref<1x64x128xf32, #tpu.memory_space<vmem>> -> memref<64x128xf32, #tpu.memory_space<vmem>>
        %parallel_loop3A_1520 = arith.index_cast %parallel_loop3A_1452 : i32 to index
        %parallel_loop3A_1521 = arith.constant 96 : index
        %parallel_loop3A_1522 = tpu.vector_load %parallel_loop3A_1519[%parallel_loop3A_1520, %parallel_loop3A_1521] {strides = array<i32>} : memref<64x128xf32, #tpu.memory_space<vmem>>, vector<16xf32>,
        tpu.vector_store %parallel_loop3A_1519[%parallel_loop3A_1520, %parallel_loop3A_1521], %parallel_loop3A_1515 {strides = array<i32>} : memref<64x128xf32, #tpu.memory_space<vmem>>, vector<16xf32>,
        %parallel_loop3A_1523 = arith.index_cast %parallel_loop3A_1448 : i32 to index
        %parallel_loop3A_1524 = arith.constant 112 : index
        %parallel_loop3A_1525 = tpu.vector_load %arg5[%parallel_loop3A_1523, %parallel_loop3A_1524] {strides = array<i32>} : memref<520x128xf32, #tpu.memory_space<vmem>>, vector<16xf32>,
        %parallel_loop3A_1526 = arith.constant 0 : i32
        %parallel_loop3A_1527 = arith.constant 0 : i32
        %parallel_loop3A_1528 = tpu.memref_slice %arg8[%parallel_loop3A_217, %parallel_loop3A_1526, %parallel_loop3A_1527] : memref<2x64x128xf32, #tpu.memory_space<vmem>> -> memref<1x64x128xf32, #tpu.memory_space<vmem>>
        %parallel_loop3A_1529 = tpu.memref_squeeze %parallel_loop3A_1528 : memref<1x64x128xf32, #tpu.memory_space<vmem>> -> memref<64x128xf32, #tpu.memory_space<vmem>>
        %parallel_loop3A_1530 = arith.index_cast %parallel_loop3A_1452 : i32 to index
        %parallel_loop3A_1531 = arith.constant 112 : index
        %parallel_loop3A_1532 = tpu.vector_load %parallel_loop3A_1529[%parallel_loop3A_1530, %parallel_loop3A_1531] {strides = array<i32>} : memref<64x128xf32, #tpu.memory_space<vmem>>, vector<16xf32>,
        tpu.vector_store %parallel_loop3A_1529[%parallel_loop3A_1530, %parallel_loop3A_1531], %parallel_loop3A_1525 {strides = array<i32>} : memref<64x128xf32, #tpu.memory_space<vmem>>, vector<16xf32>,
        %parallel_loop3A_1533 = vector.extract_strided_slice %parallel_loop3A_242 {offsets = [15], sizes = [1], strides = [1]} : vector<16xi32> to vector<1xi32>
        %parallel_loop3A_1534 = vector.extract %parallel_loop3A_1533[0] : i32 from vector<1xi32>
        %parallel_loop3A_1535 = arith.constant 16 : i32
        %parallel_loop3A_1536 = arith.muli %parallel_loop3A_235, %parallel_loop3A_1535 : i32
        %parallel_loop3A_1537 = arith.constant 15 : i32
        %parallel_loop3A_1538 = arith.addi %parallel_loop3A_1536, %parallel_loop3A_1537 : i32
        %parallel_loop3A_1539 = arith.index_cast %parallel_loop3A_1534 : i32 to index
        %parallel_loop3A_1540 = arith.constant 0 : index
        %parallel_loop3A_1541 = tpu.vector_load %arg5[%parallel_loop3A_1539, %parallel_loop3A_1540] {strides = array<i32>} : memref<520x128xf32, #tpu.memory_space<vmem>>, vector<16xf32>,
        %parallel_loop3A_1542 = arith.constant 0 : i32
        %parallel_loop3A_1543 = arith.constant 0 : i32
        %parallel_loop3A_1544 = tpu.memref_slice %arg8[%parallel_loop3A_217, %parallel_loop3A_1542, %parallel_loop3A_1543] : memref<2x64x128xf32, #tpu.memory_space<vmem>> -> memref<1x64x128xf32, #tpu.memory_space<vmem>>
        %parallel_loop3A_1545 = tpu.memref_squeeze %parallel_loop3A_1544 : memref<1x64x128xf32, #tpu.memory_space<vmem>> -> memref<64x128xf32, #tpu.memory_space<vmem>>
        %parallel_loop3A_1546 = arith.index_cast %parallel_loop3A_1538 : i32 to index
        %parallel_loop3A_1547 = arith.constant 0 : index
        %parallel_loop3A_1548 = tpu.vector_load %parallel_loop3A_1545[%parallel_loop3A_1546, %parallel_loop3A_1547] {strides = array<i32>} : memref<64x128xf32, #tpu.memory_space<vmem>>, vector<16xf32>,
        tpu.vector_store %parallel_loop3A_1545[%parallel_loop3A_1546, %parallel_loop3A_1547], %parallel_loop3A_1541 {strides = array<i32>} : memref<64x128xf32, #tpu.memory_space<vmem>>, vector<16xf32>,
        %parallel_loop3A_1549 = arith.index_cast %parallel_loop3A_1534 : i32 to index
        %parallel_loop3A_1550 = arith.constant 16 : index
        %parallel_loop3A_1551 = tpu.vector_load %arg5[%parallel_loop3A_1549, %parallel_loop3A_1550] {strides = array<i32>} : memref<520x128xf32, #tpu.memory_space<vmem>>, vector<16xf32>,
        %parallel_loop3A_1552 = arith.constant 0 : i32
        %parallel_loop3A_1553 = arith.constant 0 : i32
        %parallel_loop3A_1554 = tpu.memref_slice %arg8[%parallel_loop3A_217, %parallel_loop3A_1552, %parallel_loop3A_1553] : memref<2x64x128xf32, #tpu.memory_space<vmem>> -> memref<1x64x128xf32, #tpu.memory_space<vmem>>
        %parallel_loop3A_1555 = tpu.memref_squeeze %parallel_loop3A_1554 : memref<1x64x128xf32, #tpu.memory_space<vmem>> -> memref<64x128xf32, #tpu.memory_space<vmem>>
        %parallel_loop3A_1556 = arith.index_cast %parallel_loop3A_1538 : i32 to index
        %parallel_loop3A_1557 = arith.constant 16 : index
        %parallel_loop3A_1558 = tpu.vector_load %parallel_loop3A_1555[%parallel_loop3A_1556, %parallel_loop3A_1557] {strides = array<i32>} : memref<64x128xf32, #tpu.memory_space<vmem>>, vector<16xf32>,
        tpu.vector_store %parallel_loop3A_1555[%parallel_loop3A_1556, %parallel_loop3A_1557], %parallel_loop3A_1551 {strides = array<i32>} : memref<64x128xf32, #tpu.memory_space<vmem>>, vector<16xf32>,
        %parallel_loop3A_1559 = arith.index_cast %parallel_loop3A_1534 : i32 to index
        %parallel_loop3A_1560 = arith.constant 32 : index
        %parallel_loop3A_1561 = tpu.vector_load %arg5[%parallel_loop3A_1559, %parallel_loop3A_1560] {strides = array<i32>} : memref<520x128xf32, #tpu.memory_space<vmem>>, vector<16xf32>,
        %parallel_loop3A_1562 = arith.constant 0 : i32
        %parallel_loop3A_1563 = arith.constant 0 : i32
        %parallel_loop3A_1564 = tpu.memref_slice %arg8[%parallel_loop3A_217, %parallel_loop3A_1562, %parallel_loop3A_1563] : memref<2x64x128xf32, #tpu.memory_space<vmem>> -> memref<1x64x128xf32, #tpu.memory_space<vmem>>
        %parallel_loop3A_1565 = tpu.memref_squeeze %parallel_loop3A_1564 : memref<1x64x128xf32, #tpu.memory_space<vmem>> -> memref<64x128xf32, #tpu.memory_space<vmem>>
        %parallel_loop3A_1566 = arith.index_cast %parallel_loop3A_1538 : i32 to index
        %parallel_loop3A_1567 = arith.constant 32 : index
        %parallel_loop3A_1568 = tpu.vector_load %parallel_loop3A_1565[%parallel_loop3A_1566, %parallel_loop3A_1567] {strides = array<i32>} : memref<64x128xf32, #tpu.memory_space<vmem>>, vector<16xf32>,
        tpu.vector_store %parallel_loop3A_1565[%parallel_loop3A_1566, %parallel_loop3A_1567], %parallel_loop3A_1561 {strides = array<i32>} : memref<64x128xf32, #tpu.memory_space<vmem>>, vector<16xf32>,
        %parallel_loop3A_1569 = arith.index_cast %parallel_loop3A_1534 : i32 to index
        %parallel_loop3A_1570 = arith.constant 48 : index
        %parallel_loop3A_1571 = tpu.vector_load %arg5[%parallel_loop3A_1569, %parallel_loop3A_1570] {strides = array<i32>} : memref<520x128xf32, #tpu.memory_space<vmem>>, vector<16xf32>,
        %parallel_loop3A_1572 = arith.constant 0 : i32
        %parallel_loop3A_1573 = arith.constant 0 : i32
        %parallel_loop3A_1574 = tpu.memref_slice %arg8[%parallel_loop3A_217, %parallel_loop3A_1572, %parallel_loop3A_1573] : memref<2x64x128xf32, #tpu.memory_space<vmem>> -> memref<1x64x128xf32, #tpu.memory_space<vmem>>
        %parallel_loop3A_1575 = tpu.memref_squeeze %parallel_loop3A_1574 : memref<1x64x128xf32, #tpu.memory_space<vmem>> -> memref<64x128xf32, #tpu.memory_space<vmem>>
        %parallel_loop3A_1576 = arith.index_cast %parallel_loop3A_1538 : i32 to index
        %parallel_loop3A_1577 = arith.constant 48 : index
        %parallel_loop3A_1578 = tpu.vector_load %parallel_loop3A_1575[%parallel_loop3A_1576, %parallel_loop3A_1577] {strides = array<i32>} : memref<64x128xf32, #tpu.memory_space<vmem>>, vector<16xf32>,
        tpu.vector_store %parallel_loop3A_1575[%parallel_loop3A_1576, %parallel_loop3A_1577], %parallel_loop3A_1571 {strides = array<i32>} : memref<64x128xf32, #tpu.memory_space<vmem>>, vector<16xf32>,
        %parallel_loop3A_1579 = arith.index_cast %parallel_loop3A_1534 : i32 to index
        %parallel_loop3A_1580 = arith.constant 64 : index
        %parallel_loop3A_1581 = tpu.vector_load %arg5[%parallel_loop3A_1579, %parallel_loop3A_1580] {strides = array<i32>} : memref<520x128xf32, #tpu.memory_space<vmem>>, vector<16xf32>,
        %parallel_loop3A_1582 = arith.constant 0 : i32
        %parallel_loop3A_1583 = arith.constant 0 : i32
        %parallel_loop3A_1584 = tpu.memref_slice %arg8[%parallel_loop3A_217, %parallel_loop3A_1582, %parallel_loop3A_1583] : memref<2x64x128xf32, #tpu.memory_space<vmem>> -> memref<1x64x128xf32, #tpu.memory_space<vmem>>
        %parallel_loop3A_1585 = tpu.memref_squeeze %parallel_loop3A_1584 : memref<1x64x128xf32, #tpu.memory_space<vmem>> -> memref<64x128xf32, #tpu.memory_space<vmem>>
        %parallel_loop3A_1586 = arith.index_cast %parallel_loop3A_1538 : i32 to index
        %parallel_loop3A_1587 = arith.constant 64 : index
        %parallel_loop3A_1588 = tpu.vector_load %parallel_loop3A_1585[%parallel_loop3A_1586, %parallel_loop3A_1587] {strides = array<i32>} : memref<64x128xf32, #tpu.memory_space<vmem>>, vector<16xf32>,
        tpu.vector_store %parallel_loop3A_1585[%parallel_loop3A_1586, %parallel_loop3A_1587], %parallel_loop3A_1581 {strides = array<i32>} : memref<64x128xf32, #tpu.memory_space<vmem>>, vector<16xf32>,
        %parallel_loop3A_1589 = arith.index_cast %parallel_loop3A_1534 : i32 to index
        %parallel_loop3A_1590 = arith.constant 80 : index
        %parallel_loop3A_1591 = tpu.vector_load %arg5[%parallel_loop3A_1589, %parallel_loop3A_1590] {strides = array<i32>} : memref<520x128xf32, #tpu.memory_space<vmem>>, vector<16xf32>,
        %parallel_loop3A_1592 = arith.constant 0 : i32
        %parallel_loop3A_1593 = arith.constant 0 : i32
        %parallel_loop3A_1594 = tpu.memref_slice %arg8[%parallel_loop3A_217, %parallel_loop3A_1592, %parallel_loop3A_1593] : memref<2x64x128xf32, #tpu.memory_space<vmem>> -> memref<1x64x128xf32, #tpu.memory_space<vmem>>
        %parallel_loop3A_1595 = tpu.memref_squeeze %parallel_loop3A_1594 : memref<1x64x128xf32, #tpu.memory_space<vmem>> -> memref<64x128xf32, #tpu.memory_space<vmem>>
        %parallel_loop3A_1596 = arith.index_cast %parallel_loop3A_1538 : i32 to index
        %parallel_loop3A_1597 = arith.constant 80 : index
        %parallel_loop3A_1598 = tpu.vector_load %parallel_loop3A_1595[%parallel_loop3A_1596, %parallel_loop3A_1597] {strides = array<i32>} : memref<64x128xf32, #tpu.memory_space<vmem>>, vector<16xf32>,
        tpu.vector_store %parallel_loop3A_1595[%parallel_loop3A_1596, %parallel_loop3A_1597], %parallel_loop3A_1591 {strides = array<i32>} : memref<64x128xf32, #tpu.memory_space<vmem>>, vector<16xf32>,
        %parallel_loop3A_1599 = arith.index_cast %parallel_loop3A_1534 : i32 to index
        %parallel_loop3A_1600 = arith.constant 96 : index
        %parallel_loop3A_1601 = tpu.vector_load %arg5[%parallel_loop3A_1599, %parallel_loop3A_1600] {strides = array<i32>} : memref<520x128xf32, #tpu.memory_space<vmem>>, vector<16xf32>,
        %parallel_loop3A_1602 = arith.constant 0 : i32
        %parallel_loop3A_1603 = arith.constant 0 : i32
        %parallel_loop3A_1604 = tpu.memref_slice %arg8[%parallel_loop3A_217, %parallel_loop3A_1602, %parallel_loop3A_1603] : memref<2x64x128xf32, #tpu.memory_space<vmem>> -> memref<1x64x128xf32, #tpu.memory_space<vmem>>
        %parallel_loop3A_1605 = tpu.memref_squeeze %parallel_loop3A_1604 : memref<1x64x128xf32, #tpu.memory_space<vmem>> -> memref<64x128xf32, #tpu.memory_space<vmem>>
        %parallel_loop3A_1606 = arith.index_cast %parallel_loop3A_1538 : i32 to index
        %parallel_loop3A_1607 = arith.constant 96 : index
        %parallel_loop3A_1608 = tpu.vector_load %parallel_loop3A_1605[%parallel_loop3A_1606, %parallel_loop3A_1607] {strides = array<i32>} : memref<64x128xf32, #tpu.memory_space<vmem>>, vector<16xf32>,
        tpu.vector_store %parallel_loop3A_1605[%parallel_loop3A_1606, %parallel_loop3A_1607], %parallel_loop3A_1601 {strides = array<i32>} : memref<64x128xf32, #tpu.memory_space<vmem>>, vector<16xf32>,
        %parallel_loop3A_1609 = arith.index_cast %parallel_loop3A_1534 : i32 to index
        %parallel_loop3A_1610 = arith.constant 112 : index
        %parallel_loop3A_1611 = tpu.vector_load %arg5[%parallel_loop3A_1609, %parallel_loop3A_1610] {strides = array<i32>} : memref<520x128xf32, #tpu.memory_space<vmem>>, vector<16xf32>,
        %parallel_loop3A_1612 = arith.constant 0 : i32
        %parallel_loop3A_1613 = arith.constant 0 : i32
        %parallel_loop3A_1614 = tpu.memref_slice %arg8[%parallel_loop3A_217, %parallel_loop3A_1612, %parallel_loop3A_1613] : memref<2x64x128xf32, #tpu.memory_space<vmem>> -> memref<1x64x128xf32, #tpu.memory_space<vmem>>
        %parallel_loop3A_1615 = tpu.memref_squeeze %parallel_loop3A_1614 : memref<1x64x128xf32, #tpu.memory_space<vmem>> -> memref<64x128xf32, #tpu.memory_space<vmem>>
        %parallel_loop3A_1616 = arith.index_cast %parallel_loop3A_1538 : i32 to index
        %parallel_loop3A_1617 = arith.constant 112 : index
        %parallel_loop3A_1618 = tpu.vector_load %parallel_loop3A_1615[%parallel_loop3A_1616, %parallel_loop3A_1617] {strides = array<i32>} : memref<64x128xf32, #tpu.memory_space<vmem>>, vector<16xf32>,
        tpu.vector_store %parallel_loop3A_1615[%parallel_loop3A_1616, %parallel_loop3A_1617], %parallel_loop3A_1611 {strides = array<i32>} : memref<64x128xf32, #tpu.memory_space<vmem>>, vector<16xf32>,
      } {sc.loop_unroll_factor = 1 : i64, sc.parallel_access}
      %mul3A_218 = arith.constant 64 : i32
      %mul3A_219 = arith.muli %add3A_207, %mul3A_218 : i32
      %add3A_220 = arith.addi %add3A_138, %mul3A_219 : i32
      %mul3A_221 = arith.constant 128 : i32
      %mul3A_222 = arith.muli %select_n3A_54, %mul3A_221 : i32
      %dma_start3A_223 = arith.constant 1 : i32
      %dma_start3A_224 = arith.constant 0 : i32
      %dma_start3A_225 = arith.constant 0 : i32
      %dma_start3A_226 = tpu.memref_slice %arg8[%dma_start3A_223, %dma_start3A_224, %dma_start3A_225] : memref<2x64x128xf32, #tpu.memory_space<vmem>> -> memref<1x64x128xf32, #tpu.memory_space<vmem>>
      %dma_start3A_227 = tpu.memref_squeeze %dma_start3A_226 : memref<1x64x128xf32, #tpu.memory_space<vmem>> -> memref<64x128xf32, #tpu.memory_space<vmem>>
      %dma_start3A_228 = tpu.memref_slice %arg4[%add3A_220, %mul3A_222] : memref<8192x256xf32, #tpu.memory_space<hbm>> -> memref<64x128xf32, #tpu.memory_space<hbm>>
      %dma_start3A_229 = tpu.memref_slice %arg4[%add3A_220, %mul3A_222] : memref<8192x256xf32, #tpu.memory_space<hbm>> -> memref<64x128xf32, #tpu.memory_space<hbm>>
      %dma_start3A_230 = arith.constant 0 : i32
      %dma_start3A_231 = arith.constant 0 : i32
      %dma_start3A_232 = tpu.memref_slice %arg8[%dma_start3A_223, %dma_start3A_230, %dma_start3A_231] : memref<2x64x128xf32, #tpu.memory_space<vmem>> -> memref<1x64x128xf32, #tpu.memory_space<vmem>>
      %dma_start3A_233 = tpu.memref_squeeze %dma_start3A_232 : memref<1x64x128xf32, #tpu.memory_space<vmem>> -> memref<64x128xf32, #tpu.memory_space<vmem>>
      tpu.enqueue_dma source(%dma_start3A_233 : memref<64x128xf32, #tpu.memory_space<vmem>>) target(%dma_start3A_229 : memref<64x128xf32, #tpu.memory_space<hbm>>) target_semaphore(%arg11 : memref<!tpu.dma_semaphore, #tpu.memory_space<semaphore_mem>>)
      %scan3A_234 = arith.constant 0 : i32
      scf.yield %scan3A_234 : i32
    }
    %scan3A_145 = arith.constant 4 : i32
    %dma_wait3A_146 = arith.constant 0 : i32
    %dma_wait3A_147 = arith.constant 0 : i32
    %dma_wait3A_148 = arith.constant 0 : i32
    %dma_wait3A_149 = tpu.memref_slice %arg8[%dma_wait3A_146, %dma_wait3A_147, %dma_wait3A_148] : memref<2x64x128xf32, #tpu.memory_space<vmem>> -> memref<1x64x128xf32, #tpu.memory_space<vmem>>
    %dma_wait3A_150 = tpu.memref_squeeze %dma_wait3A_149 : memref<1x64x128xf32, #tpu.memory_space<vmem>> -> memref<64x128xf32, #tpu.memory_space<vmem>>
    %dma_wait3A_151 = arith.constant 0 : i32
    %dma_wait3A_152 = arith.constant 0 : i32
    %dma_wait3A_153 = tpu.memref_slice %arg2[%dma_wait3A_151, %dma_wait3A_152] : memref<4096x256xf32, #tpu.memory_space<hbm>> -> memref<64x128xf32, #tpu.memory_space<hbm>>
    %dma_wait3A_154 = arith.constant 0 : i32
    %dma_wait3A_155 = arith.constant 0 : i32
    %dma_wait3A_156 = tpu.memref_slice %arg8[%dma_wait3A_146, %dma_wait3A_154, %dma_wait3A_155] : memref<2x64x128xf32, #tpu.memory_space<vmem>> -> memref<1x64x128xf32, #tpu.memory_space<vmem>>
    %dma_wait3A_157 = tpu.memref_squeeze %dma_wait3A_156 : memref<1x64x128xf32, #tpu.memory_space<vmem>> -> memref<64x128xf32, #tpu.memory_space<vmem>>
    %dma_wait3A_158 = arith.constant 0 : i32
    %dma_wait3A_159 = arith.constant 0 : i32
    %dma_wait3A_160 = tpu.memref_slice %arg2[%dma_wait3A_158, %dma_wait3A_159] : memref<4096x256xf32, #tpu.memory_space<hbm>> -> memref<64x128xf32, #tpu.memory_space<hbm>>
    tpu.wait_dma2 semaphore(%arg10 : memref<!tpu.dma_semaphore, #tpu.memory_space<semaphore_mem>>) src(%dma_wait3A_160 : memref<64x128xf32, #tpu.memory_space<hbm>>) dst(%dma_wait3A_157 : memref<64x128xf32, #tpu.memory_space<vmem>>)
    %dma_wait3A_161 = arith.constant 1 : i32
    %dma_wait3A_162 = arith.constant 0 : i32
    %dma_wait3A_163 = arith.constant 0 : i32
    %dma_wait3A_164 = tpu.memref_slice %arg8[%dma_wait3A_161, %dma_wait3A_162, %dma_wait3A_163] : memref<2x64x128xf32, #tpu.memory_space<vmem>> -> memref<1x64x128xf32, #tpu.memory_space<vmem>>
    %dma_wait3A_165 = tpu.memref_squeeze %dma_wait3A_164 : memref<1x64x128xf32, #tpu.memory_space<vmem>> -> memref<64x128xf32, #tpu.memory_space<vmem>>
    %dma_wait3A_166 = arith.constant 0 : i32
    %dma_wait3A_167 = arith.constant 0 : i32
    %dma_wait3A_168 = tpu.memref_slice %arg2[%dma_wait3A_166, %dma_wait3A_167] : memref<4096x256xf32, #tpu.memory_space<hbm>> -> memref<64x128xf32, #tpu.memory_space<hbm>>
    %dma_wait3A_169 = arith.constant 0 : i32
    %dma_wait3A_170 = arith.constant 0 : i32
    %dma_wait3A_171 = tpu.memref_slice %arg8[%dma_wait3A_161, %dma_wait3A_169, %dma_wait3A_170] : memref<2x64x128xf32, #tpu.memory_space<vmem>> -> memref<1x64x128xf32, #tpu.memory_space<vmem>>
    %dma_wait3A_172 = tpu.memref_squeeze %dma_wait3A_171 : memref<1x64x128xf32, #tpu.memory_space<vmem>> -> memref<64x128xf32, #tpu.memory_space<vmem>>
    %dma_wait3A_173 = arith.constant 0 : i32
    %dma_wait3A_174 = arith.constant 0 : i32
    %dma_wait3A_175 = tpu.memref_slice %arg2[%dma_wait3A_173, %dma_wait3A_174] : memref<4096x256xf32, #tpu.memory_space<hbm>> -> memref<64x128xf32, #tpu.memory_space<hbm>>
    tpu.wait_dma2 semaphore(%arg11 : memref<!tpu.dma_semaphore, #tpu.memory_space<semaphore_mem>>) src(%dma_wait3A_175 : memref<64x128xf32, #tpu.memory_space<hbm>>) dst(%dma_wait3A_172 : memref<64x128xf32, #tpu.memory_space<vmem>>)
    return
  }
}

</mosaic_0001>

<sc_bundles>
// kernel: kernel.3.cloned.1.call-start
scs
__scs_entry_jumppad:
0x0: {  	(pc) =	sbr.rel $0x88, $3  }
0x1: {  	(tag) =	ssettag $0x0;
	lr =	simm.s32 $0x1  }
0x2: {  	[smem:$0x3F95] =	sst lr;
	_ =	strace $0xD0000000  }
0x3: {  	_ = 	snop  }
0x4: {  	_ = 	snop  }
0x5: {  	_ = 	snop  }
0x6: {  	_ = 	snop  }
0x7: {  	_ = 	snop  }
__scs_overlays_trampoline_lowered:
0x8: {  	[smem:$0x3FA4] =	sst s0  }
0x9: {  	[smem:$0x3FA5] =	sst s1  }
0xa: {  	[smem:$0x3FA6] =	sst s2  }
0xb: {  	[smem:$0x3FA7] =	sst s3  }
0xc: {  	[smem:$0x3FA8] =	sst s4  }
0xd: {  	[smem:$0x3FA9] =	sst s5  }
0xe: {  	[smem:$0x3FAA] =	sst s6  }
0xf: {  	[smem:$0x3FAB] =	sst s7  }
0x10: {  	[smem:$0x3FAC] =	sst s8  }
0x11: {  	[smem:$0x3FAD] =	sst s9;
	s0 =	simm.s32 @!p0 $0x0  }
0x12: {  	s1 =	sld [smem:$0x3F93];
	s0 =	simm.s32 @p0 $0x1  }
0x13: {  	[smem:$0x3FAE] =	sst s0;
	s0 =	simm.s32 @!p1 $0x0  }
0x14: {  	s2 =	sld [smem:$0x3F92];
	s0 =	simm.s32 @p1 $0x1  }
0x15: {  	[smem:$0x3FAF] =	sst s0;
	s0 =	simm.s32 @!p2 $0x0  }
0x16: {  	s3 =	sld [smem:$0x3FDB];
	s0 =	simm.s32 @p2 $0x1  }
0x17: {  	s4 =	simm.s32 $0x1BF5;
	[smem:$0x3FB1] =	sst s0  }
0x18: {  	s0 =	sld [smem:$0x3F94];
	_ =	swait.ge [sflag:s4], $0x0  }
0x19: {  	s7 =	sld [smem:$0x3F95]  }
0x1a: {  	s8 =	sadd.s32 $0xFFFFE003, lr  }
0x1b: {  	s9 =	sadd.s32 $0xFFFFFEF7, lr;
	s5 =	simm.s32 $0xFFFFFFFF;
	p2 =	slt.u32 s8, $0xFFFFF086  }
0x1c: {  	p1 =	slt.u32 s9, $0xF7A;
	s5 =	simm.s32 @!p2 $0x0  }
0x1d: {  	s5 =	simm.s32 @p1 $0x1;
	p0 =	seq.s32 s7, s2  }
0x1e: {  	s7 =	smul.u32 @!p0 $0xF7A, s2;
	p2 =	seq.s32 @!p0 s5, $0x0  }
0x1f: {  	s9 =	smul.u32 $0xF7A, s1;
	s8 =	simm.s32 @!p0 $0x1BF5;
	p2 =	por !p2, p0  }
0x20: {  	[sflag:s8] =	ssyncset.s32 @!p0 $0xFFFFF086;
	s6 =	sadd.s32 @!p0 s3, s7;
	s7 =	simm.s32 @!p0 $0x108  }
0x21: {  	s3 =	sadd.s32 s3, s9;
	s6 =	sadd.s32 @!p0 $0x88, s6;
	s7 =	simm.s32 @p2 $0x1082  }
0x22: {  	[simem:s7], [sflag:s8] =	dma.local @!p0 [hbm:s6], $0xF7A  }
0x23: {  	s9 =	sor.u32 $0xD0000000, s2;
	s6 =	simm.s32 $0x108;
	_ =	swait.ge @!p0 [sflag:s8], $0x0  }
0x24: {  	s3 =	sadd.s32 $0x88, s3;
	s6 =	simm.s32 @!p1 $0x1082;
	[sflag:s4] =	ssyncset.s32 $0xFFFFF086  }
0x25: {  	[simem:s6], [sflag:s4] =	dma.local [hbm:s3], $0xF7A  }
0x26: {  	[smem:$0x3F95] =	sst s1;
	(tag) =	ssettag s2;
	_ =	strace s9  }
0x27: {  	s1 =	sld [smem:$0x3FA5]  }
0x28: {  	s2 =	sld [smem:$0x3FA6]  }
0x29: {  	s4 =	sld [smem:$0x3FA8]  }
0x2a: {  	p0 =	seq.s32 s5, $0x0;
	s5 =	sld [smem:$0x3FA9]  }
0x2b: {  	s6 =	sld [smem:$0x3FAA]  }
0x2c: {  	s7 =	sld [smem:$0x3FAB]  }
0x2d: {  	s3 =	simm.s32 $0x108;
	s8 =	sld [smem:$0x3FAC]  }
0x2e: {  	s3 =	simm.s32 @!p0 $0x1082;
	s9 =	sld [smem:$0x3FAD]  }
0x2f: {  	lr =	sadd.s32 s0, s3;
	s0 =	sld [smem:$0x3FA4]  }
0x30: {  	s3 =	sld [smem:$0x3FA7]  }
0x31: {  	[smem:$0x3FB0] =	sst s10  }
0x32: {  	s10 =	sld [smem:$0x3FAE];
	_ =	sdelay $0x3  }
0x33: {  	p0 =	seq.s32 s10, $0x1;
	s10 =	sld [smem:$0x3FB0];
	_ =	sdelay $0x3  }
0x34: {  	[smem:$0x3FB0] =	sst s10  }
0x35: {  	s10 =	sld [smem:$0x3FAF];
	_ =	sdelay $0x3  }
0x36: {  	p1 =	seq.s32 s10, $0x1;
	s10 =	sld [smem:$0x3FB0];
	_ =	sdelay $0x3  }
0x37: {  	[smem:$0x3FB0] =	sst s10  }
0x38: {  	s10 =	sld [smem:$0x3FB1]  }
0x39: {  	_ = 	snop;
	(pc) =	sbr.ind lr, $3  }
0x3a: {  	_ = 	snop  }
0x3b: {  	_ = 	snop  }
0x3c: {  	p2 =	seq.s32 s10, $0x1;
	s10 =	sld [smem:$0x3FB0]  }
0x3d: {  	_ =	shalt  }
0x3e: {  	_ =	shalt  }
0x3f: {  	_ =	shalt  }
0x40: {  	_ =	shalt  }
0x41: {  	_ =	shalt  }
0x42: {  	_ =	shalt  }
0x43: {  	_ =	shalt  }
0x44: {  	_ =	shalt  }
0x45: {  	_ =	shalt  }
0x46: {  	_ =	shalt  }
0x47: {  	_ =	shalt  }
0x48: {  	_ =	shalt  }
0x49: {  	_ =	shalt  }
0x4a: {  	_ =	shalt  }
0x4b: {  	_ =	shalt  }
0x4c: {  	_ =	shalt  }
0x4d: {  	_ =	shalt  }
0x4e: {  	_ =	shalt  }
0x4f: {  	_ =	shalt  }
0x50: {  	_ =	shalt  }
0x51: {  	_ =	shalt  }
0x52: {  	_ =	shalt  }
0x53: {  	_ =	shalt  }
0x54: {  	_ =	shalt  }
0x55: {  	_ =	shalt  }
0x56: {  	_ =	shalt  }
0x57: {  	_ =	shalt  }
0x58: {  	_ =	shalt  }
0x59: {  	_ =	shalt  }
0x5a: {  	_ =	shalt  }
0x5b: {  	_ =	shalt  }
0x5c: {  	_ =	shalt  }
0x5d: {  	_ =	shalt  }
0x5e: {  	_ =	shalt  }
0x5f: {  	_ =	shalt  }
0x60: {  	_ =	shalt  }
0x61: {  	_ =	shalt  }
0x62: {  	_ =	shalt  }
0x63: {  	_ =	shalt  }
0x64: {  	_ =	shalt  }
0x65: {  	_ =	shalt  }
0x66: {  	_ =	shalt  }
0x67: {  	_ =	shalt  }
0x68: {  	_ =	shalt  }
0x69: {  	_ =	shalt  }
0x6a: {  	_ =	shalt  }
0x6b: {  	_ =	shalt  }
0x6c: {  	_ =	shalt  }
0x6d: {  	_ =	shalt  }
0x6e: {  	_ =	shalt  }
0x6f: {  	_ =	shalt  }
0x70: {  	_ =	shalt  }
0x71: {  	_ =	shalt  }
0x72: {  	_ =	shalt  }
0x73: {  	_ =	shalt  }
0x74: {  	_ =	shalt  }
0x75: {  	_ =	shalt  }
0x76: {  	_ =	shalt  }
0x77: {  	_ =	shalt  }
0x78: {  	_ =	shalt  }
0x79: {  	_ =	shalt  }
0x7a: {  	_ =	shalt  }
0x7b: {  	_ =	shalt  }
0x7c: {  	_ =	shalt  }
0x7d: {  	_ =	shalt  }
0x7e: {  	_ =	shalt  }
0x7f: {  	_ =	shalt  }
0x80: {  	_ =	shalt  }
0x81: {  	_ =	shalt  }
0x82: {  	_ =	shalt  }
0x83: {  	_ =	shalt  }
0x84: {  	_ =	shalt  }
0x85: {  	_ =	shalt  }
0x86: {  	_ =	shalt  }
0x87: {  	_ =	shalt  }
.Lfunc_end0:
.L_simem_size_0:
called_computation_lowered:
.L_overlay_start_0:
0x88: {  	s2 =	sld [smem:$0x3FD9]  }
0x89: {  	s3 =	sld [smem:$0x3FFE];
	_ =	sdelay $0x1  }
0x8a: {  	s1 =	srdreg.scid  }
0x8b: {  	s0 =	sand.u32 $0x1, s1  }
0x8c: {  	s15 =	sshll.u32 s0, $0xA;
	s2 =	sadd.s32 s3, s2  }
0x8d: {  	s2 =	sadd.s32 s2, s15  }
0x8e: {  	[smem:$0x3FBC] =	sst s2  }
0x8f: {  	_ = 	snop  }
0x90: {  	s2 =	sld [smem:$0x3FD0];
	_ =	sdelay $0x1  }
0x91: {  	s16 =	sld [smem:$0x3FC9]  }
0x92: {  	s5 =	simm.s32 $0xA;
	s6 =	simm.s32 $0x10;
	s4 =	sld [smem:$0x3FC8]  }
0x93: {  	[smem:s6], [sflag:s5] =	dma.local [hbm:s2], $0x1  }
0x94: {  	_ =	swait.eq [sflag:s5], $0x1  }
0x95: {  	[sflag:s5] =	ssyncset.done $0x0  }
0x96: {  	[sflag:s5] =	ssyncadd.s32 $0xFFFFFFFF  }
0x97: {  	s17 =	sld [smem:$0x10];
	(tm) =	ssettm $0x1  }
0x98: {  	s18 =	sld [smem:$0x3FFB];
	_ =	sdelay $0x3  }
0x99: {  	_ =	strace s18  }
0x9a: {  	s5 =	sld [smem:$0x3FFC];
	_ =	sdelay $0x3  }
0x9b: {  	_ =	strace s5  }
0x9c: {  	s5 =	sld [smem:$0x3FFD];
	_ =	sdelay $0x3  }
0x9d: {  	_ =	strace s5  }
0x9e: {  	_ =	strace $0x8FFFFFFF  }
0x9f: {  	s19 =	sld [smem:$0x3FDB];
	_ =	sdelay $0x1  }
0xa0: {  	s20 =	simm.s32 $_scs_section_size  }
0xa1: {  	s7 =	simm.s32 $_size__tile_overlayer_lowered;
	s8 =	simm.s32 $_tile_overlayer_lowered  }
0xa2: {  	s23 =	simm.s32 $0x1BFF;
	s22 =	sshll.u32 s8, $0x1;
	s5 =	sadd.s32 s20, s19  }
0xa3: {  	s9 =	simm.s32 $0x0;
	s21 =	sshll.u32 s7, $0x1;
	s7 =	sadd.s32 s22, s5  }
0xa4: {  	[timem:s9], [sflag:s23] =	dma.local [hbm:s7], s21  }
0xa5: {  	_ =	swait.ge [sflag:s23], s21  }
0xa6: {  	s6 =	ssub.s32 $0x0, s21;
	[sflag:s23] =	ssyncset.done $0x0  }
0xa7: {  	[sflag:s23] =	ssyncadd.s32 s6;
	_ =	sdelay $0x1  }
0xa8: {  	s24 =	simm.s32 $0x1B8B  }
0xa9: {  	_ =	swait.ge [sflag:s24], $0x1  }
0xaa: {  	[sflag:s24] =	ssyncset.done $0x0  }
0xab: {  	s25 =	simm.s32 $0x1B8E;
	[sflag:s24] =	ssyncadd.s32 $0xFFFFFFFF  }
0xac: {  	s26 =	simm.s32 $execute0_lowered;
	[smem:$0x3FD2] =	sst s25  }
0xad: {  	s6 =	sshll.u32 s26, $0x1;
	_ =	strace $0x80000046;
	[dreg:$0x1] =	wrdreg $0xFFFFFFFF  }
0xae: {  	s28 =	simm.s32 $_size_execute0_lowered;
	s5 =	sadd.s32 s5, s6;
	[dreg:$0x0] =	wrdreg $0x0  }
0xaf: {  	s6 =	sshll.u32 s28, $0x1;
	[dreg:$0x2] =	wrdreg s5  }
0xb0: {  	[dreg:$0x3] =	wrdreg s6  }
0xb1: {  	[dreg:$0x4] =	wrdreg $0xC0  }
0xb2: {  	_ =	task [dreg:s9], $0x5FFFF  }
0xb3: {  	[dreg:$0x1] =	wrdreg $0xFFFFFFFF  }
0xb4: {  	[dreg:$0x0] =	wrdreg $0x60  }
0xb5: {  	[dreg:$0x2] =	wrdreg s16  }
0xb6: {  	[dreg:$0x3] =	wrdreg s4  }
0xb7: {  	[dreg:$0x4] =	wrdreg s17  }
0xb8: {  	[dreg:$0x5] =	wrdreg $0x9  }
0xb9: {  	_ =	task.clear_ibuf [dreg:s9], $0x6FFFF;
	_ =	strace $0x90000046  }
0xba: {  	s29 =	simm.s32 $0x9;
	_ =	strace $0x80000048  }
0xbb: {  	_ =	swait.ge [sflag:s29], $0x1  }
0xbc: {  	[sflag:s29] =	ssyncadd.s32 $0xFFFFFFFF  }
0xbd: {  	_ =	strace $0x90000048  }
0xbe: {  	_ =	sfence  }
0xbf: {  	s30 =	sld [smem:$0x0];
	_ =	sdelay $0x2  }
0xc0: {  	s31 =	sshll.u32 s1, $0xD;
	s1 =	sshrl.u32 s1, $0x2  }
0xc1: {  	s3 =	sand.u32 $0x4000, s31;
	s1 =	sadd.s32 s1, s30  }
0xc2: {  	s0 =	sor.u32 s3, s0;
	s1 =	sshll.u32 s1, $0x11  }
0xc3: {  	s0 =	sor.u32 s1, s0  }
0xc4: {  	s0 =	sadd.s32 $0x8F2B, s0  }
0xc5: {  	[sflag:s0] =	ssyncadd.remote.s32 $0x1  }
0xc6: {  	_ =	sfence.sel $0xFFFF  }
0xc7: {  	[dreg:$0x0] =	wrdreg $0xFFFFFFFF;
	(pc) =	sbr.abs _section_cstart, $3  }
0xc8: {  	[dreg:$0x1] =	wrdreg $0xFFFFFFFF  }
0xc9: {  	_ =	task.clear_ibuf [dreg:s9], $0x2FFFF;
	_ =	strace $0x9FFFFFFF  }
0xca: {  	(tm) =	ssettm $0x7FFFFFFF  }
0xcb: {  	_ =	shalt  }
tec
execute0_lowered:
.L_overlay_start_1:
0x0: {  	(tag) =	ssettag $0x1  }
0x1: {  	s0 =	srdreg.scid  }
0x2: {  	s1 =	rddreg [dreg:$0x0];
	s5 =	stileid.u32  }
0x3: {  	s3 =	rddreg [dreg:$0x1];
	s8 =	simm.s32 $0x400;
	s6 =	simm.s32 $0x0  }
0x4: {  	s12 =	simm.s32 $0x10400;
	s13 =	simm.s32 $0x4;
	s14 =	simm.s32 $0x1  }
0x5: {  	s15 =	simm.s32 $0x10800;
	s16 =	simm.s32 $0x12800;
	s17 =	simm.s32 $0x2  }
0x6: {  	s18 =	simm.s32 $0x3;
	s19 =	simm.s32 $0x0;
	s0 =	sand.u32 $0x1, s0  }
0x7: {  	s4 =	sand.u32 $0x1, s5;
	[smem:$0x7FF] =	sst s6;
	s2 =	sor.u32 s0, s5  }
0x8: {  	p1 =	seq.s32 s0, $0x1;
	s5 =	sshrl.u32 s5, $0x1;
	p0 =	seq.s32 s2, $0x0  }
0x9: {  	s28 =	ssub.s32 $0x2, s0;
	p0 =	por !p0, !p1;
	p1 =	seq.s32 s4, $0x1  }
0xa: {  	s30 =	sshll.u32 s0, $0x11;
	p0 =	por !p0, !p0;
	p2 =	por !p1, !p1  }
0xb: {  	s2 =	rddreg [dreg:$0x2];
	s26 =	sshll.u32 s5, $0x11;
	p2 =	por @!p0 p1, p1  }
0xc: {  	_ =	strace $0x80000047;
	s7 =	sshrl.u32 s28, $0x1;
	s8 =	simm.s32 @!p2 $0x0  }
0xd: {  	v2 =	vimm.s32 $0x1FF;
	s29 =	sshll.u32 s5, $0x4;
	s5 =	sshll.u32 s5, $0x12;
	s4 =	sor.u32 s26, s8  }
0xe: {  	s10 =	ssub.s32 s28, s7;
	s31 =	sor.u32 s30, s5;
	s9 =	sshrl.u32 s4, $0x3  }
0xf: {  	s7 =	sshll.u32 s0, $0x9;
	s8 =	sor.u32 s8, s31;
	s1 =	sadd.s32 s1, s9  }
0x10: {  	s4 =	simm.s32 $0x400;
	[dreg:$0x4] =	wrdreg s1;
	s1 =	sadd.s32 s3, s29  }
0x11: {  	v0 =	vimm.f32 $0.0e+00;
	v1 =	vlaneseq.u32;
	v3 =	vimm.s32 $0x200;
	s9 =	smax.u32 s10, $0x1;
	s10 =	simm.s32 $0x800;
	[dreg:$0x5] =	wrdreg s1  }
.LBB2_1:
0x12: {  	s0 =	simm.s32 $0x0;
	s1 =	rddreg [dreg:$0x4]  }
0x13: {  	[tilespmem:s0], [sflag:$0x1] =	stream.strided.gather [hbm4b:s1+s4], $0x10000, s10, s4, $0x38;
	[tilespmem:$0x14800] =	vst v63  }
0x14: {  	[tilespmem:$0x10000] =	vst v0  }
0x15: {  	[tilespmem:$0x10010] =	vst v0  }
0x16: {  	[tilespmem:$0x10020] =	vst v0  }
0x17: {  	[tilespmem:$0x10030] =	vst v0  }
0x18: {  	[tilespmem:$0x10040] =	vst v0  }
0x19: {  	[tilespmem:$0x10050] =	vst v0  }
0x1a: {  	[tilespmem:$0x10060] =	vst v0  }
0x1b: {  	s28 =	rddreg [dreg:$0x5];
	s3 =	simm.s32 $0x80;
	[tilespmem:$0x10070] =	vst v0  }
0x1c: {  	[tilespmem:s12], [sflag:$0x4] =	stream.strided.gather [hbm4b:s28+s3], $0x200, s4, s3, $0x38;
	[tilespmem:$0x14800] =	vst v63  }
0x1d: {  	_ =	swait.ge [sflag:s13], $0x200  }
0x1e: {  	[sflag:s13] =	ssyncset.done $0x0  }
0x1f: {  	s29 =	simm.s32 $0x10420;
	[sflag:s13] =	ssyncadd.s32 $0xFFFFFE00  }
0x20: {  	v4 =	vld [tilespmem:s29+$0xFFFFFFE0]  }
0x21: {  	v5 =	vld [tilespmem:s29+$0xFFFFFFF0];
	_ =	sdelay $0x3  }
0x22: {  	(xrf0) =	vadd.scan.msk.s32 $0xffff, v4  }
0x23: {  	(xrf0) =	vadd.scan.msk.s32 $0xffff, v5  }
0x24: {  	v4 =	vld [tilespmem:s29+$0x0];
	_ =	sdelay $0x3  }
0x25: {  	v6, _, _ =	vpop (xrf0)  }
0x26: {  	(xrf0) =	vadd.scan.msk.s32 $0xffff, v4;
	(v2sf) =	vpush v6, $0xF;
	v4, _, _ =	vpop (xrf0)  }
0x27: {  	(v2sf) =	vpush v4, $0xF  }
0x28: {  	v5 =	vld [tilespmem:s29+$0x10];
	_ =	sdelay $0x4  }
0x29: {  	(xrf0) =	vadd.scan.msk.s32 $0xffff, v5;
	v5, _, _ =	vpop (xrf0)  }
0x2a: {  	(v2sf) =	vpush v5, $0xF;
	_ =	sdelay $0x1  }
0x2b: {  	v6 =	vadd.s32 s0, v6  }
0x2c: {  	s0 =	simm.s32 $0x10460;
	[tilespmem:s29+$0xFFFFFFE0] =	vst v6  }
0x2d: {  	v6 =	vld [tilespmem:s0+$0xFFFFFFE0]  }
0x2e: {  	v8 =	vld [tilespmem:s0+$0xFFFFFFF0]  }
0x2f: {  	v7, _, _ =	vpop (xrf0)  }
0x30: {  	(v2sf) =	vpush v7, $0xF;
	s30 =	spop (v2sf)  }
0x31: {  	s3 =	sadd.s32 $0x0, s30;
	s5 =	spop (v2sf)  }
0x32: {  	(xrf0) =	vadd.scan.msk.s32 $0xffff, v6;
	v4 =	vadd.s32 s3, v4;
	s3 =	sadd.s32 s3, s5  }
0x33: {  	(xrf0) =	vadd.scan.msk.s32 $0xffff, v8;
	[tilespmem:s29+$0xFFFFFFF0] =	vst v4;
	v4 =	vadd.s32 s3, v5  }
0x34: {  	[tilespmem:s29+$0x0] =	vst v4  }
0x35: {  	v6 =	vld [tilespmem:s0+$0x0];
	_ =	sdelay $0x2  }
0x36: {  	v5, _, _ =	vpop (xrf0);
	s31 =	spop (v2sf)  }
0x37: {  	(v2sf) =	vpush v5, $0xF;
	v4, _, _ =	vpop (xrf0);
	s5 =	sadd.s32 s3, s31  }
0x38: {  	(v2sf) =	vpush v4, $0xF;
	v7 =	vadd.s32 s5, v7;
	(xrf0) =	vadd.scan.msk.s32 $0xffff, v6  }
0x39: {  	[tilespmem:s29+$0x10] =	vst v7  }
0x3a: {  	v6 =	vld [tilespmem:s0+$0x10];
	_ =	sdelay $0x2  }
0x3b: {  	s1 =	simm.s32 $0x10460;
	s3 =	simm.s32 $0x4;
	s11 =	spop (v2sf)  }
.LBB2_2:
0x3c: {  	s3 =	sadd.s32 $0x4, s3;
	v7, _, _ =	vpop (xrf0);
	s5 =	sadd.s32 s5, s11  }
0x3d: {  	p0 =	slt.u32 s3, $0x1C;
	v5 =	vadd.s32 s5, v5;
	(v2sf) =	vpush v7, $0xF;
	(xrf0) =	vadd.scan.msk.s32 $0xffff, v6  }
0x3e: {  	[tilespmem:s0+$0xFFFFFFE0] =	vst v5;
	_ =	sdelay $0x1  }
0x3f: {  	s0 =	sadd.s32 $0x40, s0  }
0x40: {  	v5 =	vld [tilespmem:s0+$0xFFFFFFE0]  }
0x41: {  	v6 =	vld [tilespmem:s0+$0xFFFFFFF0]  }
0x42: {  	v8, _, _ =	vpop (xrf0)  }
0x43: {  	s11 =	spop (v2sf);
	(v2sf) =	vpush v8, $0xF  }
0x44: {  	s5 =	sadd.s32 s5, s11;
	s11 =	spop (v2sf)  }
0x45: {  	(xrf0) =	vadd.scan.msk.s32 $0xffff, v5;
	v4 =	vadd.s32 s5, v4;
	s5 =	sadd.s32 s5, s11  }
0x46: {  	(xrf0) =	vadd.scan.msk.s32 $0xffff, v6;
	[tilespmem:s1+$0xFFFFFFF0] =	vst v4;
	v4 =	vadd.s32 s5, v7  }
0x47: {  	[tilespmem:s1+$0x0] =	vst v4  }
0x48: {  	v6 =	vld [tilespmem:s0+$0x0];
	_ =	sdelay $0x2  }
0x49: {  	v5, _, _ =	vpop (xrf0);
	s11 =	spop (v2sf)  }
0x4a: {  	(v2sf) =	vpush v5, $0xF;
	v4, _, _ =	vpop (xrf0);
	s5 =	sadd.s32 s5, s11  }
0x4b: {  	(v2sf) =	vpush v4, $0xF;
	(xrf0) =	vadd.scan.msk.s32 $0xffff, v6;
	v6 =	vadd.s32 s5, v8  }
.Ltmp0:
0x4c: {  	[tilespmem:s1+$0x10] =	vst v6;
	s1 =	smov.u32 s0;
	(pc) =	sbr.rel @p0 .LBB2_2-.Ltmp0, $2  }
0x4d: {  	v6 =	vld [tilespmem:s0+$0x10];
	_ =	sdelay $0x2  }
0x4e: {  	s11 =	spop (v2sf)  }
0x4f: {  	_ = 	snop  }
0x50: {  	(xrf0) =	vadd.scan.msk.s32 $0xffff, v6;
	_ =	sdelay $0x2  }
0x51: {  	v63, _, _ =	vpop (xrf0)  }
0x52: {  	(v2sf) =	vpush v63, $0xF;
	_ =	sdelay $0x1  }
0x53: {  	v7, _, _ =	vpop (xrf0)  }
0x54: {  	(v2sf) =	vpush v7, $0xF;
	_ =	sdelay $0x9  }
0x55: {  	s3 =	sadd.s32 s5, s11;
	s26 =	spop (v2sf)  }
0x56: {  	v5 =	vadd.s32 s3, v5;
	s3 =	sadd.s32 s3, s26;
	s28 =	spop (v2sf)  }
0x57: {  	[tilespmem:s0+$0xFFFFFFE0] =	vst v5;
	v4 =	vadd.s32 s3, v4;
	s29 =	sadd.s32 s3, s28;
	s30 =	spop (v2sf)  }
0x58: {  	[tilespmem:s1+$0xFFFFFFF0] =	vst v4;
	v4 =	vadd.s32 s29, v63;
	s0 =	sadd.s32 s29, s30  }
0x59: {  	[tilespmem:s1+$0x0] =	vst v4;
	v4 =	vadd.s32 s0, v7  }
0x5a: {  	s0 =	simm.s32 $0x0;
	[tilespmem:s1+$0x10] =	vst v4;
	s1 =	smov.u32 s7;
	s31 =	spop (v2sf)  }
.LBB2_4:
0x5b: {  	v4 =	vld.idx.msk [tilespmem:v2+s12+$0x0], $0xffff;
	_ =	sdelay $0x3  }
0x5c: {  	v5 =	vor.u32 s1, v1  }
0x5d: {  	vm0 =	vgt.s32 v4, v5  }
0x5e: {  	v4 =	vsel vm0, $0x0, v3  }
0x5f: {  	v6 =	vor.u32 $0x100, v4  }
0x60: {  	v7 =	vmin.u32 v6, $0x200  }
0x61: {  	v7 =	vadd.s32 $0xFFFFFFFF, v7;
	_ =	sdelay $0x4  }
0x62: {  	v7 =	vld.idx.msk [tilespmem:v7+s12+$0x0], $0xffff;
	_ =	sdelay $0x4  }
0x63: {  	vm5 =	vlt.u32 v6, $0x201;
	vm1 =	vle.s32 v7, v5  }
0x64: {  	vm0 =	vmand vm1, vm5  }
0x65: {  	v4 =	vsel vm0, v6, v4  }
0x66: {  	v6 =	vor.u32 $0x80, v4  }
0x67: {  	v56 =	vmin.u32 v6, $0x200  }
0x68: {  	v7 =	vadd.s32 $0xFFFFFFFF, v56;
	_ =	sdelay $0x4  }
0x69: {  	v7 =	vld.idx.msk [tilespmem:v7+s12+$0x0], $0xffff;
	_ =	sdelay $0x4  }
0x6a: {  	vm6 =	vlt.u32 v6, $0x201;
	vm7 =	vle.s32 v7, v5  }
0x6b: {  	vm0 =	vmand vm7, vm6  }
0x6c: {  	v4 =	vsel vm0, v6, v4  }
0x6d: {  	v6 =	vor.u32 $0x40, v4  }
0x6e: {  	v57 =	vmin.u32 v6, $0x200  }
0x6f: {  	v7 =	vadd.s32 $0xFFFFFFFF, v57;
	_ =	sdelay $0x4  }
0x70: {  	v7 =	vld.idx.msk [tilespmem:v7+s12+$0x0], $0xffff;
	_ =	sdelay $0x4  }
0x71: {  	vm8 =	vlt.u32 v6, $0x201;
	vm9 =	vle.s32 v7, v5  }
0x72: {  	vm0 =	vmand vm9, vm8  }
0x73: {  	v4 =	vsel vm0, v6, v4  }
0x74: {  	v6 =	vadd.s32 $0x20, v4  }
0x75: {  	v58 =	vmin.u32 v6, $0x200  }
0x76: {  	v7 =	vadd.s32 $0xFFFFFFFF, v58;
	_ =	sdelay $0x4  }
0x77: {  	v7 =	vld.idx.msk [tilespmem:v7+s12+$0x0], $0xffff;
	_ =	sdelay $0x4  }
0x78: {  	vm0 =	vlt.u32 v4, $0x1E1;
	vm10 =	vle.s32 v7, v5  }
0x79: {  	vm0 =	vmand vm10, vm0  }
0x7a: {  	v4 =	vsel vm0, v6, v4  }
0x7b: {  	v6 =	vadd.s32 $0x10, v4  }
0x7c: {  	v59 =	vmin.u32 v6, $0x200  }
0x7d: {  	v7 =	vadd.s32 $0xFFFFFFFF, v59;
	_ =	sdelay $0x4  }
0x7e: {  	v7 =	vld.idx.msk [tilespmem:v7+s12+$0x0], $0xffff;
	_ =	sdelay $0x4  }
0x7f: {  	vm0 =	vlt.u32 v4, $0x1F1;
	vm11 =	vle.s32 v7, v5  }
0x80: {  	vm0 =	vmand vm11, vm0  }
0x81: {  	v4 =	vsel vm0, v6, v4  }
0x82: {  	v6 =	vadd.s32 $0x8, v4  }
0x83: {  	v60 =	vmin.u32 v6, $0x200  }
0x84: {  	v7 =	vadd.s32 $0xFFFFFFFF, v60;
	_ =	sdelay $0x4  }
0x85: {  	v7 =	vld.idx.msk [tilespmem:v7+s12+$0x0], $0xffff;
	_ =	sdelay $0x4  }
0x86: {  	vm0 =	vlt.u32 v4, $0x1F9;
	vm12 =	vle.s32 v7, v5  }
0x87: {  	vm0 =	vmand vm12, vm0  }
0x88: {  	v4 =	vsel vm0, v6, v4  }
0x89: {  	v6 =	vadd.s32 $0x4, v4  }
0x8a: {  	v61 =	vmin.u32 v6, $0x200  }
0x8b: {  	v7 =	vadd.s32 $0xFFFFFFFF, v61;
	_ =	sdelay $0x4  }
0x8c: {  	v7 =	vld.idx.msk [tilespmem:v7+s12+$0x0], $0xffff;
	_ =	sdelay $0x4  }
0x8d: {  	vm0 =	vlt.u32 v4, $0x1FD;
	vm13 =	vle.s32 v7, v5  }
0x8e: {  	vm0 =	vmand vm13, vm0  }
0x8f: {  	v4 =	vsel vm0, v6, v4  }
0x90: {  	v6 =	vadd.s32 $0x2, v4  }
0x91: {  	v62 =	vmin.u32 v6, $0x200  }
0x92: {  	v7 =	vadd.s32 $0xFFFFFFFF, v62;
	_ =	sdelay $0x4  }
0x93: {  	v7 =	vld.idx.msk [tilespmem:v7+s12+$0x0], $0xffff;
	_ =	sdelay $0x4  }
0x94: {  	vm0 =	vlt.u32 v4, $0x1FF;
	vm14 =	vle.s32 v7, v5  }
0x95: {  	vm0 =	vmand vm14, vm0  }
0x96: {  	v4 =	vsel vm0, v6, v4  }
0x97: {  	v6 =	vadd.s32 $0x1, v4  }
0x98: {  	v63 =	vmin.u32 v6, $0x200  }
0x99: {  	v7 =	vadd.s32 $0xFFFFFFFF, v63;
	_ =	sdelay $0x4  }
0x9a: {  	v7 =	vld.idx.msk [tilespmem:v7+s12+$0x0], $0xffff;
	_ =	sdelay $0x2  }
0x9b: {  	p0 =	sne.s32 s0, $0x7C0  }
.Ltmp1:
0x9c: {  	_ = 	snop;
	(pc) =	sbr.rel @p0 .LBB2_4-.Ltmp1, $4  }
0x9d: {  	vm0 =	vlt.u32 v4, $0x200;
	vm15 =	vle.s32 v7, v5  }
0x9e: {  	vm0 =	vmand vm15, vm0  }
0x9f: {  	s3 =	sshra.s32 s0, $0x2;
	v4 =	vsel vm0, v6, v4  }
0xa0: {  	s1 =	sadd.s32 $0x10, s1;
	s0 =	sadd.s32 $0x40, s0;
	[tilespmem:s3+$0x10600] =	vst v4  }
0xa1: {  	_ =	swait.ge [sflag:s14], $0x10000  }
0xa2: {  	s20 =	simm.s32 $0x0;
	[sflag:s14] =	ssyncset.done $0x0  }
0xa3: {  	s21 =	simm.s32 $0x10600;
	s22 =	simm.s32 $0x10640;
	[sflag:s14] =	ssyncadd.s32 $0xFFFF0000  }
.LBB2_6:
0xa4: {  	p0 =	seq.s32 s20, $0x0;
	v5 =	vmov s21  }
0xa5: {  	s0 =	simm.s32 @!p0 $0x2  }
0xa6: {  	_ =	swait.ge @!p0 [sflag:s0], $0x2000  }
0xa7: {  	[sflag:s0] =	ssyncset.done @!p0 $0x0  }
0xa8: {  	s11 =	simm.s32 $0x0;
	[sflag:s0] =	ssyncadd.s32 @!p0 $0xFFFFE000  }
0xa9: {  	v4 =	vld.idx.msk [tilespmem:v5+s11+$0x0 ss:$0x1], $0xffff;
	_ =	sdelay $0x4  }
0xaa: {  	v4 =	vshll.u32 v4, $0x9  }
0xab: {  	v4 =	vshra.s32 v4, $0x2  }
0xac: {  	(v2sf) =	vpush v4, $0x0;
	_ =	sdelay $0xe  }
0xad: {  	s23 =	spop (v2sf)  }
0xae: {  	v6 =	vld [tilespmem:s23+$0x0];
	_ =	sdelay $0x3  }
0xaf: {  	s24 =	simm.s32 $0x10C00  }
0xb0: {  	[tilespmem:s24+$0xFFFFFC00] =	vst v6  }
0xb1: {  	v6 =	vld [tilespmem:s23+$0x10];
	_ =	sdelay $0x4  }
0xb2: {  	[tilespmem:s24+$0xFFFFFC10] =	vst v6  }
0xb3: {  	v6 =	vld [tilespmem:s23+$0x20];
	_ =	sdelay $0x4  }
0xb4: {  	[tilespmem:s24+$0xFFFFFC20] =	vst v6  }
0xb5: {  	v6 =	vld [tilespmem:s23+$0x30];
	_ =	sdelay $0x4  }
0xb6: {  	[tilespmem:s24+$0xFFFFFC30] =	vst v6  }
0xb7: {  	v6 =	vld [tilespmem:s23+$0x40];
	_ =	sdelay $0x4  }
0xb8: {  	[tilespmem:s24+$0xFFFFFC40] =	vst v6  }
0xb9: {  	v6 =	vld [tilespmem:s23+$0x50];
	_ =	sdelay $0x1  }
0xba: {  	(v2sf) =	vpush v4, $0x1;
	_ =	sdelay $0x2  }
0xbb: {  	[tilespmem:s24+$0xFFFFFC50] =	vst v6  }
0xbc: {  	v6 =	vld [tilespmem:s23+$0x60];
	_ =	sdelay $0x4  }
0xbd: {  	[tilespmem:s24+$0xFFFFFC60] =	vst v6  }
0xbe: {  	v6 =	vld [tilespmem:s23+$0x70];
	_ =	sdelay $0x4  }
0xbf: {  	s25 =	spop (v2sf);
	[tilespmem:s24+$0xFFFFFC70] =	vst v6  }
0xc0: {  	v6 =	vld [tilespmem:s25+$0x0];
	_ =	sdelay $0x4  }
0xc1: {  	[tilespmem:s24+$0xFFFFFC80] =	vst v6  }
0xc2: {  	v6 =	vld [tilespmem:s25+$0x10];
	_ =	sdelay $0x4  }
0xc3: {  	[tilespmem:s24+$0xFFFFFC90] =	vst v6  }
0xc4: {  	v6 =	vld [tilespmem:s25+$0x20];
	_ =	sdelay $0x4  }
0xc5: {  	[tilespmem:s24+$0xFFFFFCA0] =	vst v6  }
0xc6: {  	v6 =	vld [tilespmem:s25+$0x30];
	_ =	sdelay $0x4  }
0xc7: {  	[tilespmem:s24+$0xFFFFFCB0] =	vst v6  }
0xc8: {  	v6 =	vld [tilespmem:s25+$0x40];
	_ =	sdelay $0x4  }
0xc9: {  	[tilespmem:s24+$0xFFFFFCC0] =	vst v6  }
0xca: {  	v6 =	vld [tilespmem:s25+$0x50];
	_ =	sdelay $0x1  }
0xcb: {  	(v2sf) =	vpush v4, $0x2;
	_ =	sdelay $0x2  }
0xcc: {  	[tilespmem:s24+$0xFFFFFCD0] =	vst v6  }
0xcd: {  	v6 =	vld [tilespmem:s25+$0x60];
	_ =	sdelay $0x4  }
0xce: {  	[tilespmem:s24+$0xFFFFFCE0] =	vst v6  }
0xcf: {  	v6 =	vld [tilespmem:s25+$0x70];
	_ =	sdelay $0x4  }
0xd0: {  	s26 =	spop (v2sf);
	[tilespmem:s24+$0xFFFFFCF0] =	vst v6  }
0xd1: {  	v6 =	vld [tilespmem:s26+$0x0];
	_ =	sdelay $0x4  }
0xd2: {  	[tilespmem:s24+$0xFFFFFD00] =	vst v6  }
0xd3: {  	v6 =	vld [tilespmem:s26+$0x10];
	_ =	sdelay $0x4  }
0xd4: {  	[tilespmem:s24+$0xFFFFFD10] =	vst v6  }
0xd5: {  	v6 =	vld [tilespmem:s26+$0x20];
	_ =	sdelay $0x4  }
0xd6: {  	[tilespmem:s24+$0xFFFFFD20] =	vst v6  }
0xd7: {  	v6 =	vld [tilespmem:s26+$0x30];
	_ =	sdelay $0x4  }
0xd8: {  	[tilespmem:s24+$0xFFFFFD30] =	vst v6  }
0xd9: {  	v6 =	vld [tilespmem:s26+$0x40];
	_ =	sdelay $0x4  }
0xda: {  	[tilespmem:s24+$0xFFFFFD40] =	vst v6  }
0xdb: {  	v6 =	vld [tilespmem:s26+$0x50];
	_ =	sdelay $0x1  }
0xdc: {  	(v2sf) =	vpush v4, $0x3;
	_ =	sdelay $0x2  }
0xdd: {  	[tilespmem:s24+$0xFFFFFD50] =	vst v6  }
0xde: {  	v6 =	vld [tilespmem:s26+$0x60];
	_ =	sdelay $0x4  }
0xdf: {  	[tilespmem:s24+$0xFFFFFD60] =	vst v6  }
0xe0: {  	v6 =	vld [tilespmem:s26+$0x70];
	_ =	sdelay $0x4  }
0xe1: {  	s28 =	spop (v2sf);
	[tilespmem:s24+$0xFFFFFD70] =	vst v6  }
0xe2: {  	v6 =	vld [tilespmem:s28+$0x0];
	_ =	sdelay $0x4  }
0xe3: {  	[tilespmem:s24+$0xFFFFFD80] =	vst v6  }
0xe4: {  	v6 =	vld [tilespmem:s28+$0x10];
	_ =	sdelay $0x4  }
0xe5: {  	[tilespmem:s24+$0xFFFFFD90] =	vst v6  }
0xe6: {  	v6 =	vld [tilespmem:s28+$0x20];
	_ =	sdelay $0x4  }
0xe7: {  	[tilespmem:s24+$0xFFFFFDA0] =	vst v6  }
0xe8: {  	v6 =	vld [tilespmem:s28+$0x30];
	_ =	sdelay $0x4  }
0xe9: {  	[tilespmem:s24+$0xFFFFFDB0] =	vst v6  }
0xea: {  	v6 =	vld [tilespmem:s28+$0x40];
	_ =	sdelay $0x4  }
0xeb: {  	[tilespmem:s24+$0xFFFFFDC0] =	vst v6  }
0xec: {  	v6 =	vld [tilespmem:s28+$0x50];
	_ =	sdelay $0x1  }
0xed: {  	(v2sf) =	vpush v4, $0x4;
	_ =	sdelay $0x2  }
0xee: {  	[tilespmem:s24+$0xFFFFFDD0] =	vst v6  }
0xef: {  	v6 =	vld [tilespmem:s28+$0x60];
	_ =	sdelay $0x4  }
0xf0: {  	[tilespmem:s24+$0xFFFFFDE0] =	vst v6  }
0xf1: {  	v6 =	vld [tilespmem:s28+$0x70];
	_ =	sdelay $0x4  }
0xf2: {  	s29 =	spop (v2sf);
	[tilespmem:s24+$0xFFFFFDF0] =	vst v6  }
0xf3: {  	v6 =	vld [tilespmem:s29+$0x0];
	_ =	sdelay $0x4  }
0xf4: {  	[tilespmem:s24+$0xFFFFFE00] =	vst v6  }
0xf5: {  	v6 =	vld [tilespmem:s29+$0x10];
	_ =	sdelay $0x4  }
0xf6: {  	[tilespmem:s24+$0xFFFFFE10] =	vst v6  }
0xf7: {  	v6 =	vld [tilespmem:s29+$0x20];
	_ =	sdelay $0x4  }
0xf8: {  	[tilespmem:s24+$0xFFFFFE20] =	vst v6  }
0xf9: {  	v6 =	vld [tilespmem:s29+$0x30];
	_ =	sdelay $0x4  }
0xfa: {  	[tilespmem:s24+$0xFFFFFE30] =	vst v6  }
0xfb: {  	v6 =	vld [tilespmem:s29+$0x40];
	_ =	sdelay $0x4  }
0xfc: {  	[tilespmem:s24+$0xFFFFFE40] =	vst v6  }
0xfd: {  	v6 =	vld [tilespmem:s29+$0x50];
	_ =	sdelay $0x1  }
0xfe: {  	(v2sf) =	vpush v4, $0x5;
	_ =	sdelay $0x2  }
0xff: {  	[tilespmem:s24+$0xFFFFFE50] =	vst v6  }
0x100: {  	v6 =	vld [tilespmem:s29+$0x60];
	_ =	sdelay $0x4  }
0x101: {  	[tilespmem:s24+$0xFFFFFE60] =	vst v6  }
0x102: {  	v6 =	vld [tilespmem:s29+$0x70];
	_ =	sdelay $0x4  }
0x103: {  	s30 =	spop (v2sf);
	[tilespmem:s24+$0xFFFFFE70] =	vst v6  }
0x104: {  	v6 =	vld [tilespmem:s30+$0x0];
	_ =	sdelay $0x4  }
0x105: {  	[tilespmem:s24+$0xFFFFFE80] =	vst v6  }
0x106: {  	v6 =	vld [tilespmem:s30+$0x10];
	_ =	sdelay $0x4  }
0x107: {  	[tilespmem:s24+$0xFFFFFE90] =	vst v6  }
0x108: {  	v6 =	vld [tilespmem:s30+$0x20];
	_ =	sdelay $0x4  }
0x109: {  	[tilespmem:s24+$0xFFFFFEA0] =	vst v6  }
0x10a: {  	v6 =	vld [tilespmem:s30+$0x30];
	_ =	sdelay $0x4  }
0x10b: {  	[tilespmem:s24+$0xFFFFFEB0] =	vst v6  }
0x10c: {  	v6 =	vld [tilespmem:s30+$0x40];
	_ =	sdelay $0x4  }
0x10d: {  	[tilespmem:s24+$0xFFFFFEC0] =	vst v6  }
0x10e: {  	v6 =	vld [tilespmem:s30+$0x50];
	_ =	sdelay $0x1  }
0x10f: {  	(v2sf) =	vpush v4, $0x6;
	_ =	sdelay $0x2  }
0x110: {  	[tilespmem:s24+$0xFFFFFED0] =	vst v6  }
0x111: {  	v6 =	vld [tilespmem:s30+$0x60];
	_ =	sdelay $0x4  }
0x112: {  	[tilespmem:s24+$0xFFFFFEE0] =	vst v6  }
0x113: {  	v6 =	vld [tilespmem:s30+$0x70];
	_ =	sdelay $0x4  }
0x114: {  	s31 =	spop (v2sf);
	[tilespmem:s24+$0xFFFFFEF0] =	vst v6  }
0x115: {  	v6 =	vld [tilespmem:s31+$0x0];
	_ =	sdelay $0x4  }
0x116: {  	[tilespmem:s24+$0xFFFFFF00] =	vst v6  }
0x117: {  	v6 =	vld [tilespmem:s31+$0x10];
	_ =	sdelay $0x4  }
0x118: {  	[tilespmem:s24+$0xFFFFFF10] =	vst v6  }
0x119: {  	v6 =	vld [tilespmem:s31+$0x20];
	_ =	sdelay $0x4  }
0x11a: {  	[tilespmem:s24+$0xFFFFFF20] =	vst v6  }
0x11b: {  	v6 =	vld [tilespmem:s31+$0x30];
	_ =	sdelay $0x4  }
0x11c: {  	[tilespmem:s24+$0xFFFFFF30] =	vst v6  }
0x11d: {  	v6 =	vld [tilespmem:s31+$0x40];
	_ =	sdelay $0x4  }
0x11e: {  	[tilespmem:s24+$0xFFFFFF40] =	vst v6  }
0x11f: {  	v6 =	vld [tilespmem:s31+$0x50];
	_ =	sdelay $0x1  }
0x120: {  	(v2sf) =	vpush v4, $0x7;
	_ =	sdelay $0x2  }
0x121: {  	[tilespmem:s24+$0xFFFFFF50] =	vst v6  }
0x122: {  	v6 =	vld [tilespmem:s31+$0x60];
	_ =	sdelay $0x4  }
0x123: {  	[tilespmem:s24+$0xFFFFFF60] =	vst v6  }
0x124: {  	v6 =	vld [tilespmem:s31+$0x70];
	_ =	sdelay $0x4  }
0x125: {  	s0 =	spop (v2sf);
	[tilespmem:s24+$0xFFFFFF70] =	vst v6  }
0x126: {  	v6 =	vld [tilespmem:s0+$0x0];
	_ =	sdelay $0x4  }
0x127: {  	[tilespmem:s24+$0xFFFFFF80] =	vst v6  }
0x128: {  	v6 =	vld [tilespmem:s0+$0x10];
	_ =	sdelay $0x4  }
0x129: {  	[tilespmem:s24+$0xFFFFFF90] =	vst v6  }
0x12a: {  	v6 =	vld [tilespmem:s0+$0x20];
	_ =	sdelay $0x4  }
0x12b: {  	[tilespmem:s24+$0xFFFFFFA0] =	vst v6  }
0x12c: {  	v6 =	vld [tilespmem:s0+$0x30];
	_ =	sdelay $0x4  }
0x12d: {  	[tilespmem:s24+$0xFFFFFFB0] =	vst v6  }
0x12e: {  	v6 =	vld [tilespmem:s0+$0x40];
	_ =	sdelay $0x4  }
0x12f: {  	[tilespmem:s24+$0xFFFFFFC0] =	vst v6  }
0x130: {  	v6 =	vld [tilespmem:s0+$0x50];
	_ =	sdelay $0x1  }
0x131: {  	(v2sf) =	vpush v4, $0x8;
	_ =	sdelay $0x1  }
0x132: {  	s1 =	simm.s32 $0x10  }
0x133: {  	s23 =	simm.s32 $0x10C00;
	s25 =	simm.s32 $0x80;
	[tilespmem:s24+$0xFFFFFFD0] =	vst v6;
	v6 =	vld.idx.msk [tilespmem:v5+s1+$0x0 ss:$0x1], $0xffff  }
.LBB2_7:
0x134: {  	p1 =	sne.s32 s25, $0xC0;
	v7 =	vld [tilespmem:s0+$0x60];
	_ =	sdelay $0x4  }
0x135: {  	v6 =	vshll.u32 v6, $0x9;
	[tilespmem:s24+$0xFFFFFFE0] =	vst v7  }
0x136: {  	v6 =	vshra.s32 v6, $0x2;
	v7 =	vld [tilespmem:s0+$0x70]  }
0x137: {  	(v2sf) =	vpush v6, $0x0;
	_ =	sdelay $0x3  }
0x138: {  	[tilespmem:s24+$0xFFFFFFF0] =	vst v7;
	s1 =	spop (v2sf)  }
0x139: {  	v7 =	vld [tilespmem:s1+$0x0];
	_ =	sdelay $0x4  }
0x13a: {  	[tilespmem:s24+$0x0] =	vst v7  }
0x13b: {  	v7 =	vld [tilespmem:s1+$0x10];
	_ =	sdelay $0x3  }
0x13c: {  	s0 =	spop (v2sf)  }
0x13d: {  	v8 =	vld [tilespmem:s0+$0x0];
	[tilespmem:s24+$0x10] =	vst v7  }
0x13e: {  	v7 =	vld [tilespmem:s1+$0x20];
	_ =	sdelay $0x2  }
0x13f: {  	s24 =	sadd.s32 $0x800, s24  }
0x140: {  	[tilespmem:s24+$0xFFFFFC00] =	vst v8  }
0x141: {  	v8 =	vld [tilespmem:s0+$0x10];
	[tilespmem:s23+$0x20] =	vst v7  }
0x142: {  	v7 =	vld [tilespmem:s1+$0x30];
	_ =	sdelay $0x3  }
0x143: {  	[tilespmem:s24+$0xFFFFFC10] =	vst v8  }
0x144: {  	v8 =	vld [tilespmem:s0+$0x20];
	[tilespmem:s23+$0x30] =	vst v7  }
0x145: {  	v7 =	vld [tilespmem:s1+$0x40];
	_ =	sdelay $0x3  }
0x146: {  	[tilespmem:s24+$0xFFFFFC20] =	vst v8  }
0x147: {  	v8 =	vld [tilespmem:s0+$0x30];
	[tilespmem:s23+$0x40] =	vst v7  }
0x148: {  	v7 =	vld [tilespmem:s1+$0x50];
	_ =	sdelay $0x1  }
0x149: {  	(v2sf) =	vpush v4, $0x9;
	_ =	sdelay $0x1  }
0x14a: {  	[tilespmem:s24+$0xFFFFFC30] =	vst v8  }
0x14b: {  	v8 =	vld [tilespmem:s0+$0x40];
	[tilespmem:s23+$0x50] =	vst v7  }
0x14c: {  	v7 =	vld [tilespmem:s1+$0x60];
	_ =	sdelay $0x3  }
0x14d: {  	[tilespmem:s24+$0xFFFFFC40] =	vst v8  }
0x14e: {  	v8 =	vld [tilespmem:s0+$0x50];
	[tilespmem:s23+$0x60] =	vst v7  }
0x14f: {  	v7 =	vld [tilespmem:s1+$0x70]  }
0x150: {  	(v2sf) =	vpush v6, $0x1;
	_ =	sdelay $0x2  }
0x151: {  	[tilespmem:s24+$0xFFFFFC50] =	vst v8  }
0x152: {  	v8 =	vld [tilespmem:s0+$0x60];
	[tilespmem:s23+$0x70] =	vst v7;
	s1 =	spop (v2sf)  }
0x153: {  	v7 =	vld [tilespmem:s1+$0x0];
	_ =	sdelay $0x3  }
0x154: {  	[tilespmem:s24+$0xFFFFFC60] =	vst v8  }
0x155: {  	v8 =	vld [tilespmem:s0+$0x70];
	[tilespmem:s23+$0x80] =	vst v7  }
0x156: {  	v7 =	vld [tilespmem:s1+$0x10];
	_ =	sdelay $0x3  }
0x157: {  	[tilespmem:s24+$0xFFFFFC70] =	vst v8;
	s0 =	spop (v2sf)  }
0x158: {  	v8 =	vld [tilespmem:s0+$0x0];
	[tilespmem:s23+$0x90] =	vst v7  }
0x159: {  	v7 =	vld [tilespmem:s1+$0x20];
	_ =	sdelay $0x3  }
0x15a: {  	[tilespmem:s24+$0xFFFFFC80] =	vst v8  }
0x15b: {  	v8 =	vld [tilespmem:s0+$0x10];
	[tilespmem:s23+$0xA0] =	vst v7  }
0x15c: {  	v7 =	vld [tilespmem:s1+$0x30];
	_ =	sdelay $0x3  }
0x15d: {  	[tilespmem:s24+$0xFFFFFC90] =	vst v8  }
0x15e: {  	v8 =	vld [tilespmem:s0+$0x20];
	[tilespmem:s23+$0xB0] =	vst v7  }
0x15f: {  	v7 =	vld [tilespmem:s1+$0x40];
	_ =	sdelay $0x3  }
0x160: {  	[tilespmem:s24+$0xFFFFFCA0] =	vst v8  }
0x161: {  	v8 =	vld [tilespmem:s0+$0x30];
	[tilespmem:s23+$0xC0] =	vst v7  }
0x162: {  	v7 =	vld [tilespmem:s1+$0x50];
	_ =	sdelay $0x1  }
0x163: {  	(v2sf) =	vpush v4, $0xA;
	_ =	sdelay $0x1  }
0x164: {  	[tilespmem:s24+$0xFFFFFCB0] =	vst v8  }
0x165: {  	v8 =	vld [tilespmem:s0+$0x40];
	[tilespmem:s23+$0xD0] =	vst v7  }
0x166: {  	v7 =	vld [tilespmem:s1+$0x60];
	_ =	sdelay $0x3  }
0x167: {  	[tilespmem:s24+$0xFFFFFCC0] =	vst v8  }
0x168: {  	v8 =	vld [tilespmem:s0+$0x50];
	[tilespmem:s23+$0xE0] =	vst v7  }
0x169: {  	v7 =	vld [tilespmem:s1+$0x70]  }
0x16a: {  	(v2sf) =	vpush v6, $0x2;
	_ =	sdelay $0x2  }
0x16b: {  	[tilespmem:s24+$0xFFFFFCD0] =	vst v8  }
0x16c: {  	v8 =	vld [tilespmem:s0+$0x60];
	[tilespmem:s23+$0xF0] =	vst v7;
	s1 =	spop (v2sf)  }
0x16d: {  	v7 =	vld [tilespmem:s1+$0x0];
	_ =	sdelay $0x3  }
0x16e: {  	[tilespmem:s24+$0xFFFFFCE0] =	vst v8  }
0x16f: {  	v8 =	vld [tilespmem:s0+$0x70];
	[tilespmem:s23+$0x100] =	vst v7  }
0x170: {  	v7 =	vld [tilespmem:s1+$0x10];
	_ =	sdelay $0x3  }
0x171: {  	[tilespmem:s24+$0xFFFFFCF0] =	vst v8;
	s0 =	spop (v2sf)  }
0x172: {  	v8 =	vld [tilespmem:s0+$0x0];
	[tilespmem:s23+$0x110] =	vst v7  }
0x173: {  	v7 =	vld [tilespmem:s1+$0x20];
	_ =	sdelay $0x3  }
0x174: {  	[tilespmem:s24+$0xFFFFFD00] =	vst v8  }
0x175: {  	v8 =	vld [tilespmem:s0+$0x10];
	[tilespmem:s23+$0x120] =	vst v7  }
0x176: {  	v7 =	vld [tilespmem:s1+$0x30];
	_ =	sdelay $0x3  }
0x177: {  	[tilespmem:s24+$0xFFFFFD10] =	vst v8  }
0x178: {  	v8 =	vld [tilespmem:s0+$0x20];
	[tilespmem:s23+$0x130] =	vst v7  }
0x179: {  	v7 =	vld [tilespmem:s1+$0x40];
	_ =	sdelay $0x3  }
0x17a: {  	[tilespmem:s24+$0xFFFFFD20] =	vst v8  }
0x17b: {  	v8 =	vld [tilespmem:s0+$0x30];
	[tilespmem:s23+$0x140] =	vst v7  }
0x17c: {  	v7 =	vld [tilespmem:s1+$0x50];
	_ =	sdelay $0x1  }
0x17d: {  	(v2sf) =	vpush v4, $0xB;
	_ =	sdelay $0x1  }
0x17e: {  	[tilespmem:s24+$0xFFFFFD30] =	vst v8  }
0x17f: {  	v8 =	vld [tilespmem:s0+$0x40];
	[tilespmem:s23+$0x150] =	vst v7  }
0x180: {  	v7 =	vld [tilespmem:s1+$0x60];
	_ =	sdelay $0x3  }
0x181: {  	[tilespmem:s24+$0xFFFFFD40] =	vst v8  }
0x182: {  	v8 =	vld [tilespmem:s0+$0x50];
	[tilespmem:s23+$0x160] =	vst v7  }
0x183: {  	v7 =	vld [tilespmem:s1+$0x70]  }
0x184: {  	(v2sf) =	vpush v6, $0x3;
	_ =	sdelay $0x2  }
0x185: {  	[tilespmem:s24+$0xFFFFFD50] =	vst v8  }
0x186: {  	v8 =	vld [tilespmem:s0+$0x60];
	[tilespmem:s23+$0x170] =	vst v7;
	s1 =	spop (v2sf)  }
0x187: {  	v7 =	vld [tilespmem:s1+$0x0];
	_ =	sdelay $0x3  }
0x188: {  	[tilespmem:s24+$0xFFFFFD60] =	vst v8  }
0x189: {  	v8 =	vld [tilespmem:s0+$0x70];
	[tilespmem:s23+$0x180] =	vst v7  }
0x18a: {  	v7 =	vld [tilespmem:s1+$0x10];
	_ =	sdelay $0x3  }
0x18b: {  	[tilespmem:s24+$0xFFFFFD70] =	vst v8;
	s0 =	spop (v2sf)  }
0x18c: {  	v8 =	vld [tilespmem:s0+$0x0];
	[tilespmem:s23+$0x190] =	vst v7  }
0x18d: {  	v7 =	vld [tilespmem:s1+$0x20];
	_ =	sdelay $0x3  }
0x18e: {  	[tilespmem:s24+$0xFFFFFD80] =	vst v8  }
0x18f: {  	v8 =	vld [tilespmem:s0+$0x10];
	[tilespmem:s23+$0x1A0] =	vst v7  }
0x190: {  	v7 =	vld [tilespmem:s1+$0x30];
	_ =	sdelay $0x3  }
0x191: {  	[tilespmem:s24+$0xFFFFFD90] =	vst v8  }
0x192: {  	v8 =	vld [tilespmem:s0+$0x20];
	[tilespmem:s23+$0x1B0] =	vst v7  }
0x193: {  	v7 =	vld [tilespmem:s1+$0x40];
	_ =	sdelay $0x3  }
0x194: {  	[tilespmem:s24+$0xFFFFFDA0] =	vst v8  }
0x195: {  	v8 =	vld [tilespmem:s0+$0x30];
	[tilespmem:s23+$0x1C0] =	vst v7  }
0x196: {  	v7 =	vld [tilespmem:s1+$0x50];
	_ =	sdelay $0x1  }
0x197: {  	(v2sf) =	vpush v4, $0xC;
	_ =	sdelay $0x1  }
0x198: {  	[tilespmem:s24+$0xFFFFFDB0] =	vst v8  }
0x199: {  	v8 =	vld [tilespmem:s0+$0x40];
	[tilespmem:s23+$0x1D0] =	vst v7  }
0x19a: {  	v7 =	vld [tilespmem:s1+$0x60];
	_ =	sdelay $0x3  }
0x19b: {  	[tilespmem:s24+$0xFFFFFDC0] =	vst v8  }
0x19c: {  	v8 =	vld [tilespmem:s0+$0x50];
	[tilespmem:s23+$0x1E0] =	vst v7  }
0x19d: {  	v7 =	vld [tilespmem:s1+$0x70]  }
0x19e: {  	(v2sf) =	vpush v6, $0x4;
	_ =	sdelay $0x2  }
0x19f: {  	[tilespmem:s24+$0xFFFFFDD0] =	vst v8  }
0x1a0: {  	v8 =	vld [tilespmem:s0+$0x60];
	[tilespmem:s23+$0x1F0] =	vst v7;
	s1 =	spop (v2sf)  }
0x1a1: {  	v7 =	vld [tilespmem:s1+$0x0];
	_ =	sdelay $0x3  }
0x1a2: {  	[tilespmem:s24+$0xFFFFFDE0] =	vst v8  }
0x1a3: {  	v8 =	vld [tilespmem:s0+$0x70];
	[tilespmem:s23+$0x200] =	vst v7  }
0x1a4: {  	v7 =	vld [tilespmem:s1+$0x10];
	_ =	sdelay $0x3  }
0x1a5: {  	[tilespmem:s24+$0xFFFFFDF0] =	vst v8;
	s0 =	spop (v2sf)  }
0x1a6: {  	v8 =	vld [tilespmem:s0+$0x0];
	[tilespmem:s23+$0x210] =	vst v7  }
0x1a7: {  	v7 =	vld [tilespmem:s1+$0x20];
	_ =	sdelay $0x3  }
0x1a8: {  	[tilespmem:s24+$0xFFFFFE00] =	vst v8  }
0x1a9: {  	v8 =	vld [tilespmem:s0+$0x10];
	[tilespmem:s23+$0x220] =	vst v7  }
0x1aa: {  	v7 =	vld [tilespmem:s1+$0x30];
	_ =	sdelay $0x3  }
0x1ab: {  	[tilespmem:s24+$0xFFFFFE10] =	vst v8  }
0x1ac: {  	v8 =	vld [tilespmem:s0+$0x20];
	[tilespmem:s23+$0x230] =	vst v7  }
0x1ad: {  	v7 =	vld [tilespmem:s1+$0x40];
	_ =	sdelay $0x3  }
0x1ae: {  	[tilespmem:s24+$0xFFFFFE20] =	vst v8  }
0x1af: {  	v8 =	vld [tilespmem:s0+$0x30];
	[tilespmem:s23+$0x240] =	vst v7  }
0x1b0: {  	v7 =	vld [tilespmem:s1+$0x50];
	_ =	sdelay $0x1  }
0x1b1: {  	(v2sf) =	vpush v4, $0xD;
	_ =	sdelay $0x1  }
0x1b2: {  	[tilespmem:s24+$0xFFFFFE30] =	vst v8  }
0x1b3: {  	v8 =	vld [tilespmem:s0+$0x40];
	[tilespmem:s23+$0x250] =	vst v7  }
0x1b4: {  	v7 =	vld [tilespmem:s1+$0x60];
	_ =	sdelay $0x3  }
0x1b5: {  	[tilespmem:s24+$0xFFFFFE40] =	vst v8  }
0x1b6: {  	v8 =	vld [tilespmem:s0+$0x50];
	[tilespmem:s23+$0x260] =	vst v7  }
0x1b7: {  	v7 =	vld [tilespmem:s1+$0x70]  }
0x1b8: {  	(v2sf) =	vpush v6, $0x5;
	_ =	sdelay $0x2  }
0x1b9: {  	[tilespmem:s24+$0xFFFFFE50] =	vst v8  }
0x1ba: {  	v8 =	vld [tilespmem:s0+$0x60];
	[tilespmem:s23+$0x270] =	vst v7;
	s1 =	spop (v2sf)  }
0x1bb: {  	v7 =	vld [tilespmem:s1+$0x0];
	_ =	sdelay $0x3  }
0x1bc: {  	[tilespmem:s24+$0xFFFFFE60] =	vst v8  }
0x1bd: {  	v8 =	vld [tilespmem:s0+$0x70];
	[tilespmem:s23+$0x280] =	vst v7  }
0x1be: {  	v7 =	vld [tilespmem:s1+$0x10];
	_ =	sdelay $0x3  }
0x1bf: {  	[tilespmem:s24+$0xFFFFFE70] =	vst v8;
	s0 =	spop (v2sf)  }
0x1c0: {  	v8 =	vld [tilespmem:s0+$0x0];
	[tilespmem:s23+$0x290] =	vst v7  }
0x1c1: {  	v7 =	vld [tilespmem:s1+$0x20];
	_ =	sdelay $0x3  }
0x1c2: {  	[tilespmem:s24+$0xFFFFFE80] =	vst v8  }
0x1c3: {  	v8 =	vld [tilespmem:s0+$0x10];
	[tilespmem:s23+$0x2A0] =	vst v7  }
0x1c4: {  	v7 =	vld [tilespmem:s1+$0x30];
	_ =	sdelay $0x3  }
0x1c5: {  	[tilespmem:s24+$0xFFFFFE90] =	vst v8  }
0x1c6: {  	v8 =	vld [tilespmem:s0+$0x20];
	[tilespmem:s23+$0x2B0] =	vst v7  }
0x1c7: {  	v7 =	vld [tilespmem:s1+$0x40];
	_ =	sdelay $0x3  }
0x1c8: {  	[tilespmem:s24+$0xFFFFFEA0] =	vst v8  }
0x1c9: {  	v8 =	vld [tilespmem:s0+$0x30];
	[tilespmem:s23+$0x2C0] =	vst v7  }
0x1ca: {  	v7 =	vld [tilespmem:s1+$0x50];
	_ =	sdelay $0x1  }
0x1cb: {  	(v2sf) =	vpush v4, $0xE;
	_ =	sdelay $0x1  }
0x1cc: {  	[tilespmem:s24+$0xFFFFFEB0] =	vst v8  }
0x1cd: {  	v8 =	vld [tilespmem:s0+$0x40];
	[tilespmem:s23+$0x2D0] =	vst v7  }
0x1ce: {  	v7 =	vld [tilespmem:s1+$0x60];
	_ =	sdelay $0x3  }
0x1cf: {  	[tilespmem:s24+$0xFFFFFEC0] =	vst v8  }
0x1d0: {  	v8 =	vld [tilespmem:s0+$0x50];
	[tilespmem:s23+$0x2E0] =	vst v7  }
0x1d1: {  	v7 =	vld [tilespmem:s1+$0x70]  }
0x1d2: {  	(v2sf) =	vpush v6, $0x6;
	_ =	sdelay $0x2  }
0x1d3: {  	[tilespmem:s24+$0xFFFFFED0] =	vst v8  }
0x1d4: {  	v8 =	vld [tilespmem:s0+$0x60];
	[tilespmem:s23+$0x2F0] =	vst v7;
	s1 =	spop (v2sf)  }
0x1d5: {  	v7 =	vld [tilespmem:s1+$0x0];
	_ =	sdelay $0x3  }
0x1d6: {  	[tilespmem:s24+$0xFFFFFEE0] =	vst v8  }
0x1d7: {  	v8 =	vld [tilespmem:s0+$0x70];
	[tilespmem:s23+$0x300] =	vst v7  }
0x1d8: {  	v7 =	vld [tilespmem:s1+$0x10];
	_ =	sdelay $0x3  }
0x1d9: {  	[tilespmem:s24+$0xFFFFFEF0] =	vst v8;
	s0 =	spop (v2sf)  }
0x1da: {  	v8 =	vld [tilespmem:s0+$0x0];
	[tilespmem:s23+$0x310] =	vst v7  }
0x1db: {  	v7 =	vld [tilespmem:s1+$0x20];
	_ =	sdelay $0x3  }
0x1dc: {  	[tilespmem:s24+$0xFFFFFF00] =	vst v8  }
0x1dd: {  	v8 =	vld [tilespmem:s0+$0x10];
	[tilespmem:s23+$0x320] =	vst v7  }
0x1de: {  	v7 =	vld [tilespmem:s1+$0x30];
	_ =	sdelay $0x3  }
0x1df: {  	[tilespmem:s24+$0xFFFFFF10] =	vst v8  }
0x1e0: {  	v8 =	vld [tilespmem:s0+$0x20];
	[tilespmem:s23+$0x330] =	vst v7  }
0x1e1: {  	v7 =	vld [tilespmem:s1+$0x40];
	_ =	sdelay $0x3  }
0x1e2: {  	[tilespmem:s24+$0xFFFFFF20] =	vst v8  }
0x1e3: {  	v8 =	vld [tilespmem:s0+$0x30];
	[tilespmem:s23+$0x340] =	vst v7  }
0x1e4: {  	v7 =	vld [tilespmem:s1+$0x50];
	_ =	sdelay $0x1  }
0x1e5: {  	(v2sf) =	vpush v4, $0xF;
	v4 =	vmov v6;
	_ =	sdelay $0x1  }
0x1e6: {  	[tilespmem:s24+$0xFFFFFF30] =	vst v8  }
0x1e7: {  	v6 =	vld [tilespmem:s0+$0x40];
	[tilespmem:s23+$0x350] =	vst v7  }
0x1e8: {  	v7 =	vld [tilespmem:s1+$0x60];
	_ =	sdelay $0x3  }
0x1e9: {  	[tilespmem:s24+$0xFFFFFF40] =	vst v6  }
0x1ea: {  	v6 =	vld [tilespmem:s0+$0x50];
	[tilespmem:s23+$0x360] =	vst v7  }
0x1eb: {  	v7 =	vld [tilespmem:s1+$0x70]  }
0x1ec: {  	(v2sf) =	vpush v4, $0x7;
	_ =	sdelay $0x2  }
0x1ed: {  	[tilespmem:s24+$0xFFFFFF50] =	vst v6  }
0x1ee: {  	v6 =	vld [tilespmem:s0+$0x60];
	[tilespmem:s23+$0x370] =	vst v7;
	s1 =	spop (v2sf)  }
0x1ef: {  	v7 =	vld [tilespmem:s1+$0x0];
	_ =	sdelay $0x3  }
0x1f0: {  	[tilespmem:s24+$0xFFFFFF60] =	vst v6  }
0x1f1: {  	v6 =	vld [tilespmem:s0+$0x70];
	[tilespmem:s23+$0x380] =	vst v7  }
0x1f2: {  	v7 =	vld [tilespmem:s1+$0x10];
	_ =	sdelay $0x3  }
0x1f3: {  	[tilespmem:s24+$0xFFFFFF70] =	vst v6;
	s0 =	spop (v2sf)  }
0x1f4: {  	v6 =	vld [tilespmem:s0+$0x0];
	[tilespmem:s23+$0x390] =	vst v7  }
0x1f5: {  	v7 =	vld [tilespmem:s1+$0x20];
	_ =	sdelay $0x3  }
0x1f6: {  	[tilespmem:s24+$0xFFFFFF80] =	vst v6  }
0x1f7: {  	v6 =	vld [tilespmem:s0+$0x10];
	[tilespmem:s23+$0x3A0] =	vst v7  }
0x1f8: {  	v7 =	vld [tilespmem:s1+$0x30];
	_ =	sdelay $0x3  }
0x1f9: {  	[tilespmem:s24+$0xFFFFFF90] =	vst v6  }
0x1fa: {  	v6 =	vld [tilespmem:s0+$0x20];
	[tilespmem:s23+$0x3B0] =	vst v7  }
0x1fb: {  	v7 =	vld [tilespmem:s1+$0x40];
	_ =	sdelay $0x3  }
0x1fc: {  	[tilespmem:s24+$0xFFFFFFA0] =	vst v6  }
0x1fd: {  	v6 =	vld [tilespmem:s0+$0x30];
	[tilespmem:s23+$0x3C0] =	vst v7  }
0x1fe: {  	v7 =	vld [tilespmem:s1+$0x50];
	_ =	sdelay $0x3  }
0x1ff: {  	[tilespmem:s24+$0xFFFFFFB0] =	vst v6  }
0x200: {  	v6 =	vld [tilespmem:s0+$0x40];
	[tilespmem:s23+$0x3D0] =	vst v7  }
0x201: {  	v7 =	vld [tilespmem:s1+$0x60];
	_ =	sdelay $0x3  }
0x202: {  	[tilespmem:s24+$0xFFFFFFC0] =	vst v6  }
0x203: {  	v6 =	vld [tilespmem:s0+$0x50];
	[tilespmem:s23+$0x3E0] =	vst v7  }
0x204: {  	v7 =	vld [tilespmem:s1+$0x70]  }
.Ltmp2:
0x205: {  	(pc) =	sbr.rel @p1 .LBB2_7-.Ltmp2, $3  }
0x206: {  	(v2sf) =	vpush v4, $0x8;
	_ =	sdelay $0x1  }
0x207: {  	s1 =	sshra.s32 s25, $0x2;
	[tilespmem:s24+$0xFFFFFFD0] =	vst v6  }
0x208: {  	s25 =	sadd.s32 $0x40, s25;
	v6 =	vld.idx.msk [tilespmem:v5+s1+$0x0 ss:$0x1], $0xffff;
	[tilespmem:s23+$0x3F0] =	vst v7;
	s23 =	smov.u32 s24  }
0x209: {  	_ =	sdelay $0x2  }
0x20a: {  	v7 =	vld [tilespmem:s0+$0x60]  }
0x20b: {  	v5 =	vshll.u32 v6, $0x9  }
0x20c: {  	v5 =	vshra.s32 v5, $0x2  }
0x20d: {  	(v2sf) =	vpush v5, $0x0;
	_ =	sdelay $0x1  }
0x20e: {  	[tilespmem:s24+$0xFFFFFFE0] =	vst v7  }
0x20f: {  	v6 =	vld [tilespmem:s0+$0x70];
	_ =	sdelay $0x4  }
0x210: {  	[tilespmem:s24+$0xFFFFFFF0] =	vst v6;
	s5 =	spop (v2sf)  }
0x211: {  	v6 =	vld [tilespmem:s5+$0x0];
	_ =	sdelay $0x4  }
0x212: {  	[tilespmem:s24+$0x0] =	vst v6  }
0x213: {  	v6 =	vld [tilespmem:s5+$0x10];
	s1 =	spop (v2sf)  }
0x214: {  	v7 =	vld [tilespmem:s1+$0x0];
	_ =	sdelay $0x3  }
0x215: {  	[tilespmem:s24+$0x10] =	vst v6;
	s24 =	sadd.s32 $0x800, s24  }
0x216: {  	v6 =	vld [tilespmem:s5+$0x20];
	[tilespmem:s24+$0xFFFFFC00] =	vst v7  }
0x217: {  	v7 =	vld [tilespmem:s1+$0x10];
	_ =	sdelay $0x3  }
0x218: {  	[tilespmem:s23+$0x20] =	vst v6  }
0x219: {  	v6 =	vld [tilespmem:s5+$0x30];
	[tilespmem:s24+$0xFFFFFC10] =	vst v7  }
0x21a: {  	v7 =	vld [tilespmem:s1+$0x20];
	_ =	sdelay $0x3  }
0x21b: {  	[tilespmem:s23+$0x30] =	vst v6  }
0x21c: {  	v6 =	vld [tilespmem:s5+$0x40];
	[tilespmem:s24+$0xFFFFFC20] =	vst v7  }
0x21d: {  	v7 =	vld [tilespmem:s1+$0x30];
	_ =	sdelay $0x3  }
0x21e: {  	[tilespmem:s23+$0x40] =	vst v6  }
0x21f: {  	v6 =	vld [tilespmem:s5+$0x50];
	[tilespmem:s24+$0xFFFFFC30] =	vst v7  }
0x220: {  	v7 =	vld [tilespmem:s1+$0x40]  }
0x221: {  	(v2sf) =	vpush v4, $0x9;
	_ =	sdelay $0x2  }
0x222: {  	[tilespmem:s23+$0x50] =	vst v6  }
0x223: {  	v6 =	vld [tilespmem:s5+$0x60];
	[tilespmem:s24+$0xFFFFFC40] =	vst v7  }
0x224: {  	v7 =	vld [tilespmem:s1+$0x50];
	_ =	sdelay $0x1  }
0x225: {  	(v2sf) =	vpush v5, $0x1;
	_ =	sdelay $0x1  }
0x226: {  	[tilespmem:s23+$0x60] =	vst v6  }
0x227: {  	v6 =	vld [tilespmem:s5+$0x70];
	[tilespmem:s24+$0xFFFFFC50] =	vst v7  }
0x228: {  	v7 =	vld [tilespmem:s1+$0x60];
	_ =	sdelay $0x3  }
0x229: {  	s6 =	spop (v2sf);
	[tilespmem:s23+$0x70] =	vst v6  }
0x22a: {  	v6 =	vld [tilespmem:s6+$0x0];
	[tilespmem:s24+$0xFFFFFC60] =	vst v7  }
0x22b: {  	v7 =	vld [tilespmem:s1+$0x70];
	_ =	sdelay $0x3  }
0x22c: {  	[tilespmem:s23+$0x80] =	vst v6  }
0x22d: {  	s11 =	spop (v2sf);
	v6 =	vld [tilespmem:s6+$0x10];
	[tilespmem:s24+$0xFFFFFC70] =	vst v7  }
0x22e: {  	v7 =	vld [tilespmem:s11+$0x0];
	_ =	sdelay $0x3  }
0x22f: {  	[tilespmem:s23+$0x90] =	vst v6  }
0x230: {  	v6 =	vld [tilespmem:s6+$0x20];
	[tilespmem:s24+$0xFFFFFC80] =	vst v7  }
0x231: {  	v7 =	vld [tilespmem:s11+$0x10];
	_ =	sdelay $0x3  }
0x232: {  	[tilespmem:s23+$0xA0] =	vst v6  }
0x233: {  	v6 =	vld [tilespmem:s6+$0x30];
	[tilespmem:s24+$0xFFFFFC90] =	vst v7  }
0x234: {  	v7 =	vld [tilespmem:s11+$0x20];
	_ =	sdelay $0x3  }
0x235: {  	[tilespmem:s23+$0xB0] =	vst v6  }
0x236: {  	v6 =	vld [tilespmem:s6+$0x40];
	[tilespmem:s24+$0xFFFFFCA0] =	vst v7  }
0x237: {  	v7 =	vld [tilespmem:s11+$0x30];
	_ =	sdelay $0x3  }
0x238: {  	[tilespmem:s23+$0xC0] =	vst v6  }
0x239: {  	v6 =	vld [tilespmem:s6+$0x50];
	[tilespmem:s24+$0xFFFFFCB0] =	vst v7  }
0x23a: {  	v7 =	vld [tilespmem:s11+$0x40]  }
0x23b: {  	(v2sf) =	vpush v4, $0xA;
	_ =	sdelay $0x2  }
0x23c: {  	[tilespmem:s23+$0xD0] =	vst v6  }
0x23d: {  	v6 =	vld [tilespmem:s6+$0x60];
	[tilespmem:s24+$0xFFFFFCC0] =	vst v7  }
0x23e: {  	v7 =	vld [tilespmem:s11+$0x50];
	_ =	sdelay $0x2  }
0x23f: {  	(v2sf) =	vpush v5, $0x2  }
0x240: {  	[tilespmem:s23+$0xE0] =	vst v6  }
0x241: {  	v6 =	vld [tilespmem:s6+$0x70];
	[tilespmem:s24+$0xFFFFFCD0] =	vst v7  }
0x242: {  	v7 =	vld [tilespmem:s11+$0x60];
	_ =	sdelay $0x3  }
0x243: {  	s5 =	spop (v2sf);
	[tilespmem:s23+$0xF0] =	vst v6  }
0x244: {  	v6 =	vld [tilespmem:s5+$0x0];
	[tilespmem:s24+$0xFFFFFCE0] =	vst v7  }
0x245: {  	v7 =	vld [tilespmem:s11+$0x70];
	_ =	sdelay $0x3  }
0x246: {  	[tilespmem:s23+$0x100] =	vst v6  }
0x247: {  	[tilespmem:s24+$0xFFFFFCF0] =	vst v7  }
0x248: {  	v6 =	vld [tilespmem:s5+$0x10];
	s0 =	spop (v2sf)  }
0x249: {  	v7 =	vld [tilespmem:s0+$0x0];
	_ =	sdelay $0x4  }
0x24a: {  	[tilespmem:s24+$0xFFFFFD00] =	vst v7  }
0x24b: {  	v7 =	vld [tilespmem:s0+$0x10];
	_ =	sdelay $0x4  }
0x24c: {  	[tilespmem:s24+$0xFFFFFD10] =	vst v7  }
0x24d: {  	v7 =	vld [tilespmem:s0+$0x20];
	_ =	sdelay $0x4  }
0x24e: {  	[tilespmem:s24+$0xFFFFFD20] =	vst v7  }
0x24f: {  	v7 =	vld [tilespmem:s0+$0x30];
	_ =	sdelay $0x4  }
0x250: {  	[tilespmem:s24+$0xFFFFFD30] =	vst v7  }
0x251: {  	v7 =	vld [tilespmem:s0+$0x40];
	_ =	sdelay $0x4  }
0x252: {  	[tilespmem:s24+$0xFFFFFD40] =	vst v7  }
0x253: {  	v7 =	vld [tilespmem:s0+$0x50]  }
0x254: {  	(v2sf) =	vpush v4, $0xB  }
0x255: {  	(v2sf) =	vpush v5, $0x3;
	_ =	sdelay $0x2  }
0x256: {  	[tilespmem:s24+$0xFFFFFD50] =	vst v7  }
0x257: {  	v7 =	vld [tilespmem:s0+$0x60];
	_ =	sdelay $0x4  }
0x258: {  	[tilespmem:s24+$0xFFFFFD60] =	vst v7  }
0x259: {  	v7 =	vld [tilespmem:s0+$0x70];
	_ =	sdelay $0x3  }
0x25a: {  	s3 =	spop (v2sf)  }
0x25b: {  	s25 =	spop (v2sf);
	[tilespmem:s24+$0xFFFFFD70] =	vst v7  }
0x25c: {  	v7 =	vld [tilespmem:s25+$0x0];
	_ =	sdelay $0x4  }
0x25d: {  	[tilespmem:s24+$0xFFFFFD80] =	vst v7  }
0x25e: {  	v7 =	vld [tilespmem:s25+$0x10];
	_ =	sdelay $0x4  }
0x25f: {  	[tilespmem:s24+$0xFFFFFD90] =	vst v7  }
0x260: {  	v7 =	vld [tilespmem:s25+$0x20];
	_ =	sdelay $0x4  }
0x261: {  	[tilespmem:s24+$0xFFFFFDA0] =	vst v7  }
0x262: {  	v7 =	vld [tilespmem:s25+$0x30];
	_ =	sdelay $0x4  }
0x263: {  	[tilespmem:s24+$0xFFFFFDB0] =	vst v7  }
0x264: {  	v7 =	vld [tilespmem:s25+$0x40];
	_ =	sdelay $0x4  }
0x265: {  	[tilespmem:s24+$0xFFFFFDC0] =	vst v7  }
0x266: {  	v7 =	vld [tilespmem:s25+$0x50]  }
0x267: {  	(v2sf) =	vpush v4, $0xC  }
0x268: {  	(v2sf) =	vpush v5, $0x4;
	_ =	sdelay $0x2  }
0x269: {  	[tilespmem:s24+$0xFFFFFDD0] =	vst v7  }
0x26a: {  	v7 =	vld [tilespmem:s25+$0x60];
	_ =	sdelay $0x4  }
0x26b: {  	[tilespmem:s24+$0xFFFFFDE0] =	vst v7  }
0x26c: {  	v7 =	vld [tilespmem:s25+$0x70];
	_ =	sdelay $0x3  }
0x26d: {  	s11 =	spop (v2sf)  }
0x26e: {  	s26 =	spop (v2sf);
	[tilespmem:s24+$0xFFFFFDF0] =	vst v7  }
0x26f: {  	v7 =	vld [tilespmem:s26+$0x0];
	_ =	sdelay $0x4  }
0x270: {  	[tilespmem:s24+$0xFFFFFE00] =	vst v7  }
0x271: {  	v7 =	vld [tilespmem:s26+$0x10];
	_ =	sdelay $0x4  }
0x272: {  	[tilespmem:s24+$0xFFFFFE10] =	vst v7  }
0x273: {  	v7 =	vld [tilespmem:s26+$0x20];
	_ =	sdelay $0x4  }
0x274: {  	[tilespmem:s24+$0xFFFFFE20] =	vst v7  }
0x275: {  	v7 =	vld [tilespmem:s26+$0x30];
	_ =	sdelay $0x4  }
0x276: {  	[tilespmem:s24+$0xFFFFFE30] =	vst v7  }
0x277: {  	v7 =	vld [tilespmem:s26+$0x40];
	_ =	sdelay $0x4  }
0x278: {  	[tilespmem:s24+$0xFFFFFE40] =	vst v7  }
0x279: {  	v7 =	vld [tilespmem:s26+$0x50]  }
0x27a: {  	(v2sf) =	vpush v4, $0xD  }
0x27b: {  	(v2sf) =	vpush v5, $0x5;
	_ =	sdelay $0x2  }
0x27c: {  	[tilespmem:s24+$0xFFFFFE50] =	vst v7  }
0x27d: {  	v7 =	vld [tilespmem:s26+$0x60];
	_ =	sdelay $0x4  }
0x27e: {  	[tilespmem:s24+$0xFFFFFE60] =	vst v7  }
0x27f: {  	v7 =	vld [tilespmem:s26+$0x70];
	_ =	sdelay $0x3  }
0x280: {  	s0 =	spop (v2sf)  }
0x281: {  	s28 =	spop (v2sf);
	[tilespmem:s24+$0xFFFFFE70] =	vst v7  }
0x282: {  	v7 =	vld [tilespmem:s28+$0x0];
	_ =	sdelay $0x4  }
0x283: {  	[tilespmem:s24+$0xFFFFFE80] =	vst v7  }
0x284: {  	v7 =	vld [tilespmem:s28+$0x10];
	_ =	sdelay $0x4  }
0x285: {  	[tilespmem:s24+$0xFFFFFE90] =	vst v7  }
0x286: {  	v7 =	vld [tilespmem:s28+$0x20];
	_ =	sdelay $0x4  }
0x287: {  	[tilespmem:s24+$0xFFFFFEA0] =	vst v7  }
0x288: {  	v7 =	vld [tilespmem:s28+$0x30];
	_ =	sdelay $0x4  }
0x289: {  	[tilespmem:s24+$0xFFFFFEB0] =	vst v7  }
0x28a: {  	v7 =	vld [tilespmem:s28+$0x40];
	_ =	sdelay $0x4  }
0x28b: {  	[tilespmem:s24+$0xFFFFFEC0] =	vst v7  }
0x28c: {  	v7 =	vld [tilespmem:s28+$0x50]  }
0x28d: {  	(v2sf) =	vpush v4, $0xE  }
0x28e: {  	(v2sf) =	vpush v5, $0x6;
	_ =	sdelay $0x2  }
0x28f: {  	[tilespmem:s24+$0xFFFFFED0] =	vst v7  }
0x290: {  	v7 =	vld [tilespmem:s28+$0x60];
	_ =	sdelay $0x4  }
0x291: {  	[tilespmem:s24+$0xFFFFFEE0] =	vst v7  }
0x292: {  	v7 =	vld [tilespmem:s28+$0x70];
	_ =	sdelay $0x3  }
0x293: {  	s1 =	spop (v2sf)  }
0x294: {  	s25 =	spop (v2sf);
	[tilespmem:s24+$0xFFFFFEF0] =	vst v7  }
0x295: {  	v7 =	vld [tilespmem:s25+$0x0];
	_ =	sdelay $0x4  }
0x296: {  	[tilespmem:s24+$0xFFFFFF00] =	vst v7  }
0x297: {  	v7 =	vld [tilespmem:s25+$0x10];
	_ =	sdelay $0x4  }
0x298: {  	[tilespmem:s24+$0xFFFFFF10] =	vst v7  }
0x299: {  	v7 =	vld [tilespmem:s25+$0x20];
	_ =	sdelay $0x4  }
0x29a: {  	[tilespmem:s24+$0xFFFFFF20] =	vst v7  }
0x29b: {  	v7 =	vld [tilespmem:s25+$0x30];
	_ =	sdelay $0x4  }
0x29c: {  	[tilespmem:s24+$0xFFFFFF30] =	vst v7  }
0x29d: {  	v7 =	vld [tilespmem:s25+$0x40];
	_ =	sdelay $0x4  }
0x29e: {  	[tilespmem:s24+$0xFFFFFF40] =	vst v7  }
0x29f: {  	v7 =	vld [tilespmem:s25+$0x50]  }
0x2a0: {  	(v2sf) =	vpush v4, $0xF  }
0x2a1: {  	(v2sf) =	vpush v5, $0x7;
	_ =	sdelay $0x2  }
0x2a2: {  	[tilespmem:s24+$0xFFFFFF50] =	vst v7  }
0x2a3: {  	v4 =	vld [tilespmem:s25+$0x60];
	_ =	sdelay $0x4  }
0x2a4: {  	[tilespmem:s24+$0xFFFFFF60] =	vst v4  }
0x2a5: {  	v4 =	vld [tilespmem:s25+$0x70];
	_ =	sdelay $0x3  }
0x2a6: {  	s25 =	spop (v2sf)  }
0x2a7: {  	s26 =	spop (v2sf);
	[tilespmem:s24+$0xFFFFFF70] =	vst v4  }
0x2a8: {  	v4 =	vld [tilespmem:s26+$0x0];
	_ =	sdelay $0x4  }
0x2a9: {  	[tilespmem:s24+$0xFFFFFF80] =	vst v4  }
0x2aa: {  	v4 =	vld [tilespmem:s26+$0x10];
	_ =	sdelay $0x4  }
0x2ab: {  	[tilespmem:s24+$0xFFFFFF90] =	vst v4  }
0x2ac: {  	v4 =	vld [tilespmem:s26+$0x20];
	_ =	sdelay $0x4  }
0x2ad: {  	[tilespmem:s24+$0xFFFFFFA0] =	vst v4  }
0x2ae: {  	v4 =	vld [tilespmem:s26+$0x30];
	_ =	sdelay $0x4  }
0x2af: {  	[tilespmem:s24+$0xFFFFFFB0] =	vst v4  }
0x2b0: {  	v4 =	vld [tilespmem:s26+$0x40];
	_ =	sdelay $0x4  }
0x2b1: {  	[tilespmem:s24+$0xFFFFFFC0] =	vst v4  }
0x2b2: {  	v4 =	vld [tilespmem:s26+$0x50];
	_ =	sdelay $0x1  }
0x2b3: {  	(v2sf) =	vpush v5, $0x8;
	_ =	sdelay $0x2  }
0x2b4: {  	[tilespmem:s24+$0xFFFFFFD0] =	vst v4  }
0x2b5: {  	v4 =	vld [tilespmem:s26+$0x60];
	_ =	sdelay $0x4  }
0x2b6: {  	[tilespmem:s24+$0xFFFFFFE0] =	vst v4  }
0x2b7: {  	v4 =	vld [tilespmem:s26+$0x70];
	_ =	sdelay $0x4  }
0x2b8: {  	s29 =	spop (v2sf);
	[tilespmem:s24+$0xFFFFFFF0] =	vst v4  }
0x2b9: {  	v4 =	vld [tilespmem:s29+$0x0];
	_ =	sdelay $0x4  }
0x2ba: {  	[tilespmem:s24+$0x0] =	vst v4  }
0x2bb: {  	v4 =	vld [tilespmem:s29+$0x10];
	_ =	sdelay $0x4  }
0x2bc: {  	[tilespmem:s24+$0x10] =	vst v4  }
0x2bd: {  	v4 =	vld [tilespmem:s29+$0x20];
	_ =	sdelay $0x4  }
0x2be: {  	[tilespmem:s24+$0x20] =	vst v4  }
0x2bf: {  	v4 =	vld [tilespmem:s29+$0x30];
	_ =	sdelay $0x4  }
0x2c0: {  	[tilespmem:s24+$0x30] =	vst v4  }
0x2c1: {  	v4 =	vld [tilespmem:s29+$0x40];
	_ =	sdelay $0x4  }
0x2c2: {  	[tilespmem:s24+$0x40] =	vst v4  }
0x2c3: {  	v4 =	vld [tilespmem:s29+$0x50];
	_ =	sdelay $0x1  }
0x2c4: {  	(v2sf) =	vpush v5, $0x9;
	_ =	sdelay $0x2  }
0x2c5: {  	[tilespmem:s24+$0x50] =	vst v4  }
0x2c6: {  	v4 =	vld [tilespmem:s29+$0x60];
	_ =	sdelay $0x4  }
0x2c7: {  	[tilespmem:s24+$0x60] =	vst v4  }
0x2c8: {  	v4 =	vld [tilespmem:s29+$0x70];
	_ =	sdelay $0x4  }
0x2c9: {  	s31 =	spop (v2sf);
	[tilespmem:s24+$0x70] =	vst v4  }
0x2ca: {  	v4 =	vld [tilespmem:s31+$0x0];
	_ =	sdelay $0x4  }
0x2cb: {  	[tilespmem:s24+$0x80] =	vst v4  }
0x2cc: {  	v4 =	vld [tilespmem:s31+$0x10];
	_ =	sdelay $0x4  }
0x2cd: {  	[tilespmem:s24+$0x90] =	vst v4  }
0x2ce: {  	v4 =	vld [tilespmem:s31+$0x20];
	_ =	sdelay $0x4  }
0x2cf: {  	[tilespmem:s24+$0xA0] =	vst v4  }
0x2d0: {  	v4 =	vld [tilespmem:s31+$0x30];
	_ =	sdelay $0x4  }
0x2d1: {  	[tilespmem:s24+$0xB0] =	vst v4  }
0x2d2: {  	v4 =	vld [tilespmem:s31+$0x40];
	_ =	sdelay $0x4  }
0x2d3: {  	[tilespmem:s24+$0xC0] =	vst v4  }
0x2d4: {  	v4 =	vld [tilespmem:s31+$0x50];
	_ =	sdelay $0x1  }
0x2d5: {  	(v2sf) =	vpush v5, $0xA;
	_ =	sdelay $0x2  }
0x2d6: {  	[tilespmem:s24+$0xD0] =	vst v4  }
0x2d7: {  	v4 =	vld [tilespmem:s31+$0x60];
	_ =	sdelay $0x4  }
0x2d8: {  	[tilespmem:s24+$0xE0] =	vst v4  }
0x2d9: {  	v4 =	vld [tilespmem:s31+$0x70];
	_ =	sdelay $0x4  }
0x2da: {  	s6 =	spop (v2sf);
	[tilespmem:s24+$0xF0] =	vst v4  }
0x2db: {  	v4 =	vld [tilespmem:s6+$0x0];
	_ =	sdelay $0x4  }
0x2dc: {  	[tilespmem:s24+$0x100] =	vst v4  }
0x2dd: {  	v4 =	vld [tilespmem:s6+$0x10];
	_ =	sdelay $0x3  }
0x2de: {  	[tilespmem:s23+$0x110] =	vst v6  }
0x2df: {  	v6 =	vld [tilespmem:s5+$0x20];
	[tilespmem:s24+$0x110] =	vst v4  }
0x2e0: {  	v4 =	vld [tilespmem:s6+$0x20];
	_ =	sdelay $0x3  }
0x2e1: {  	[tilespmem:s23+$0x120] =	vst v6  }
0x2e2: {  	v6 =	vld [tilespmem:s5+$0x30];
	[tilespmem:s24+$0x120] =	vst v4  }
0x2e3: {  	v4 =	vld [tilespmem:s6+$0x30];
	_ =	sdelay $0x3  }
0x2e4: {  	[tilespmem:s23+$0x130] =	vst v6  }
0x2e5: {  	v6 =	vld [tilespmem:s5+$0x40];
	[tilespmem:s24+$0x130] =	vst v4  }
0x2e6: {  	v4 =	vld [tilespmem:s6+$0x40];
	_ =	sdelay $0x3  }
0x2e7: {  	[tilespmem:s23+$0x140] =	vst v6  }
0x2e8: {  	v6 =	vld [tilespmem:s5+$0x50];
	[tilespmem:s24+$0x140] =	vst v4  }
0x2e9: {  	v4 =	vld [tilespmem:s6+$0x50];
	_ =	sdelay $0x1  }
0x2ea: {  	(v2sf) =	vpush v5, $0xB;
	_ =	sdelay $0x1  }
0x2eb: {  	[tilespmem:s23+$0x150] =	vst v6  }
0x2ec: {  	v6 =	vld [tilespmem:s5+$0x60];
	[tilespmem:s24+$0x150] =	vst v4  }
0x2ed: {  	v4 =	vld [tilespmem:s6+$0x60];
	_ =	sdelay $0x3  }
0x2ee: {  	[tilespmem:s23+$0x160] =	vst v6  }
0x2ef: {  	v6 =	vld [tilespmem:s5+$0x70];
	[tilespmem:s24+$0x160] =	vst v4  }
0x2f0: {  	v4 =	vld [tilespmem:s6+$0x70];
	_ =	sdelay $0x3  }
0x2f1: {  	[tilespmem:s23+$0x170] =	vst v6  }
0x2f2: {  	v6 =	vld [tilespmem:s3+$0x0];
	s26 =	spop (v2sf);
	[tilespmem:s24+$0x170] =	vst v4  }
0x2f3: {  	v4 =	vld [tilespmem:s26+$0x0];
	_ =	sdelay $0x3  }
0x2f4: {  	[tilespmem:s23+$0x180] =	vst v6  }
0x2f5: {  	v6 =	vld [tilespmem:s3+$0x10];
	[tilespmem:s24+$0x180] =	vst v4  }
0x2f6: {  	v4 =	vld [tilespmem:s26+$0x10];
	_ =	sdelay $0x3  }
0x2f7: {  	[tilespmem:s23+$0x190] =	vst v6  }
0x2f8: {  	v6 =	vld [tilespmem:s3+$0x20];
	[tilespmem:s24+$0x190] =	vst v4  }
0x2f9: {  	v4 =	vld [tilespmem:s26+$0x20];
	_ =	sdelay $0x3  }
0x2fa: {  	[tilespmem:s23+$0x1A0] =	vst v6  }
0x2fb: {  	v6 =	vld [tilespmem:s3+$0x30];
	[tilespmem:s24+$0x1A0] =	vst v4  }
0x2fc: {  	v4 =	vld [tilespmem:s26+$0x30];
	_ =	sdelay $0x3  }
0x2fd: {  	[tilespmem:s23+$0x1B0] =	vst v6  }
0x2fe: {  	v6 =	vld [tilespmem:s3+$0x40];
	[tilespmem:s24+$0x1B0] =	vst v4  }
0x2ff: {  	v4 =	vld [tilespmem:s26+$0x40];
	_ =	sdelay $0x3  }
0x300: {  	[tilespmem:s23+$0x1C0] =	vst v6  }
0x301: {  	v6 =	vld [tilespmem:s3+$0x50];
	[tilespmem:s24+$0x1C0] =	vst v4  }
0x302: {  	v4 =	vld [tilespmem:s26+$0x50];
	_ =	sdelay $0x1  }
0x303: {  	(v2sf) =	vpush v5, $0xC;
	_ =	sdelay $0x1  }
0x304: {  	[tilespmem:s23+$0x1D0] =	vst v6  }
0x305: {  	v6 =	vld [tilespmem:s3+$0x60];
	[tilespmem:s24+$0x1D0] =	vst v4  }
0x306: {  	v4 =	vld [tilespmem:s26+$0x60];
	_ =	sdelay $0x3  }
0x307: {  	[tilespmem:s23+$0x1E0] =	vst v6  }
0x308: {  	v6 =	vld [tilespmem:s3+$0x70];
	[tilespmem:s24+$0x1E0] =	vst v4  }
0x309: {  	v4 =	vld [tilespmem:s26+$0x70];
	_ =	sdelay $0x3  }
0x30a: {  	[tilespmem:s23+$0x1F0] =	vst v6  }
0x30b: {  	v6 =	vld [tilespmem:s11+$0x0];
	s28 =	spop (v2sf);
	[tilespmem:s24+$0x1F0] =	vst v4  }
0x30c: {  	v4 =	vld [tilespmem:s28+$0x0];
	_ =	sdelay $0x3  }
0x30d: {  	[tilespmem:s23+$0x200] =	vst v6  }
0x30e: {  	v6 =	vld [tilespmem:s11+$0x10];
	[tilespmem:s24+$0x200] =	vst v4  }
0x30f: {  	v4 =	vld [tilespmem:s28+$0x10];
	_ =	sdelay $0x3  }
0x310: {  	[tilespmem:s23+$0x210] =	vst v6  }
0x311: {  	v6 =	vld [tilespmem:s11+$0x20];
	[tilespmem:s24+$0x210] =	vst v4  }
0x312: {  	v4 =	vld [tilespmem:s28+$0x20];
	_ =	sdelay $0x3  }
0x313: {  	[tilespmem:s23+$0x220] =	vst v6  }
0x314: {  	v6 =	vld [tilespmem:s11+$0x30];
	[tilespmem:s24+$0x220] =	vst v4  }
0x315: {  	v4 =	vld [tilespmem:s28+$0x30];
	_ =	sdelay $0x3  }
0x316: {  	[tilespmem:s23+$0x230] =	vst v6  }
0x317: {  	v6 =	vld [tilespmem:s11+$0x40];
	[tilespmem:s24+$0x230] =	vst v4  }
0x318: {  	v4 =	vld [tilespmem:s28+$0x40];
	_ =	sdelay $0x3  }
0x319: {  	[tilespmem:s23+$0x240] =	vst v6  }
0x31a: {  	v6 =	vld [tilespmem:s11+$0x50];
	[tilespmem:s24+$0x240] =	vst v4  }
0x31b: {  	v4 =	vld [tilespmem:s28+$0x50];
	_ =	sdelay $0x1  }
0x31c: {  	(v2sf) =	vpush v5, $0xD;
	_ =	sdelay $0x1  }
0x31d: {  	[tilespmem:s23+$0x250] =	vst v6  }
0x31e: {  	v6 =	vld [tilespmem:s11+$0x60];
	[tilespmem:s24+$0x250] =	vst v4  }
0x31f: {  	v4 =	vld [tilespmem:s28+$0x60];
	_ =	sdelay $0x3  }
0x320: {  	[tilespmem:s23+$0x260] =	vst v6  }
0x321: {  	v6 =	vld [tilespmem:s11+$0x70];
	[tilespmem:s24+$0x260] =	vst v4  }
0x322: {  	v4 =	vld [tilespmem:s28+$0x70];
	_ =	sdelay $0x3  }
0x323: {  	[tilespmem:s23+$0x270] =	vst v6  }
0x324: {  	v6 =	vld [tilespmem:s0+$0x0];
	s29 =	spop (v2sf);
	[tilespmem:s24+$0x270] =	vst v4  }
0x325: {  	v4 =	vld [tilespmem:s29+$0x0];
	_ =	sdelay $0x3  }
0x326: {  	[tilespmem:s23+$0x280] =	vst v6  }
0x327: {  	v6 =	vld [tilespmem:s0+$0x10];
	[tilespmem:s24+$0x280] =	vst v4  }
0x328: {  	v4 =	vld [tilespmem:s29+$0x10];
	_ =	sdelay $0x3  }
0x329: {  	[tilespmem:s23+$0x290] =	vst v6  }
0x32a: {  	v6 =	vld [tilespmem:s0+$0x20];
	[tilespmem:s24+$0x290] =	vst v4  }
0x32b: {  	v4 =	vld [tilespmem:s29+$0x20];
	_ =	sdelay $0x3  }
0x32c: {  	[tilespmem:s23+$0x2A0] =	vst v6  }
0x32d: {  	v6 =	vld [tilespmem:s0+$0x30];
	[tilespmem:s24+$0x2A0] =	vst v4  }
0x32e: {  	v4 =	vld [tilespmem:s29+$0x30];
	_ =	sdelay $0x3  }
0x32f: {  	[tilespmem:s23+$0x2B0] =	vst v6  }
0x330: {  	v6 =	vld [tilespmem:s0+$0x40];
	[tilespmem:s24+$0x2B0] =	vst v4  }
0x331: {  	v4 =	vld [tilespmem:s29+$0x40];
	_ =	sdelay $0x3  }
0x332: {  	[tilespmem:s23+$0x2C0] =	vst v6  }
0x333: {  	v6 =	vld [tilespmem:s0+$0x50];
	[tilespmem:s24+$0x2C0] =	vst v4  }
0x334: {  	v4 =	vld [tilespmem:s29+$0x50];
	_ =	sdelay $0x1  }
0x335: {  	(v2sf) =	vpush v5, $0xE;
	_ =	sdelay $0x1  }
0x336: {  	[tilespmem:s23+$0x2D0] =	vst v6  }
0x337: {  	v6 =	vld [tilespmem:s0+$0x60];
	[tilespmem:s24+$0x2D0] =	vst v4  }
0x338: {  	v4 =	vld [tilespmem:s29+$0x60];
	_ =	sdelay $0x3  }
0x339: {  	[tilespmem:s23+$0x2E0] =	vst v6  }
0x33a: {  	v6 =	vld [tilespmem:s0+$0x70];
	[tilespmem:s24+$0x2E0] =	vst v4  }
0x33b: {  	v4 =	vld [tilespmem:s29+$0x70];
	_ =	sdelay $0x3  }
0x33c: {  	[tilespmem:s23+$0x2F0] =	vst v6  }
0x33d: {  	v6 =	vld [tilespmem:s1+$0x0];
	s31 =	spop (v2sf);
	[tilespmem:s24+$0x2F0] =	vst v4  }
0x33e: {  	v4 =	vld [tilespmem:s31+$0x0];
	_ =	sdelay $0x3  }
0x33f: {  	[tilespmem:s23+$0x300] =	vst v6  }
0x340: {  	v6 =	vld [tilespmem:s1+$0x10];
	[tilespmem:s24+$0x300] =	vst v4  }
0x341: {  	v4 =	vld [tilespmem:s31+$0x10];
	_ =	sdelay $0x3  }
0x342: {  	[tilespmem:s23+$0x310] =	vst v6  }
0x343: {  	v6 =	vld [tilespmem:s1+$0x20];
	[tilespmem:s24+$0x310] =	vst v4  }
0x344: {  	v4 =	vld [tilespmem:s31+$0x20];
	_ =	sdelay $0x3  }
0x345: {  	[tilespmem:s23+$0x320] =	vst v6  }
0x346: {  	v6 =	vld [tilespmem:s1+$0x30];
	[tilespmem:s24+$0x320] =	vst v4  }
0x347: {  	v4 =	vld [tilespmem:s31+$0x30];
	_ =	sdelay $0x3  }
0x348: {  	[tilespmem:s23+$0x330] =	vst v6  }
0x349: {  	v6 =	vld [tilespmem:s1+$0x40];
	[tilespmem:s24+$0x330] =	vst v4  }
0x34a: {  	v4 =	vld [tilespmem:s31+$0x40];
	_ =	sdelay $0x3  }
0x34b: {  	[tilespmem:s23+$0x340] =	vst v6  }
0x34c: {  	v6 =	vld [tilespmem:s1+$0x50];
	[tilespmem:s24+$0x340] =	vst v4  }
0x34d: {  	v4 =	vld [tilespmem:s31+$0x50];
	_ =	sdelay $0x1  }
0x34e: {  	(v2sf) =	vpush v5, $0xF;
	_ =	sdelay $0x1  }
0x34f: {  	[tilespmem:s23+$0x350] =	vst v6  }
0x350: {  	v5 =	vld [tilespmem:s1+$0x60];
	[tilespmem:s24+$0x350] =	vst v4  }
0x351: {  	v4 =	vld [tilespmem:s31+$0x60];
	_ =	sdelay $0x3  }
0x352: {  	[tilespmem:s23+$0x360] =	vst v5  }
0x353: {  	v5 =	vld [tilespmem:s1+$0x70];
	[tilespmem:s24+$0x360] =	vst v4  }
0x354: {  	v4 =	vld [tilespmem:s31+$0x70];
	_ =	sdelay $0x3  }
0x355: {  	[tilespmem:s23+$0x370] =	vst v5  }
0x356: {  	v5 =	vld [tilespmem:s25+$0x0];
	s1 =	spop (v2sf);
	[tilespmem:s24+$0x370] =	vst v4  }
0x357: {  	v4 =	vld [tilespmem:s1+$0x0];
	_ =	sdelay $0x3  }
0x358: {  	[tilespmem:s23+$0x380] =	vst v5  }
0x359: {  	v5 =	vld [tilespmem:s25+$0x10];
	[tilespmem:s24+$0x380] =	vst v4  }
0x35a: {  	v4 =	vld [tilespmem:s1+$0x10];
	_ =	sdelay $0x3  }
0x35b: {  	[tilespmem:s23+$0x390] =	vst v5  }
0x35c: {  	v5 =	vld [tilespmem:s25+$0x20];
	[tilespmem:s24+$0x390] =	vst v4  }
0x35d: {  	v4 =	vld [tilespmem:s1+$0x20];
	_ =	sdelay $0x3  }
0x35e: {  	[tilespmem:s23+$0x3A0] =	vst v5  }
0x35f: {  	v5 =	vld [tilespmem:s25+$0x30];
	[tilespmem:s24+$0x3A0] =	vst v4  }
0x360: {  	v4 =	vld [tilespmem:s1+$0x30];
	_ =	sdelay $0x3  }
0x361: {  	[tilespmem:s23+$0x3B0] =	vst v5  }
0x362: {  	v5 =	vld [tilespmem:s25+$0x40];
	[tilespmem:s24+$0x3B0] =	vst v4  }
0x363: {  	v4 =	vld [tilespmem:s1+$0x40];
	_ =	sdelay $0x3  }
0x364: {  	[tilespmem:s23+$0x3C0] =	vst v5  }
0x365: {  	v5 =	vld [tilespmem:s25+$0x50];
	[tilespmem:s24+$0x3C0] =	vst v4  }
0x366: {  	v4 =	vld [tilespmem:s1+$0x50];
	_ =	sdelay $0x3  }
0x367: {  	[tilespmem:s23+$0x3D0] =	vst v5  }
0x368: {  	v5 =	vld [tilespmem:s25+$0x60];
	[tilespmem:s24+$0x3D0] =	vst v4  }
0x369: {  	v4 =	vld [tilespmem:s1+$0x60];
	_ =	sdelay $0x3  }
0x36a: {  	[tilespmem:s23+$0x3E0] =	vst v5  }
0x36b: {  	v5 =	vld [tilespmem:s25+$0x70];
	[tilespmem:s24+$0x3E0] =	vst v4  }
0x36c: {  	v4 =	vld [tilespmem:s1+$0x70];
	_ =	sdelay $0x1  }
0x36d: {  	s3 =	sshll.u32 s20, $0xF  }
0x36e: {  	s0 =	sadd.s32 s8, s3  }
0x36f: {  	s0 =	sshrl.u32 s0, $0x3;
	[tilespmem:s23+$0x3F0] =	vst v5  }
0x370: {  	s0 =	sadd.s32 s2, s0;
	[tilespmem:s24+$0x3F0] =	vst v4  }
0x371: {  	v5 =	vmov s22;
	[hbm4b:s0+s4] =	stream.strided.scatter [tilespmem:s15], [sflag:$0x2], $0x2000, s10, s4, $0x38;
	[tilespmem:$0x14800] =	vst v63  }
0x372: {  	s0 =	simm.s32 @!p0 $0x3  }
0x373: {  	_ =	swait.ge @!p0 [sflag:s0], $0x2000  }
0x374: {  	[sflag:s0] =	ssyncset.done @!p0 $0x0  }
0x375: {  	s5 =	simm.s32 $0x0;
	[sflag:s0] =	ssyncadd.s32 @!p0 $0xFFFFE000  }
0x376: {  	v4 =	vld.idx.msk [tilespmem:v5+s5+$0x0 ss:$0x1], $0xffff;
	_ =	sdelay $0x4  }
0x377: {  	v4 =	vshll.u32 v4, $0x9  }
0x378: {  	v4 =	vshra.s32 v4, $0x2  }
0x379: {  	(v2sf) =	vpush v4, $0x0;
	_ =	sdelay $0xe  }
0x37a: {  	s6 =	spop (v2sf)  }
0x37b: {  	v6 =	vld [tilespmem:s6+$0x0];
	_ =	sdelay $0x3  }
0x37c: {  	s25 =	simm.s32 $0x12FF0  }
0x37d: {  	[tilespmem:s25+$0xFFFFF810] =	vst v6  }
0x37e: {  	v6 =	vld [tilespmem:s6+$0x10];
	_ =	sdelay $0x4  }
0x37f: {  	[tilespmem:s25+$0xFFFFF820] =	vst v6  }
0x380: {  	v6 =	vld [tilespmem:s6+$0x20];
	_ =	sdelay $0x4  }
0x381: {  	[tilespmem:s25+$0xFFFFF830] =	vst v6  }
0x382: {  	v6 =	vld [tilespmem:s6+$0x30];
	_ =	sdelay $0x4  }
0x383: {  	[tilespmem:s25+$0xFFFFF840] =	vst v6  }
0x384: {  	v6 =	vld [tilespmem:s6+$0x40];
	_ =	sdelay $0x4  }
0x385: {  	[tilespmem:s25+$0xFFFFF850] =	vst v6  }
0x386: {  	v6 =	vld [tilespmem:s6+$0x50];
	_ =	sdelay $0x1  }
0x387: {  	(v2sf) =	vpush v4, $0x1;
	_ =	sdelay $0x2  }
0x388: {  	[tilespmem:s25+$0xFFFFF860] =	vst v6  }
0x389: {  	v6 =	vld [tilespmem:s6+$0x60];
	_ =	sdelay $0x4  }
0x38a: {  	[tilespmem:s25+$0xFFFFF870] =	vst v6  }
0x38b: {  	v6 =	vld [tilespmem:s6+$0x70];
	_ =	sdelay $0x4  }
0x38c: {  	s11 =	spop (v2sf);
	[tilespmem:s25+$0xFFFFF880] =	vst v6  }
0x38d: {  	v6 =	vld [tilespmem:s11+$0x0];
	_ =	sdelay $0x4  }
0x38e: {  	[tilespmem:s25+$0xFFFFF890] =	vst v6  }
0x38f: {  	v6 =	vld [tilespmem:s11+$0x10];
	_ =	sdelay $0x4  }
0x390: {  	[tilespmem:s25+$0xFFFFF8A0] =	vst v6  }
0x391: {  	v6 =	vld [tilespmem:s11+$0x20];
	_ =	sdelay $0x4  }
0x392: {  	[tilespmem:s25+$0xFFFFF8B0] =	vst v6  }
0x393: {  	v6 =	vld [tilespmem:s11+$0x30];
	_ =	sdelay $0x4  }
0x394: {  	[tilespmem:s25+$0xFFFFF8C0] =	vst v6  }
0x395: {  	v6 =	vld [tilespmem:s11+$0x40];
	_ =	sdelay $0x4  }
0x396: {  	[tilespmem:s25+$0xFFFFF8D0] =	vst v6  }
0x397: {  	v6 =	vld [tilespmem:s11+$0x50];
	_ =	sdelay $0x1  }
0x398: {  	(v2sf) =	vpush v4, $0x2;
	_ =	sdelay $0x2  }
0x399: {  	[tilespmem:s25+$0xFFFFF8E0] =	vst v6  }
0x39a: {  	v6 =	vld [tilespmem:s11+$0x60];
	_ =	sdelay $0x4  }
0x39b: {  	[tilespmem:s25+$0xFFFFF8F0] =	vst v6  }
0x39c: {  	v6 =	vld [tilespmem:s11+$0x70];
	_ =	sdelay $0x4  }
0x39d: {  	s23 =	spop (v2sf);
	[tilespmem:s25+$0xFFFFF900] =	vst v6  }
0x39e: {  	v6 =	vld [tilespmem:s23+$0x0];
	_ =	sdelay $0x4  }
0x39f: {  	[tilespmem:s25+$0xFFFFF910] =	vst v6  }
0x3a0: {  	v6 =	vld [tilespmem:s23+$0x10];
	_ =	sdelay $0x4  }
0x3a1: {  	[tilespmem:s25+$0xFFFFF920] =	vst v6  }
0x3a2: {  	v6 =	vld [tilespmem:s23+$0x20];
	_ =	sdelay $0x4  }
0x3a3: {  	[tilespmem:s25+$0xFFFFF930] =	vst v6  }
0x3a4: {  	v6 =	vld [tilespmem:s23+$0x30];
	_ =	sdelay $0x4  }
0x3a5: {  	[tilespmem:s25+$0xFFFFF940] =	vst v6  }
0x3a6: {  	v6 =	vld [tilespmem:s23+$0x40];
	_ =	sdelay $0x4  }
0x3a7: {  	[tilespmem:s25+$0xFFFFF950] =	vst v6  }
0x3a8: {  	v6 =	vld [tilespmem:s23+$0x50];
	_ =	sdelay $0x1  }
0x3a9: {  	(v2sf) =	vpush v4, $0x3;
	_ =	sdelay $0x2  }
0x3aa: {  	[tilespmem:s25+$0xFFFFF960] =	vst v6  }
0x3ab: {  	v6 =	vld [tilespmem:s23+$0x60];
	_ =	sdelay $0x4  }
0x3ac: {  	[tilespmem:s25+$0xFFFFF970] =	vst v6  }
0x3ad: {  	v6 =	vld [tilespmem:s23+$0x70];
	_ =	sdelay $0x4  }
0x3ae: {  	s24 =	spop (v2sf);
	[tilespmem:s25+$0xFFFFF980] =	vst v6  }
0x3af: {  	v6 =	vld [tilespmem:s24+$0x0];
	_ =	sdelay $0x4  }
0x3b0: {  	[tilespmem:s25+$0xFFFFF990] =	vst v6  }
0x3b1: {  	v6 =	vld [tilespmem:s24+$0x10];
	_ =	sdelay $0x4  }
0x3b2: {  	[tilespmem:s25+$0xFFFFF9A0] =	vst v6  }
0x3b3: {  	v6 =	vld [tilespmem:s24+$0x20];
	_ =	sdelay $0x4  }
0x3b4: {  	[tilespmem:s25+$0xFFFFF9B0] =	vst v6  }
0x3b5: {  	v6 =	vld [tilespmem:s24+$0x30];
	_ =	sdelay $0x4  }
0x3b6: {  	[tilespmem:s25+$0xFFFFF9C0] =	vst v6  }
0x3b7: {  	v6 =	vld [tilespmem:s24+$0x40];
	_ =	sdelay $0x4  }
0x3b8: {  	[tilespmem:s25+$0xFFFFF9D0] =	vst v6  }
0x3b9: {  	v6 =	vld [tilespmem:s24+$0x50];
	_ =	sdelay $0x1  }
0x3ba: {  	(v2sf) =	vpush v4, $0x4;
	_ =	sdelay $0x2  }
0x3bb: {  	[tilespmem:s25+$0xFFFFF9E0] =	vst v6  }
0x3bc: {  	v6 =	vld [tilespmem:s24+$0x60];
	_ =	sdelay $0x4  }
0x3bd: {  	[tilespmem:s25+$0xFFFFF9F0] =	vst v6  }
0x3be: {  	v6 =	vld [tilespmem:s24+$0x70];
	_ =	sdelay $0x4  }
0x3bf: {  	s26 =	spop (v2sf);
	[tilespmem:s25+$0xFFFFFA00] =	vst v6  }
0x3c0: {  	v6 =	vld [tilespmem:s26+$0x0];
	_ =	sdelay $0x4  }
0x3c1: {  	[tilespmem:s25+$0xFFFFFA10] =	vst v6  }
0x3c2: {  	v6 =	vld [tilespmem:s26+$0x10];
	_ =	sdelay $0x4  }
0x3c3: {  	[tilespmem:s25+$0xFFFFFA20] =	vst v6  }
0x3c4: {  	v6 =	vld [tilespmem:s26+$0x20];
	_ =	sdelay $0x4  }
0x3c5: {  	[tilespmem:s25+$0xFFFFFA30] =	vst v6  }
0x3c6: {  	v6 =	vld [tilespmem:s26+$0x30];
	_ =	sdelay $0x4  }
0x3c7: {  	[tilespmem:s25+$0xFFFFFA40] =	vst v6  }
0x3c8: {  	v6 =	vld [tilespmem:s26+$0x40];
	_ =	sdelay $0x4  }
0x3c9: {  	[tilespmem:s25+$0xFFFFFA50] =	vst v6  }
0x3ca: {  	v6 =	vld [tilespmem:s26+$0x50];
	_ =	sdelay $0x1  }
0x3cb: {  	(v2sf) =	vpush v4, $0x5;
	_ =	sdelay $0x2  }
0x3cc: {  	[tilespmem:s25+$0xFFFFFA60] =	vst v6  }
0x3cd: {  	v6 =	vld [tilespmem:s26+$0x60];
	_ =	sdelay $0x4  }
0x3ce: {  	[tilespmem:s25+$0xFFFFFA70] =	vst v6  }
0x3cf: {  	v6 =	vld [tilespmem:s26+$0x70];
	_ =	sdelay $0x4  }
0x3d0: {  	s28 =	spop (v2sf);
	[tilespmem:s25+$0xFFFFFA80] =	vst v6  }
0x3d1: {  	v6 =	vld [tilespmem:s28+$0x0];
	_ =	sdelay $0x4  }
0x3d2: {  	[tilespmem:s25+$0xFFFFFA90] =	vst v6  }
0x3d3: {  	v6 =	vld [tilespmem:s28+$0x10];
	_ =	sdelay $0x4  }
0x3d4: {  	[tilespmem:s25+$0xFFFFFAA0] =	vst v6  }
0x3d5: {  	v6 =	vld [tilespmem:s28+$0x20];
	_ =	sdelay $0x4  }
0x3d6: {  	[tilespmem:s25+$0xFFFFFAB0] =	vst v6  }
0x3d7: {  	v6 =	vld [tilespmem:s28+$0x30];
	_ =	sdelay $0x4  }
0x3d8: {  	[tilespmem:s25+$0xFFFFFAC0] =	vst v6  }
0x3d9: {  	v6 =	vld [tilespmem:s28+$0x40];
	_ =	sdelay $0x4  }
0x3da: {  	[tilespmem:s25+$0xFFFFFAD0] =	vst v6  }
0x3db: {  	v6 =	vld [tilespmem:s28+$0x50];
	_ =	sdelay $0x1  }
0x3dc: {  	(v2sf) =	vpush v4, $0x6;
	_ =	sdelay $0x2  }
0x3dd: {  	[tilespmem:s25+$0xFFFFFAE0] =	vst v6  }
0x3de: {  	v6 =	vld [tilespmem:s28+$0x60];
	_ =	sdelay $0x4  }
0x3df: {  	[tilespmem:s25+$0xFFFFFAF0] =	vst v6  }
0x3e0: {  	v6 =	vld [tilespmem:s28+$0x70];
	_ =	sdelay $0x4  }
0x3e1: {  	s29 =	spop (v2sf);
	[tilespmem:s25+$0xFFFFFB00] =	vst v6  }
0x3e2: {  	v6 =	vld [tilespmem:s29+$0x0];
	_ =	sdelay $0x4  }
0x3e3: {  	[tilespmem:s25+$0xFFFFFB10] =	vst v6  }
0x3e4: {  	v6 =	vld [tilespmem:s29+$0x10];
	_ =	sdelay $0x4  }
0x3e5: {  	[tilespmem:s25+$0xFFFFFB20] =	vst v6  }
0x3e6: {  	v6 =	vld [tilespmem:s29+$0x20];
	_ =	sdelay $0x4  }
0x3e7: {  	[tilespmem:s25+$0xFFFFFB30] =	vst v6  }
0x3e8: {  	v6 =	vld [tilespmem:s29+$0x30];
	_ =	sdelay $0x4  }
0x3e9: {  	[tilespmem:s25+$0xFFFFFB40] =	vst v6  }
0x3ea: {  	v6 =	vld [tilespmem:s29+$0x40];
	_ =	sdelay $0x4  }
0x3eb: {  	[tilespmem:s25+$0xFFFFFB50] =	vst v6  }
0x3ec: {  	v6 =	vld [tilespmem:s29+$0x50];
	_ =	sdelay $0x1  }
0x3ed: {  	(v2sf) =	vpush v4, $0x7;
	_ =	sdelay $0x2  }
0x3ee: {  	[tilespmem:s25+$0xFFFFFB60] =	vst v6  }
0x3ef: {  	v6 =	vld [tilespmem:s29+$0x60];
	_ =	sdelay $0x4  }
0x3f0: {  	[tilespmem:s25+$0xFFFFFB70] =	vst v6  }
0x3f1: {  	v6 =	vld [tilespmem:s29+$0x70];
	_ =	sdelay $0x4  }
0x3f2: {  	s30 =	spop (v2sf);
	[tilespmem:s25+$0xFFFFFB80] =	vst v6  }
0x3f3: {  	v6 =	vld [tilespmem:s30+$0x0];
	_ =	sdelay $0x4  }
0x3f4: {  	[tilespmem:s25+$0xFFFFFB90] =	vst v6  }
0x3f5: {  	v6 =	vld [tilespmem:s30+$0x10];
	_ =	sdelay $0x4  }
0x3f6: {  	[tilespmem:s25+$0xFFFFFBA0] =	vst v6  }
0x3f7: {  	v6 =	vld [tilespmem:s30+$0x20];
	_ =	sdelay $0x4  }
0x3f8: {  	[tilespmem:s25+$0xFFFFFBB0] =	vst v6  }
0x3f9: {  	v6 =	vld [tilespmem:s30+$0x30];
	_ =	sdelay $0x4  }
0x3fa: {  	[tilespmem:s25+$0xFFFFFBC0] =	vst v6  }
0x3fb: {  	v6 =	vld [tilespmem:s30+$0x40];
	_ =	sdelay $0x4  }
0x3fc: {  	[tilespmem:s25+$0xFFFFFBD0] =	vst v6  }
0x3fd: {  	v6 =	vld [tilespmem:s30+$0x50];
	_ =	sdelay $0x1  }
0x3fe: {  	(v2sf) =	vpush v4, $0x8;
	_ =	sdelay $0x1  }
0x3ff: {  	s31 =	simm.s32 $0x10  }
0x400: {  	s23 =	sshllo.u32 s20, $0x1;
	s24 =	simm.s32 $0x12FF0;
	s26 =	simm.s32 $0x80;
	[tilespmem:s25+$0xFFFFFBE0] =	vst v6;
	v6 =	vld.idx.msk [tilespmem:v5+s31+$0x0 ss:$0x1], $0xffff  }
.LBB2_9:
0x401: {  	p0 =	sne.s32 s26, $0xC0;
	v7 =	vld [tilespmem:s30+$0x60];
	_ =	sdelay $0x4  }
0x402: {  	v6 =	vshll.u32 v6, $0x9;
	[tilespmem:s25+$0xFFFFFBF0] =	vst v7  }
0x403: {  	v6 =	vshra.s32 v6, $0x2;
	v7 =	vld [tilespmem:s30+$0x70]  }
0x404: {  	(v2sf) =	vpush v6, $0x0;
	_ =	sdelay $0x3  }
0x405: {  	[tilespmem:s25+$0xFFFFFC00] =	vst v7;
	s1 =	spop (v2sf)  }
0x406: {  	v7 =	vld [tilespmem:s1+$0x0];
	_ =	sdelay $0x4  }
0x407: {  	[tilespmem:s25+$0xFFFFFC10] =	vst v7  }
0x408: {  	v7 =	vld [tilespmem:s1+$0x10];
	_ =	sdelay $0x3  }
0x409: {  	s0 =	spop (v2sf)  }
0x40a: {  	v8 =	vld [tilespmem:s0+$0x0];
	[tilespmem:s25+$0xFFFFFC20] =	vst v7  }
0x40b: {  	v7 =	vld [tilespmem:s1+$0x20];
	_ =	sdelay $0x2  }
0x40c: {  	s25 =	sadd.s32 $0x800, s25  }
0x40d: {  	[tilespmem:s25+$0xFFFFF810] =	vst v8  }
0x40e: {  	v8 =	vld [tilespmem:s0+$0x10];
	[tilespmem:s24+$0xFFFFFC30] =	vst v7  }
0x40f: {  	v7 =	vld [tilespmem:s1+$0x30];
	_ =	sdelay $0x3  }
0x410: {  	[tilespmem:s25+$0xFFFFF820] =	vst v8  }
0x411: {  	v8 =	vld [tilespmem:s0+$0x20];
	[tilespmem:s24+$0xFFFFFC40] =	vst v7  }
0x412: {  	v7 =	vld [tilespmem:s1+$0x40];
	_ =	sdelay $0x3  }
0x413: {  	[tilespmem:s25+$0xFFFFF830] =	vst v8  }
0x414: {  	v8 =	vld [tilespmem:s0+$0x30];
	[tilespmem:s24+$0xFFFFFC50] =	vst v7  }
0x415: {  	v7 =	vld [tilespmem:s1+$0x50];
	_ =	sdelay $0x1  }
0x416: {  	(v2sf) =	vpush v4, $0x9;
	_ =	sdelay $0x1  }
0x417: {  	[tilespmem:s25+$0xFFFFF840] =	vst v8  }
0x418: {  	v8 =	vld [tilespmem:s0+$0x40];
	[tilespmem:s24+$0xFFFFFC60] =	vst v7  }
0x419: {  	v7 =	vld [tilespmem:s1+$0x60];
	_ =	sdelay $0x3  }
0x41a: {  	[tilespmem:s25+$0xFFFFF850] =	vst v8  }
0x41b: {  	v8 =	vld [tilespmem:s0+$0x50];
	[tilespmem:s24+$0xFFFFFC70] =	vst v7  }
0x41c: {  	v7 =	vld [tilespmem:s1+$0x70]  }
0x41d: {  	(v2sf) =	vpush v6, $0x1;
	_ =	sdelay $0x2  }
0x41e: {  	[tilespmem:s25+$0xFFFFF860] =	vst v8  }
0x41f: {  	v8 =	vld [tilespmem:s0+$0x60];
	[tilespmem:s24+$0xFFFFFC80] =	vst v7;
	s1 =	spop (v2sf)  }
0x420: {  	v7 =	vld [tilespmem:s1+$0x0];
	_ =	sdelay $0x3  }
0x421: {  	[tilespmem:s25+$0xFFFFF870] =	vst v8  }
0x422: {  	v8 =	vld [tilespmem:s0+$0x70];
	[tilespmem:s24+$0xFFFFFC90] =	vst v7  }
0x423: {  	v7 =	vld [tilespmem:s1+$0x10];
	_ =	sdelay $0x3  }
0x424: {  	[tilespmem:s25+$0xFFFFF880] =	vst v8;
	s0 =	spop (v2sf)  }
0x425: {  	v8 =	vld [tilespmem:s0+$0x0];
	[tilespmem:s24+$0xFFFFFCA0] =	vst v7  }
0x426: {  	v7 =	vld [tilespmem:s1+$0x20];
	_ =	sdelay $0x3  }
0x427: {  	[tilespmem:s25+$0xFFFFF890] =	vst v8  }
0x428: {  	v8 =	vld [tilespmem:s0+$0x10];
	[tilespmem:s24+$0xFFFFFCB0] =	vst v7  }
0x429: {  	v7 =	vld [tilespmem:s1+$0x30];
	_ =	sdelay $0x3  }
0x42a: {  	[tilespmem:s25+$0xFFFFF8A0] =	vst v8  }
0x42b: {  	v8 =	vld [tilespmem:s0+$0x20];
	[tilespmem:s24+$0xFFFFFCC0] =	vst v7  }
0x42c: {  	v7 =	vld [tilespmem:s1+$0x40];
	_ =	sdelay $0x3  }
0x42d: {  	[tilespmem:s25+$0xFFFFF8B0] =	vst v8  }
0x42e: {  	v8 =	vld [tilespmem:s0+$0x30];
	[tilespmem:s24+$0xFFFFFCD0] =	vst v7  }
0x42f: {  	v7 =	vld [tilespmem:s1+$0x50];
	_ =	sdelay $0x1  }
0x430: {  	(v2sf) =	vpush v4, $0xA;
	_ =	sdelay $0x1  }
0x431: {  	[tilespmem:s25+$0xFFFFF8C0] =	vst v8  }
0x432: {  	v8 =	vld [tilespmem:s0+$0x40];
	[tilespmem:s24+$0xFFFFFCE0] =	vst v7  }
0x433: {  	v7 =	vld [tilespmem:s1+$0x60];
	_ =	sdelay $0x3  }
0x434: {  	[tilespmem:s25+$0xFFFFF8D0] =	vst v8  }
0x435: {  	v8 =	vld [tilespmem:s0+$0x50];
	[tilespmem:s24+$0xFFFFFCF0] =	vst v7  }
0x436: {  	v7 =	vld [tilespmem:s1+$0x70]  }
0x437: {  	(v2sf) =	vpush v6, $0x2;
	_ =	sdelay $0x2  }
0x438: {  	[tilespmem:s25+$0xFFFFF8E0] =	vst v8  }
0x439: {  	v8 =	vld [tilespmem:s0+$0x60];
	[tilespmem:s24+$0xFFFFFD00] =	vst v7;
	s1 =	spop (v2sf)  }
0x43a: {  	v7 =	vld [tilespmem:s1+$0x0];
	_ =	sdelay $0x3  }
0x43b: {  	[tilespmem:s25+$0xFFFFF8F0] =	vst v8  }
0x43c: {  	v8 =	vld [tilespmem:s0+$0x70];
	[tilespmem:s24+$0xFFFFFD10] =	vst v7  }
0x43d: {  	v7 =	vld [tilespmem:s1+$0x10];
	_ =	sdelay $0x3  }
0x43e: {  	[tilespmem:s25+$0xFFFFF900] =	vst v8;
	s0 =	spop (v2sf)  }
0x43f: {  	v8 =	vld [tilespmem:s0+$0x0];
	[tilespmem:s24+$0xFFFFFD20] =	vst v7  }
0x440: {  	v7 =	vld [tilespmem:s1+$0x20];
	_ =	sdelay $0x3  }
0x441: {  	[tilespmem:s25+$0xFFFFF910] =	vst v8  }
0x442: {  	v8 =	vld [tilespmem:s0+$0x10];
	[tilespmem:s24+$0xFFFFFD30] =	vst v7  }
0x443: {  	v7 =	vld [tilespmem:s1+$0x30];
	_ =	sdelay $0x3  }
0x444: {  	[tilespmem:s25+$0xFFFFF920] =	vst v8  }
0x445: {  	v8 =	vld [tilespmem:s0+$0x20];
	[tilespmem:s24+$0xFFFFFD40] =	vst v7  }
0x446: {  	v7 =	vld [tilespmem:s1+$0x40];
	_ =	sdelay $0x3  }
0x447: {  	[tilespmem:s25+$0xFFFFF930] =	vst v8  }
0x448: {  	v8 =	vld [tilespmem:s0+$0x30];
	[tilespmem:s24+$0xFFFFFD50] =	vst v7  }
0x449: {  	v7 =	vld [tilespmem:s1+$0x50];
	_ =	sdelay $0x1  }
0x44a: {  	(v2sf) =	vpush v4, $0xB;
	_ =	sdelay $0x1  }
0x44b: {  	[tilespmem:s25+$0xFFFFF940] =	vst v8  }
0x44c: {  	v8 =	vld [tilespmem:s0+$0x40];
	[tilespmem:s24+$0xFFFFFD60] =	vst v7  }
0x44d: {  	v7 =	vld [tilespmem:s1+$0x60];
	_ =	sdelay $0x3  }
0x44e: {  	[tilespmem:s25+$0xFFFFF950] =	vst v8  }
0x44f: {  	v8 =	vld [tilespmem:s0+$0x50];
	[tilespmem:s24+$0xFFFFFD70] =	vst v7  }
0x450: {  	v7 =	vld [tilespmem:s1+$0x70]  }
0x451: {  	(v2sf) =	vpush v6, $0x3;
	_ =	sdelay $0x2  }
0x452: {  	[tilespmem:s25+$0xFFFFF960] =	vst v8  }
0x453: {  	v8 =	vld [tilespmem:s0+$0x60];
	[tilespmem:s24+$0xFFFFFD80] =	vst v7;
	s1 =	spop (v2sf)  }
0x454: {  	v7 =	vld [tilespmem:s1+$0x0];
	_ =	sdelay $0x3  }
0x455: {  	[tilespmem:s25+$0xFFFFF970] =	vst v8  }
0x456: {  	v8 =	vld [tilespmem:s0+$0x70];
	[tilespmem:s24+$0xFFFFFD90] =	vst v7  }
0x457: {  	v7 =	vld [tilespmem:s1+$0x10];
	_ =	sdelay $0x3  }
0x458: {  	[tilespmem:s25+$0xFFFFF980] =	vst v8;
	s0 =	spop (v2sf)  }
0x459: {  	v8 =	vld [tilespmem:s0+$0x0];
	[tilespmem:s24+$0xFFFFFDA0] =	vst v7  }
0x45a: {  	v7 =	vld [tilespmem:s1+$0x20];
	_ =	sdelay $0x3  }
0x45b: {  	[tilespmem:s25+$0xFFFFF990] =	vst v8  }
0x45c: {  	v8 =	vld [tilespmem:s0+$0x10];
	[tilespmem:s24+$0xFFFFFDB0] =	vst v7  }
0x45d: {  	v7 =	vld [tilespmem:s1+$0x30];
	_ =	sdelay $0x3  }
0x45e: {  	[tilespmem:s25+$0xFFFFF9A0] =	vst v8  }
0x45f: {  	v8 =	vld [tilespmem:s0+$0x20];
	[tilespmem:s24+$0xFFFFFDC0] =	vst v7  }
0x460: {  	v7 =	vld [tilespmem:s1+$0x40];
	_ =	sdelay $0x3  }
0x461: {  	[tilespmem:s25+$0xFFFFF9B0] =	vst v8  }
0x462: {  	v8 =	vld [tilespmem:s0+$0x30];
	[tilespmem:s24+$0xFFFFFDD0] =	vst v7  }
0x463: {  	v7 =	vld [tilespmem:s1+$0x50];
	_ =	sdelay $0x1  }
0x464: {  	(v2sf) =	vpush v4, $0xC;
	_ =	sdelay $0x1  }
0x465: {  	[tilespmem:s25+$0xFFFFF9C0] =	vst v8  }
0x466: {  	v8 =	vld [tilespmem:s0+$0x40];
	[tilespmem:s24+$0xFFFFFDE0] =	vst v7  }
0x467: {  	v7 =	vld [tilespmem:s1+$0x60];
	_ =	sdelay $0x3  }
0x468: {  	[tilespmem:s25+$0xFFFFF9D0] =	vst v8  }
0x469: {  	v8 =	vld [tilespmem:s0+$0x50];
	[tilespmem:s24+$0xFFFFFDF0] =	vst v7  }
0x46a: {  	v7 =	vld [tilespmem:s1+$0x70]  }
0x46b: {  	(v2sf) =	vpush v6, $0x4;
	_ =	sdelay $0x2  }
0x46c: {  	[tilespmem:s25+$0xFFFFF9E0] =	vst v8  }
0x46d: {  	v8 =	vld [tilespmem:s0+$0x60];
	[tilespmem:s24+$0xFFFFFE00] =	vst v7;
	s1 =	spop (v2sf)  }
0x46e: {  	v7 =	vld [tilespmem:s1+$0x0];
	_ =	sdelay $0x3  }
0x46f: {  	[tilespmem:s25+$0xFFFFF9F0] =	vst v8  }
0x470: {  	v8 =	vld [tilespmem:s0+$0x70];
	[tilespmem:s24+$0xFFFFFE10] =	vst v7  }
0x471: {  	v7 =	vld [tilespmem:s1+$0x10];
	_ =	sdelay $0x3  }
0x472: {  	[tilespmem:s25+$0xFFFFFA00] =	vst v8;
	s0 =	spop (v2sf)  }
0x473: {  	v8 =	vld [tilespmem:s0+$0x0];
	[tilespmem:s24+$0xFFFFFE20] =	vst v7  }
0x474: {  	v7 =	vld [tilespmem:s1+$0x20];
	_ =	sdelay $0x3  }
0x475: {  	[tilespmem:s25+$0xFFFFFA10] =	vst v8  }
0x476: {  	v8 =	vld [tilespmem:s0+$0x10];
	[tilespmem:s24+$0xFFFFFE30] =	vst v7  }
0x477: {  	v7 =	vld [tilespmem:s1+$0x30];
	_ =	sdelay $0x3  }
0x478: {  	[tilespmem:s25+$0xFFFFFA20] =	vst v8  }
0x479: {  	v8 =	vld [tilespmem:s0+$0x20];
	[tilespmem:s24+$0xFFFFFE40] =	vst v7  }
0x47a: {  	v7 =	vld [tilespmem:s1+$0x40];
	_ =	sdelay $0x3  }
0x47b: {  	[tilespmem:s25+$0xFFFFFA30] =	vst v8  }
0x47c: {  	v8 =	vld [tilespmem:s0+$0x30];
	[tilespmem:s24+$0xFFFFFE50] =	vst v7  }
0x47d: {  	v7 =	vld [tilespmem:s1+$0x50];
	_ =	sdelay $0x1  }
0x47e: {  	(v2sf) =	vpush v4, $0xD;
	_ =	sdelay $0x1  }
0x47f: {  	[tilespmem:s25+$0xFFFFFA40] =	vst v8  }
0x480: {  	v8 =	vld [tilespmem:s0+$0x40];
	[tilespmem:s24+$0xFFFFFE60] =	vst v7  }
0x481: {  	v7 =	vld [tilespmem:s1+$0x60];
	_ =	sdelay $0x3  }
0x482: {  	[tilespmem:s25+$0xFFFFFA50] =	vst v8  }
0x483: {  	v8 =	vld [tilespmem:s0+$0x50];
	[tilespmem:s24+$0xFFFFFE70] =	vst v7  }
0x484: {  	v7 =	vld [tilespmem:s1+$0x70]  }
0x485: {  	(v2sf) =	vpush v6, $0x5;
	_ =	sdelay $0x2  }
0x486: {  	[tilespmem:s25+$0xFFFFFA60] =	vst v8  }
0x487: {  	v8 =	vld [tilespmem:s0+$0x60];
	[tilespmem:s24+$0xFFFFFE80] =	vst v7;
	s1 =	spop (v2sf)  }
0x488: {  	v7 =	vld [tilespmem:s1+$0x0];
	_ =	sdelay $0x3  }
0x489: {  	[tilespmem:s25+$0xFFFFFA70] =	vst v8  }
0x48a: {  	v8 =	vld [tilespmem:s0+$0x70];
	[tilespmem:s24+$0xFFFFFE90] =	vst v7  }
0x48b: {  	v7 =	vld [tilespmem:s1+$0x10];
	_ =	sdelay $0x3  }
0x48c: {  	[tilespmem:s25+$0xFFFFFA80] =	vst v8;
	s0 =	spop (v2sf)  }
0x48d: {  	v8 =	vld [tilespmem:s0+$0x0];
	[tilespmem:s24+$0xFFFFFEA0] =	vst v7  }
0x48e: {  	v7 =	vld [tilespmem:s1+$0x20];
	_ =	sdelay $0x3  }
0x48f: {  	[tilespmem:s25+$0xFFFFFA90] =	vst v8  }
0x490: {  	v8 =	vld [tilespmem:s0+$0x10];
	[tilespmem:s24+$0xFFFFFEB0] =	vst v7  }
0x491: {  	v7 =	vld [tilespmem:s1+$0x30];
	_ =	sdelay $0x3  }
0x492: {  	[tilespmem:s25+$0xFFFFFAA0] =	vst v8  }
0x493: {  	v8 =	vld [tilespmem:s0+$0x20];
	[tilespmem:s24+$0xFFFFFEC0] =	vst v7  }
0x494: {  	v7 =	vld [tilespmem:s1+$0x40];
	_ =	sdelay $0x3  }
0x495: {  	[tilespmem:s25+$0xFFFFFAB0] =	vst v8  }
0x496: {  	v8 =	vld [tilespmem:s0+$0x30];
	[tilespmem:s24+$0xFFFFFED0] =	vst v7  }
0x497: {  	v7 =	vld [tilespmem:s1+$0x50];
	_ =	sdelay $0x1  }
0x498: {  	(v2sf) =	vpush v4, $0xE;
	_ =	sdelay $0x1  }
0x499: {  	[tilespmem:s25+$0xFFFFFAC0] =	vst v8  }
0x49a: {  	v8 =	vld [tilespmem:s0+$0x40];
	[tilespmem:s24+$0xFFFFFEE0] =	vst v7  }
0x49b: {  	v7 =	vld [tilespmem:s1+$0x60];
	_ =	sdelay $0x3  }
0x49c: {  	[tilespmem:s25+$0xFFFFFAD0] =	vst v8  }
0x49d: {  	v8 =	vld [tilespmem:s0+$0x50];
	[tilespmem:s24+$0xFFFFFEF0] =	vst v7  }
0x49e: {  	v7 =	vld [tilespmem:s1+$0x70]  }
0x49f: {  	(v2sf) =	vpush v6, $0x6;
	_ =	sdelay $0x2  }
0x4a0: {  	[tilespmem:s25+$0xFFFFFAE0] =	vst v8  }
0x4a1: {  	v8 =	vld [tilespmem:s0+$0x60];
	[tilespmem:s24+$0xFFFFFF00] =	vst v7;
	s1 =	spop (v2sf)  }
0x4a2: {  	v7 =	vld [tilespmem:s1+$0x0];
	_ =	sdelay $0x3  }
0x4a3: {  	[tilespmem:s25+$0xFFFFFAF0] =	vst v8  }
0x4a4: {  	v8 =	vld [tilespmem:s0+$0x70];
	[tilespmem:s24+$0xFFFFFF10] =	vst v7  }
0x4a5: {  	v7 =	vld [tilespmem:s1+$0x10];
	_ =	sdelay $0x3  }
0x4a6: {  	[tilespmem:s25+$0xFFFFFB00] =	vst v8;
	s0 =	spop (v2sf)  }
0x4a7: {  	v8 =	vld [tilespmem:s0+$0x0];
	[tilespmem:s24+$0xFFFFFF20] =	vst v7  }
0x4a8: {  	v7 =	vld [tilespmem:s1+$0x20];
	_ =	sdelay $0x3  }
0x4a9: {  	[tilespmem:s25+$0xFFFFFB10] =	vst v8  }
0x4aa: {  	v8 =	vld [tilespmem:s0+$0x10];
	[tilespmem:s24+$0xFFFFFF30] =	vst v7  }
0x4ab: {  	v7 =	vld [tilespmem:s1+$0x30];
	_ =	sdelay $0x3  }
0x4ac: {  	[tilespmem:s25+$0xFFFFFB20] =	vst v8  }
0x4ad: {  	v8 =	vld [tilespmem:s0+$0x20];
	[tilespmem:s24+$0xFFFFFF40] =	vst v7  }
0x4ae: {  	v7 =	vld [tilespmem:s1+$0x40];
	_ =	sdelay $0x3  }
0x4af: {  	[tilespmem:s25+$0xFFFFFB30] =	vst v8  }
0x4b0: {  	v8 =	vld [tilespmem:s0+$0x30];
	[tilespmem:s24+$0xFFFFFF50] =	vst v7  }
0x4b1: {  	v7 =	vld [tilespmem:s1+$0x50];
	_ =	sdelay $0x1  }
0x4b2: {  	(v2sf) =	vpush v4, $0xF;
	v4 =	vmov v6;
	_ =	sdelay $0x1  }
0x4b3: {  	[tilespmem:s25+$0xFFFFFB40] =	vst v8  }
0x4b4: {  	v6 =	vld [tilespmem:s0+$0x40];
	[tilespmem:s24+$0xFFFFFF60] =	vst v7  }
0x4b5: {  	v7 =	vld [tilespmem:s1+$0x60];
	_ =	sdelay $0x3  }
0x4b6: {  	[tilespmem:s25+$0xFFFFFB50] =	vst v6  }
0x4b7: {  	v6 =	vld [tilespmem:s0+$0x50];
	[tilespmem:s24+$0xFFFFFF70] =	vst v7  }
0x4b8: {  	v7 =	vld [tilespmem:s1+$0x70]  }
0x4b9: {  	(v2sf) =	vpush v4, $0x7;
	_ =	sdelay $0x2  }
0x4ba: {  	[tilespmem:s25+$0xFFFFFB60] =	vst v6  }
0x4bb: {  	v6 =	vld [tilespmem:s0+$0x60];
	[tilespmem:s24+$0xFFFFFF80] =	vst v7;
	s1 =	spop (v2sf)  }
0x4bc: {  	v7 =	vld [tilespmem:s1+$0x0];
	_ =	sdelay $0x3  }
0x4bd: {  	[tilespmem:s25+$0xFFFFFB70] =	vst v6  }
0x4be: {  	v6 =	vld [tilespmem:s0+$0x70];
	[tilespmem:s24+$0xFFFFFF90] =	vst v7  }
0x4bf: {  	v7 =	vld [tilespmem:s1+$0x10];
	_ =	sdelay $0x3  }
0x4c0: {  	[tilespmem:s25+$0xFFFFFB80] =	vst v6;
	s30 =	spop (v2sf)  }
0x4c1: {  	v6 =	vld [tilespmem:s30+$0x0];
	[tilespmem:s24+$0xFFFFFFA0] =	vst v7  }
0x4c2: {  	v7 =	vld [tilespmem:s1+$0x20];
	_ =	sdelay $0x3  }
0x4c3: {  	[tilespmem:s25+$0xFFFFFB90] =	vst v6  }
0x4c4: {  	v6 =	vld [tilespmem:s30+$0x10];
	[tilespmem:s24+$0xFFFFFFB0] =	vst v7  }
0x4c5: {  	v7 =	vld [tilespmem:s1+$0x30];
	_ =	sdelay $0x3  }
0x4c6: {  	[tilespmem:s25+$0xFFFFFBA0] =	vst v6  }
0x4c7: {  	v6 =	vld [tilespmem:s30+$0x20];
	[tilespmem:s24+$0xFFFFFFC0] =	vst v7  }
0x4c8: {  	v7 =	vld [tilespmem:s1+$0x40];
	_ =	sdelay $0x3  }
0x4c9: {  	[tilespmem:s25+$0xFFFFFBB0] =	vst v6  }
0x4ca: {  	v6 =	vld [tilespmem:s30+$0x30];
	[tilespmem:s24+$0xFFFFFFD0] =	vst v7  }
0x4cb: {  	v7 =	vld [tilespmem:s1+$0x50];
	_ =	sdelay $0x3  }
0x4cc: {  	[tilespmem:s25+$0xFFFFFBC0] =	vst v6  }
0x4cd: {  	v6 =	vld [tilespmem:s30+$0x40];
	[tilespmem:s24+$0xFFFFFFE0] =	vst v7  }
0x4ce: {  	v7 =	vld [tilespmem:s1+$0x60];
	_ =	sdelay $0x3  }
0x4cf: {  	[tilespmem:s25+$0xFFFFFBD0] =	vst v6  }
0x4d0: {  	v6 =	vld [tilespmem:s30+$0x50];
	[tilespmem:s24+$0xFFFFFFF0] =	vst v7  }
0x4d1: {  	v7 =	vld [tilespmem:s1+$0x70]  }
.Ltmp3:
0x4d2: {  	(pc) =	sbr.rel @p0 .LBB2_9-.Ltmp3, $3  }
0x4d3: {  	(v2sf) =	vpush v4, $0x8;
	_ =	sdelay $0x1  }
0x4d4: {  	s0 =	sshra.s32 s26, $0x2;
	[tilespmem:s25+$0xFFFFFBE0] =	vst v6  }
0x4d5: {  	s26 =	sadd.s32 $0x40, s26;
	v6 =	vld.idx.msk [tilespmem:v5+s0+$0x0 ss:$0x1], $0xffff;
	[tilespmem:s24+$0x0] =	vst v7;
	s24 =	smov.u32 s25  }
0x4d6: {  	_ =	sdelay $0x3  }
0x4d7: {  	v5 =	vshll.u32 v6, $0x9  }
0x4d8: {  	v5 =	vshra.s32 v5, $0x2  }
0x4d9: {  	(v2sf) =	vpush v5, $0x0;
	_ =	sdelay $0xd  }
0x4da: {  	s5 =	spop (v2sf)  }
0x4db: {  	s0 =	spop (v2sf)  }
0x4dc: {  	v62 =	vld [tilespmem:s0+$0x0];
	_ =	sdelay $0x3  }
0x4dd: {  	s26 =	sadd.s32 $0x800, s25  }
0x4de: {  	[tilespmem:s26+$0xFFFFF810] =	vst v62  }
0x4df: {  	v6 =	vld [tilespmem:s0+$0x10];
	_ =	sdelay $0x4  }
0x4e0: {  	[tilespmem:s26+$0xFFFFF820] =	vst v6  }
0x4e1: {  	v6 =	vld [tilespmem:s0+$0x20];
	_ =	sdelay $0x4  }
0x4e2: {  	[tilespmem:s26+$0xFFFFF830] =	vst v6  }
0x4e3: {  	v6 =	vld [tilespmem:s0+$0x30];
	_ =	sdelay $0x4  }
0x4e4: {  	[tilespmem:s26+$0xFFFFF840] =	vst v6  }
0x4e5: {  	v6 =	vld [tilespmem:s0+$0x40];
	_ =	sdelay $0x4  }
0x4e6: {  	[tilespmem:s26+$0xFFFFF850] =	vst v6  }
0x4e7: {  	v6 =	vld [tilespmem:s0+$0x50]  }
0x4e8: {  	(v2sf) =	vpush v4, $0x9  }
0x4e9: {  	(v2sf) =	vpush v5, $0x1;
	_ =	sdelay $0x2  }
0x4ea: {  	[tilespmem:s26+$0xFFFFF860] =	vst v6  }
0x4eb: {  	v6 =	vld [tilespmem:s0+$0x60];
	_ =	sdelay $0x4  }
0x4ec: {  	[tilespmem:s26+$0xFFFFF870] =	vst v6  }
0x4ed: {  	v6 =	vld [tilespmem:s0+$0x70];
	_ =	sdelay $0x3  }
0x4ee: {  	s3 =	spop (v2sf)  }
0x4ef: {  	s11 =	spop (v2sf);
	[tilespmem:s26+$0xFFFFF880] =	vst v6  }
0x4f0: {  	v6 =	vld [tilespmem:s11+$0x0];
	_ =	sdelay $0x4  }
0x4f1: {  	[tilespmem:s26+$0xFFFFF890] =	vst v6  }
0x4f2: {  	v6 =	vld [tilespmem:s11+$0x10];
	_ =	sdelay $0x4  }
0x4f3: {  	[tilespmem:s26+$0xFFFFF8A0] =	vst v6  }
0x4f4: {  	v6 =	vld [tilespmem:s11+$0x20];
	_ =	sdelay $0x4  }
0x4f5: {  	[tilespmem:s26+$0xFFFFF8B0] =	vst v6  }
0x4f6: {  	v6 =	vld [tilespmem:s11+$0x30];
	_ =	sdelay $0x4  }
0x4f7: {  	[tilespmem:s26+$0xFFFFF8C0] =	vst v6  }
0x4f8: {  	v6 =	vld [tilespmem:s11+$0x40];
	_ =	sdelay $0x4  }
0x4f9: {  	[tilespmem:s26+$0xFFFFF8D0] =	vst v6  }
0x4fa: {  	v6 =	vld [tilespmem:s11+$0x50]  }
0x4fb: {  	(v2sf) =	vpush v4, $0xA  }
0x4fc: {  	(v2sf) =	vpush v5, $0x2;
	_ =	sdelay $0x2  }
0x4fd: {  	[tilespmem:s26+$0xFFFFF8E0] =	vst v6  }
0x4fe: {  	v6 =	vld [tilespmem:s11+$0x60];
	_ =	sdelay $0x4  }
0x4ff: {  	[tilespmem:s26+$0xFFFFF8F0] =	vst v6  }
0x500: {  	v6 =	vld [tilespmem:s11+$0x70];
	_ =	sdelay $0x3  }
0x501: {  	s11 =	spop (v2sf)  }
0x502: {  	s28 =	spop (v2sf);
	[tilespmem:s26+$0xFFFFF900] =	vst v6  }
0x503: {  	v6 =	vld [tilespmem:s28+$0x0];
	_ =	sdelay $0x4  }
0x504: {  	[tilespmem:s26+$0xFFFFF910] =	vst v6  }
0x505: {  	v6 =	vld [tilespmem:s28+$0x10];
	_ =	sdelay $0x4  }
0x506: {  	[tilespmem:s26+$0xFFFFF920] =	vst v6  }
0x507: {  	v6 =	vld [tilespmem:s28+$0x20];
	_ =	sdelay $0x4  }
0x508: {  	[tilespmem:s26+$0xFFFFF930] =	vst v6  }
0x509: {  	v6 =	vld [tilespmem:s28+$0x30];
	_ =	sdelay $0x4  }
0x50a: {  	[tilespmem:s26+$0xFFFFF940] =	vst v6  }
0x50b: {  	v6 =	vld [tilespmem:s28+$0x40];
	_ =	sdelay $0x4  }
0x50c: {  	[tilespmem:s26+$0xFFFFF950] =	vst v6  }
0x50d: {  	v6 =	vld [tilespmem:s28+$0x50]  }
0x50e: {  	(v2sf) =	vpush v4, $0xB  }
0x50f: {  	(v2sf) =	vpush v5, $0x3;
	_ =	sdelay $0x2  }
0x510: {  	[tilespmem:s26+$0xFFFFF960] =	vst v6  }
0x511: {  	v6 =	vld [tilespmem:s28+$0x60];
	_ =	sdelay $0x4  }
0x512: {  	[tilespmem:s26+$0xFFFFF970] =	vst v6  }
0x513: {  	v6 =	vld [tilespmem:s28+$0x70];
	_ =	sdelay $0x3  }
0x514: {  	s0 =	spop (v2sf)  }
0x515: {  	s1 =	spop (v2sf);
	[tilespmem:s26+$0xFFFFF980] =	vst v6  }
0x516: {  	v6 =	vld [tilespmem:s1+$0x0];
	_ =	sdelay $0x4  }
0x517: {  	[tilespmem:s26+$0xFFFFF990] =	vst v6  }
0x518: {  	v6 =	vld [tilespmem:s1+$0x10];
	_ =	sdelay $0x4  }
0x519: {  	[tilespmem:s26+$0xFFFFF9A0] =	vst v6  }
0x51a: {  	v6 =	vld [tilespmem:s1+$0x20];
	_ =	sdelay $0x4  }
0x51b: {  	[tilespmem:s26+$0xFFFFF9B0] =	vst v6  }
0x51c: {  	v6 =	vld [tilespmem:s1+$0x30];
	_ =	sdelay $0x4  }
0x51d: {  	[tilespmem:s26+$0xFFFFF9C0] =	vst v6  }
0x51e: {  	v6 =	vld [tilespmem:s1+$0x40];
	_ =	sdelay $0x4  }
0x51f: {  	[tilespmem:s26+$0xFFFFF9D0] =	vst v6  }
0x520: {  	v6 =	vld [tilespmem:s1+$0x50]  }
0x521: {  	(v2sf) =	vpush v4, $0xC  }
0x522: {  	(v2sf) =	vpush v5, $0x4;
	_ =	sdelay $0x2  }
0x523: {  	[tilespmem:s26+$0xFFFFF9E0] =	vst v6  }
0x524: {  	v6 =	vld [tilespmem:s1+$0x60];
	_ =	sdelay $0x4  }
0x525: {  	[tilespmem:s26+$0xFFFFF9F0] =	vst v6  }
0x526: {  	v6 =	vld [tilespmem:s1+$0x70];
	_ =	sdelay $0x3  }
0x527: {  	s1 =	spop (v2sf)  }
0x528: {  	s28 =	spop (v2sf);
	[tilespmem:s26+$0xFFFFFA00] =	vst v6  }
0x529: {  	v6 =	vld [tilespmem:s28+$0x0];
	_ =	sdelay $0x4  }
0x52a: {  	[tilespmem:s26+$0xFFFFFA10] =	vst v6  }
0x52b: {  	v6 =	vld [tilespmem:s28+$0x10];
	_ =	sdelay $0x4  }
0x52c: {  	[tilespmem:s26+$0xFFFFFA20] =	vst v6  }
0x52d: {  	v6 =	vld [tilespmem:s28+$0x20];
	_ =	sdelay $0x4  }
0x52e: {  	[tilespmem:s26+$0xFFFFFA30] =	vst v6  }
0x52f: {  	v6 =	vld [tilespmem:s28+$0x30];
	_ =	sdelay $0x4  }
0x530: {  	[tilespmem:s26+$0xFFFFFA40] =	vst v6  }
0x531: {  	v6 =	vld [tilespmem:s28+$0x40];
	_ =	sdelay $0x4  }
0x532: {  	[tilespmem:s26+$0xFFFFFA50] =	vst v6  }
0x533: {  	v6 =	vld [tilespmem:s28+$0x50]  }
0x534: {  	(v2sf) =	vpush v4, $0xD  }
0x535: {  	(v2sf) =	vpush v5, $0x5;
	_ =	sdelay $0x2  }
0x536: {  	[tilespmem:s26+$0xFFFFFA60] =	vst v6  }
0x537: {  	v6 =	vld [tilespmem:s28+$0x60];
	_ =	sdelay $0x4  }
0x538: {  	[tilespmem:s26+$0xFFFFFA70] =	vst v6  }
0x539: {  	v6 =	vld [tilespmem:s28+$0x70];
	_ =	sdelay $0x3  }
0x53a: {  	s31 =	spop (v2sf)  }
0x53b: {  	s29 =	spop (v2sf);
	[tilespmem:s26+$0xFFFFFA80] =	vst v6  }
0x53c: {  	v6 =	vld [tilespmem:s29+$0x0];
	_ =	sdelay $0x4  }
0x53d: {  	[tilespmem:s26+$0xFFFFFA90] =	vst v6  }
0x53e: {  	v6 =	vld [tilespmem:s29+$0x10];
	_ =	sdelay $0x4  }
0x53f: {  	[tilespmem:s26+$0xFFFFFAA0] =	vst v6  }
0x540: {  	v6 =	vld [tilespmem:s29+$0x20];
	_ =	sdelay $0x4  }
0x541: {  	[tilespmem:s26+$0xFFFFFAB0] =	vst v6  }
0x542: {  	v6 =	vld [tilespmem:s29+$0x30];
	_ =	sdelay $0x4  }
0x543: {  	[tilespmem:s26+$0xFFFFFAC0] =	vst v6  }
0x544: {  	v6 =	vld [tilespmem:s29+$0x40];
	_ =	sdelay $0x4  }
0x545: {  	[tilespmem:s26+$0xFFFFFAD0] =	vst v6  }
0x546: {  	v6 =	vld [tilespmem:s29+$0x50]  }
0x547: {  	(v2sf) =	vpush v4, $0xE  }
0x548: {  	(v2sf) =	vpush v5, $0x6;
	_ =	sdelay $0x2  }
0x549: {  	[tilespmem:s26+$0xFFFFFAE0] =	vst v6  }
0x54a: {  	v6 =	vld [tilespmem:s29+$0x60];
	_ =	sdelay $0x4  }
0x54b: {  	[tilespmem:s26+$0xFFFFFAF0] =	vst v6  }
0x54c: {  	v6 =	vld [tilespmem:s29+$0x70];
	_ =	sdelay $0x3  }
0x54d: {  	s29 =	spop (v2sf)  }
0x54e: {  	s6 =	spop (v2sf);
	[tilespmem:s26+$0xFFFFFB00] =	vst v6  }
0x54f: {  	v6 =	vld [tilespmem:s6+$0x0];
	_ =	sdelay $0x4  }
0x550: {  	[tilespmem:s26+$0xFFFFFB10] =	vst v6  }
0x551: {  	v6 =	vld [tilespmem:s6+$0x10];
	_ =	sdelay $0x4  }
0x552: {  	[tilespmem:s26+$0xFFFFFB20] =	vst v6  }
0x553: {  	v6 =	vld [tilespmem:s6+$0x20];
	_ =	sdelay $0x4  }
0x554: {  	[tilespmem:s26+$0xFFFFFB30] =	vst v6  }
0x555: {  	v6 =	vld [tilespmem:s6+$0x30];
	_ =	sdelay $0x4  }
0x556: {  	[tilespmem:s26+$0xFFFFFB40] =	vst v6  }
0x557: {  	v6 =	vld [tilespmem:s6+$0x40];
	_ =	sdelay $0x4  }
0x558: {  	[tilespmem:s26+$0xFFFFFB50] =	vst v6  }
0x559: {  	v6 =	vld [tilespmem:s6+$0x50]  }
0x55a: {  	(v2sf) =	vpush v4, $0xF  }
0x55b: {  	(v2sf) =	vpush v5, $0x7;
	_ =	sdelay $0x2  }
0x55c: {  	[tilespmem:s26+$0xFFFFFB60] =	vst v6  }
0x55d: {  	v4 =	vld [tilespmem:s6+$0x60];
	_ =	sdelay $0x4  }
0x55e: {  	[tilespmem:s26+$0xFFFFFB70] =	vst v4  }
0x55f: {  	v4 =	vld [tilespmem:s6+$0x70];
	_ =	sdelay $0x3  }
0x560: {  	s28 =	spop (v2sf)  }
0x561: {  	s6 =	spop (v2sf);
	[tilespmem:s26+$0xFFFFFB80] =	vst v4  }
0x562: {  	v4 =	vld [tilespmem:s6+$0x0];
	_ =	sdelay $0x4  }
0x563: {  	[tilespmem:s26+$0xFFFFFB90] =	vst v4  }
0x564: {  	v4 =	vld [tilespmem:s6+$0x10];
	_ =	sdelay $0x4  }
0x565: {  	[tilespmem:s26+$0xFFFFFBA0] =	vst v4  }
0x566: {  	v4 =	vld [tilespmem:s6+$0x20];
	_ =	sdelay $0x4  }
0x567: {  	[tilespmem:s26+$0xFFFFFBB0] =	vst v4  }
0x568: {  	v4 =	vld [tilespmem:s6+$0x30];
	_ =	sdelay $0x4  }
0x569: {  	[tilespmem:s26+$0xFFFFFBC0] =	vst v4  }
0x56a: {  	v4 =	vld [tilespmem:s6+$0x40];
	_ =	sdelay $0x4  }
0x56b: {  	[tilespmem:s26+$0xFFFFFBD0] =	vst v4  }
0x56c: {  	v4 =	vld [tilespmem:s6+$0x50];
	_ =	sdelay $0x1  }
0x56d: {  	(v2sf) =	vpush v5, $0x8;
	_ =	sdelay $0x2  }
0x56e: {  	v63 =	vld [tilespmem:s30+$0x60];
	[tilespmem:s26+$0xFFFFFBE0] =	vst v4  }
0x56f: {  	v4 =	vld [tilespmem:s6+$0x60];
	_ =	sdelay $0x3  }
0x570: {  	[tilespmem:s25+$0xFFFFFBF0] =	vst v63  }
0x571: {  	v6 =	vld [tilespmem:s30+$0x70];
	[tilespmem:s26+$0xFFFFFBF0] =	vst v4  }
0x572: {  	v4 =	vld [tilespmem:s6+$0x70];
	_ =	sdelay $0x3  }
0x573: {  	[tilespmem:s25+$0xFFFFFC00] =	vst v6  }
0x574: {  	v6 =	vld [tilespmem:s5+$0x0];
	s30 =	spop (v2sf);
	[tilespmem:s26+$0xFFFFFC00] =	vst v4  }
0x575: {  	v4 =	vld [tilespmem:s30+$0x0];
	_ =	sdelay $0x3  }
0x576: {  	[tilespmem:s25+$0xFFFFFC10] =	vst v6  }
0x577: {  	v6 =	vld [tilespmem:s5+$0x10];
	[tilespmem:s26+$0xFFFFFC10] =	vst v4  }
0x578: {  	v4 =	vld [tilespmem:s30+$0x10];
	_ =	sdelay $0x3  }
0x579: {  	[tilespmem:s25+$0xFFFFFC20] =	vst v6  }
0x57a: {  	v6 =	vld [tilespmem:s5+$0x20];
	[tilespmem:s26+$0xFFFFFC20] =	vst v4  }
0x57b: {  	v4 =	vld [tilespmem:s30+$0x20];
	_ =	sdelay $0x3  }
0x57c: {  	[tilespmem:s24+$0xFFFFFC30] =	vst v6  }
0x57d: {  	v6 =	vld [tilespmem:s5+$0x30];
	[tilespmem:s26+$0xFFFFFC30] =	vst v4  }
0x57e: {  	v4 =	vld [tilespmem:s30+$0x30];
	_ =	sdelay $0x3  }
0x57f: {  	[tilespmem:s24+$0xFFFFFC40] =	vst v6  }
0x580: {  	v6 =	vld [tilespmem:s5+$0x40];
	[tilespmem:s26+$0xFFFFFC40] =	vst v4  }
0x581: {  	v4 =	vld [tilespmem:s30+$0x40];
	_ =	sdelay $0x3  }
0x582: {  	[tilespmem:s24+$0xFFFFFC50] =	vst v6  }
0x583: {  	v6 =	vld [tilespmem:s5+$0x50];
	[tilespmem:s26+$0xFFFFFC50] =	vst v4  }
0x584: {  	v4 =	vld [tilespmem:s30+$0x50];
	_ =	sdelay $0x1  }
0x585: {  	(v2sf) =	vpush v5, $0x9;
	_ =	sdelay $0x1  }
0x586: {  	[tilespmem:s24+$0xFFFFFC60] =	vst v6  }
0x587: {  	v6 =	vld [tilespmem:s5+$0x60];
	[tilespmem:s26+$0xFFFFFC60] =	vst v4  }
0x588: {  	v4 =	vld [tilespmem:s30+$0x60];
	_ =	sdelay $0x3  }
0x589: {  	[tilespmem:s24+$0xFFFFFC70] =	vst v6  }
0x58a: {  	v6 =	vld [tilespmem:s5+$0x70];
	[tilespmem:s26+$0xFFFFFC70] =	vst v4  }
0x58b: {  	v4 =	vld [tilespmem:s30+$0x70];
	_ =	sdelay $0x3  }
0x58c: {  	[tilespmem:s24+$0xFFFFFC80] =	vst v6  }
0x58d: {  	s25 =	spop (v2sf);
	v6 =	vld [tilespmem:s3+$0x0];
	[tilespmem:s26+$0xFFFFFC80] =	vst v4  }
0x58e: {  	v4 =	vld [tilespmem:s25+$0x0];
	_ =	sdelay $0x3  }
0x58f: {  	[tilespmem:s24+$0xFFFFFC90] =	vst v6  }
0x590: {  	v6 =	vld [tilespmem:s3+$0x10];
	[tilespmem:s26+$0xFFFFFC90] =	vst v4  }
0x591: {  	v4 =	vld [tilespmem:s25+$0x10];
	_ =	sdelay $0x3  }
0x592: {  	[tilespmem:s24+$0xFFFFFCA0] =	vst v6  }
0x593: {  	v6 =	vld [tilespmem:s3+$0x20];
	[tilespmem:s26+$0xFFFFFCA0] =	vst v4  }
0x594: {  	v4 =	vld [tilespmem:s25+$0x20];
	_ =	sdelay $0x3  }
0x595: {  	[tilespmem:s24+$0xFFFFFCB0] =	vst v6  }
0x596: {  	v6 =	vld [tilespmem:s3+$0x30];
	[tilespmem:s26+$0xFFFFFCB0] =	vst v4  }
0x597: {  	v4 =	vld [tilespmem:s25+$0x30];
	_ =	sdelay $0x3  }
0x598: {  	[tilespmem:s24+$0xFFFFFCC0] =	vst v6  }
0x599: {  	v6 =	vld [tilespmem:s3+$0x40];
	[tilespmem:s26+$0xFFFFFCC0] =	vst v4  }
0x59a: {  	v4 =	vld [tilespmem:s25+$0x40];
	_ =	sdelay $0x3  }
0x59b: {  	[tilespmem:s24+$0xFFFFFCD0] =	vst v6  }
0x59c: {  	v6 =	vld [tilespmem:s3+$0x50];
	[tilespmem:s26+$0xFFFFFCD0] =	vst v4  }
0x59d: {  	v4 =	vld [tilespmem:s25+$0x50];
	_ =	sdelay $0x1  }
0x59e: {  	(v2sf) =	vpush v5, $0xA;
	_ =	sdelay $0x1  }
0x59f: {  	[tilespmem:s24+$0xFFFFFCE0] =	vst v6  }
0x5a0: {  	v6 =	vld [tilespmem:s3+$0x60];
	[tilespmem:s26+$0xFFFFFCE0] =	vst v4  }
0x5a1: {  	v4 =	vld [tilespmem:s25+$0x60];
	_ =	sdelay $0x3  }
0x5a2: {  	[tilespmem:s24+$0xFFFFFCF0] =	vst v6  }
0x5a3: {  	v6 =	vld [tilespmem:s3+$0x70];
	[tilespmem:s26+$0xFFFFFCF0] =	vst v4  }
0x5a4: {  	v4 =	vld [tilespmem:s25+$0x70];
	_ =	sdelay $0x3  }
0x5a5: {  	[tilespmem:s24+$0xFFFFFD00] =	vst v6  }
0x5a6: {  	v6 =	vld [tilespmem:s11+$0x0];
	s30 =	spop (v2sf);
	[tilespmem:s26+$0xFFFFFD00] =	vst v4  }
0x5a7: {  	v4 =	vld [tilespmem:s30+$0x0];
	_ =	sdelay $0x3  }
0x5a8: {  	[tilespmem:s24+$0xFFFFFD10] =	vst v6  }
0x5a9: {  	v6 =	vld [tilespmem:s11+$0x10];
	[tilespmem:s26+$0xFFFFFD10] =	vst v4  }
0x5aa: {  	v4 =	vld [tilespmem:s30+$0x10];
	_ =	sdelay $0x3  }
0x5ab: {  	[tilespmem:s24+$0xFFFFFD20] =	vst v6  }
0x5ac: {  	v6 =	vld [tilespmem:s11+$0x20];
	[tilespmem:s26+$0xFFFFFD20] =	vst v4  }
0x5ad: {  	v4 =	vld [tilespmem:s30+$0x20];
	_ =	sdelay $0x3  }
0x5ae: {  	[tilespmem:s24+$0xFFFFFD30] =	vst v6  }
0x5af: {  	v6 =	vld [tilespmem:s11+$0x30];
	[tilespmem:s26+$0xFFFFFD30] =	vst v4  }
0x5b0: {  	v4 =	vld [tilespmem:s30+$0x30];
	_ =	sdelay $0x3  }
0x5b1: {  	[tilespmem:s24+$0xFFFFFD40] =	vst v6  }
0x5b2: {  	v6 =	vld [tilespmem:s11+$0x40];
	[tilespmem:s26+$0xFFFFFD40] =	vst v4  }
0x5b3: {  	v4 =	vld [tilespmem:s30+$0x40];
	_ =	sdelay $0x3  }
0x5b4: {  	[tilespmem:s24+$0xFFFFFD50] =	vst v6  }
0x5b5: {  	v6 =	vld [tilespmem:s11+$0x50];
	[tilespmem:s26+$0xFFFFFD50] =	vst v4  }
0x5b6: {  	v4 =	vld [tilespmem:s30+$0x50];
	_ =	sdelay $0x1  }
0x5b7: {  	(v2sf) =	vpush v5, $0xB;
	_ =	sdelay $0x1  }
0x5b8: {  	[tilespmem:s24+$0xFFFFFD60] =	vst v6  }
0x5b9: {  	v6 =	vld [tilespmem:s11+$0x60];
	[tilespmem:s26+$0xFFFFFD60] =	vst v4  }
0x5ba: {  	v4 =	vld [tilespmem:s30+$0x60];
	_ =	sdelay $0x3  }
0x5bb: {  	[tilespmem:s24+$0xFFFFFD70] =	vst v6  }
0x5bc: {  	v6 =	vld [tilespmem:s11+$0x70];
	[tilespmem:s26+$0xFFFFFD70] =	vst v4  }
0x5bd: {  	v4 =	vld [tilespmem:s30+$0x70];
	_ =	sdelay $0x3  }
0x5be: {  	[tilespmem:s24+$0xFFFFFD80] =	vst v6  }
0x5bf: {  	s5 =	spop (v2sf);
	v6 =	vld [tilespmem:s0+$0x0];
	[tilespmem:s26+$0xFFFFFD80] =	vst v4  }
0x5c0: {  	v4 =	vld [tilespmem:s5+$0x0];
	_ =	sdelay $0x3  }
0x5c1: {  	[tilespmem:s24+$0xFFFFFD90] =	vst v6  }
0x5c2: {  	v6 =	vld [tilespmem:s0+$0x10];
	[tilespmem:s26+$0xFFFFFD90] =	vst v4  }
0x5c3: {  	v4 =	vld [tilespmem:s5+$0x10];
	_ =	sdelay $0x3  }
0x5c4: {  	[tilespmem:s24+$0xFFFFFDA0] =	vst v6  }
0x5c5: {  	v6 =	vld [tilespmem:s0+$0x20];
	[tilespmem:s26+$0xFFFFFDA0] =	vst v4  }
0x5c6: {  	v4 =	vld [tilespmem:s5+$0x20];
	_ =	sdelay $0x3  }
0x5c7: {  	[tilespmem:s24+$0xFFFFFDB0] =	vst v6  }
0x5c8: {  	v6 =	vld [tilespmem:s0+$0x30];
	[tilespmem:s26+$0xFFFFFDB0] =	vst v4  }
0x5c9: {  	v4 =	vld [tilespmem:s5+$0x30];
	_ =	sdelay $0x3  }
0x5ca: {  	[tilespmem:s24+$0xFFFFFDC0] =	vst v6  }
0x5cb: {  	v6 =	vld [tilespmem:s0+$0x40];
	[tilespmem:s26+$0xFFFFFDC0] =	vst v4  }
0x5cc: {  	v4 =	vld [tilespmem:s5+$0x40];
	_ =	sdelay $0x3  }
0x5cd: {  	[tilespmem:s24+$0xFFFFFDD0] =	vst v6  }
0x5ce: {  	v6 =	vld [tilespmem:s0+$0x50];
	[tilespmem:s26+$0xFFFFFDD0] =	vst v4  }
0x5cf: {  	v4 =	vld [tilespmem:s5+$0x50];
	_ =	sdelay $0x1  }
0x5d0: {  	(v2sf) =	vpush v5, $0xC;
	_ =	sdelay $0x1  }
0x5d1: {  	[tilespmem:s24+$0xFFFFFDE0] =	vst v6  }
0x5d2: {  	v6 =	vld [tilespmem:s0+$0x60];
	[tilespmem:s26+$0xFFFFFDE0] =	vst v4  }
0x5d3: {  	v4 =	vld [tilespmem:s5+$0x60];
	_ =	sdelay $0x3  }
0x5d4: {  	[tilespmem:s24+$0xFFFFFDF0] =	vst v6  }
0x5d5: {  	v6 =	vld [tilespmem:s0+$0x70];
	[tilespmem:s26+$0xFFFFFDF0] =	vst v4  }
0x5d6: {  	v4 =	vld [tilespmem:s5+$0x70];
	_ =	sdelay $0x3  }
0x5d7: {  	[tilespmem:s24+$0xFFFFFE00] =	vst v6  }
0x5d8: {  	s6 =	spop (v2sf);
	v6 =	vld [tilespmem:s1+$0x0];
	[tilespmem:s26+$0xFFFFFE00] =	vst v4  }
0x5d9: {  	v4 =	vld [tilespmem:s6+$0x0];
	_ =	sdelay $0x3  }
0x5da: {  	[tilespmem:s24+$0xFFFFFE10] =	vst v6  }
0x5db: {  	v6 =	vld [tilespmem:s1+$0x10];
	[tilespmem:s26+$0xFFFFFE10] =	vst v4  }
0x5dc: {  	v4 =	vld [tilespmem:s6+$0x10];
	_ =	sdelay $0x3  }
0x5dd: {  	[tilespmem:s24+$0xFFFFFE20] =	vst v6  }
0x5de: {  	v6 =	vld [tilespmem:s1+$0x20];
	[tilespmem:s26+$0xFFFFFE20] =	vst v4  }
0x5df: {  	v4 =	vld [tilespmem:s6+$0x20];
	_ =	sdelay $0x3  }
0x5e0: {  	[tilespmem:s24+$0xFFFFFE30] =	vst v6  }
0x5e1: {  	v6 =	vld [tilespmem:s1+$0x30];
	[tilespmem:s26+$0xFFFFFE30] =	vst v4  }
0x5e2: {  	v4 =	vld [tilespmem:s6+$0x30];
	_ =	sdelay $0x3  }
0x5e3: {  	[tilespmem:s24+$0xFFFFFE40] =	vst v6  }
0x5e4: {  	v6 =	vld [tilespmem:s1+$0x40];
	[tilespmem:s26+$0xFFFFFE40] =	vst v4  }
0x5e5: {  	v4 =	vld [tilespmem:s6+$0x40];
	_ =	sdelay $0x3  }
0x5e6: {  	[tilespmem:s24+$0xFFFFFE50] =	vst v6  }
0x5e7: {  	v6 =	vld [tilespmem:s1+$0x50];
	[tilespmem:s26+$0xFFFFFE50] =	vst v4  }
0x5e8: {  	v4 =	vld [tilespmem:s6+$0x50];
	_ =	sdelay $0x1  }
0x5e9: {  	(v2sf) =	vpush v5, $0xD;
	_ =	sdelay $0x1  }
0x5ea: {  	[tilespmem:s24+$0xFFFFFE60] =	vst v6  }
0x5eb: {  	v6 =	vld [tilespmem:s1+$0x60];
	[tilespmem:s26+$0xFFFFFE60] =	vst v4  }
0x5ec: {  	v4 =	vld [tilespmem:s6+$0x60];
	_ =	sdelay $0x3  }
0x5ed: {  	[tilespmem:s24+$0xFFFFFE70] =	vst v6  }
0x5ee: {  	v6 =	vld [tilespmem:s1+$0x70];
	[tilespmem:s26+$0xFFFFFE70] =	vst v4  }
0x5ef: {  	v4 =	vld [tilespmem:s6+$0x70];
	_ =	sdelay $0x3  }
0x5f0: {  	[tilespmem:s24+$0xFFFFFE80] =	vst v6  }
0x5f1: {  	s11 =	spop (v2sf);
	v6 =	vld [tilespmem:s31+$0x0];
	[tilespmem:s26+$0xFFFFFE80] =	vst v4  }
0x5f2: {  	v4 =	vld [tilespmem:s11+$0x0];
	_ =	sdelay $0x3  }
0x5f3: {  	[tilespmem:s24+$0xFFFFFE90] =	vst v6  }
0x5f4: {  	v6 =	vld [tilespmem:s31+$0x10];
	[tilespmem:s26+$0xFFFFFE90] =	vst v4  }
0x5f5: {  	v4 =	vld [tilespmem:s11+$0x10];
	_ =	sdelay $0x3  }
0x5f6: {  	[tilespmem:s24+$0xFFFFFEA0] =	vst v6  }
0x5f7: {  	v6 =	vld [tilespmem:s31+$0x20];
	[tilespmem:s26+$0xFFFFFEA0] =	vst v4  }
0x5f8: {  	v4 =	vld [tilespmem:s11+$0x20];
	_ =	sdelay $0x3  }
0x5f9: {  	[tilespmem:s24+$0xFFFFFEB0] =	vst v6  }
0x5fa: {  	v6 =	vld [tilespmem:s31+$0x30];
	[tilespmem:s26+$0xFFFFFEB0] =	vst v4  }
0x5fb: {  	v4 =	vld [tilespmem:s11+$0x30];
	_ =	sdelay $0x3  }
0x5fc: {  	[tilespmem:s24+$0xFFFFFEC0] =	vst v6  }
0x5fd: {  	v6 =	vld [tilespmem:s31+$0x40];
	[tilespmem:s26+$0xFFFFFEC0] =	vst v4  }
0x5fe: {  	v4 =	vld [tilespmem:s11+$0x40];
	_ =	sdelay $0x3  }
0x5ff: {  	[tilespmem:s24+$0xFFFFFED0] =	vst v6  }
0x600: {  	v6 =	vld [tilespmem:s31+$0x50];
	[tilespmem:s26+$0xFFFFFED0] =	vst v4  }
0x601: {  	v4 =	vld [tilespmem:s11+$0x50];
	_ =	sdelay $0x1  }
0x602: {  	(v2sf) =	vpush v5, $0xE;
	_ =	sdelay $0x1  }
0x603: {  	[tilespmem:s24+$0xFFFFFEE0] =	vst v6  }
0x604: {  	v6 =	vld [tilespmem:s31+$0x60];
	[tilespmem:s26+$0xFFFFFEE0] =	vst v4  }
0x605: {  	v4 =	vld [tilespmem:s11+$0x60];
	_ =	sdelay $0x3  }
0x606: {  	[tilespmem:s24+$0xFFFFFEF0] =	vst v6  }
0x607: {  	v6 =	vld [tilespmem:s31+$0x70];
	[tilespmem:s26+$0xFFFFFEF0] =	vst v4  }
0x608: {  	v4 =	vld [tilespmem:s11+$0x70];
	_ =	sdelay $0x3  }
0x609: {  	[tilespmem:s24+$0xFFFFFF00] =	vst v6  }
0x60a: {  	s25 =	spop (v2sf);
	v6 =	vld [tilespmem:s29+$0x0];
	[tilespmem:s26+$0xFFFFFF00] =	vst v4  }
0x60b: {  	v4 =	vld [tilespmem:s25+$0x0];
	_ =	sdelay $0x3  }
0x60c: {  	[tilespmem:s24+$0xFFFFFF10] =	vst v6  }
0x60d: {  	v6 =	vld [tilespmem:s29+$0x10];
	[tilespmem:s26+$0xFFFFFF10] =	vst v4  }
0x60e: {  	v4 =	vld [tilespmem:s25+$0x10];
	_ =	sdelay $0x3  }
0x60f: {  	[tilespmem:s24+$0xFFFFFF20] =	vst v6  }
0x610: {  	v6 =	vld [tilespmem:s29+$0x20];
	[tilespmem:s26+$0xFFFFFF20] =	vst v4  }
0x611: {  	v4 =	vld [tilespmem:s25+$0x20];
	_ =	sdelay $0x3  }
0x612: {  	[tilespmem:s24+$0xFFFFFF30] =	vst v6  }
0x613: {  	v6 =	vld [tilespmem:s29+$0x30];
	[tilespmem:s26+$0xFFFFFF30] =	vst v4  }
0x614: {  	v4 =	vld [tilespmem:s25+$0x30];
	_ =	sdelay $0x3  }
0x615: {  	[tilespmem:s24+$0xFFFFFF40] =	vst v6  }
0x616: {  	v6 =	vld [tilespmem:s29+$0x40];
	[tilespmem:s26+$0xFFFFFF40] =	vst v4  }
0x617: {  	v4 =	vld [tilespmem:s25+$0x40];
	_ =	sdelay $0x3  }
0x618: {  	[tilespmem:s24+$0xFFFFFF50] =	vst v6  }
0x619: {  	v6 =	vld [tilespmem:s29+$0x50];
	[tilespmem:s26+$0xFFFFFF50] =	vst v4  }
0x61a: {  	v4 =	vld [tilespmem:s25+$0x50];
	_ =	sdelay $0x1  }
0x61b: {  	(v2sf) =	vpush v5, $0xF;
	_ =	sdelay $0x1  }
0x61c: {  	[tilespmem:s24+$0xFFFFFF60] =	vst v6  }
0x61d: {  	v5 =	vld [tilespmem:s29+$0x60];
	[tilespmem:s26+$0xFFFFFF60] =	vst v4  }
0x61e: {  	v4 =	vld [tilespmem:s25+$0x60];
	_ =	sdelay $0x3  }
0x61f: {  	[tilespmem:s24+$0xFFFFFF70] =	vst v5  }
0x620: {  	v5 =	vld [tilespmem:s29+$0x70];
	[tilespmem:s26+$0xFFFFFF70] =	vst v4  }
0x621: {  	v4 =	vld [tilespmem:s25+$0x70];
	_ =	sdelay $0x3  }
0x622: {  	[tilespmem:s24+$0xFFFFFF80] =	vst v5  }
0x623: {  	s30 =	spop (v2sf);
	v5 =	vld [tilespmem:s28+$0x0];
	[tilespmem:s26+$0xFFFFFF80] =	vst v4  }
0x624: {  	v4 =	vld [tilespmem:s30+$0x0];
	_ =	sdelay $0x3  }
0x625: {  	[tilespmem:s24+$0xFFFFFF90] =	vst v5  }
0x626: {  	v5 =	vld [tilespmem:s28+$0x10];
	[tilespmem:s26+$0xFFFFFF90] =	vst v4  }
0x627: {  	v4 =	vld [tilespmem:s30+$0x10];
	_ =	sdelay $0x3  }
0x628: {  	[tilespmem:s24+$0xFFFFFFA0] =	vst v5  }
0x629: {  	v5 =	vld [tilespmem:s28+$0x20];
	[tilespmem:s26+$0xFFFFFFA0] =	vst v4  }
0x62a: {  	v4 =	vld [tilespmem:s30+$0x20];
	_ =	sdelay $0x3  }
0x62b: {  	[tilespmem:s24+$0xFFFFFFB0] =	vst v5  }
0x62c: {  	v5 =	vld [tilespmem:s28+$0x30];
	[tilespmem:s26+$0xFFFFFFB0] =	vst v4  }
0x62d: {  	v4 =	vld [tilespmem:s30+$0x30];
	_ =	sdelay $0x3  }
0x62e: {  	[tilespmem:s24+$0xFFFFFFC0] =	vst v5  }
0x62f: {  	v5 =	vld [tilespmem:s28+$0x40];
	[tilespmem:s26+$0xFFFFFFC0] =	vst v4  }
0x630: {  	v4 =	vld [tilespmem:s30+$0x40];
	_ =	sdelay $0x3  }
0x631: {  	[tilespmem:s24+$0xFFFFFFD0] =	vst v5  }
0x632: {  	v5 =	vld [tilespmem:s28+$0x50];
	[tilespmem:s26+$0xFFFFFFD0] =	vst v4  }
0x633: {  	v4 =	vld [tilespmem:s30+$0x50];
	_ =	sdelay $0x3  }
0x634: {  	[tilespmem:s24+$0xFFFFFFE0] =	vst v5  }
0x635: {  	v5 =	vld [tilespmem:s28+$0x60];
	[tilespmem:s26+$0xFFFFFFE0] =	vst v4  }
0x636: {  	v4 =	vld [tilespmem:s30+$0x60];
	_ =	sdelay $0x3  }
0x637: {  	[tilespmem:s24+$0xFFFFFFF0] =	vst v5  }
0x638: {  	v5 =	vld [tilespmem:s28+$0x70];
	[tilespmem:s26+$0xFFFFFFF0] =	vst v4  }
0x639: {  	s20 =	sadd.s32 $0x1, s20;
	v4 =	vld [tilespmem:s30+$0x70]  }
0x63a: {  	p0 =	sne.s32 s20, $0x4  }
.Ltmp4:
0x63b: {  	s31 =	sshll.u32 s23, $0xE;
	(pc) =	sbr.rel @p0 .LBB2_6-.Ltmp4, $4  }
0x63c: {  	s0 =	sadd.s32 s8, s31  }
0x63d: {  	s0 =	sshrl.u32 s0, $0x3;
	[tilespmem:s24+$0x0] =	vst v5  }
0x63e: {  	s21 =	sadd.s32 $0x80, s21;
	s22 =	sadd.s32 $0x80, s22;
	s0 =	sadd.s32 s2, s0;
	[tilespmem:s26+$0x0] =	vst v4  }
0x63f: {  	[hbm4b:s0+s4] =	stream.strided.scatter [tilespmem:s16], [sflag:$0x3], $0x2000, s10, s4, $0x38;
	[tilespmem:$0x14800] =	vst v63  }
0x640: {  	s19 =	sadd.s32 $0x1, s19  }
0x641: {  	_ =	swait.ge [sflag:s17], $0x2000;
	p0 =	sne.s32 s19, s9  }
.Ltmp5:
0x642: {  	[sflag:s17] =	ssyncset.done $0x0;
	(pc) =	sbr.rel @p0 .LBB2_1-.Ltmp5, $4  }
0x643: {  	[sflag:s17] =	ssyncadd.s32 $0xFFFFE000  }
0x644: {  	_ =	swait.ge [sflag:s18], $0x2000  }
0x645: {  	[sflag:s18] =	ssyncset.done $0x0  }
0x646: {  	[sflag:s18] =	ssyncadd.s32 $0xFFFFE000  }
0x647: {  	_ =	sfence.sel $0x180000  }
0x648: {  	[bflag:$0x0] =	sbarrier.arrive $0xFFFF  }
0x649: {  	_ =	strace $0x90000047  }
0x64a: {  	s0 =	stileid.u32;
	[bflag:$0x2] =	sbarrier.arrive $0xFFFF  }
0x64b: {  	p0 =	sne.s32 s0, $0x0;
	s0 =	rddreg [dreg:$0x3]  }
0x64c: {  	s0 =	sadd.s32 @!p0 $0x100000, s0  }
0x64d: {  	[sflag:s0] =	ssyncadd.tile.s32 @!p0 $0x1;
	_ =	shalt  }
.Lfunc_end2:
_tile_overlayer_lowered:
.L_overlay_start_2:
0x64e: {  	(tag) =	ssettag $0x2  }
0x64f: {  	s0 =	rddreg [dreg:$0x0];
	s2 =	stileid.u32  }
0x650: {  	s1 =	rddreg [dreg:$0x1];
	p0 =	sne.s32 s2, $0x0  }
0x651: {  	s3 =	rddreg [dreg:$0x2];
	[bflag:$0x3] =	sbarrier.arrive $0xFFFF;
	s2 =	simm.s32 @!p0 $0x1C04  }
0x652: {  	[timem:s3], [sflag:s2] =	dma.local @!p0 [hbm:s0], s1  }
0x653: {  	s0 =	simm.s32 @!p0 $0x4  }
0x654: {  	_ =	swait.ge @!p0 [sflag:s0], s1  }
0x655: {  	s1 =	ssub.s32 @!p0 $0x0, s1;
	[sflag:s0] =	ssyncset.done @!p0 $0x0  }
0x656: {  	[sflag:s0] =	ssyncadd.s32 @!p0 s1  }
0x657: {  	[bflag:$0x3] =	sbarrier.arrive $0xFFFF  }
0x658: {  	_ =	shalt  }

</sc_bundles>
